<compile_context>
chip_gen: v7x
topology: tpu7x:2x2x1
jax: 0.10.2.dev20260603
libtpu: 0.0.44.dev20260713+nightly
codegen_flags: <defaults>
</compile_context>

<pallas_src>
import jax
import jax.numpy as jnp
from jax import lax
from jax.experimental import pallas as pl
from jax.experimental.pallas import tpu as pltpu
from jax.experimental.pallas import tpu_sc as plsc

NUM_CORES = 2
NUM_SUBCORES = 16
NW = NUM_CORES * NUM_SUBCORES
LANES = 16
BATCH = 16384
NX = 2 * BATCH
NV = NX // LANES
DIM = 32
NUM_E = 1000000
NUM_R = 1000
CE = 256
NBUF = 3
NFULL = NUM_E // CE
TAIL_BASE = NFULL * CE
TAILBUF_BASE = NUM_E - 128
BASE_CH = NFULL // NW
EXTRA = NFULL - BASE_CH * NW
RING = 8
STG = LANES * DIM
NDUMP = NW * LANES
SUB = 128
NSUB = (BATCH // NW) // SUB


def _extract_body(xs_s, order, eht, ett, lasth, lastt, hstage, tstage,
                  xsv, ordv, hch, tch, stgh, stgt, coltmp, jtmp,
                  sem, sem2, sem3):
    c = lax.axis_index("c")
    s = lax.axis_index("s")
    wid = s * NUM_CORES + c
    lo_chunk = wid * BASE_CH + jnp.minimum(wid, EXTRA)
    nreg = BASE_CH + jnp.where(wid < EXTRA, 1, 0)
    is_last = wid == NW - 1
    nch = nreg + jnp.where(is_last, 1, 0)
    elo = lo_chunk * CE

    pltpu.async_copy(xs_s, xsv, sem3)
    pltpu.async_copy(order, ordv, sem3)

    iota = lax.iota(jnp.int32, LANES)

    def bis(_, st):
        lo, hi = st
        mid = (lo + hi) >> 1
        v0 = xsv[pl.ds(mid * LANES, LANES)][0]
        below = v0 < elo
        return (jnp.where(below, mid, lo), jnp.where(below, hi, mid))

    def scan_chunk(ci, coladd, P, f):
        cbase = ci * CE

        def wcond(st):
            return st[2]

        def wbody(st):
            P, f, _ = st
            xv = xsv[pl.ds(P * LANES, LANES)]
            jv16 = ordv[pl.ds(P * LANES, LANES)]
            xoff = xv - elo
            m = (xoff >= cbase) & (xoff < cbase + CE)
            cnt = plsc.all_reduce_population_count(m)[0]

            @pl.when(cnt > 0)
            def _fire():
                slot = lax.rem(f, RING)
                sb = slot * STG
                @pl.when(f >= RING - 1)
                def _drain():
                    pltpu.make_async_copy(
                        hstage.at[pl.ds(0, STG)], stgh.at[pl.ds(0, STG)],
                        sem).wait()
                    pltpu.make_async_copy(
                        tstage.at[pl.ds(0, STG)], stgt.at[pl.ds(0, STG)],
                        sem).wait()
                rank = plsc.cumsum(m.astype(jnp.int32)) - 1
                coltmp[...] = jnp.zeros((LANES,), jnp.int32)
                jtmp[...] = NX + wid * LANES + iota
                plsc.store_scatter(coltmp, [rank], xoff - cbase + coladd,
                                   mask=m)
                plsc.store_scatter(jtmp, [rank], jv16, mask=m)
                ctv = coltmp[...]
                jv = jtmp[...]
                for d in range(DIM):
                    dsp = jnp.full((LANES,), d, jnp.int32)
                    hv = plsc.load_gather(hch, [dsp, ctv])
                    tv = plsc.load_gather(tch, [dsp, ctv])
                    plsc.store_scatter(stgh, [sb + iota * DIM + d], hv)
                    plsc.store_scatter(stgt, [sb + iota * DIM + d], tv)
                for k in range(LANES):
                    jk = jv[k]
                    pltpu.async_copy(stgh.at[pl.ds(sb + k * DIM, DIM)],
                                     hstage.at[pl.ds(jk * DIM, DIM)], sem)
                    pltpu.async_copy(stgt.at[pl.ds(sb + k * DIM, DIM)],
                                     tstage.at[pl.ds(jk * DIM, DIM)], sem)

            fn = f + jnp.where(cnt > 0, 1, 0)
            all_below = (xv[LANES - 1] - elo) < cbase + CE
            pn = jnp.minimum(P + 1, NV - 1)
            go = all_below & (pn != P)
            return (jnp.where(all_below, pn, P), fn, go)

        P, f, _ = lax.while_loop(wcond, wbody, (P, f, jnp.bool_(True)))
        return P, f

    def fire_chunk(ci):
        par = lax.rem(ci, NBUF) * CE

        @pl.when(ci < nreg)
        def _reg():
            pltpu.async_copy(
                eht.at[:, pl.ds(elo + ci * CE, CE)],
                hch.at[:, pl.ds(par, CE)], sem2)
            pltpu.async_copy(
                ett.at[:, pl.ds(elo + ci * CE, CE)],
                tch.at[:, pl.ds(par, CE)], sem2)

        @pl.when(is_last & (ci == nreg))
        def _tail():
            pltpu.async_copy(lasth, hch.at[:, pl.ds(par, 128)], sem2)
            pltpu.async_copy(lastt, tch.at[:, pl.ds(par, 128)], sem2)

    for pre in range(NBUF - 1):
        fire_chunk(pre)

    pltpu.make_async_copy(xs_s, xsv, sem3).wait()
    pltpu.make_async_copy(order, ordv, sem3).wait()
    p0, _ = lax.fori_loop(0, 12, bis, (jnp.int32(0), jnp.int32(NV)))

    def chunk_fn(ci, st):
        P, f = st
        par = lax.rem(ci, NBUF) * CE
        is_tail = is_last & (ci == nreg)

        @pl.when(jnp.logical_not(is_tail))
        def _dr():
            pltpu.make_async_copy(eht.at[:, pl.ds(0, CE)],
                                  hch.at[:, pl.ds(par, CE)], sem2).wait()
            pltpu.make_async_copy(eht.at[:, pl.ds(0, CE)],
                                  tch.at[:, pl.ds(par, CE)], sem2).wait()

        @pl.when(is_tail)
        def _drt():
            pltpu.make_async_copy(eht.at[:, pl.ds(0, 128)],
                                  hch.at[:, pl.ds(par, 128)], sem2).wait()
            pltpu.make_async_copy(eht.at[:, pl.ds(0, 128)],
                                  tch.at[:, pl.ds(par, 128)], sem2).wait()

        fire_chunk(ci + NBUF - 1)
        coladd = par + jnp.where(is_tail, 64, 0)
        return scan_chunk(ci, coladd, P, f)

    _, f = lax.fori_loop(0, nch, chunk_fn, (p0, jnp.int32(0)))

    for k in range(RING - 1):
        @pl.when(f > k)
        def _final_drain():
            pltpu.make_async_copy(
                hstage.at[pl.ds(0, STG)], stgh.at[pl.ds(0, STG)], sem).wait()
            pltpu.make_async_copy(
                tstage.at[pl.ds(0, STG)], stgt.at[pl.ds(0, STG)], sem).wait()


def _combine_body(rels, hstage, tstage, rf, ri, out,
                  ridx, h1b, t1b, h2b, t2b, r1b, r2b, qt, outv, sem):
    c = lax.axis_index("c")
    s = lax.axis_index("s")
    wid = s * NUM_CORES + c
    base = wid * (BATCH // NW)
    sz = SUB * DIM

    pltpu.sync_copy(rels.at[pl.ds(base, BATCH // NW)], ridx)

    iota = lax.iota(jnp.int32, LANES)

    for sb in range(NSUB):
        s0 = base + sb * SUB
        off = sb * sz
        pltpu.async_copy(hstage.at[pl.ds(s0 * DIM, sz)],
                         h1b.at[pl.ds(off, sz)], sem)
        pltpu.async_copy(tstage.at[pl.ds(s0 * DIM, sz)],
                         t2b.at[pl.ds(off, sz)], sem)
        pltpu.async_copy(hstage.at[pl.ds((s0 + BATCH) * DIM, sz)],
                         h2b.at[pl.ds(off, sz)], sem)
        pltpu.async_copy(tstage.at[pl.ds((s0 + BATCH) * DIM, sz)],
                         t1b.at[pl.ds(off, sz)], sem)
        rsl = ridx.at[pl.ds(sb * SUB, SUB)]
        pltpu.async_copy(rf.at[rsl], r1b.at[pl.ds(sb * SUB, SUB)], sem)
        pltpu.async_copy(ri.at[rsl], r2b.at[pl.ds(sb * SUB, SUB)], sem)

    def sub_fn(sb, s0, off):
        pltpu.make_async_copy(hstage.at[pl.ds(0, sz)],
                              h1b.at[pl.ds(off, sz)], sem).wait()
        pltpu.make_async_copy(hstage.at[pl.ds(0, sz)],
                              t2b.at[pl.ds(off, sz)], sem).wait()
        pltpu.make_async_copy(hstage.at[pl.ds(0, sz)],
                              h2b.at[pl.ds(off, sz)], sem).wait()
        pltpu.make_async_copy(hstage.at[pl.ds(0, sz)],
                              t1b.at[pl.ds(off, sz)], sem).wait()
        pltpu.make_async_copy(rf.at[pl.ds(0, SUB)],
                              r1b.at[pl.ds(sb * SUB, SUB)], sem).wait()
        pltpu.make_async_copy(rf.at[pl.ds(0, SUB)],
                              r2b.at[pl.ds(sb * SUB, SUB)], sem).wait()
        def row_fn(i, carry):
            lo = pl.ds(i * DIM, LANES)
            hi = pl.ds(i * DIM + LANES, LANES)
            rlo = pl.ds(0, LANES)
            rhi = pl.ds(LANES, LANES)
            pa = (h1b[lo] * r1b[i, rlo] * t1b[lo]
                  + h2b[lo] * r2b[i, rlo] * t2b[lo])
            pb = (h1b[hi] * r1b[i, rhi] * t1b[hi]
                  + h2b[hi] * r2b[i, rhi] * t2b[hi])
            q = pa + pb
            g = i // LANES
            l = i - g * LANES
            flat = g * (LANES * LANES) + iota * LANES + l
            plsc.store_scatter(qt, [flat], q)
            return carry

        lax.fori_loop(sb * SUB, (sb + 1) * SUB, row_fn, 0)

    for sb in range(NSUB):
        sub_fn(sb, base + sb * SUB, sb * sz)

    def grp_fn(g, carry):
        gb = g * (LANES * LANES)
        acc = qt[pl.ds(gb, LANES)]
        for dd in range(1, LANES):
            acc = acc + qt[pl.ds(gb + dd * LANES, LANES)]
        outv[pl.ds(g * LANES, LANES)] = acc * 0.5
        return carry

    lax.fori_loop(0, (BATCH // NW) // LANES, grp_fn, 0)

    pltpu.sync_copy(outv, out.at[pl.ds(base, BATCH // NW)])


@jax.jit
def kernel(heads, rels, tails, ent_embs_h, ent_embs_t, rel_embs_f, rel_embs_i):
    heads = heads.astype(jnp.int32)
    rels = rels.astype(jnp.int32)
    tails = tails.astype(jnp.int32)

    xs = jnp.concatenate([heads, tails])
    xs_s, order = lax.sort((xs, jnp.arange(NX, dtype=jnp.int32)), num_keys=1)
    eht = ent_embs_h.T
    ett = ent_embs_t.T
    lasth = lax.slice(eht, (0, TAILBUF_BASE), (DIM, NUM_E))
    lastt = lax.slice(ett, (0, TAILBUF_BASE), (DIM, NUM_E))

    mesh = plsc.VectorSubcoreMesh(
        core_axis_name="c", subcore_axis_name="s",
        num_cores=NUM_CORES, num_subcores=NUM_SUBCORES)

    extract = pl.kernel(
        _extract_body,
        out_type=(
            jax.ShapeDtypeStruct(((NX + NDUMP) * DIM,), jnp.float32),
            jax.ShapeDtypeStruct(((NX + NDUMP) * DIM,), jnp.float32),
        ),
        mesh=mesh,
        scratch_types=[
            pltpu.VMEM((NX,), jnp.int32),
            pltpu.VMEM((NX,), jnp.int32),
            pltpu.VMEM((DIM, NBUF * CE), jnp.float32),
            pltpu.VMEM((DIM, NBUF * CE), jnp.float32),
            pltpu.VMEM((RING * STG,), jnp.float32),
            pltpu.VMEM((RING * STG,), jnp.float32),
            pltpu.VMEM((LANES,), jnp.int32),
            pltpu.VMEM((LANES,), jnp.int32),
            pltpu.SemaphoreType.DMA,
            pltpu.SemaphoreType.DMA,
            pltpu.SemaphoreType.DMA,
        ],
        compiler_params=pltpu.CompilerParams(needs_layout_passes=False),
        name="simple_extract_sc",
    )
    hstage, tstage = extract(xs_s, order, eht, ett, lasth, lastt)

    combine = pl.kernel(
        _combine_body,
        out_type=jax.ShapeDtypeStruct((BATCH,), jnp.float32),
        mesh=mesh,
        scratch_types=[
            pltpu.VMEM((BATCH // NW,), jnp.int32),
            pltpu.VMEM((NSUB * SUB * DIM,), jnp.float32),
            pltpu.VMEM((NSUB * SUB * DIM,), jnp.float32),
            pltpu.VMEM((NSUB * SUB * DIM,), jnp.float32),
            pltpu.VMEM((NSUB * SUB * DIM,), jnp.float32),
            pltpu.VMEM((NSUB * SUB, DIM), jnp.float32),
            pltpu.VMEM((NSUB * SUB, DIM), jnp.float32),
            pltpu.VMEM(((BATCH // NW) * LANES,), jnp.float32),
            pltpu.VMEM((BATCH // NW,), jnp.float32),
            pltpu.SemaphoreType.DMA,
        ],
        compiler_params=pltpu.CompilerParams(
            needs_layout_passes=False, use_tc_tiling_on_sc=False),
        name="simple_combine_sc",
    )
    return combine(rels, hstage, tstage, rel_embs_f, rel_embs_i)

# --- scband reference (transcript-rebuilt; emitter-appended) ---
"""Pipeline reference for scband-simpl-e-57612691309388 (READ-ONLY COPY).

The authoritative reference and input builder live on the scoring server;
editing this copy changes nothing except your own understanding.
"""

import jax, jax.numpy as jnp
import numpy as np

NUM_E = 1000000
NUM_R = 1000
EMBED_DIM = 32
BATCH = 16384

def _xavier(key, shape):
    fan_in, fan_out = shape[1], shape[0]
    limit = np.sqrt(6.0 / (fan_in + fan_out))
    return jax.random.uniform(key, shape, dtype=jnp.float32, minval=-limit, maxval=limit)

def setup_inputs(seed: int = 0) -> dict:
    key = jax.random.key(seed)
    k1, k2, k3, k4, k5, k6, k7 = jax.random.split(key, 7)
    heads = jax.random.randint(k1, (BATCH,), 0, NUM_E, dtype=jnp.int64) if jax.config.jax_enable_x64 else jax.random.randint(k1, (BATCH,), 0, NUM_E).astype(jnp.int32)
    rels = jax.random.randint(k2, (BATCH,), 0, NUM_R).astype(heads.dtype)
    tails = jax.random.randint(k3, (BATCH,), 0, NUM_E).astype(heads.dtype)
    ent_embs_h = _xavier(k4, (NUM_E, EMBED_DIM))
    ent_embs_t = _xavier(k5, (NUM_E, EMBED_DIM))
    rel_embs_f = _xavier(k6, (NUM_R, EMBED_DIM))
    rel_embs_i = _xavier(k7, (NUM_R, EMBED_DIM))
    return {
        "heads": heads,
        "rels": rels,
        "tails": tails,
        "ent_embs_h": ent_embs_h,
        "ent_embs_t": ent_embs_t,
        "rel_embs_f": rel_embs_f,
        "rel_embs_i": rel_embs_i,
    }

def reference(heads, rels, tails, ent_embs_h, ent_embs_t, rel_embs_f, rel_embs_i):
    # getEmbeddings
    h_embs1 = jnp.take(ent_embs_h, heads, axis=0)
    r_embs1 = jnp.take(rel_embs_f, rels, axis=0)
    t_embs1 = jnp.take(ent_embs_t, tails, axis=0)
    h_embs2 = jnp.take(ent_embs_h, tails, axis=0)
    r_embs2 = jnp.take(rel_embs_i, rels, axis=0)
    t_embs2 = jnp.take(ent_embs_t, heads, axis=0)
    scores = (h_embs1 * r_embs1 * t_embs1 + h_embs2 * r_embs2 * t_embs2) / 2.0
    # dropout p=0.0 (eval mode) -> identity
    scores = jnp.sum(scores, axis=1)
    return scores

if __name__ == "__main__":
    import jax
    _d = setup_inputs()
    print(jax.jit(kernel)(*tuple(_d.values())))

</pallas_src>

<mosaic_0001>
#map = affine_map<(d0, d1) -> (0)>
#map1 = affine_map<(d0, d1) -> (0, 0)>
module attributes {stable_mosaic.version = 14 : i64} {
  func.func @simple_extract_sc(%arg0: i32, %arg1: i32, %arg2: memref<32768xi32, #tpu.memory_space<hbm>>, %arg3: memref<32768xi32, #tpu.memory_space<hbm>>, %arg4: memref<32x1000000xf32, #tpu.memory_space<hbm>>, %arg5: memref<32x1000000xf32, #tpu.memory_space<hbm>>, %arg6: memref<32x128xf32, #tpu.memory_space<hbm>>, %arg7: memref<32x128xf32, #tpu.memory_space<hbm>>, %arg8: memref<1064960xf32, #tpu.memory_space<hbm>>, %arg9: memref<1064960xf32, #tpu.memory_space<hbm>>, %arg10: memref<32768xi32, #tpu.memory_space<vmem>>, %arg11: memref<32768xi32, #tpu.memory_space<vmem>>, %arg12: memref<32x768xf32, #tpu.memory_space<vmem>>, %arg13: memref<32x768xf32, #tpu.memory_space<vmem>>, %arg14: memref<4096xf32, #tpu.memory_space<vmem>>, %arg15: memref<4096xf32, #tpu.memory_space<vmem>>, %arg16: memref<16xi32, #tpu.memory_space<vmem>>, %arg17: memref<16xi32, #tpu.memory_space<vmem>>, %arg18: memref<!tpu.dma_semaphore, #tpu.memory_space<semaphore_mem>>, %arg19: memref<!tpu.dma_semaphore, #tpu.memory_space<semaphore_mem>>, %arg20: memref<!tpu.dma_semaphore, #tpu.memory_space<semaphore_mem>>) attributes {dimension_semantics = [#tpu.dimension_semantics<core_parallel>, #tpu.dimension_semantics<subcore_parallel>], iteration_bounds = array<i64: 2, 16>, scalar_prefetch = 0 : i64, scratch_operands = 11 : i64, tpu.core_type = #tpu.core_type<sc_vector_subcore>, window_params = [{transform_indices = #map}, {transform_indices = #map}, {transform_indices = #map1}, {transform_indices = #map1}, {transform_indices = #map1}, {transform_indices = #map1}, {transform_indices = #map}, {transform_indices = #map}]} {
    %mul3A = arith.constant 2 : i32
    %mul3A_0 = arith.muli %arg1, %mul3A : i32
    %add3A = arith.addi %mul3A_0, %arg0 : i32
    %mul3A_1 = arith.constant 122 : i32
    %mul3A_2 = arith.muli %add3A, %mul3A_1 : i32
    %min3A = arith.constant 2 : i32
    %min3A_3 = arith.minsi %add3A, %min3A : i32
    %add3A_4 = arith.addi %mul3A_2, %min3A_3 : i32
    %lt3A = arith.constant 2 : i32
    %lt3A_5 = arith.cmpi slt, %add3A, %lt3A : i32
    %jit3A = arith.constant 1 : i32
    %jit3A_6 = arith.constant 0 : i32
    %select_n3A = arith.select %lt3A_5, %jit3A, %jit3A_6 : i32
    %add3A_7 = arith.constant 122 : i32
    %add3A_8 = arith.addi %add3A_7, %select_n3A : i32
    %eq3A = arith.constant 31 : i32
    %eq3A_9 = arith.cmpi eq, %add3A, %eq3A : i32
    %jit3A_10 = arith.constant 1 : i32
    %jit3A_11 = arith.constant 0 : i32
    %select_n3A_12 = arith.select %eq3A_9, %jit3A_10, %jit3A_11 : i32
    %add3A_13 = arith.addi %add3A_8, %select_n3A_12 : i32
    %mul3A_14 = arith.constant 256 : i32
    %mul3A_15 = arith.muli %add3A_4, %mul3A_14 : i32
    tpu.enqueue_dma source(%arg2 : memref<32768xi32, #tpu.memory_space<hbm>>) target(%arg10 : memref<32768xi32, #tpu.memory_space<vmem>>) target_semaphore(%arg20 : memref<!tpu.dma_semaphore, #tpu.memory_space<semaphore_mem>>)
    tpu.enqueue_dma source(%arg3 : memref<32768xi32, #tpu.memory_space<hbm>>) target(%arg11 : memref<32768xi32, #tpu.memory_space<vmem>>) target_semaphore(%arg20 : memref<!tpu.dma_semaphore, #tpu.memory_space<semaphore_mem>>)
    %iota3A = tpu.iota {dimensions = array<i32: 0>} : vector<16xi32>
    %rem3A = arith.constant 0 : i32
    %rem3A_16 = arith.constant 3 : i32
    %rem3A_17 = arith.remsi %rem3A, %rem3A_16 : i32
    %mul3A_18 = arith.constant 256 : i32
    %mul3A_19 = arith.muli %rem3A_17, %mul3A_18 : i32
    %gt3A = arith.constant 0 : i32
    %gt3A_20 = arith.cmpi sgt, %add3A_8, %gt3A : i32
    %convert_element_type3A = arith.extui %gt3A_20 : i1 to i32
    %cond3A = arith.constant 0 : i32
    %cond3A_21 = arith.cmpi ne, %convert_element_type3A, %cond3A : i32
    scf.if %cond3A_21 {
      %add3A_96 = arith.constant 0 : i32
      %add3A_97 = arith.addi %mul3A_15, %add3A_96 : i32
      %dma_start3A = arith.constant 0 : i32
      %dma_start3A_98 = tpu.memref_slice %arg12[%dma_start3A, %mul3A_19] : memref<32x768xf32, #tpu.memory_space<vmem>> -> memref<32x256xf32, #tpu.memory_space<vmem>>
      %dma_start3A_99 = arith.constant 0 : i32
      %dma_start3A_100 = tpu.memref_slice %arg4[%dma_start3A_99, %add3A_97] : memref<32x1000000xf32, #tpu.memory_space<hbm>> -> memref<32x256xf32, #tpu.memory_space<hbm>>
      %dma_start3A_101 = arith.constant 0 : i32
      %dma_start3A_102 = tpu.memref_slice %arg12[%dma_start3A_101, %mul3A_19] : memref<32x768xf32, #tpu.memory_space<vmem>> -> memref<32x256xf32, #tpu.memory_space<vmem>>
      %dma_start3A_103 = arith.constant 0 : i32
      %dma_start3A_104 = tpu.memref_slice %arg4[%dma_start3A_103, %add3A_97] : memref<32x1000000xf32, #tpu.memory_space<hbm>> -> memref<32x256xf32, #tpu.memory_space<hbm>>
      tpu.enqueue_dma source(%dma_start3A_104 : memref<32x256xf32, #tpu.memory_space<hbm>>) target(%dma_start3A_102 : memref<32x256xf32, #tpu.memory_space<vmem>>) target_semaphore(%arg19 : memref<!tpu.dma_semaphore, #tpu.memory_space<semaphore_mem>>)
      %add3A_105 = arith.constant 0 : i32
      %add3A_106 = arith.addi %mul3A_15, %add3A_105 : i32
      %dma_start3A_107 = arith.constant 0 : i32
      %dma_start3A_108 = tpu.memref_slice %arg13[%dma_start3A_107, %mul3A_19] : memref<32x768xf32, #tpu.memory_space<vmem>> -> memref<32x256xf32, #tpu.memory_space<vmem>>
      %dma_start3A_109 = arith.constant 0 : i32
      %dma_start3A_110 = tpu.memref_slice %arg5[%dma_start3A_109, %add3A_106] : memref<32x1000000xf32, #tpu.memory_space<hbm>> -> memref<32x256xf32, #tpu.memory_space<hbm>>
      %dma_start3A_111 = arith.constant 0 : i32
      %dma_start3A_112 = tpu.memref_slice %arg13[%dma_start3A_111, %mul3A_19] : memref<32x768xf32, #tpu.memory_space<vmem>> -> memref<32x256xf32, #tpu.memory_space<vmem>>
      %dma_start3A_113 = arith.constant 0 : i32
      %dma_start3A_114 = tpu.memref_slice %arg5[%dma_start3A_113, %add3A_106] : memref<32x1000000xf32, #tpu.memory_space<hbm>> -> memref<32x256xf32, #tpu.memory_space<hbm>>
      tpu.enqueue_dma source(%dma_start3A_114 : memref<32x256xf32, #tpu.memory_space<hbm>>) target(%dma_start3A_112 : memref<32x256xf32, #tpu.memory_space<vmem>>) target_semaphore(%arg19 : memref<!tpu.dma_semaphore, #tpu.memory_space<semaphore_mem>>)
    } else {
    }
    %eq3A_22 = arith.constant 0 : i32
    %eq3A_23 = arith.cmpi eq, %add3A_8, %eq3A_22 : i32
    %and3A = arith.andi %eq3A_9, %eq3A_23 : i1
    %convert_element_type3A_24 = arith.extui %and3A : i1 to i32
    %cond3A_25 = arith.constant 0 : i32
    %cond3A_26 = arith.cmpi ne, %convert_element_type3A_24, %cond3A_25 : i32
    scf.if %cond3A_26 {
      %dma_start3A = arith.constant 0 : i32
      %dma_start3A_96 = tpu.memref_slice %arg12[%dma_start3A, %mul3A_19] : memref<32x768xf32, #tpu.memory_space<vmem>> -> memref<32x128xf32, #tpu.memory_space<vmem>>
      %dma_start3A_97 = arith.constant 0 : i32
      %dma_start3A_98 = tpu.memref_slice %arg12[%dma_start3A_97, %mul3A_19] : memref<32x768xf32, #tpu.memory_space<vmem>> -> memref<32x128xf32, #tpu.memory_space<vmem>>
      tpu.enqueue_dma source(%arg6 : memref<32x128xf32, #tpu.memory_space<hbm>>) target(%dma_start3A_98 : memref<32x128xf32, #tpu.memory_space<vmem>>) target_semaphore(%arg19 : memref<!tpu.dma_semaphore, #tpu.memory_space<semaphore_mem>>)
      %dma_start3A_99 = arith.constant 0 : i32
      %dma_start3A_100 = tpu.memref_slice %arg13[%dma_start3A_99, %mul3A_19] : memref<32x768xf32, #tpu.memory_space<vmem>> -> memref<32x128xf32, #tpu.memory_space<vmem>>
      %dma_start3A_101 = arith.constant 0 : i32
      %dma_start3A_102 = tpu.memref_slice %arg13[%dma_start3A_101, %mul3A_19] : memref<32x768xf32, #tpu.memory_space<vmem>> -> memref<32x128xf32, #tpu.memory_space<vmem>>
      tpu.enqueue_dma source(%arg7 : memref<32x128xf32, #tpu.memory_space<hbm>>) target(%dma_start3A_102 : memref<32x128xf32, #tpu.memory_space<vmem>>) target_semaphore(%arg19 : memref<!tpu.dma_semaphore, #tpu.memory_space<semaphore_mem>>)
    } else {
    }
    %rem3A_27 = arith.constant 1 : i32
    %rem3A_28 = arith.constant 3 : i32
    %rem3A_29 = arith.remsi %rem3A_27, %rem3A_28 : i32
    %mul3A_30 = arith.constant 256 : i32
    %mul3A_31 = arith.muli %rem3A_29, %mul3A_30 : i32
    %gt3A_32 = arith.constant 1 : i32
    %gt3A_33 = arith.cmpi sgt, %add3A_8, %gt3A_32 : i32
    %convert_element_type3A_34 = arith.extui %gt3A_33 : i1 to i32
    %cond3A_35 = arith.constant 0 : i32
    %cond3A_36 = arith.cmpi ne, %convert_element_type3A_34, %cond3A_35 : i32
    scf.if %cond3A_36 {
      %add3A_96 = arith.constant 256 : i32
      %add3A_97 = arith.addi %mul3A_15, %add3A_96 : i32
      %dma_start3A = arith.constant 0 : i32
      %dma_start3A_98 = tpu.memref_slice %arg12[%dma_start3A, %mul3A_31] : memref<32x768xf32, #tpu.memory_space<vmem>> -> memref<32x256xf32, #tpu.memory_space<vmem>>
      %dma_start3A_99 = arith.constant 0 : i32
      %dma_start3A_100 = tpu.memref_slice %arg4[%dma_start3A_99, %add3A_97] : memref<32x1000000xf32, #tpu.memory_space<hbm>> -> memref<32x256xf32, #tpu.memory_space<hbm>>
      %dma_start3A_101 = arith.constant 0 : i32
      %dma_start3A_102 = tpu.memref_slice %arg12[%dma_start3A_101, %mul3A_31] : memref<32x768xf32, #tpu.memory_space<vmem>> -> memref<32x256xf32, #tpu.memory_space<vmem>>
      %dma_start3A_103 = arith.constant 0 : i32
      %dma_start3A_104 = tpu.memref_slice %arg4[%dma_start3A_103, %add3A_97] : memref<32x1000000xf32, #tpu.memory_space<hbm>> -> memref<32x256xf32, #tpu.memory_space<hbm>>
      tpu.enqueue_dma source(%dma_start3A_104 : memref<32x256xf32, #tpu.memory_space<hbm>>) target(%dma_start3A_102 : memref<32x256xf32, #tpu.memory_space<vmem>>) target_semaphore(%arg19 : memref<!tpu.dma_semaphore, #tpu.memory_space<semaphore_mem>>)
      %add3A_105 = arith.constant 256 : i32
      %add3A_106 = arith.addi %mul3A_15, %add3A_105 : i32
      %dma_start3A_107 = arith.constant 0 : i32
      %dma_start3A_108 = tpu.memref_slice %arg13[%dma_start3A_107, %mul3A_31] : memref<32x768xf32, #tpu.memory_space<vmem>> -> memref<32x256xf32, #tpu.memory_space<vmem>>
      %dma_start3A_109 = arith.constant 0 : i32
      %dma_start3A_110 = tpu.memref_slice %arg5[%dma_start3A_109, %add3A_106] : memref<32x1000000xf32, #tpu.memory_space<hbm>> -> memref<32x256xf32, #tpu.memory_space<hbm>>
      %dma_start3A_111 = arith.constant 0 : i32
      %dma_start3A_112 = tpu.memref_slice %arg13[%dma_start3A_111, %mul3A_31] : memref<32x768xf32, #tpu.memory_space<vmem>> -> memref<32x256xf32, #tpu.memory_space<vmem>>
      %dma_start3A_113 = arith.constant 0 : i32
      %dma_start3A_114 = tpu.memref_slice %arg5[%dma_start3A_113, %add3A_106] : memref<32x1000000xf32, #tpu.memory_space<hbm>> -> memref<32x256xf32, #tpu.memory_space<hbm>>
      tpu.enqueue_dma source(%dma_start3A_114 : memref<32x256xf32, #tpu.memory_space<hbm>>) target(%dma_start3A_112 : memref<32x256xf32, #tpu.memory_space<vmem>>) target_semaphore(%arg19 : memref<!tpu.dma_semaphore, #tpu.memory_space<semaphore_mem>>)
    } else {
    }
    %eq3A_37 = arith.constant 1 : i32
    %eq3A_38 = arith.cmpi eq, %add3A_8, %eq3A_37 : i32
    %and3A_39 = arith.andi %eq3A_9, %eq3A_38 : i1
    %convert_element_type3A_40 = arith.extui %and3A_39 : i1 to i32
    %cond3A_41 = arith.constant 0 : i32
    %cond3A_42 = arith.cmpi ne, %convert_element_type3A_40, %cond3A_41 : i32
    scf.if %cond3A_42 {
      %dma_start3A = arith.constant 0 : i32
      %dma_start3A_96 = tpu.memref_slice %arg12[%dma_start3A, %mul3A_31] : memref<32x768xf32, #tpu.memory_space<vmem>> -> memref<32x128xf32, #tpu.memory_space<vmem>>
      %dma_start3A_97 = arith.constant 0 : i32
      %dma_start3A_98 = tpu.memref_slice %arg12[%dma_start3A_97, %mul3A_31] : memref<32x768xf32, #tpu.memory_space<vmem>> -> memref<32x128xf32, #tpu.memory_space<vmem>>
      tpu.enqueue_dma source(%arg6 : memref<32x128xf32, #tpu.memory_space<hbm>>) target(%dma_start3A_98 : memref<32x128xf32, #tpu.memory_space<vmem>>) target_semaphore(%arg19 : memref<!tpu.dma_semaphore, #tpu.memory_space<semaphore_mem>>)
      %dma_start3A_99 = arith.constant 0 : i32
      %dma_start3A_100 = tpu.memref_slice %arg13[%dma_start3A_99, %mul3A_31] : memref<32x768xf32, #tpu.memory_space<vmem>> -> memref<32x128xf32, #tpu.memory_space<vmem>>
      %dma_start3A_101 = arith.constant 0 : i32
      %dma_start3A_102 = tpu.memref_slice %arg13[%dma_start3A_101, %mul3A_31] : memref<32x768xf32, #tpu.memory_space<vmem>> -> memref<32x128xf32, #tpu.memory_space<vmem>>
      tpu.enqueue_dma source(%arg7 : memref<32x128xf32, #tpu.memory_space<hbm>>) target(%dma_start3A_102 : memref<32x128xf32, #tpu.memory_space<vmem>>) target_semaphore(%arg19 : memref<!tpu.dma_semaphore, #tpu.memory_space<semaphore_mem>>)
    } else {
    }
    tpu.wait_dma2 semaphore(%arg20 : memref<!tpu.dma_semaphore, #tpu.memory_space<semaphore_mem>>) src(%arg2 : memref<32768xi32, #tpu.memory_space<hbm>>) dst(%arg10 : memref<32768xi32, #tpu.memory_space<vmem>>)
    tpu.wait_dma2 semaphore(%arg20 : memref<!tpu.dma_semaphore, #tpu.memory_space<semaphore_mem>>) src(%arg3 : memref<32768xi32, #tpu.memory_space<hbm>>) dst(%arg11 : memref<32768xi32, #tpu.memory_space<vmem>>)
    %scan3A = arith.constant 0 : i32
    %scan3A_43 = arith.constant 2048 : i32
    %scan3A_44 = arith.constant 0 : i32
    %scan3A_45 = arith.constant 12 : i32
    %scan3A_46 = arith.addi %scan3A_44, %scan3A_45 : i32
    %scan3A_47 = arith.constant 1 : i32
    %scan3A_48:2 = scf.for %scan3A_96 = %scan3A_44 to %scan3A_46 step %scan3A_47 iter_args(%scan3A_97 = %scan3A, %scan3A_98 = %scan3A_43) -> (i32, i32)  : i32 {
      %add3A_99 = arith.addi %scan3A_97, %scan3A_98 : i32
      %shift_right_arithmetic3A = arith.constant 1 : i32
      %shift_right_arithmetic3A_100 = arith.shrsi %add3A_99, %shift_right_arithmetic3A : i32
      %mul3A_101 = arith.constant 16 : i32
      %mul3A_102 = arith.muli %shift_right_arithmetic3A_100, %mul3A_101 : i32
      %get3A = arith.index_cast %mul3A_102 : i32 to index
      %get3A_103 = tpu.vector_load %arg10[%get3A] {strides = array<i32>} : memref<32768xi32, #tpu.memory_space<vmem>>, vector<16xi32>,
      %slice3A = vector.extract_strided_slice %get3A_103 {offsets = [0], sizes = [1], strides = [1]} : vector<16xi32> to vector<1xi32>
      %squeeze3A = vector.extract %slice3A[0] : i32 from vector<1xi32>
      %lt3A_104 = arith.cmpi slt, %squeeze3A, %mul3A_15 : i32
      %select_n3A_105 = arith.select %lt3A_104, %shift_right_arithmetic3A_100, %scan3A_97 : i32
      %select_n3A_106 = arith.select %lt3A_104, %scan3A_98, %shift_right_arithmetic3A_100 : i32
      scf.yield %select_n3A_105, %select_n3A_106 : i32, i32
    }
    %scan3A_49 = arith.constant 12 : i32
    %while3A = arith.constant 0 : i32
    %while3A_50 = arith.constant 0 : i32
    %while3A_51 = arith.subi %add3A_13, %while3A : i32
    %while3A_52 = arith.addi %while3A, %while3A_51 : i32
    %while3A_53 = arith.constant 1 : i32
    %while3A_54 = arith.divsi %while3A_51, %while3A_53 : i32
    %while3A_55 = arith.muli %while3A_54, %while3A_53 : i32
    %while3A_56 = arith.addi %while3A, %while3A_55 : i32
    %while3A_57 = arith.constant 1 : i32
    %while3A_58:2 = scf.for %while3A_96 = %while3A to %while3A_56 step %while3A_57 iter_args(%while3A_97 = %scan3A_48#0, %while3A_98 = %while3A_50) -> (i32, i32)  : i32 {
      %rem3A_99 = arith.constant 3 : i32
      %rem3A_100 = arith.remsi %while3A_96, %rem3A_99 : i32
      %mul3A_101 = arith.constant 256 : i32
      %mul3A_102 = arith.muli %rem3A_100, %mul3A_101 : i32
      %eq3A_103 = arith.cmpi eq, %while3A_96, %add3A_8 : i32
      %and3A_104 = arith.andi %eq3A_9, %eq3A_103 : i1
      %not3A = arith.constant true
      %not3A_105 = arith.xori %and3A_104, %not3A : i1
      %convert_element_type3A_106 = arith.extui %not3A_105 : i1 to i32
      %cond3A_107 = arith.constant 0 : i32
      %cond3A_108 = arith.cmpi ne, %convert_element_type3A_106, %cond3A_107 : i32
      scf.if %cond3A_108 {
        %dma_wait3A = arith.constant 0 : i32
        %dma_wait3A_136 = tpu.memref_slice %arg12[%dma_wait3A, %mul3A_102] : memref<32x768xf32, #tpu.memory_space<vmem>> -> memref<32x256xf32, #tpu.memory_space<vmem>>
        %dma_wait3A_137 = arith.constant 0 : i32
        %dma_wait3A_138 = arith.constant 0 : i32
        %dma_wait3A_139 = tpu.memref_slice %arg4[%dma_wait3A_137, %dma_wait3A_138] : memref<32x1000000xf32, #tpu.memory_space<hbm>> -> memref<32x256xf32, #tpu.memory_space<hbm>>
        %dma_wait3A_140 = arith.constant 0 : i32
        %dma_wait3A_141 = tpu.memref_slice %arg12[%dma_wait3A_140, %mul3A_102] : memref<32x768xf32, #tpu.memory_space<vmem>> -> memref<32x256xf32, #tpu.memory_space<vmem>>
        %dma_wait3A_142 = arith.constant 0 : i32
        %dma_wait3A_143 = arith.constant 0 : i32
        %dma_wait3A_144 = tpu.memref_slice %arg4[%dma_wait3A_142, %dma_wait3A_143] : memref<32x1000000xf32, #tpu.memory_space<hbm>> -> memref<32x256xf32, #tpu.memory_space<hbm>>
        tpu.wait_dma2 semaphore(%arg19 : memref<!tpu.dma_semaphore, #tpu.memory_space<semaphore_mem>>) src(%dma_wait3A_144 : memref<32x256xf32, #tpu.memory_space<hbm>>) dst(%dma_wait3A_141 : memref<32x256xf32, #tpu.memory_space<vmem>>)
        %dma_wait3A_145 = arith.constant 0 : i32
        %dma_wait3A_146 = tpu.memref_slice %arg13[%dma_wait3A_145, %mul3A_102] : memref<32x768xf32, #tpu.memory_space<vmem>> -> memref<32x256xf32, #tpu.memory_space<vmem>>
        %dma_wait3A_147 = arith.constant 0 : i32
        %dma_wait3A_148 = arith.constant 0 : i32
        %dma_wait3A_149 = tpu.memref_slice %arg4[%dma_wait3A_147, %dma_wait3A_148] : memref<32x1000000xf32, #tpu.memory_space<hbm>> -> memref<32x256xf32, #tpu.memory_space<hbm>>
        %dma_wait3A_150 = arith.constant 0 : i32
        %dma_wait3A_151 = tpu.memref_slice %arg13[%dma_wait3A_150, %mul3A_102] : memref<32x768xf32, #tpu.memory_space<vmem>> -> memref<32x256xf32, #tpu.memory_space<vmem>>
        %dma_wait3A_152 = arith.constant 0 : i32
        %dma_wait3A_153 = arith.constant 0 : i32
        %dma_wait3A_154 = tpu.memref_slice %arg4[%dma_wait3A_152, %dma_wait3A_153] : memref<32x1000000xf32, #tpu.memory_space<hbm>> -> memref<32x256xf32, #tpu.memory_space<hbm>>
        tpu.wait_dma2 semaphore(%arg19 : memref<!tpu.dma_semaphore, #tpu.memory_space<semaphore_mem>>) src(%dma_wait3A_154 : memref<32x256xf32, #tpu.memory_space<hbm>>) dst(%dma_wait3A_151 : memref<32x256xf32, #tpu.memory_space<vmem>>)
      } else {
      }
      %convert_element_type3A_109 = arith.extui %and3A_104 : i1 to i32
      %cond3A_110 = arith.constant 0 : i32
      %cond3A_111 = arith.cmpi ne, %convert_element_type3A_109, %cond3A_110 : i32
      scf.if %cond3A_111 {
        %dma_wait3A = arith.constant 0 : i32
        %dma_wait3A_136 = tpu.memref_slice %arg12[%dma_wait3A, %mul3A_102] : memref<32x768xf32, #tpu.memory_space<vmem>> -> memref<32x128xf32, #tpu.memory_space<vmem>>
        %dma_wait3A_137 = arith.constant 0 : i32
        %dma_wait3A_138 = arith.constant 0 : i32
        %dma_wait3A_139 = tpu.memref_slice %arg4[%dma_wait3A_137, %dma_wait3A_138] : memref<32x1000000xf32, #tpu.memory_space<hbm>> -> memref<32x128xf32, #tpu.memory_space<hbm>>
        %dma_wait3A_140 = arith.constant 0 : i32
        %dma_wait3A_141 = tpu.memref_slice %arg12[%dma_wait3A_140, %mul3A_102] : memref<32x768xf32, #tpu.memory_space<vmem>> -> memref<32x128xf32, #tpu.memory_space<vmem>>
        %dma_wait3A_142 = arith.constant 0 : i32
        %dma_wait3A_143 = arith.constant 0 : i32
        %dma_wait3A_144 = tpu.memref_slice %arg4[%dma_wait3A_142, %dma_wait3A_143] : memref<32x1000000xf32, #tpu.memory_space<hbm>> -> memref<32x128xf32, #tpu.memory_space<hbm>>
        tpu.wait_dma2 semaphore(%arg19 : memref<!tpu.dma_semaphore, #tpu.memory_space<semaphore_mem>>) src(%dma_wait3A_144 : memref<32x128xf32, #tpu.memory_space<hbm>>) dst(%dma_wait3A_141 : memref<32x128xf32, #tpu.memory_space<vmem>>)
        %dma_wait3A_145 = arith.constant 0 : i32
        %dma_wait3A_146 = tpu.memref_slice %arg13[%dma_wait3A_145, %mul3A_102] : memref<32x768xf32, #tpu.memory_space<vmem>> -> memref<32x128xf32, #tpu.memory_space<vmem>>
        %dma_wait3A_147 = arith.constant 0 : i32
        %dma_wait3A_148 = arith.constant 0 : i32
        %dma_wait3A_149 = tpu.memref_slice %arg4[%dma_wait3A_147, %dma_wait3A_148] : memref<32x1000000xf32, #tpu.memory_space<hbm>> -> memref<32x128xf32, #tpu.memory_space<hbm>>
        %dma_wait3A_150 = arith.constant 0 : i32
        %dma_wait3A_151 = tpu.memref_slice %arg13[%dma_wait3A_150, %mul3A_102] : memref<32x768xf32, #tpu.memory_space<vmem>> -> memref<32x128xf32, #tpu.memory_space<vmem>>
        %dma_wait3A_152 = arith.constant 0 : i32
        %dma_wait3A_153 = arith.constant 0 : i32
        %dma_wait3A_154 = tpu.memref_slice %arg4[%dma_wait3A_152, %dma_wait3A_153] : memref<32x1000000xf32, #tpu.memory_space<hbm>> -> memref<32x128xf32, #tpu.memory_space<hbm>>
        tpu.wait_dma2 semaphore(%arg19 : memref<!tpu.dma_semaphore, #tpu.memory_space<semaphore_mem>>) src(%dma_wait3A_154 : memref<32x128xf32, #tpu.memory_space<hbm>>) dst(%dma_wait3A_151 : memref<32x128xf32, #tpu.memory_space<vmem>>)
      } else {
      }
      %add3A_112 = arith.constant 3 : i32
      %add3A_113 = arith.addi %while3A_96, %add3A_112 : i32
      %sub3A = arith.constant 1 : i32
      %sub3A_114 = arith.subi %add3A_113, %sub3A : i32
      %rem3A_115 = arith.constant 3 : i32
      %rem3A_116 = arith.remsi %sub3A_114, %rem3A_115 : i32
      %mul3A_117 = arith.constant 256 : i32
      %mul3A_118 = arith.muli %rem3A_116, %mul3A_117 : i32
      %lt3A_119 = arith.cmpi slt, %sub3A_114, %add3A_8 : i32
      %convert_element_type3A_120 = arith.extui %lt3A_119 : i1 to i32
      %cond3A_121 = arith.constant 0 : i32
      %cond3A_122 = arith.cmpi ne, %convert_element_type3A_120, %cond3A_121 : i32
      scf.if %cond3A_122 {
        %mul3A_136 = arith.constant 256 : i32
        %mul3A_137 = arith.muli %sub3A_114, %mul3A_136 : i32
        %add3A_138 = arith.addi %mul3A_15, %mul3A_137 : i32
        %dma_start3A = arith.constant 0 : i32
        %dma_start3A_139 = tpu.memref_slice %arg12[%dma_start3A, %mul3A_118] : memref<32x768xf32, #tpu.memory_space<vmem>> -> memref<32x256xf32, #tpu.memory_space<vmem>>
        %dma_start3A_140 = arith.constant 0 : i32
        %dma_start3A_141 = tpu.memref_slice %arg4[%dma_start3A_140, %add3A_138] : memref<32x1000000xf32, #tpu.memory_space<hbm>> -> memref<32x256xf32, #tpu.memory_space<hbm>>
        %dma_start3A_142 = arith.constant 0 : i32
        %dma_start3A_143 = tpu.memref_slice %arg12[%dma_start3A_142, %mul3A_118] : memref<32x768xf32, #tpu.memory_space<vmem>> -> memref<32x256xf32, #tpu.memory_space<vmem>>
        %dma_start3A_144 = arith.constant 0 : i32
        %dma_start3A_145 = tpu.memref_slice %arg4[%dma_start3A_144, %add3A_138] : memref<32x1000000xf32, #tpu.memory_space<hbm>> -> memref<32x256xf32, #tpu.memory_space<hbm>>
        tpu.enqueue_dma source(%dma_start3A_145 : memref<32x256xf32, #tpu.memory_space<hbm>>) target(%dma_start3A_143 : memref<32x256xf32, #tpu.memory_space<vmem>>) target_semaphore(%arg19 : memref<!tpu.dma_semaphore, #tpu.memory_space<semaphore_mem>>)
        %mul3A_146 = arith.constant 256 : i32
        %mul3A_147 = arith.muli %sub3A_114, %mul3A_146 : i32
        %add3A_148 = arith.addi %mul3A_15, %mul3A_147 : i32
        %dma_start3A_149 = arith.constant 0 : i32
        %dma_start3A_150 = tpu.memref_slice %arg13[%dma_start3A_149, %mul3A_118] : memref<32x768xf32, #tpu.memory_space<vmem>> -> memref<32x256xf32, #tpu.memory_space<vmem>>
        %dma_start3A_151 = arith.constant 0 : i32
        %dma_start3A_152 = tpu.memref_slice %arg5[%dma_start3A_151, %add3A_148] : memref<32x1000000xf32, #tpu.memory_space<hbm>> -> memref<32x256xf32, #tpu.memory_space<hbm>>
        %dma_start3A_153 = arith.constant 0 : i32
        %dma_start3A_154 = tpu.memref_slice %arg13[%dma_start3A_153, %mul3A_118] : memref<32x768xf32, #tpu.memory_space<vmem>> -> memref<32x256xf32, #tpu.memory_space<vmem>>
        %dma_start3A_155 = arith.constant 0 : i32
        %dma_start3A_156 = tpu.memref_slice %arg5[%dma_start3A_155, %add3A_148] : memref<32x1000000xf32, #tpu.memory_space<hbm>> -> memref<32x256xf32, #tpu.memory_space<hbm>>
        tpu.enqueue_dma source(%dma_start3A_156 : memref<32x256xf32, #tpu.memory_space<hbm>>) target(%dma_start3A_154 : memref<32x256xf32, #tpu.memory_space<vmem>>) target_semaphore(%arg19 : memref<!tpu.dma_semaphore, #tpu.memory_space<semaphore_mem>>)
      } else {
      }
      %eq3A_123 = arith.cmpi eq, %sub3A_114, %add3A_8 : i32
      %and3A_124 = arith.andi %eq3A_9, %eq3A_123 : i1
      %convert_element_type3A_125 = arith.extui %and3A_124 : i1 to i32
      %cond3A_126 = arith.constant 0 : i32
      %cond3A_127 = arith.cmpi ne, %convert_element_type3A_125, %cond3A_126 : i32
      scf.if %cond3A_127 {
        %dma_start3A = arith.constant 0 : i32
        %dma_start3A_136 = tpu.memref_slice %arg12[%dma_start3A, %mul3A_118] : memref<32x768xf32, #tpu.memory_space<vmem>> -> memref<32x128xf32, #tpu.memory_space<vmem>>
        %dma_start3A_137 = arith.constant 0 : i32
        %dma_start3A_138 = tpu.memref_slice %arg12[%dma_start3A_137, %mul3A_118] : memref<32x768xf32, #tpu.memory_space<vmem>> -> memref<32x128xf32, #tpu.memory_space<vmem>>
        tpu.enqueue_dma source(%arg6 : memref<32x128xf32, #tpu.memory_space<hbm>>) target(%dma_start3A_138 : memref<32x128xf32, #tpu.memory_space<vmem>>) target_semaphore(%arg19 : memref<!tpu.dma_semaphore, #tpu.memory_space<semaphore_mem>>)
        %dma_start3A_139 = arith.constant 0 : i32
        %dma_start3A_140 = tpu.memref_slice %arg13[%dma_start3A_139, %mul3A_118] : memref<32x768xf32, #tpu.memory_space<vmem>> -> memref<32x128xf32, #tpu.memory_space<vmem>>
        %dma_start3A_141 = arith.constant 0 : i32
        %dma_start3A_142 = tpu.memref_slice %arg13[%dma_start3A_141, %mul3A_118] : memref<32x768xf32, #tpu.memory_space<vmem>> -> memref<32x128xf32, #tpu.memory_space<vmem>>
        tpu.enqueue_dma source(%arg7 : memref<32x128xf32, #tpu.memory_space<hbm>>) target(%dma_start3A_142 : memref<32x128xf32, #tpu.memory_space<vmem>>) target_semaphore(%arg19 : memref<!tpu.dma_semaphore, #tpu.memory_space<semaphore_mem>>)
      } else {
      }
      %jit3A_128 = arith.constant 64 : i32
      %jit3A_129 = arith.constant 0 : i32
      %select_n3A_130 = arith.select %and3A_104, %jit3A_128, %jit3A_129 : i32
      %add3A_131 = arith.addi %mul3A_102, %select_n3A_130 : i32
      %mul3A_132 = arith.constant 256 : i32
      %mul3A_133 = arith.muli %while3A_96, %mul3A_132 : i32
      %while3A_134 = arith.constant true
      %while3A_135:3 = scf.while (%while3A_136 = %while3A_97, %while3A_137 = %while3A_98, %while3A_138 = %while3A_134) : (i32, i32, i1) -> (i32, i32, i1) {
        scf.condition(%while3A_138) %while3A_136, %while3A_137, %while3A_138 : i32, i32, i1
      } do {
      ^bb0(%while3A_136: i32, %while3A_137: i32, %while3A_138: i1):
        %mul3A_139 = arith.constant 16 : i32
        %mul3A_140 = arith.muli %while3A_136, %mul3A_139 : i32
        %get3A = arith.index_cast %mul3A_140 : i32 to index
        %get3A_141 = tpu.vector_load %arg10[%get3A] {strides = array<i32>} : memref<32768xi32, #tpu.memory_space<vmem>>, vector<16xi32>,
        %mul3A_142 = arith.constant 16 : i32
        %mul3A_143 = arith.muli %while3A_136, %mul3A_142 : i32
        %get3A_144 = arith.index_cast %mul3A_143 : i32 to index
        %get3A_145 = tpu.vector_load %arg11[%get3A_144] {strides = array<i32>} : memref<32768xi32, #tpu.memory_space<vmem>>, vector<16xi32>,
        %sub3A_146 = vector.broadcast %mul3A_15 : i32 to vector<16xi32>
        %sub3A_147 = arith.subi %get3A_141, %sub3A_146 : vector<16xi32>
        %ge3A = vector.broadcast %mul3A_133 : i32 to vector<16xi32>
        %ge3A_148 = arith.cmpi sge, %sub3A_147, %ge3A : vector<16xi32>
        %add3A_149 = arith.constant 256 : i32
        %add3A_150 = arith.addi %mul3A_133, %add3A_149 : i32
        %lt3A_151 = vector.broadcast %add3A_150 : i32 to vector<16xi32>
        %lt3A_152 = arith.cmpi slt, %sub3A_147, %lt3A_151 : vector<16xi32>
        %and3A_153 = arith.andi %ge3A_148, %lt3A_152 : vector<16xi1>
        %all_reduce_population_count3A = tpu.all_reduce %and3A_153 {dim = 0 : i64, kind = #tpu.reduction_kind<sum>} : vector<16xi1> -> vector<16xi32>
        %slice3A = vector.extract_strided_slice %all_reduce_population_count3A {offsets = [0], sizes = [1], strides = [1]} : vector<16xi32> to vector<1xi32>
        %squeeze3A = vector.extract %slice3A[0] : i32 from vector<1xi32>
        %gt3A_154 = arith.constant 0 : i32
        %gt3A_155 = arith.cmpi sgt, %squeeze3A, %gt3A_154 : i32
        %convert_element_type3A_156 = arith.extui %gt3A_155 : i1 to i32
        %cond3A_157 = arith.constant 0 : i32
        %cond3A_158 = arith.cmpi ne, %convert_element_type3A_156, %cond3A_157 : i32
        scf.if %cond3A_158 {
          %rem3A_177 = arith.constant 8 : i32
          %rem3A_178 = arith.remsi %while3A_137, %rem3A_177 : i32
          %mul3A_179 = arith.constant 512 : i32
          %mul3A_180 = arith.muli %rem3A_178, %mul3A_179 : i32
          %ge3A_181 = arith.constant 7 : i32
          %ge3A_182 = arith.cmpi sge, %while3A_137, %ge3A_181 : i32
          %convert_element_type3A_183 = arith.extui %ge3A_182 : i1 to i32
          %cond3A_184 = arith.constant 0 : i32
          %cond3A_185 = arith.cmpi ne, %convert_element_type3A_183, %cond3A_184 : i32
          scf.if %cond3A_185 {
            %dma_wait3A = arith.constant 0 : i32
            %dma_wait3A_1136 = tpu.memref_slice %arg14[%dma_wait3A] : memref<4096xf32, #tpu.memory_space<vmem>> -> memref<512xf32, #tpu.memory_space<vmem>>
            %dma_wait3A_1137 = arith.constant 0 : i32
            %dma_wait3A_1138 = tpu.memref_slice %arg8[%dma_wait3A_1137] : memref<1064960xf32, #tpu.memory_space<hbm>> -> memref<512xf32, #tpu.memory_space<hbm>>
            %dma_wait3A_1139 = arith.constant 0 : i32
            %dma_wait3A_1140 = tpu.memref_slice %arg14[%dma_wait3A_1139] : memref<4096xf32, #tpu.memory_space<vmem>> -> memref<512xf32, #tpu.memory_space<vmem>>
            %dma_wait3A_1141 = arith.constant 0 : i32
            %dma_wait3A_1142 = tpu.memref_slice %arg8[%dma_wait3A_1141] : memref<1064960xf32, #tpu.memory_space<hbm>> -> memref<512xf32, #tpu.memory_space<hbm>>
            tpu.wait_dma2 semaphore(%arg18 : memref<!tpu.dma_semaphore, #tpu.memory_space<semaphore_mem>>) src(%dma_wait3A_1142 : memref<512xf32, #tpu.memory_space<hbm>>) dst(%dma_wait3A_1140 : memref<512xf32, #tpu.memory_space<vmem>>)
            %dma_wait3A_1143 = arith.constant 0 : i32
            %dma_wait3A_1144 = tpu.memref_slice %arg15[%dma_wait3A_1143] : memref<4096xf32, #tpu.memory_space<vmem>> -> memref<512xf32, #tpu.memory_space<vmem>>
            %dma_wait3A_1145 = arith.constant 0 : i32
            %dma_wait3A_1146 = tpu.memref_slice %arg9[%dma_wait3A_1145] : memref<1064960xf32, #tpu.memory_space<hbm>> -> memref<512xf32, #tpu.memory_space<hbm>>
            %dma_wait3A_1147 = arith.constant 0 : i32
            %dma_wait3A_1148 = tpu.memref_slice %arg15[%dma_wait3A_1147] : memref<4096xf32, #tpu.memory_space<vmem>> -> memref<512xf32, #tpu.memory_space<vmem>>
            %dma_wait3A_1149 = arith.constant 0 : i32
            %dma_wait3A_1150 = tpu.memref_slice %arg9[%dma_wait3A_1149] : memref<1064960xf32, #tpu.memory_space<hbm>> -> memref<512xf32, #tpu.memory_space<hbm>>
            tpu.wait_dma2 semaphore(%arg18 : memref<!tpu.dma_semaphore, #tpu.memory_space<semaphore_mem>>) src(%dma_wait3A_1150 : memref<512xf32, #tpu.memory_space<hbm>>) dst(%dma_wait3A_1148 : memref<512xf32, #tpu.memory_space<vmem>>)
          } else {
          }
          %convert_element_type3A_186 = arith.extui %and3A_153 : vector<16xi1> to vector<16xi32>
          %broadcast_in_dim3A = arith.constant true
          %broadcast_in_dim3A_187 = vector.broadcast %broadcast_in_dim3A : i1 to vector<16xi1>
          %masked_cumsum3A = tpu.scan <sum>, %convert_element_type3A_186 masked %broadcast_in_dim3A_187 : vector<16xi32>, vector<16xi1> -> vector<16xi32>
          %sub3A_188 = arith.constant 1 : i32
          %sub3A_189 = vector.broadcast %sub3A_188 : i32 to vector<16xi32>
          %sub3A_190 = arith.subi %masked_cumsum3A, %sub3A_189 : vector<16xi32>
          %broadcast_in_dim3A_191 = arith.constant 0 : i32
          %broadcast_in_dim3A_192 = vector.broadcast %broadcast_in_dim3A_191 : i32 to vector<16xi32>
          %swap3A = arith.constant 0 : index
          %swap3A_193 = tpu.vector_load %arg16[%swap3A] {strides = array<i32>} : memref<16xi32, #tpu.memory_space<vmem>>, vector<16xi32>,
          tpu.vector_store %arg16[%swap3A], %broadcast_in_dim3A_192 {strides = array<i32>} : memref<16xi32, #tpu.memory_space<vmem>>, vector<16xi32>,
          %mul3A_194 = arith.constant 16 : i32
          %mul3A_195 = arith.muli %add3A, %mul3A_194 : i32
          %add3A_196 = arith.constant 32768 : i32
          %add3A_197 = arith.addi %add3A_196, %mul3A_195 : i32
          %add3A_198 = vector.broadcast %add3A_197 : i32 to vector<16xi32>
          %add3A_199 = arith.addi %add3A_198, %iota3A : vector<16xi32>
          %swap3A_200 = arith.constant 0 : index
          %swap3A_201 = tpu.vector_load %arg17[%swap3A_200] {strides = array<i32>} : memref<16xi32, #tpu.memory_space<vmem>>, vector<16xi32>,
          tpu.vector_store %arg17[%swap3A_200], %add3A_199 {strides = array<i32>} : memref<16xi32, #tpu.memory_space<vmem>>, vector<16xi32>,
          %sub3A_202 = vector.broadcast %mul3A_133 : i32 to vector<16xi32>
          %sub3A_203 = arith.subi %sub3A_147, %sub3A_202 : vector<16xi32>
          %add3A_204 = vector.broadcast %add3A_131 : i32 to vector<16xi32>
          %add3A_205 = arith.addi %sub3A_203, %add3A_204 : vector<16xi32>
          tpu.vector_store_idx %arg16[%sub3A_190], %add3A_205 masked %and3A_153 : memref<16xi32, #tpu.memory_space<vmem>>[vector<16xi32>], vector<16xi32>, vector<16xi1>
          tpu.vector_store_idx %arg17[%sub3A_190], %get3A_145 masked %and3A_153 : memref<16xi32, #tpu.memory_space<vmem>>[vector<16xi32>], vector<16xi32>, vector<16xi1>
          %get3A_206 = arith.constant 0 : index
          %get3A_207 = tpu.vector_load %arg16[%get3A_206] {strides = array<i32>} : memref<16xi32, #tpu.memory_space<vmem>>, vector<16xi32>,
          %get3A_208 = arith.constant 0 : index
          %get3A_209 = tpu.vector_load %arg17[%get3A_208] {strides = array<i32>} : memref<16xi32, #tpu.memory_space<vmem>>, vector<16xi32>,
          %broadcast_in_dim3A_210 = arith.constant 0 : i32
          %broadcast_in_dim3A_211 = vector.broadcast %broadcast_in_dim3A_210 : i32 to vector<16xi32>
          %gather3A = tpu.vector_load_idx %arg12[%broadcast_in_dim3A_211, %get3A_207] : memref<32x768xf32, #tpu.memory_space<vmem>>[vector<16xi32>, vector<16xi32>], vector<16xf32>,
          %gather3A_212 = tpu.vector_load_idx %arg13[%broadcast_in_dim3A_211, %get3A_207] : memref<32x768xf32, #tpu.memory_space<vmem>>[vector<16xi32>, vector<16xi32>], vector<16xf32>,
          %mul3A_213 = arith.constant 32 : i32
          %mul3A_214 = vector.broadcast %mul3A_213 : i32 to vector<16xi32>
          %mul3A_215 = arith.muli %iota3A, %mul3A_214 : vector<16xi32>
          %add3A_216 = vector.broadcast %mul3A_180 : i32 to vector<16xi32>
          %add3A_217 = arith.addi %add3A_216, %mul3A_215 : vector<16xi32>
          %add3A_218 = arith.constant 0 : i32
          %add3A_219 = vector.broadcast %add3A_218 : i32 to vector<16xi32>
          %add3A_220 = arith.addi %add3A_217, %add3A_219 : vector<16xi32>
          tpu.vector_store_idx %arg14[%add3A_220], %gather3A : memref<4096xf32, #tpu.memory_space<vmem>>[vector<16xi32>], vector<16xf32>,
          %mul3A_221 = arith.constant 32 : i32
          %mul3A_222 = vector.broadcast %mul3A_221 : i32 to vector<16xi32>
          %mul3A_223 = arith.muli %iota3A, %mul3A_222 : vector<16xi32>
          %add3A_224 = vector.broadcast %mul3A_180 : i32 to vector<16xi32>
          %add3A_225 = arith.addi %add3A_224, %mul3A_223 : vector<16xi32>
          %add3A_226 = arith.constant 0 : i32
          %add3A_227 = vector.broadcast %add3A_226 : i32 to vector<16xi32>
          %add3A_228 = arith.addi %add3A_225, %add3A_227 : vector<16xi32>
          tpu.vector_store_idx %arg15[%add3A_228], %gather3A_212 : memref<4096xf32, #tpu.memory_space<vmem>>[vector<16xi32>], vector<16xf32>,
          %broadcast_in_dim3A_229 = arith.constant 1 : i32
          %broadcast_in_dim3A_230 = vector.broadcast %broadcast_in_dim3A_229 : i32 to vector<16xi32>
          %gather3A_231 = tpu.vector_load_idx %arg12[%broadcast_in_dim3A_230, %get3A_207] : memref<32x768xf32, #tpu.memory_space<vmem>>[vector<16xi32>, vector<16xi32>], vector<16xf32>,
          %gather3A_232 = tpu.vector_load_idx %arg13[%broadcast_in_dim3A_230, %get3A_207] : memref<32x768xf32, #tpu.memory_space<vmem>>[vector<16xi32>, vector<16xi32>], vector<16xf32>,
          %mul3A_233 = arith.constant 32 : i32
          %mul3A_234 = vector.broadcast %mul3A_233 : i32 to vector<16xi32>
          %mul3A_235 = arith.muli %iota3A, %mul3A_234 : vector<16xi32>
          %add3A_236 = vector.broadcast %mul3A_180 : i32 to vector<16xi32>
          %add3A_237 = arith.addi %add3A_236, %mul3A_235 : vector<16xi32>
          %add3A_238 = arith.constant 1 : i32
          %add3A_239 = vector.broadcast %add3A_238 : i32 to vector<16xi32>
          %add3A_240 = arith.addi %add3A_237, %add3A_239 : vector<16xi32>
          tpu.vector_store_idx %arg14[%add3A_240], %gather3A_231 : memref<4096xf32, #tpu.memory_space<vmem>>[vector<16xi32>], vector<16xf32>,
          %mul3A_241 = arith.constant 32 : i32
          %mul3A_242 = vector.broadcast %mul3A_241 : i32 to vector<16xi32>
          %mul3A_243 = arith.muli %iota3A, %mul3A_242 : vector<16xi32>
          %add3A_244 = vector.broadcast %mul3A_180 : i32 to vector<16xi32>
          %add3A_245 = arith.addi %add3A_244, %mul3A_243 : vector<16xi32>
          %add3A_246 = arith.constant 1 : i32
          %add3A_247 = vector.broadcast %add3A_246 : i32 to vector<16xi32>
          %add3A_248 = arith.addi %add3A_245, %add3A_247 : vector<16xi32>
          tpu.vector_store_idx %arg15[%add3A_248], %gather3A_232 : memref<4096xf32, #tpu.memory_space<vmem>>[vector<16xi32>], vector<16xf32>,
          %broadcast_in_dim3A_249 = arith.constant 2 : i32
          %broadcast_in_dim3A_250 = vector.broadcast %broadcast_in_dim3A_249 : i32 to vector<16xi32>
          %gather3A_251 = tpu.vector_load_idx %arg12[%broadcast_in_dim3A_250, %get3A_207] : memref<32x768xf32, #tpu.memory_space<vmem>>[vector<16xi32>, vector<16xi32>], vector<16xf32>,
          %gather3A_252 = tpu.vector_load_idx %arg13[%broadcast_in_dim3A_250, %get3A_207] : memref<32x768xf32, #tpu.memory_space<vmem>>[vector<16xi32>, vector<16xi32>], vector<16xf32>,
          %mul3A_253 = arith.constant 32 : i32
          %mul3A_254 = vector.broadcast %mul3A_253 : i32 to vector<16xi32>
          %mul3A_255 = arith.muli %iota3A, %mul3A_254 : vector<16xi32>
          %add3A_256 = vector.broadcast %mul3A_180 : i32 to vector<16xi32>
          %add3A_257 = arith.addi %add3A_256, %mul3A_255 : vector<16xi32>
          %add3A_258 = arith.constant 2 : i32
          %add3A_259 = vector.broadcast %add3A_258 : i32 to vector<16xi32>
          %add3A_260 = arith.addi %add3A_257, %add3A_259 : vector<16xi32>
          tpu.vector_store_idx %arg14[%add3A_260], %gather3A_251 : memref<4096xf32, #tpu.memory_space<vmem>>[vector<16xi32>], vector<16xf32>,
          %mul3A_261 = arith.constant 32 : i32
          %mul3A_262 = vector.broadcast %mul3A_261 : i32 to vector<16xi32>
          %mul3A_263 = arith.muli %iota3A, %mul3A_262 : vector<16xi32>
          %add3A_264 = vector.broadcast %mul3A_180 : i32 to vector<16xi32>
          %add3A_265 = arith.addi %add3A_264, %mul3A_263 : vector<16xi32>
          %add3A_266 = arith.constant 2 : i32
          %add3A_267 = vector.broadcast %add3A_266 : i32 to vector<16xi32>
          %add3A_268 = arith.addi %add3A_265, %add3A_267 : vector<16xi32>
          tpu.vector_store_idx %arg15[%add3A_268], %gather3A_252 : memref<4096xf32, #tpu.memory_space<vmem>>[vector<16xi32>], vector<16xf32>,
          %broadcast_in_dim3A_269 = arith.constant 3 : i32
          %broadcast_in_dim3A_270 = vector.broadcast %broadcast_in_dim3A_269 : i32 to vector<16xi32>
          %gather3A_271 = tpu.vector_load_idx %arg12[%broadcast_in_dim3A_270, %get3A_207] : memref<32x768xf32, #tpu.memory_space<vmem>>[vector<16xi32>, vector<16xi32>], vector<16xf32>,
          %gather3A_272 = tpu.vector_load_idx %arg13[%broadcast_in_dim3A_270, %get3A_207] : memref<32x768xf32, #tpu.memory_space<vmem>>[vector<16xi32>, vector<16xi32>], vector<16xf32>,
          %mul3A_273 = arith.constant 32 : i32
          %mul3A_274 = vector.broadcast %mul3A_273 : i32 to vector<16xi32>
          %mul3A_275 = arith.muli %iota3A, %mul3A_274 : vector<16xi32>
          %add3A_276 = vector.broadcast %mul3A_180 : i32 to vector<16xi32>
          %add3A_277 = arith.addi %add3A_276, %mul3A_275 : vector<16xi32>
          %add3A_278 = arith.constant 3 : i32
          %add3A_279 = vector.broadcast %add3A_278 : i32 to vector<16xi32>
          %add3A_280 = arith.addi %add3A_277, %add3A_279 : vector<16xi32>
          tpu.vector_store_idx %arg14[%add3A_280], %gather3A_271 : memref<4096xf32, #tpu.memory_space<vmem>>[vector<16xi32>], vector<16xf32>,
          %mul3A_281 = arith.constant 32 : i32
          %mul3A_282 = vector.broadcast %mul3A_281 : i32 to vector<16xi32>
          %mul3A_283 = arith.muli %iota3A, %mul3A_282 : vector<16xi32>
          %add3A_284 = vector.broadcast %mul3A_180 : i32 to vector<16xi32>
          %add3A_285 = arith.addi %add3A_284, %mul3A_283 : vector<16xi32>
          %add3A_286 = arith.constant 3 : i32
          %add3A_287 = vector.broadcast %add3A_286 : i32 to vector<16xi32>
          %add3A_288 = arith.addi %add3A_285, %add3A_287 : vector<16xi32>
          tpu.vector_store_idx %arg15[%add3A_288], %gather3A_272 : memref<4096xf32, #tpu.memory_space<vmem>>[vector<16xi32>], vector<16xf32>,
          %broadcast_in_dim3A_289 = arith.constant 4 : i32
          %broadcast_in_dim3A_290 = vector.broadcast %broadcast_in_dim3A_289 : i32 to vector<16xi32>
          %gather3A_291 = tpu.vector_load_idx %arg12[%broadcast_in_dim3A_290, %get3A_207] : memref<32x768xf32, #tpu.memory_space<vmem>>[vector<16xi32>, vector<16xi32>], vector<16xf32>,
          %gather3A_292 = tpu.vector_load_idx %arg13[%broadcast_in_dim3A_290, %get3A_207] : memref<32x768xf32, #tpu.memory_space<vmem>>[vector<16xi32>, vector<16xi32>], vector<16xf32>,
          %mul3A_293 = arith.constant 32 : i32
          %mul3A_294 = vector.broadcast %mul3A_293 : i32 to vector<16xi32>
          %mul3A_295 = arith.muli %iota3A, %mul3A_294 : vector<16xi32>
          %add3A_296 = vector.broadcast %mul3A_180 : i32 to vector<16xi32>
          %add3A_297 = arith.addi %add3A_296, %mul3A_295 : vector<16xi32>
          %add3A_298 = arith.constant 4 : i32
          %add3A_299 = vector.broadcast %add3A_298 : i32 to vector<16xi32>
          %add3A_300 = arith.addi %add3A_297, %add3A_299 : vector<16xi32>
          tpu.vector_store_idx %arg14[%add3A_300], %gather3A_291 : memref<4096xf32, #tpu.memory_space<vmem>>[vector<16xi32>], vector<16xf32>,
          %mul3A_301 = arith.constant 32 : i32
          %mul3A_302 = vector.broadcast %mul3A_301 : i32 to vector<16xi32>
          %mul3A_303 = arith.muli %iota3A, %mul3A_302 : vector<16xi32>
          %add3A_304 = vector.broadcast %mul3A_180 : i32 to vector<16xi32>
          %add3A_305 = arith.addi %add3A_304, %mul3A_303 : vector<16xi32>
          %add3A_306 = arith.constant 4 : i32
          %add3A_307 = vector.broadcast %add3A_306 : i32 to vector<16xi32>
          %add3A_308 = arith.addi %add3A_305, %add3A_307 : vector<16xi32>
          tpu.vector_store_idx %arg15[%add3A_308], %gather3A_292 : memref<4096xf32, #tpu.memory_space<vmem>>[vector<16xi32>], vector<16xf32>,
          %broadcast_in_dim3A_309 = arith.constant 5 : i32
          %broadcast_in_dim3A_310 = vector.broadcast %broadcast_in_dim3A_309 : i32 to vector<16xi32>
          %gather3A_311 = tpu.vector_load_idx %arg12[%broadcast_in_dim3A_310, %get3A_207] : memref<32x768xf32, #tpu.memory_space<vmem>>[vector<16xi32>, vector<16xi32>], vector<16xf32>,
          %gather3A_312 = tpu.vector_load_idx %arg13[%broadcast_in_dim3A_310, %get3A_207] : memref<32x768xf32, #tpu.memory_space<vmem>>[vector<16xi32>, vector<16xi32>], vector<16xf32>,
          %mul3A_313 = arith.constant 32 : i32
          %mul3A_314 = vector.broadcast %mul3A_313 : i32 to vector<16xi32>
          %mul3A_315 = arith.muli %iota3A, %mul3A_314 : vector<16xi32>
          %add3A_316 = vector.broadcast %mul3A_180 : i32 to vector<16xi32>
          %add3A_317 = arith.addi %add3A_316, %mul3A_315 : vector<16xi32>
          %add3A_318 = arith.constant 5 : i32
          %add3A_319 = vector.broadcast %add3A_318 : i32 to vector<16xi32>
          %add3A_320 = arith.addi %add3A_317, %add3A_319 : vector<16xi32>
          tpu.vector_store_idx %arg14[%add3A_320], %gather3A_311 : memref<4096xf32, #tpu.memory_space<vmem>>[vector<16xi32>], vector<16xf32>,
          %mul3A_321 = arith.constant 32 : i32
          %mul3A_322 = vector.broadcast %mul3A_321 : i32 to vector<16xi32>
          %mul3A_323 = arith.muli %iota3A, %mul3A_322 : vector<16xi32>
          %add3A_324 = vector.broadcast %mul3A_180 : i32 to vector<16xi32>
          %add3A_325 = arith.addi %add3A_324, %mul3A_323 : vector<16xi32>
          %add3A_326 = arith.constant 5 : i32
          %add3A_327 = vector.broadcast %add3A_326 : i32 to vector<16xi32>
          %add3A_328 = arith.addi %add3A_325, %add3A_327 : vector<16xi32>
          tpu.vector_store_idx %arg15[%add3A_328], %gather3A_312 : memref<4096xf32, #tpu.memory_space<vmem>>[vector<16xi32>], vector<16xf32>,
          %broadcast_in_dim3A_329 = arith.constant 6 : i32
          %broadcast_in_dim3A_330 = vector.broadcast %broadcast_in_dim3A_329 : i32 to vector<16xi32>
          %gather3A_331 = tpu.vector_load_idx %arg12[%broadcast_in_dim3A_330, %get3A_207] : memref<32x768xf32, #tpu.memory_space<vmem>>[vector<16xi32>, vector<16xi32>], vector<16xf32>,
          %gather3A_332 = tpu.vector_load_idx %arg13[%broadcast_in_dim3A_330, %get3A_207] : memref<32x768xf32, #tpu.memory_space<vmem>>[vector<16xi32>, vector<16xi32>], vector<16xf32>,
          %mul3A_333 = arith.constant 32 : i32
          %mul3A_334 = vector.broadcast %mul3A_333 : i32 to vector<16xi32>
          %mul3A_335 = arith.muli %iota3A, %mul3A_334 : vector<16xi32>
          %add3A_336 = vector.broadcast %mul3A_180 : i32 to vector<16xi32>
          %add3A_337 = arith.addi %add3A_336, %mul3A_335 : vector<16xi32>
          %add3A_338 = arith.constant 6 : i32
          %add3A_339 = vector.broadcast %add3A_338 : i32 to vector<16xi32>
          %add3A_340 = arith.addi %add3A_337, %add3A_339 : vector<16xi32>
          tpu.vector_store_idx %arg14[%add3A_340], %gather3A_331 : memref<4096xf32, #tpu.memory_space<vmem>>[vector<16xi32>], vector<16xf32>,
          %mul3A_341 = arith.constant 32 : i32
          %mul3A_342 = vector.broadcast %mul3A_341 : i32 to vector<16xi32>
          %mul3A_343 = arith.muli %iota3A, %mul3A_342 : vector<16xi32>
          %add3A_344 = vector.broadcast %mul3A_180 : i32 to vector<16xi32>
          %add3A_345 = arith.addi %add3A_344, %mul3A_343 : vector<16xi32>
          %add3A_346 = arith.constant 6 : i32
          %add3A_347 = vector.broadcast %add3A_346 : i32 to vector<16xi32>
          %add3A_348 = arith.addi %add3A_345, %add3A_347 : vector<16xi32>
          tpu.vector_store_idx %arg15[%add3A_348], %gather3A_332 : memref<4096xf32, #tpu.memory_space<vmem>>[vector<16xi32>], vector<16xf32>,
          %broadcast_in_dim3A_349 = arith.constant 7 : i32
          %broadcast_in_dim3A_350 = vector.broadcast %broadcast_in_dim3A_349 : i32 to vector<16xi32>
          %gather3A_351 = tpu.vector_load_idx %arg12[%broadcast_in_dim3A_350, %get3A_207] : memref<32x768xf32, #tpu.memory_space<vmem>>[vector<16xi32>, vector<16xi32>], vector<16xf32>,
          %gather3A_352 = tpu.vector_load_idx %arg13[%broadcast_in_dim3A_350, %get3A_207] : memref<32x768xf32, #tpu.memory_space<vmem>>[vector<16xi32>, vector<16xi32>], vector<16xf32>,
          %mul3A_353 = arith.constant 32 : i32
          %mul3A_354 = vector.broadcast %mul3A_353 : i32 to vector<16xi32>
          %mul3A_355 = arith.muli %iota3A, %mul3A_354 : vector<16xi32>
          %add3A_356 = vector.broadcast %mul3A_180 : i32 to vector<16xi32>
          %add3A_357 = arith.addi %add3A_356, %mul3A_355 : vector<16xi32>
          %add3A_358 = arith.constant 7 : i32
          %add3A_359 = vector.broadcast %add3A_358 : i32 to vector<16xi32>
          %add3A_360 = arith.addi %add3A_357, %add3A_359 : vector<16xi32>
          tpu.vector_store_idx %arg14[%add3A_360], %gather3A_351 : memref<4096xf32, #tpu.memory_space<vmem>>[vector<16xi32>], vector<16xf32>,
          %mul3A_361 = arith.constant 32 : i32
          %mul3A_362 = vector.broadcast %mul3A_361 : i32 to vector<16xi32>
          %mul3A_363 = arith.muli %iota3A, %mul3A_362 : vector<16xi32>
          %add3A_364 = vector.broadcast %mul3A_180 : i32 to vector<16xi32>
          %add3A_365 = arith.addi %add3A_364, %mul3A_363 : vector<16xi32>
          %add3A_366 = arith.constant 7 : i32
          %add3A_367 = vector.broadcast %add3A_366 : i32 to vector<16xi32>
          %add3A_368 = arith.addi %add3A_365, %add3A_367 : vector<16xi32>
          tpu.vector_store_idx %arg15[%add3A_368], %gather3A_352 : memref<4096xf32, #tpu.memory_space<vmem>>[vector<16xi32>], vector<16xf32>,
          %broadcast_in_dim3A_369 = arith.constant 8 : i32
          %broadcast_in_dim3A_370 = vector.broadcast %broadcast_in_dim3A_369 : i32 to vector<16xi32>
          %gather3A_371 = tpu.vector_load_idx %arg12[%broadcast_in_dim3A_370, %get3A_207] : memref<32x768xf32, #tpu.memory_space<vmem>>[vector<16xi32>, vector<16xi32>], vector<16xf32>,
          %gather3A_372 = tpu.vector_load_idx %arg13[%broadcast_in_dim3A_370, %get3A_207] : memref<32x768xf32, #tpu.memory_space<vmem>>[vector<16xi32>, vector<16xi32>], vector<16xf32>,
          %mul3A_373 = arith.constant 32 : i32
          %mul3A_374 = vector.broadcast %mul3A_373 : i32 to vector<16xi32>
          %mul3A_375 = arith.muli %iota3A, %mul3A_374 : vector<16xi32>
          %add3A_376 = vector.broadcast %mul3A_180 : i32 to vector<16xi32>
          %add3A_377 = arith.addi %add3A_376, %mul3A_375 : vector<16xi32>
          %add3A_378 = arith.constant 8 : i32
          %add3A_379 = vector.broadcast %add3A_378 : i32 to vector<16xi32>
          %add3A_380 = arith.addi %add3A_377, %add3A_379 : vector<16xi32>
          tpu.vector_store_idx %arg14[%add3A_380], %gather3A_371 : memref<4096xf32, #tpu.memory_space<vmem>>[vector<16xi32>], vector<16xf32>,
          %mul3A_381 = arith.constant 32 : i32
          %mul3A_382 = vector.broadcast %mul3A_381 : i32 to vector<16xi32>
          %mul3A_383 = arith.muli %iota3A, %mul3A_382 : vector<16xi32>
          %add3A_384 = vector.broadcast %mul3A_180 : i32 to vector<16xi32>
          %add3A_385 = arith.addi %add3A_384, %mul3A_383 : vector<16xi32>
          %add3A_386 = arith.constant 8 : i32
          %add3A_387 = vector.broadcast %add3A_386 : i32 to vector<16xi32>
          %add3A_388 = arith.addi %add3A_385, %add3A_387 : vector<16xi32>
          tpu.vector_store_idx %arg15[%add3A_388], %gather3A_372 : memref<4096xf32, #tpu.memory_space<vmem>>[vector<16xi32>], vector<16xf32>,
          %broadcast_in_dim3A_389 = arith.constant 9 : i32
          %broadcast_in_dim3A_390 = vector.broadcast %broadcast_in_dim3A_389 : i32 to vector<16xi32>
          %gather3A_391 = tpu.vector_load_idx %arg12[%broadcast_in_dim3A_390, %get3A_207] : memref<32x768xf32, #tpu.memory_space<vmem>>[vector<16xi32>, vector<16xi32>], vector<16xf32>,
          %gather3A_392 = tpu.vector_load_idx %arg13[%broadcast_in_dim3A_390, %get3A_207] : memref<32x768xf32, #tpu.memory_space<vmem>>[vector<16xi32>, vector<16xi32>], vector<16xf32>,
          %mul3A_393 = arith.constant 32 : i32
          %mul3A_394 = vector.broadcast %mul3A_393 : i32 to vector<16xi32>
          %mul3A_395 = arith.muli %iota3A, %mul3A_394 : vector<16xi32>
          %add3A_396 = vector.broadcast %mul3A_180 : i32 to vector<16xi32>
          %add3A_397 = arith.addi %add3A_396, %mul3A_395 : vector<16xi32>
          %add3A_398 = arith.constant 9 : i32
          %add3A_399 = vector.broadcast %add3A_398 : i32 to vector<16xi32>
          %add3A_400 = arith.addi %add3A_397, %add3A_399 : vector<16xi32>
          tpu.vector_store_idx %arg14[%add3A_400], %gather3A_391 : memref<4096xf32, #tpu.memory_space<vmem>>[vector<16xi32>], vector<16xf32>,
          %mul3A_401 = arith.constant 32 : i32
          %mul3A_402 = vector.broadcast %mul3A_401 : i32 to vector<16xi32>
          %mul3A_403 = arith.muli %iota3A, %mul3A_402 : vector<16xi32>
          %add3A_404 = vector.broadcast %mul3A_180 : i32 to vector<16xi32>
          %add3A_405 = arith.addi %add3A_404, %mul3A_403 : vector<16xi32>
          %add3A_406 = arith.constant 9 : i32
          %add3A_407 = vector.broadcast %add3A_406 : i32 to vector<16xi32>
          %add3A_408 = arith.addi %add3A_405, %add3A_407 : vector<16xi32>
          tpu.vector_store_idx %arg15[%add3A_408], %gather3A_392 : memref<4096xf32, #tpu.memory_space<vmem>>[vector<16xi32>], vector<16xf32>,
          %broadcast_in_dim3A_409 = arith.constant 10 : i32
          %broadcast_in_dim3A_410 = vector.broadcast %broadcast_in_dim3A_409 : i32 to vector<16xi32>
          %gather3A_411 = tpu.vector_load_idx %arg12[%broadcast_in_dim3A_410, %get3A_207] : memref<32x768xf32, #tpu.memory_space<vmem>>[vector<16xi32>, vector<16xi32>], vector<16xf32>,
          %gather3A_412 = tpu.vector_load_idx %arg13[%broadcast_in_dim3A_410, %get3A_207] : memref<32x768xf32, #tpu.memory_space<vmem>>[vector<16xi32>, vector<16xi32>], vector<16xf32>,
          %mul3A_413 = arith.constant 32 : i32
          %mul3A_414 = vector.broadcast %mul3A_413 : i32 to vector<16xi32>
          %mul3A_415 = arith.muli %iota3A, %mul3A_414 : vector<16xi32>
          %add3A_416 = vector.broadcast %mul3A_180 : i32 to vector<16xi32>
          %add3A_417 = arith.addi %add3A_416, %mul3A_415 : vector<16xi32>
          %add3A_418 = arith.constant 10 : i32
          %add3A_419 = vector.broadcast %add3A_418 : i32 to vector<16xi32>
          %add3A_420 = arith.addi %add3A_417, %add3A_419 : vector<16xi32>
          tpu.vector_store_idx %arg14[%add3A_420], %gather3A_411 : memref<4096xf32, #tpu.memory_space<vmem>>[vector<16xi32>], vector<16xf32>,
          %mul3A_421 = arith.constant 32 : i32
          %mul3A_422 = vector.broadcast %mul3A_421 : i32 to vector<16xi32>
          %mul3A_423 = arith.muli %iota3A, %mul3A_422 : vector<16xi32>
          %add3A_424 = vector.broadcast %mul3A_180 : i32 to vector<16xi32>
          %add3A_425 = arith.addi %add3A_424, %mul3A_423 : vector<16xi32>
          %add3A_426 = arith.constant 10 : i32
          %add3A_427 = vector.broadcast %add3A_426 : i32 to vector<16xi32>
          %add3A_428 = arith.addi %add3A_425, %add3A_427 : vector<16xi32>
          tpu.vector_store_idx %arg15[%add3A_428], %gather3A_412 : memref<4096xf32, #tpu.memory_space<vmem>>[vector<16xi32>], vector<16xf32>,
          %broadcast_in_dim3A_429 = arith.constant 11 : i32
          %broadcast_in_dim3A_430 = vector.broadcast %broadcast_in_dim3A_429 : i32 to vector<16xi32>
          %gather3A_431 = tpu.vector_load_idx %arg12[%broadcast_in_dim3A_430, %get3A_207] : memref<32x768xf32, #tpu.memory_space<vmem>>[vector<16xi32>, vector<16xi32>], vector<16xf32>,
          %gather3A_432 = tpu.vector_load_idx %arg13[%broadcast_in_dim3A_430, %get3A_207] : memref<32x768xf32, #tpu.memory_space<vmem>>[vector<16xi32>, vector<16xi32>], vector<16xf32>,
          %mul3A_433 = arith.constant 32 : i32
          %mul3A_434 = vector.broadcast %mul3A_433 : i32 to vector<16xi32>
          %mul3A_435 = arith.muli %iota3A, %mul3A_434 : vector<16xi32>
          %add3A_436 = vector.broadcast %mul3A_180 : i32 to vector<16xi32>
          %add3A_437 = arith.addi %add3A_436, %mul3A_435 : vector<16xi32>
          %add3A_438 = arith.constant 11 : i32
          %add3A_439 = vector.broadcast %add3A_438 : i32 to vector<16xi32>
          %add3A_440 = arith.addi %add3A_437, %add3A_439 : vector<16xi32>
          tpu.vector_store_idx %arg14[%add3A_440], %gather3A_431 : memref<4096xf32, #tpu.memory_space<vmem>>[vector<16xi32>], vector<16xf32>,
          %mul3A_441 = arith.constant 32 : i32
          %mul3A_442 = vector.broadcast %mul3A_441 : i32 to vector<16xi32>
          %mul3A_443 = arith.muli %iota3A, %mul3A_442 : vector<16xi32>
          %add3A_444 = vector.broadcast %mul3A_180 : i32 to vector<16xi32>
          %add3A_445 = arith.addi %add3A_444, %mul3A_443 : vector<16xi32>
          %add3A_446 = arith.constant 11 : i32
          %add3A_447 = vector.broadcast %add3A_446 : i32 to vector<16xi32>
          %add3A_448 = arith.addi %add3A_445, %add3A_447 : vector<16xi32>
          tpu.vector_store_idx %arg15[%add3A_448], %gather3A_432 : memref<4096xf32, #tpu.memory_space<vmem>>[vector<16xi32>], vector<16xf32>,
          %broadcast_in_dim3A_449 = arith.constant 12 : i32
          %broadcast_in_dim3A_450 = vector.broadcast %broadcast_in_dim3A_449 : i32 to vector<16xi32>
          %gather3A_451 = tpu.vector_load_idx %arg12[%broadcast_in_dim3A_450, %get3A_207] : memref<32x768xf32, #tpu.memory_space<vmem>>[vector<16xi32>, vector<16xi32>], vector<16xf32>,
          %gather3A_452 = tpu.vector_load_idx %arg13[%broadcast_in_dim3A_450, %get3A_207] : memref<32x768xf32, #tpu.memory_space<vmem>>[vector<16xi32>, vector<16xi32>], vector<16xf32>,
          %mul3A_453 = arith.constant 32 : i32
          %mul3A_454 = vector.broadcast %mul3A_453 : i32 to vector<16xi32>
          %mul3A_455 = arith.muli %iota3A, %mul3A_454 : vector<16xi32>
          %add3A_456 = vector.broadcast %mul3A_180 : i32 to vector<16xi32>
          %add3A_457 = arith.addi %add3A_456, %mul3A_455 : vector<16xi32>
          %add3A_458 = arith.constant 12 : i32
          %add3A_459 = vector.broadcast %add3A_458 : i32 to vector<16xi32>
          %add3A_460 = arith.addi %add3A_457, %add3A_459 : vector<16xi32>
          tpu.vector_store_idx %arg14[%add3A_460], %gather3A_451 : memref<4096xf32, #tpu.memory_space<vmem>>[vector<16xi32>], vector<16xf32>,
          %mul3A_461 = arith.constant 32 : i32
          %mul3A_462 = vector.broadcast %mul3A_461 : i32 to vector<16xi32>
          %mul3A_463 = arith.muli %iota3A, %mul3A_462 : vector<16xi32>
          %add3A_464 = vector.broadcast %mul3A_180 : i32 to vector<16xi32>
          %add3A_465 = arith.addi %add3A_464, %mul3A_463 : vector<16xi32>
          %add3A_466 = arith.constant 12 : i32
          %add3A_467 = vector.broadcast %add3A_466 : i32 to vector<16xi32>
          %add3A_468 = arith.addi %add3A_465, %add3A_467 : vector<16xi32>
          tpu.vector_store_idx %arg15[%add3A_468], %gather3A_452 : memref<4096xf32, #tpu.memory_space<vmem>>[vector<16xi32>], vector<16xf32>,
          %broadcast_in_dim3A_469 = arith.constant 13 : i32
          %broadcast_in_dim3A_470 = vector.broadcast %broadcast_in_dim3A_469 : i32 to vector<16xi32>
          %gather3A_471 = tpu.vector_load_idx %arg12[%broadcast_in_dim3A_470, %get3A_207] : memref<32x768xf32, #tpu.memory_space<vmem>>[vector<16xi32>, vector<16xi32>], vector<16xf32>,
          %gather3A_472 = tpu.vector_load_idx %arg13[%broadcast_in_dim3A_470, %get3A_207] : memref<32x768xf32, #tpu.memory_space<vmem>>[vector<16xi32>, vector<16xi32>], vector<16xf32>,
          %mul3A_473 = arith.constant 32 : i32
          %mul3A_474 = vector.broadcast %mul3A_473 : i32 to vector<16xi32>
          %mul3A_475 = arith.muli %iota3A, %mul3A_474 : vector<16xi32>
          %add3A_476 = vector.broadcast %mul3A_180 : i32 to vector<16xi32>
          %add3A_477 = arith.addi %add3A_476, %mul3A_475 : vector<16xi32>
          %add3A_478 = arith.constant 13 : i32
          %add3A_479 = vector.broadcast %add3A_478 : i32 to vector<16xi32>
          %add3A_480 = arith.addi %add3A_477, %add3A_479 : vector<16xi32>
          tpu.vector_store_idx %arg14[%add3A_480], %gather3A_471 : memref<4096xf32, #tpu.memory_space<vmem>>[vector<16xi32>], vector<16xf32>,
          %mul3A_481 = arith.constant 32 : i32
          %mul3A_482 = vector.broadcast %mul3A_481 : i32 to vector<16xi32>
          %mul3A_483 = arith.muli %iota3A, %mul3A_482 : vector<16xi32>
          %add3A_484 = vector.broadcast %mul3A_180 : i32 to vector<16xi32>
          %add3A_485 = arith.addi %add3A_484, %mul3A_483 : vector<16xi32>
          %add3A_486 = arith.constant 13 : i32
          %add3A_487 = vector.broadcast %add3A_486 : i32 to vector<16xi32>
          %add3A_488 = arith.addi %add3A_485, %add3A_487 : vector<16xi32>
          tpu.vector_store_idx %arg15[%add3A_488], %gather3A_472 : memref<4096xf32, #tpu.memory_space<vmem>>[vector<16xi32>], vector<16xf32>,
          %broadcast_in_dim3A_489 = arith.constant 14 : i32
          %broadcast_in_dim3A_490 = vector.broadcast %broadcast_in_dim3A_489 : i32 to vector<16xi32>
          %gather3A_491 = tpu.vector_load_idx %arg12[%broadcast_in_dim3A_490, %get3A_207] : memref<32x768xf32, #tpu.memory_space<vmem>>[vector<16xi32>, vector<16xi32>], vector<16xf32>,
          %gather3A_492 = tpu.vector_load_idx %arg13[%broadcast_in_dim3A_490, %get3A_207] : memref<32x768xf32, #tpu.memory_space<vmem>>[vector<16xi32>, vector<16xi32>], vector<16xf32>,
          %mul3A_493 = arith.constant 32 : i32
          %mul3A_494 = vector.broadcast %mul3A_493 : i32 to vector<16xi32>
          %mul3A_495 = arith.muli %iota3A, %mul3A_494 : vector<16xi32>
          %add3A_496 = vector.broadcast %mul3A_180 : i32 to vector<16xi32>
          %add3A_497 = arith.addi %add3A_496, %mul3A_495 : vector<16xi32>
          %add3A_498 = arith.constant 14 : i32
          %add3A_499 = vector.broadcast %add3A_498 : i32 to vector<16xi32>
          %add3A_500 = arith.addi %add3A_497, %add3A_499 : vector<16xi32>
          tpu.vector_store_idx %arg14[%add3A_500], %gather3A_491 : memref<4096xf32, #tpu.memory_space<vmem>>[vector<16xi32>], vector<16xf32>,
          %mul3A_501 = arith.constant 32 : i32
          %mul3A_502 = vector.broadcast %mul3A_501 : i32 to vector<16xi32>
          %mul3A_503 = arith.muli %iota3A, %mul3A_502 : vector<16xi32>
          %add3A_504 = vector.broadcast %mul3A_180 : i32 to vector<16xi32>
          %add3A_505 = arith.addi %add3A_504, %mul3A_503 : vector<16xi32>
          %add3A_506 = arith.constant 14 : i32
          %add3A_507 = vector.broadcast %add3A_506 : i32 to vector<16xi32>
          %add3A_508 = arith.addi %add3A_505, %add3A_507 : vector<16xi32>
          tpu.vector_store_idx %arg15[%add3A_508], %gather3A_492 : memref<4096xf32, #tpu.memory_space<vmem>>[vector<16xi32>], vector<16xf32>,
          %broadcast_in_dim3A_509 = arith.constant 15 : i32
          %broadcast_in_dim3A_510 = vector.broadcast %broadcast_in_dim3A_509 : i32 to vector<16xi32>
          %gather3A_511 = tpu.vector_load_idx %arg12[%broadcast_in_dim3A_510, %get3A_207] : memref<32x768xf32, #tpu.memory_space<vmem>>[vector<16xi32>, vector<16xi32>], vector<16xf32>,
          %gather3A_512 = tpu.vector_load_idx %arg13[%broadcast_in_dim3A_510, %get3A_207] : memref<32x768xf32, #tpu.memory_space<vmem>>[vector<16xi32>, vector<16xi32>], vector<16xf32>,
          %mul3A_513 = arith.constant 32 : i32
          %mul3A_514 = vector.broadcast %mul3A_513 : i32 to vector<16xi32>
          %mul3A_515 = arith.muli %iota3A, %mul3A_514 : vector<16xi32>
          %add3A_516 = vector.broadcast %mul3A_180 : i32 to vector<16xi32>
          %add3A_517 = arith.addi %add3A_516, %mul3A_515 : vector<16xi32>
          %add3A_518 = arith.constant 15 : i32
          %add3A_519 = vector.broadcast %add3A_518 : i32 to vector<16xi32>
          %add3A_520 = arith.addi %add3A_517, %add3A_519 : vector<16xi32>
          tpu.vector_store_idx %arg14[%add3A_520], %gather3A_511 : memref<4096xf32, #tpu.memory_space<vmem>>[vector<16xi32>], vector<16xf32>,
          %mul3A_521 = arith.constant 32 : i32
          %mul3A_522 = vector.broadcast %mul3A_521 : i32 to vector<16xi32>
          %mul3A_523 = arith.muli %iota3A, %mul3A_522 : vector<16xi32>
          %add3A_524 = vector.broadcast %mul3A_180 : i32 to vector<16xi32>
          %add3A_525 = arith.addi %add3A_524, %mul3A_523 : vector<16xi32>
          %add3A_526 = arith.constant 15 : i32
          %add3A_527 = vector.broadcast %add3A_526 : i32 to vector<16xi32>
          %add3A_528 = arith.addi %add3A_525, %add3A_527 : vector<16xi32>
          tpu.vector_store_idx %arg15[%add3A_528], %gather3A_512 : memref<4096xf32, #tpu.memory_space<vmem>>[vector<16xi32>], vector<16xf32>,
          %broadcast_in_dim3A_529 = arith.constant 16 : i32
          %broadcast_in_dim3A_530 = vector.broadcast %broadcast_in_dim3A_529 : i32 to vector<16xi32>
          %gather3A_531 = tpu.vector_load_idx %arg12[%broadcast_in_dim3A_530, %get3A_207] : memref<32x768xf32, #tpu.memory_space<vmem>>[vector<16xi32>, vector<16xi32>], vector<16xf32>,
          %gather3A_532 = tpu.vector_load_idx %arg13[%broadcast_in_dim3A_530, %get3A_207] : memref<32x768xf32, #tpu.memory_space<vmem>>[vector<16xi32>, vector<16xi32>], vector<16xf32>,
          %mul3A_533 = arith.constant 32 : i32
          %mul3A_534 = vector.broadcast %mul3A_533 : i32 to vector<16xi32>
          %mul3A_535 = arith.muli %iota3A, %mul3A_534 : vector<16xi32>
          %add3A_536 = vector.broadcast %mul3A_180 : i32 to vector<16xi32>
          %add3A_537 = arith.addi %add3A_536, %mul3A_535 : vector<16xi32>
          %add3A_538 = arith.constant 16 : i32
          %add3A_539 = vector.broadcast %add3A_538 : i32 to vector<16xi32>
          %add3A_540 = arith.addi %add3A_537, %add3A_539 : vector<16xi32>
          tpu.vector_store_idx %arg14[%add3A_540], %gather3A_531 : memref<4096xf32, #tpu.memory_space<vmem>>[vector<16xi32>], vector<16xf32>,
          %mul3A_541 = arith.constant 32 : i32
          %mul3A_542 = vector.broadcast %mul3A_541 : i32 to vector<16xi32>
          %mul3A_543 = arith.muli %iota3A, %mul3A_542 : vector<16xi32>
          %add3A_544 = vector.broadcast %mul3A_180 : i32 to vector<16xi32>
          %add3A_545 = arith.addi %add3A_544, %mul3A_543 : vector<16xi32>
          %add3A_546 = arith.constant 16 : i32
          %add3A_547 = vector.broadcast %add3A_546 : i32 to vector<16xi32>
          %add3A_548 = arith.addi %add3A_545, %add3A_547 : vector<16xi32>
          tpu.vector_store_idx %arg15[%add3A_548], %gather3A_532 : memref<4096xf32, #tpu.memory_space<vmem>>[vector<16xi32>], vector<16xf32>,
          %broadcast_in_dim3A_549 = arith.constant 17 : i32
          %broadcast_in_dim3A_550 = vector.broadcast %broadcast_in_dim3A_549 : i32 to vector<16xi32>
          %gather3A_551 = tpu.vector_load_idx %arg12[%broadcast_in_dim3A_550, %get3A_207] : memref<32x768xf32, #tpu.memory_space<vmem>>[vector<16xi32>, vector<16xi32>], vector<16xf32>,
          %gather3A_552 = tpu.vector_load_idx %arg13[%broadcast_in_dim3A_550, %get3A_207] : memref<32x768xf32, #tpu.memory_space<vmem>>[vector<16xi32>, vector<16xi32>], vector<16xf32>,
          %mul3A_553 = arith.constant 32 : i32
          %mul3A_554 = vector.broadcast %mul3A_553 : i32 to vector<16xi32>
          %mul3A_555 = arith.muli %iota3A, %mul3A_554 : vector<16xi32>
          %add3A_556 = vector.broadcast %mul3A_180 : i32 to vector<16xi32>
          %add3A_557 = arith.addi %add3A_556, %mul3A_555 : vector<16xi32>
          %add3A_558 = arith.constant 17 : i32
          %add3A_559 = vector.broadcast %add3A_558 : i32 to vector<16xi32>
          %add3A_560 = arith.addi %add3A_557, %add3A_559 : vector<16xi32>
          tpu.vector_store_idx %arg14[%add3A_560], %gather3A_551 : memref<4096xf32, #tpu.memory_space<vmem>>[vector<16xi32>], vector<16xf32>,
          %mul3A_561 = arith.constant 32 : i32
          %mul3A_562 = vector.broadcast %mul3A_561 : i32 to vector<16xi32>
          %mul3A_563 = arith.muli %iota3A, %mul3A_562 : vector<16xi32>
          %add3A_564 = vector.broadcast %mul3A_180 : i32 to vector<16xi32>
          %add3A_565 = arith.addi %add3A_564, %mul3A_563 : vector<16xi32>
          %add3A_566 = arith.constant 17 : i32
          %add3A_567 = vector.broadcast %add3A_566 : i32 to vector<16xi32>
          %add3A_568 = arith.addi %add3A_565, %add3A_567 : vector<16xi32>
          tpu.vector_store_idx %arg15[%add3A_568], %gather3A_552 : memref<4096xf32, #tpu.memory_space<vmem>>[vector<16xi32>], vector<16xf32>,
          %broadcast_in_dim3A_569 = arith.constant 18 : i32
          %broadcast_in_dim3A_570 = vector.broadcast %broadcast_in_dim3A_569 : i32 to vector<16xi32>
          %gather3A_571 = tpu.vector_load_idx %arg12[%broadcast_in_dim3A_570, %get3A_207] : memref<32x768xf32, #tpu.memory_space<vmem>>[vector<16xi32>, vector<16xi32>], vector<16xf32>,
          %gather3A_572 = tpu.vector_load_idx %arg13[%broadcast_in_dim3A_570, %get3A_207] : memref<32x768xf32, #tpu.memory_space<vmem>>[vector<16xi32>, vector<16xi32>], vector<16xf32>,
          %mul3A_573 = arith.constant 32 : i32
          %mul3A_574 = vector.broadcast %mul3A_573 : i32 to vector<16xi32>
          %mul3A_575 = arith.muli %iota3A, %mul3A_574 : vector<16xi32>
          %add3A_576 = vector.broadcast %mul3A_180 : i32 to vector<16xi32>
          %add3A_577 = arith.addi %add3A_576, %mul3A_575 : vector<16xi32>
          %add3A_578 = arith.constant 18 : i32
          %add3A_579 = vector.broadcast %add3A_578 : i32 to vector<16xi32>
          %add3A_580 = arith.addi %add3A_577, %add3A_579 : vector<16xi32>
          tpu.vector_store_idx %arg14[%add3A_580], %gather3A_571 : memref<4096xf32, #tpu.memory_space<vmem>>[vector<16xi32>], vector<16xf32>,
          %mul3A_581 = arith.constant 32 : i32
          %mul3A_582 = vector.broadcast %mul3A_581 : i32 to vector<16xi32>
          %mul3A_583 = arith.muli %iota3A, %mul3A_582 : vector<16xi32>
          %add3A_584 = vector.broadcast %mul3A_180 : i32 to vector<16xi32>
          %add3A_585 = arith.addi %add3A_584, %mul3A_583 : vector<16xi32>
          %add3A_586 = arith.constant 18 : i32
          %add3A_587 = vector.broadcast %add3A_586 : i32 to vector<16xi32>
          %add3A_588 = arith.addi %add3A_585, %add3A_587 : vector<16xi32>
          tpu.vector_store_idx %arg15[%add3A_588], %gather3A_572 : memref<4096xf32, #tpu.memory_space<vmem>>[vector<16xi32>], vector<16xf32>,
          %broadcast_in_dim3A_589 = arith.constant 19 : i32
          %broadcast_in_dim3A_590 = vector.broadcast %broadcast_in_dim3A_589 : i32 to vector<16xi32>
          %gather3A_591 = tpu.vector_load_idx %arg12[%broadcast_in_dim3A_590, %get3A_207] : memref<32x768xf32, #tpu.memory_space<vmem>>[vector<16xi32>, vector<16xi32>], vector<16xf32>,
          %gather3A_592 = tpu.vector_load_idx %arg13[%broadcast_in_dim3A_590, %get3A_207] : memref<32x768xf32, #tpu.memory_space<vmem>>[vector<16xi32>, vector<16xi32>], vector<16xf32>,
          %mul3A_593 = arith.constant 32 : i32
          %mul3A_594 = vector.broadcast %mul3A_593 : i32 to vector<16xi32>
          %mul3A_595 = arith.muli %iota3A, %mul3A_594 : vector<16xi32>
          %add3A_596 = vector.broadcast %mul3A_180 : i32 to vector<16xi32>
          %add3A_597 = arith.addi %add3A_596, %mul3A_595 : vector<16xi32>
          %add3A_598 = arith.constant 19 : i32
          %add3A_599 = vector.broadcast %add3A_598 : i32 to vector<16xi32>
          %add3A_600 = arith.addi %add3A_597, %add3A_599 : vector<16xi32>
          tpu.vector_store_idx %arg14[%add3A_600], %gather3A_591 : memref<4096xf32, #tpu.memory_space<vmem>>[vector<16xi32>], vector<16xf32>,
          %mul3A_601 = arith.constant 32 : i32
          %mul3A_602 = vector.broadcast %mul3A_601 : i32 to vector<16xi32>
          %mul3A_603 = arith.muli %iota3A, %mul3A_602 : vector<16xi32>
          %add3A_604 = vector.broadcast %mul3A_180 : i32 to vector<16xi32>
          %add3A_605 = arith.addi %add3A_604, %mul3A_603 : vector<16xi32>
          %add3A_606 = arith.constant 19 : i32
          %add3A_607 = vector.broadcast %add3A_606 : i32 to vector<16xi32>
          %add3A_608 = arith.addi %add3A_605, %add3A_607 : vector<16xi32>
          tpu.vector_store_idx %arg15[%add3A_608], %gather3A_592 : memref<4096xf32, #tpu.memory_space<vmem>>[vector<16xi32>], vector<16xf32>,
          %broadcast_in_dim3A_609 = arith.constant 20 : i32
          %broadcast_in_dim3A_610 = vector.broadcast %broadcast_in_dim3A_609 : i32 to vector<16xi32>
          %gather3A_611 = tpu.vector_load_idx %arg12[%broadcast_in_dim3A_610, %get3A_207] : memref<32x768xf32, #tpu.memory_space<vmem>>[vector<16xi32>, vector<16xi32>], vector<16xf32>,
          %gather3A_612 = tpu.vector_load_idx %arg13[%broadcast_in_dim3A_610, %get3A_207] : memref<32x768xf32, #tpu.memory_space<vmem>>[vector<16xi32>, vector<16xi32>], vector<16xf32>,
          %mul3A_613 = arith.constant 32 : i32
          %mul3A_614 = vector.broadcast %mul3A_613 : i32 to vector<16xi32>
          %mul3A_615 = arith.muli %iota3A, %mul3A_614 : vector<16xi32>
          %add3A_616 = vector.broadcast %mul3A_180 : i32 to vector<16xi32>
          %add3A_617 = arith.addi %add3A_616, %mul3A_615 : vector<16xi32>
          %add3A_618 = arith.constant 20 : i32
          %add3A_619 = vector.broadcast %add3A_618 : i32 to vector<16xi32>
          %add3A_620 = arith.addi %add3A_617, %add3A_619 : vector<16xi32>
          tpu.vector_store_idx %arg14[%add3A_620], %gather3A_611 : memref<4096xf32, #tpu.memory_space<vmem>>[vector<16xi32>], vector<16xf32>,
          %mul3A_621 = arith.constant 32 : i32
          %mul3A_622 = vector.broadcast %mul3A_621 : i32 to vector<16xi32>
          %mul3A_623 = arith.muli %iota3A, %mul3A_622 : vector<16xi32>
          %add3A_624 = vector.broadcast %mul3A_180 : i32 to vector<16xi32>
          %add3A_625 = arith.addi %add3A_624, %mul3A_623 : vector<16xi32>
          %add3A_626 = arith.constant 20 : i32
          %add3A_627 = vector.broadcast %add3A_626 : i32 to vector<16xi32>
          %add3A_628 = arith.addi %add3A_625, %add3A_627 : vector<16xi32>
          tpu.vector_store_idx %arg15[%add3A_628], %gather3A_612 : memref<4096xf32, #tpu.memory_space<vmem>>[vector<16xi32>], vector<16xf32>,
          %broadcast_in_dim3A_629 = arith.constant 21 : i32
          %broadcast_in_dim3A_630 = vector.broadcast %broadcast_in_dim3A_629 : i32 to vector<16xi32>
          %gather3A_631 = tpu.vector_load_idx %arg12[%broadcast_in_dim3A_630, %get3A_207] : memref<32x768xf32, #tpu.memory_space<vmem>>[vector<16xi32>, vector<16xi32>], vector<16xf32>,
          %gather3A_632 = tpu.vector_load_idx %arg13[%broadcast_in_dim3A_630, %get3A_207] : memref<32x768xf32, #tpu.memory_space<vmem>>[vector<16xi32>, vector<16xi32>], vector<16xf32>,
          %mul3A_633 = arith.constant 32 : i32
          %mul3A_634 = vector.broadcast %mul3A_633 : i32 to vector<16xi32>
          %mul3A_635 = arith.muli %iota3A, %mul3A_634 : vector<16xi32>
          %add3A_636 = vector.broadcast %mul3A_180 : i32 to vector<16xi32>
          %add3A_637 = arith.addi %add3A_636, %mul3A_635 : vector<16xi32>
          %add3A_638 = arith.constant 21 : i32
          %add3A_639 = vector.broadcast %add3A_638 : i32 to vector<16xi32>
          %add3A_640 = arith.addi %add3A_637, %add3A_639 : vector<16xi32>
          tpu.vector_store_idx %arg14[%add3A_640], %gather3A_631 : memref<4096xf32, #tpu.memory_space<vmem>>[vector<16xi32>], vector<16xf32>,
          %mul3A_641 = arith.constant 32 : i32
          %mul3A_642 = vector.broadcast %mul3A_641 : i32 to vector<16xi32>
          %mul3A_643 = arith.muli %iota3A, %mul3A_642 : vector<16xi32>
          %add3A_644 = vector.broadcast %mul3A_180 : i32 to vector<16xi32>
          %add3A_645 = arith.addi %add3A_644, %mul3A_643 : vector<16xi32>
          %add3A_646 = arith.constant 21 : i32
          %add3A_647 = vector.broadcast %add3A_646 : i32 to vector<16xi32>
          %add3A_648 = arith.addi %add3A_645, %add3A_647 : vector<16xi32>
          tpu.vector_store_idx %arg15[%add3A_648], %gather3A_632 : memref<4096xf32, #tpu.memory_space<vmem>>[vector<16xi32>], vector<16xf32>,
          %broadcast_in_dim3A_649 = arith.constant 22 : i32
          %broadcast_in_dim3A_650 = vector.broadcast %broadcast_in_dim3A_649 : i32 to vector<16xi32>
          %gather3A_651 = tpu.vector_load_idx %arg12[%broadcast_in_dim3A_650, %get3A_207] : memref<32x768xf32, #tpu.memory_space<vmem>>[vector<16xi32>, vector<16xi32>], vector<16xf32>,
          %gather3A_652 = tpu.vector_load_idx %arg13[%broadcast_in_dim3A_650, %get3A_207] : memref<32x768xf32, #tpu.memory_space<vmem>>[vector<16xi32>, vector<16xi32>], vector<16xf32>,
          %mul3A_653 = arith.constant 32 : i32
          %mul3A_654 = vector.broadcast %mul3A_653 : i32 to vector<16xi32>
          %mul3A_655 = arith.muli %iota3A, %mul3A_654 : vector<16xi32>
          %add3A_656 = vector.broadcast %mul3A_180 : i32 to vector<16xi32>
          %add3A_657 = arith.addi %add3A_656, %mul3A_655 : vector<16xi32>
          %add3A_658 = arith.constant 22 : i32
          %add3A_659 = vector.broadcast %add3A_658 : i32 to vector<16xi32>
          %add3A_660 = arith.addi %add3A_657, %add3A_659 : vector<16xi32>
          tpu.vector_store_idx %arg14[%add3A_660], %gather3A_651 : memref<4096xf32, #tpu.memory_space<vmem>>[vector<16xi32>], vector<16xf32>,
          %mul3A_661 = arith.constant 32 : i32
          %mul3A_662 = vector.broadcast %mul3A_661 : i32 to vector<16xi32>
          %mul3A_663 = arith.muli %iota3A, %mul3A_662 : vector<16xi32>
          %add3A_664 = vector.broadcast %mul3A_180 : i32 to vector<16xi32>
          %add3A_665 = arith.addi %add3A_664, %mul3A_663 : vector<16xi32>
          %add3A_666 = arith.constant 22 : i32
          %add3A_667 = vector.broadcast %add3A_666 : i32 to vector<16xi32>
          %add3A_668 = arith.addi %add3A_665, %add3A_667 : vector<16xi32>
          tpu.vector_store_idx %arg15[%add3A_668], %gather3A_652 : memref<4096xf32, #tpu.memory_space<vmem>>[vector<16xi32>], vector<16xf32>,
          %broadcast_in_dim3A_669 = arith.constant 23 : i32
          %broadcast_in_dim3A_670 = vector.broadcast %broadcast_in_dim3A_669 : i32 to vector<16xi32>
          %gather3A_671 = tpu.vector_load_idx %arg12[%broadcast_in_dim3A_670, %get3A_207] : memref<32x768xf32, #tpu.memory_space<vmem>>[vector<16xi32>, vector<16xi32>], vector<16xf32>,
          %gather3A_672 = tpu.vector_load_idx %arg13[%broadcast_in_dim3A_670, %get3A_207] : memref<32x768xf32, #tpu.memory_space<vmem>>[vector<16xi32>, vector<16xi32>], vector<16xf32>,
          %mul3A_673 = arith.constant 32 : i32
          %mul3A_674 = vector.broadcast %mul3A_673 : i32 to vector<16xi32>
          %mul3A_675 = arith.muli %iota3A, %mul3A_674 : vector<16xi32>
          %add3A_676 = vector.broadcast %mul3A_180 : i32 to vector<16xi32>
          %add3A_677 = arith.addi %add3A_676, %mul3A_675 : vector<16xi32>
          %add3A_678 = arith.constant 23 : i32
          %add3A_679 = vector.broadcast %add3A_678 : i32 to vector<16xi32>
          %add3A_680 = arith.addi %add3A_677, %add3A_679 : vector<16xi32>
          tpu.vector_store_idx %arg14[%add3A_680], %gather3A_671 : memref<4096xf32, #tpu.memory_space<vmem>>[vector<16xi32>], vector<16xf32>,
          %mul3A_681 = arith.constant 32 : i32
          %mul3A_682 = vector.broadcast %mul3A_681 : i32 to vector<16xi32>
          %mul3A_683 = arith.muli %iota3A, %mul3A_682 : vector<16xi32>
          %add3A_684 = vector.broadcast %mul3A_180 : i32 to vector<16xi32>
          %add3A_685 = arith.addi %add3A_684, %mul3A_683 : vector<16xi32>
          %add3A_686 = arith.constant 23 : i32
          %add3A_687 = vector.broadcast %add3A_686 : i32 to vector<16xi32>
          %add3A_688 = arith.addi %add3A_685, %add3A_687 : vector<16xi32>
          tpu.vector_store_idx %arg15[%add3A_688], %gather3A_672 : memref<4096xf32, #tpu.memory_space<vmem>>[vector<16xi32>], vector<16xf32>,
          %broadcast_in_dim3A_689 = arith.constant 24 : i32
          %broadcast_in_dim3A_690 = vector.broadcast %broadcast_in_dim3A_689 : i32 to vector<16xi32>
          %gather3A_691 = tpu.vector_load_idx %arg12[%broadcast_in_dim3A_690, %get3A_207] : memref<32x768xf32, #tpu.memory_space<vmem>>[vector<16xi32>, vector<16xi32>], vector<16xf32>,
          %gather3A_692 = tpu.vector_load_idx %arg13[%broadcast_in_dim3A_690, %get3A_207] : memref<32x768xf32, #tpu.memory_space<vmem>>[vector<16xi32>, vector<16xi32>], vector<16xf32>,
          %mul3A_693 = arith.constant 32 : i32
          %mul3A_694 = vector.broadcast %mul3A_693 : i32 to vector<16xi32>
          %mul3A_695 = arith.muli %iota3A, %mul3A_694 : vector<16xi32>
          %add3A_696 = vector.broadcast %mul3A_180 : i32 to vector<16xi32>
          %add3A_697 = arith.addi %add3A_696, %mul3A_695 : vector<16xi32>
          %add3A_698 = arith.constant 24 : i32
          %add3A_699 = vector.broadcast %add3A_698 : i32 to vector<16xi32>
          %add3A_700 = arith.addi %add3A_697, %add3A_699 : vector<16xi32>
          tpu.vector_store_idx %arg14[%add3A_700], %gather3A_691 : memref<4096xf32, #tpu.memory_space<vmem>>[vector<16xi32>], vector<16xf32>,
          %mul3A_701 = arith.constant 32 : i32
          %mul3A_702 = vector.broadcast %mul3A_701 : i32 to vector<16xi32>
          %mul3A_703 = arith.muli %iota3A, %mul3A_702 : vector<16xi32>
          %add3A_704 = vector.broadcast %mul3A_180 : i32 to vector<16xi32>
          %add3A_705 = arith.addi %add3A_704, %mul3A_703 : vector<16xi32>
          %add3A_706 = arith.constant 24 : i32
          %add3A_707 = vector.broadcast %add3A_706 : i32 to vector<16xi32>
          %add3A_708 = arith.addi %add3A_705, %add3A_707 : vector<16xi32>
          tpu.vector_store_idx %arg15[%add3A_708], %gather3A_692 : memref<4096xf32, #tpu.memory_space<vmem>>[vector<16xi32>], vector<16xf32>,
          %broadcast_in_dim3A_709 = arith.constant 25 : i32
          %broadcast_in_dim3A_710 = vector.broadcast %broadcast_in_dim3A_709 : i32 to vector<16xi32>
          %gather3A_711 = tpu.vector_load_idx %arg12[%broadcast_in_dim3A_710, %get3A_207] : memref<32x768xf32, #tpu.memory_space<vmem>>[vector<16xi32>, vector<16xi32>], vector<16xf32>,
          %gather3A_712 = tpu.vector_load_idx %arg13[%broadcast_in_dim3A_710, %get3A_207] : memref<32x768xf32, #tpu.memory_space<vmem>>[vector<16xi32>, vector<16xi32>], vector<16xf32>,
          %mul3A_713 = arith.constant 32 : i32
          %mul3A_714 = vector.broadcast %mul3A_713 : i32 to vector<16xi32>
          %mul3A_715 = arith.muli %iota3A, %mul3A_714 : vector<16xi32>
          %add3A_716 = vector.broadcast %mul3A_180 : i32 to vector<16xi32>
          %add3A_717 = arith.addi %add3A_716, %mul3A_715 : vector<16xi32>
          %add3A_718 = arith.constant 25 : i32
          %add3A_719 = vector.broadcast %add3A_718 : i32 to vector<16xi32>
          %add3A_720 = arith.addi %add3A_717, %add3A_719 : vector<16xi32>
          tpu.vector_store_idx %arg14[%add3A_720], %gather3A_711 : memref<4096xf32, #tpu.memory_space<vmem>>[vector<16xi32>], vector<16xf32>,
          %mul3A_721 = arith.constant 32 : i32
          %mul3A_722 = vector.broadcast %mul3A_721 : i32 to vector<16xi32>
          %mul3A_723 = arith.muli %iota3A, %mul3A_722 : vector<16xi32>
          %add3A_724 = vector.broadcast %mul3A_180 : i32 to vector<16xi32>
          %add3A_725 = arith.addi %add3A_724, %mul3A_723 : vector<16xi32>
          %add3A_726 = arith.constant 25 : i32
          %add3A_727 = vector.broadcast %add3A_726 : i32 to vector<16xi32>
          %add3A_728 = arith.addi %add3A_725, %add3A_727 : vector<16xi32>
          tpu.vector_store_idx %arg15[%add3A_728], %gather3A_712 : memref<4096xf32, #tpu.memory_space<vmem>>[vector<16xi32>], vector<16xf32>,
          %broadcast_in_dim3A_729 = arith.constant 26 : i32
          %broadcast_in_dim3A_730 = vector.broadcast %broadcast_in_dim3A_729 : i32 to vector<16xi32>
          %gather3A_731 = tpu.vector_load_idx %arg12[%broadcast_in_dim3A_730, %get3A_207] : memref<32x768xf32, #tpu.memory_space<vmem>>[vector<16xi32>, vector<16xi32>], vector<16xf32>,
          %gather3A_732 = tpu.vector_load_idx %arg13[%broadcast_in_dim3A_730, %get3A_207] : memref<32x768xf32, #tpu.memory_space<vmem>>[vector<16xi32>, vector<16xi32>], vector<16xf32>,
          %mul3A_733 = arith.constant 32 : i32
          %mul3A_734 = vector.broadcast %mul3A_733 : i32 to vector<16xi32>
          %mul3A_735 = arith.muli %iota3A, %mul3A_734 : vector<16xi32>
          %add3A_736 = vector.broadcast %mul3A_180 : i32 to vector<16xi32>
          %add3A_737 = arith.addi %add3A_736, %mul3A_735 : vector<16xi32>
          %add3A_738 = arith.constant 26 : i32
          %add3A_739 = vector.broadcast %add3A_738 : i32 to vector<16xi32>
          %add3A_740 = arith.addi %add3A_737, %add3A_739 : vector<16xi32>
          tpu.vector_store_idx %arg14[%add3A_740], %gather3A_731 : memref<4096xf32, #tpu.memory_space<vmem>>[vector<16xi32>], vector<16xf32>,
          %mul3A_741 = arith.constant 32 : i32
          %mul3A_742 = vector.broadcast %mul3A_741 : i32 to vector<16xi32>
          %mul3A_743 = arith.muli %iota3A, %mul3A_742 : vector<16xi32>
          %add3A_744 = vector.broadcast %mul3A_180 : i32 to vector<16xi32>
          %add3A_745 = arith.addi %add3A_744, %mul3A_743 : vector<16xi32>
          %add3A_746 = arith.constant 26 : i32
          %add3A_747 = vector.broadcast %add3A_746 : i32 to vector<16xi32>
          %add3A_748 = arith.addi %add3A_745, %add3A_747 : vector<16xi32>
          tpu.vector_store_idx %arg15[%add3A_748], %gather3A_732 : memref<4096xf32, #tpu.memory_space<vmem>>[vector<16xi32>], vector<16xf32>,
          %broadcast_in_dim3A_749 = arith.constant 27 : i32
          %broadcast_in_dim3A_750 = vector.broadcast %broadcast_in_dim3A_749 : i32 to vector<16xi32>
          %gather3A_751 = tpu.vector_load_idx %arg12[%broadcast_in_dim3A_750, %get3A_207] : memref<32x768xf32, #tpu.memory_space<vmem>>[vector<16xi32>, vector<16xi32>], vector<16xf32>,
          %gather3A_752 = tpu.vector_load_idx %arg13[%broadcast_in_dim3A_750, %get3A_207] : memref<32x768xf32, #tpu.memory_space<vmem>>[vector<16xi32>, vector<16xi32>], vector<16xf32>,
          %mul3A_753 = arith.constant 32 : i32
          %mul3A_754 = vector.broadcast %mul3A_753 : i32 to vector<16xi32>
          %mul3A_755 = arith.muli %iota3A, %mul3A_754 : vector<16xi32>
          %add3A_756 = vector.broadcast %mul3A_180 : i32 to vector<16xi32>
          %add3A_757 = arith.addi %add3A_756, %mul3A_755 : vector<16xi32>
          %add3A_758 = arith.constant 27 : i32
          %add3A_759 = vector.broadcast %add3A_758 : i32 to vector<16xi32>
          %add3A_760 = arith.addi %add3A_757, %add3A_759 : vector<16xi32>
          tpu.vector_store_idx %arg14[%add3A_760], %gather3A_751 : memref<4096xf32, #tpu.memory_space<vmem>>[vector<16xi32>], vector<16xf32>,
          %mul3A_761 = arith.constant 32 : i32
          %mul3A_762 = vector.broadcast %mul3A_761 : i32 to vector<16xi32>
          %mul3A_763 = arith.muli %iota3A, %mul3A_762 : vector<16xi32>
          %add3A_764 = vector.broadcast %mul3A_180 : i32 to vector<16xi32>
          %add3A_765 = arith.addi %add3A_764, %mul3A_763 : vector<16xi32>
          %add3A_766 = arith.constant 27 : i32
          %add3A_767 = vector.broadcast %add3A_766 : i32 to vector<16xi32>
          %add3A_768 = arith.addi %add3A_765, %add3A_767 : vector<16xi32>
          tpu.vector_store_idx %arg15[%add3A_768], %gather3A_752 : memref<4096xf32, #tpu.memory_space<vmem>>[vector<16xi32>], vector<16xf32>,
          %broadcast_in_dim3A_769 = arith.constant 28 : i32
          %broadcast_in_dim3A_770 = vector.broadcast %broadcast_in_dim3A_769 : i32 to vector<16xi32>
          %gather3A_771 = tpu.vector_load_idx %arg12[%broadcast_in_dim3A_770, %get3A_207] : memref<32x768xf32, #tpu.memory_space<vmem>>[vector<16xi32>, vector<16xi32>], vector<16xf32>,
          %gather3A_772 = tpu.vector_load_idx %arg13[%broadcast_in_dim3A_770, %get3A_207] : memref<32x768xf32, #tpu.memory_space<vmem>>[vector<16xi32>, vector<16xi32>], vector<16xf32>,
          %mul3A_773 = arith.constant 32 : i32
          %mul3A_774 = vector.broadcast %mul3A_773 : i32 to vector<16xi32>
          %mul3A_775 = arith.muli %iota3A, %mul3A_774 : vector<16xi32>
          %add3A_776 = vector.broadcast %mul3A_180 : i32 to vector<16xi32>
          %add3A_777 = arith.addi %add3A_776, %mul3A_775 : vector<16xi32>
          %add3A_778 = arith.constant 28 : i32
          %add3A_779 = vector.broadcast %add3A_778 : i32 to vector<16xi32>
          %add3A_780 = arith.addi %add3A_777, %add3A_779 : vector<16xi32>
          tpu.vector_store_idx %arg14[%add3A_780], %gather3A_771 : memref<4096xf32, #tpu.memory_space<vmem>>[vector<16xi32>], vector<16xf32>,
          %mul3A_781 = arith.constant 32 : i32
          %mul3A_782 = vector.broadcast %mul3A_781 : i32 to vector<16xi32>
          %mul3A_783 = arith.muli %iota3A, %mul3A_782 : vector<16xi32>
          %add3A_784 = vector.broadcast %mul3A_180 : i32 to vector<16xi32>
          %add3A_785 = arith.addi %add3A_784, %mul3A_783 : vector<16xi32>
          %add3A_786 = arith.constant 28 : i32
          %add3A_787 = vector.broadcast %add3A_786 : i32 to vector<16xi32>
          %add3A_788 = arith.addi %add3A_785, %add3A_787 : vector<16xi32>
          tpu.vector_store_idx %arg15[%add3A_788], %gather3A_772 : memref<4096xf32, #tpu.memory_space<vmem>>[vector<16xi32>], vector<16xf32>,
          %broadcast_in_dim3A_789 = arith.constant 29 : i32
          %broadcast_in_dim3A_790 = vector.broadcast %broadcast_in_dim3A_789 : i32 to vector<16xi32>
          %gather3A_791 = tpu.vector_load_idx %arg12[%broadcast_in_dim3A_790, %get3A_207] : memref<32x768xf32, #tpu.memory_space<vmem>>[vector<16xi32>, vector<16xi32>], vector<16xf32>,
          %gather3A_792 = tpu.vector_load_idx %arg13[%broadcast_in_dim3A_790, %get3A_207] : memref<32x768xf32, #tpu.memory_space<vmem>>[vector<16xi32>, vector<16xi32>], vector<16xf32>,
          %mul3A_793 = arith.constant 32 : i32
          %mul3A_794 = vector.broadcast %mul3A_793 : i32 to vector<16xi32>
          %mul3A_795 = arith.muli %iota3A, %mul3A_794 : vector<16xi32>
          %add3A_796 = vector.broadcast %mul3A_180 : i32 to vector<16xi32>
          %add3A_797 = arith.addi %add3A_796, %mul3A_795 : vector<16xi32>
          %add3A_798 = arith.constant 29 : i32
          %add3A_799 = vector.broadcast %add3A_798 : i32 to vector<16xi32>
          %add3A_800 = arith.addi %add3A_797, %add3A_799 : vector<16xi32>
          tpu.vector_store_idx %arg14[%add3A_800], %gather3A_791 : memref<4096xf32, #tpu.memory_space<vmem>>[vector<16xi32>], vector<16xf32>,
          %mul3A_801 = arith.constant 32 : i32
          %mul3A_802 = vector.broadcast %mul3A_801 : i32 to vector<16xi32>
          %mul3A_803 = arith.muli %iota3A, %mul3A_802 : vector<16xi32>
          %add3A_804 = vector.broadcast %mul3A_180 : i32 to vector<16xi32>
          %add3A_805 = arith.addi %add3A_804, %mul3A_803 : vector<16xi32>
          %add3A_806 = arith.constant 29 : i32
          %add3A_807 = vector.broadcast %add3A_806 : i32 to vector<16xi32>
          %add3A_808 = arith.addi %add3A_805, %add3A_807 : vector<16xi32>
          tpu.vector_store_idx %arg15[%add3A_808], %gather3A_792 : memref<4096xf32, #tpu.memory_space<vmem>>[vector<16xi32>], vector<16xf32>,
          %broadcast_in_dim3A_809 = arith.constant 30 : i32
          %broadcast_in_dim3A_810 = vector.broadcast %broadcast_in_dim3A_809 : i32 to vector<16xi32>
          %gather3A_811 = tpu.vector_load_idx %arg12[%broadcast_in_dim3A_810, %get3A_207] : memref<32x768xf32, #tpu.memory_space<vmem>>[vector<16xi32>, vector<16xi32>], vector<16xf32>,
          %gather3A_812 = tpu.vector_load_idx %arg13[%broadcast_in_dim3A_810, %get3A_207] : memref<32x768xf32, #tpu.memory_space<vmem>>[vector<16xi32>, vector<16xi32>], vector<16xf32>,
          %mul3A_813 = arith.constant 32 : i32
          %mul3A_814 = vector.broadcast %mul3A_813 : i32 to vector<16xi32>
          %mul3A_815 = arith.muli %iota3A, %mul3A_814 : vector<16xi32>
          %add3A_816 = vector.broadcast %mul3A_180 : i32 to vector<16xi32>
          %add3A_817 = arith.addi %add3A_816, %mul3A_815 : vector<16xi32>
          %add3A_818 = arith.constant 30 : i32
          %add3A_819 = vector.broadcast %add3A_818 : i32 to vector<16xi32>
          %add3A_820 = arith.addi %add3A_817, %add3A_819 : vector<16xi32>
          tpu.vector_store_idx %arg14[%add3A_820], %gather3A_811 : memref<4096xf32, #tpu.memory_space<vmem>>[vector<16xi32>], vector<16xf32>,
          %mul3A_821 = arith.constant 32 : i32
          %mul3A_822 = vector.broadcast %mul3A_821 : i32 to vector<16xi32>
          %mul3A_823 = arith.muli %iota3A, %mul3A_822 : vector<16xi32>
          %add3A_824 = vector.broadcast %mul3A_180 : i32 to vector<16xi32>
          %add3A_825 = arith.addi %add3A_824, %mul3A_823 : vector<16xi32>
          %add3A_826 = arith.constant 30 : i32
          %add3A_827 = vector.broadcast %add3A_826 : i32 to vector<16xi32>
          %add3A_828 = arith.addi %add3A_825, %add3A_827 : vector<16xi32>
          tpu.vector_store_idx %arg15[%add3A_828], %gather3A_812 : memref<4096xf32, #tpu.memory_space<vmem>>[vector<16xi32>], vector<16xf32>,
          %broadcast_in_dim3A_829 = arith.constant 31 : i32
          %broadcast_in_dim3A_830 = vector.broadcast %broadcast_in_dim3A_829 : i32 to vector<16xi32>
          %gather3A_831 = tpu.vector_load_idx %arg12[%broadcast_in_dim3A_830, %get3A_207] : memref<32x768xf32, #tpu.memory_space<vmem>>[vector<16xi32>, vector<16xi32>], vector<16xf32>,
          %gather3A_832 = tpu.vector_load_idx %arg13[%broadcast_in_dim3A_830, %get3A_207] : memref<32x768xf32, #tpu.memory_space<vmem>>[vector<16xi32>, vector<16xi32>], vector<16xf32>,
          %mul3A_833 = arith.constant 32 : i32
          %mul3A_834 = vector.broadcast %mul3A_833 : i32 to vector<16xi32>
          %mul3A_835 = arith.muli %iota3A, %mul3A_834 : vector<16xi32>
          %add3A_836 = vector.broadcast %mul3A_180 : i32 to vector<16xi32>
          %add3A_837 = arith.addi %add3A_836, %mul3A_835 : vector<16xi32>
          %add3A_838 = arith.constant 31 : i32
          %add3A_839 = vector.broadcast %add3A_838 : i32 to vector<16xi32>
          %add3A_840 = arith.addi %add3A_837, %add3A_839 : vector<16xi32>
          tpu.vector_store_idx %arg14[%add3A_840], %gather3A_831 : memref<4096xf32, #tpu.memory_space<vmem>>[vector<16xi32>], vector<16xf32>,
          %mul3A_841 = arith.constant 32 : i32
          %mul3A_842 = vector.broadcast %mul3A_841 : i32 to vector<16xi32>
          %mul3A_843 = arith.muli %iota3A, %mul3A_842 : vector<16xi32>
          %add3A_844 = vector.broadcast %mul3A_180 : i32 to vector<16xi32>
          %add3A_845 = arith.addi %add3A_844, %mul3A_843 : vector<16xi32>
          %add3A_846 = arith.constant 31 : i32
          %add3A_847 = vector.broadcast %add3A_846 : i32 to vector<16xi32>
          %add3A_848 = arith.addi %add3A_845, %add3A_847 : vector<16xi32>
          tpu.vector_store_idx %arg15[%add3A_848], %gather3A_832 : memref<4096xf32, #tpu.memory_space<vmem>>[vector<16xi32>], vector<16xf32>,
          %slice3A_849 = vector.extract_strided_slice %get3A_209 {offsets = [0], sizes = [1], strides = [1]} : vector<16xi32> to vector<1xi32>
          %squeeze3A_850 = vector.extract %slice3A_849[0] : i32 from vector<1xi32>
          %add3A_851 = arith.constant 0 : i32
          %add3A_852 = arith.addi %mul3A_180, %add3A_851 : i32
          %mul3A_853 = arith.constant 32 : i32
          %mul3A_854 = arith.muli %squeeze3A_850, %mul3A_853 : i32
          %dma_start3A = tpu.memref_slice %arg14[%add3A_852] : memref<4096xf32, #tpu.memory_space<vmem>> -> memref<32xf32, #tpu.memory_space<vmem>>
          %dma_start3A_855 = tpu.memref_slice %arg8[%mul3A_854] : memref<1064960xf32, #tpu.memory_space<hbm>> -> memref<32xf32, #tpu.memory_space<hbm>>
          %dma_start3A_856 = tpu.memref_slice %arg8[%mul3A_854] : memref<1064960xf32, #tpu.memory_space<hbm>> -> memref<32xf32, #tpu.memory_space<hbm>>
          %dma_start3A_857 = tpu.memref_slice %arg14[%add3A_852] : memref<4096xf32, #tpu.memory_space<vmem>> -> memref<32xf32, #tpu.memory_space<vmem>>
          tpu.enqueue_dma source(%dma_start3A_857 : memref<32xf32, #tpu.memory_space<vmem>>) target(%dma_start3A_856 : memref<32xf32, #tpu.memory_space<hbm>>) target_semaphore(%arg18 : memref<!tpu.dma_semaphore, #tpu.memory_space<semaphore_mem>>)
          %add3A_858 = arith.constant 0 : i32
          %add3A_859 = arith.addi %mul3A_180, %add3A_858 : i32
          %mul3A_860 = arith.constant 32 : i32
          %mul3A_861 = arith.muli %squeeze3A_850, %mul3A_860 : i32
          %dma_start3A_862 = tpu.memref_slice %arg15[%add3A_859] : memref<4096xf32, #tpu.memory_space<vmem>> -> memref<32xf32, #tpu.memory_space<vmem>>
          %dma_start3A_863 = tpu.memref_slice %arg9[%mul3A_861] : memref<1064960xf32, #tpu.memory_space<hbm>> -> memref<32xf32, #tpu.memory_space<hbm>>
          %dma_start3A_864 = tpu.memref_slice %arg9[%mul3A_861] : memref<1064960xf32, #tpu.memory_space<hbm>> -> memref<32xf32, #tpu.memory_space<hbm>>
          %dma_start3A_865 = tpu.memref_slice %arg15[%add3A_859] : memref<4096xf32, #tpu.memory_space<vmem>> -> memref<32xf32, #tpu.memory_space<vmem>>
          tpu.enqueue_dma source(%dma_start3A_865 : memref<32xf32, #tpu.memory_space<vmem>>) target(%dma_start3A_864 : memref<32xf32, #tpu.memory_space<hbm>>) target_semaphore(%arg18 : memref<!tpu.dma_semaphore, #tpu.memory_space<semaphore_mem>>)
          %slice3A_866 = vector.extract_strided_slice %get3A_209 {offsets = [1], sizes = [1], strides = [1]} : vector<16xi32> to vector<1xi32>
          %squeeze3A_867 = vector.extract %slice3A_866[0] : i32 from vector<1xi32>
          %add3A_868 = arith.constant 32 : i32
          %add3A_869 = arith.addi %mul3A_180, %add3A_868 : i32
          %mul3A_870 = arith.constant 32 : i32
          %mul3A_871 = arith.muli %squeeze3A_867, %mul3A_870 : i32
          %dma_start3A_872 = tpu.memref_slice %arg14[%add3A_869] : memref<4096xf32, #tpu.memory_space<vmem>> -> memref<32xf32, #tpu.memory_space<vmem>>
          %dma_start3A_873 = tpu.memref_slice %arg8[%mul3A_871] : memref<1064960xf32, #tpu.memory_space<hbm>> -> memref<32xf32, #tpu.memory_space<hbm>>
          %dma_start3A_874 = tpu.memref_slice %arg8[%mul3A_871] : memref<1064960xf32, #tpu.memory_space<hbm>> -> memref<32xf32, #tpu.memory_space<hbm>>
          %dma_start3A_875 = tpu.memref_slice %arg14[%add3A_869] : memref<4096xf32, #tpu.memory_space<vmem>> -> memref<32xf32, #tpu.memory_space<vmem>>
          tpu.enqueue_dma source(%dma_start3A_875 : memref<32xf32, #tpu.memory_space<vmem>>) target(%dma_start3A_874 : memref<32xf32, #tpu.memory_space<hbm>>) target_semaphore(%arg18 : memref<!tpu.dma_semaphore, #tpu.memory_space<semaphore_mem>>)
          %add3A_876 = arith.constant 32 : i32
          %add3A_877 = arith.addi %mul3A_180, %add3A_876 : i32
          %mul3A_878 = arith.constant 32 : i32
          %mul3A_879 = arith.muli %squeeze3A_867, %mul3A_878 : i32
          %dma_start3A_880 = tpu.memref_slice %arg15[%add3A_877] : memref<4096xf32, #tpu.memory_space<vmem>> -> memref<32xf32, #tpu.memory_space<vmem>>
          %dma_start3A_881 = tpu.memref_slice %arg9[%mul3A_879] : memref<1064960xf32, #tpu.memory_space<hbm>> -> memref<32xf32, #tpu.memory_space<hbm>>
          %dma_start3A_882 = tpu.memref_slice %arg9[%mul3A_879] : memref<1064960xf32, #tpu.memory_space<hbm>> -> memref<32xf32, #tpu.memory_space<hbm>>
          %dma_start3A_883 = tpu.memref_slice %arg15[%add3A_877] : memref<4096xf32, #tpu.memory_space<vmem>> -> memref<32xf32, #tpu.memory_space<vmem>>
          tpu.enqueue_dma source(%dma_start3A_883 : memref<32xf32, #tpu.memory_space<vmem>>) target(%dma_start3A_882 : memref<32xf32, #tpu.memory_space<hbm>>) target_semaphore(%arg18 : memref<!tpu.dma_semaphore, #tpu.memory_space<semaphore_mem>>)
          %slice3A_884 = vector.extract_strided_slice %get3A_209 {offsets = [2], sizes = [1], strides = [1]} : vector<16xi32> to vector<1xi32>
          %squeeze3A_885 = vector.extract %slice3A_884[0] : i32 from vector<1xi32>
          %add3A_886 = arith.constant 64 : i32
          %add3A_887 = arith.addi %mul3A_180, %add3A_886 : i32
          %mul3A_888 = arith.constant 32 : i32
          %mul3A_889 = arith.muli %squeeze3A_885, %mul3A_888 : i32
          %dma_start3A_890 = tpu.memref_slice %arg14[%add3A_887] : memref<4096xf32, #tpu.memory_space<vmem>> -> memref<32xf32, #tpu.memory_space<vmem>>
          %dma_start3A_891 = tpu.memref_slice %arg8[%mul3A_889] : memref<1064960xf32, #tpu.memory_space<hbm>> -> memref<32xf32, #tpu.memory_space<hbm>>
          %dma_start3A_892 = tpu.memref_slice %arg8[%mul3A_889] : memref<1064960xf32, #tpu.memory_space<hbm>> -> memref<32xf32, #tpu.memory_space<hbm>>
          %dma_start3A_893 = tpu.memref_slice %arg14[%add3A_887] : memref<4096xf32, #tpu.memory_space<vmem>> -> memref<32xf32, #tpu.memory_space<vmem>>
          tpu.enqueue_dma source(%dma_start3A_893 : memref<32xf32, #tpu.memory_space<vmem>>) target(%dma_start3A_892 : memref<32xf32, #tpu.memory_space<hbm>>) target_semaphore(%arg18 : memref<!tpu.dma_semaphore, #tpu.memory_space<semaphore_mem>>)
          %add3A_894 = arith.constant 64 : i32
          %add3A_895 = arith.addi %mul3A_180, %add3A_894 : i32
          %mul3A_896 = arith.constant 32 : i32
          %mul3A_897 = arith.muli %squeeze3A_885, %mul3A_896 : i32
          %dma_start3A_898 = tpu.memref_slice %arg15[%add3A_895] : memref<4096xf32, #tpu.memory_space<vmem>> -> memref<32xf32, #tpu.memory_space<vmem>>
          %dma_start3A_899 = tpu.memref_slice %arg9[%mul3A_897] : memref<1064960xf32, #tpu.memory_space<hbm>> -> memref<32xf32, #tpu.memory_space<hbm>>
          %dma_start3A_900 = tpu.memref_slice %arg9[%mul3A_897] : memref<1064960xf32, #tpu.memory_space<hbm>> -> memref<32xf32, #tpu.memory_space<hbm>>
          %dma_start3A_901 = tpu.memref_slice %arg15[%add3A_895] : memref<4096xf32, #tpu.memory_space<vmem>> -> memref<32xf32, #tpu.memory_space<vmem>>
          tpu.enqueue_dma source(%dma_start3A_901 : memref<32xf32, #tpu.memory_space<vmem>>) target(%dma_start3A_900 : memref<32xf32, #tpu.memory_space<hbm>>) target_semaphore(%arg18 : memref<!tpu.dma_semaphore, #tpu.memory_space<semaphore_mem>>)
          %slice3A_902 = vector.extract_strided_slice %get3A_209 {offsets = [3], sizes = [1], strides = [1]} : vector<16xi32> to vector<1xi32>
          %squeeze3A_903 = vector.extract %slice3A_902[0] : i32 from vector<1xi32>
          %add3A_904 = arith.constant 96 : i32
          %add3A_905 = arith.addi %mul3A_180, %add3A_904 : i32
          %mul3A_906 = arith.constant 32 : i32
          %mul3A_907 = arith.muli %squeeze3A_903, %mul3A_906 : i32
          %dma_start3A_908 = tpu.memref_slice %arg14[%add3A_905] : memref<4096xf32, #tpu.memory_space<vmem>> -> memref<32xf32, #tpu.memory_space<vmem>>
          %dma_start3A_909 = tpu.memref_slice %arg8[%mul3A_907] : memref<1064960xf32, #tpu.memory_space<hbm>> -> memref<32xf32, #tpu.memory_space<hbm>>
          %dma_start3A_910 = tpu.memref_slice %arg8[%mul3A_907] : memref<1064960xf32, #tpu.memory_space<hbm>> -> memref<32xf32, #tpu.memory_space<hbm>>
          %dma_start3A_911 = tpu.memref_slice %arg14[%add3A_905] : memref<4096xf32, #tpu.memory_space<vmem>> -> memref<32xf32, #tpu.memory_space<vmem>>
          tpu.enqueue_dma source(%dma_start3A_911 : memref<32xf32, #tpu.memory_space<vmem>>) target(%dma_start3A_910 : memref<32xf32, #tpu.memory_space<hbm>>) target_semaphore(%arg18 : memref<!tpu.dma_semaphore, #tpu.memory_space<semaphore_mem>>)
          %add3A_912 = arith.constant 96 : i32
          %add3A_913 = arith.addi %mul3A_180, %add3A_912 : i32
          %mul3A_914 = arith.constant 32 : i32
          %mul3A_915 = arith.muli %squeeze3A_903, %mul3A_914 : i32
          %dma_start3A_916 = tpu.memref_slice %arg15[%add3A_913] : memref<4096xf32, #tpu.memory_space<vmem>> -> memref<32xf32, #tpu.memory_space<vmem>>
          %dma_start3A_917 = tpu.memref_slice %arg9[%mul3A_915] : memref<1064960xf32, #tpu.memory_space<hbm>> -> memref<32xf32, #tpu.memory_space<hbm>>
          %dma_start3A_918 = tpu.memref_slice %arg9[%mul3A_915] : memref<1064960xf32, #tpu.memory_space<hbm>> -> memref<32xf32, #tpu.memory_space<hbm>>
          %dma_start3A_919 = tpu.memref_slice %arg15[%add3A_913] : memref<4096xf32, #tpu.memory_space<vmem>> -> memref<32xf32, #tpu.memory_space<vmem>>
          tpu.enqueue_dma source(%dma_start3A_919 : memref<32xf32, #tpu.memory_space<vmem>>) target(%dma_start3A_918 : memref<32xf32, #tpu.memory_space<hbm>>) target_semaphore(%arg18 : memref<!tpu.dma_semaphore, #tpu.memory_space<semaphore_mem>>)
          %slice3A_920 = vector.extract_strided_slice %get3A_209 {offsets = [4], sizes = [1], strides = [1]} : vector<16xi32> to vector<1xi32>
          %squeeze3A_921 = vector.extract %slice3A_920[0] : i32 from vector<1xi32>
          %add3A_922 = arith.constant 128 : i32
          %add3A_923 = arith.addi %mul3A_180, %add3A_922 : i32
          %mul3A_924 = arith.constant 32 : i32
          %mul3A_925 = arith.muli %squeeze3A_921, %mul3A_924 : i32
          %dma_start3A_926 = tpu.memref_slice %arg14[%add3A_923] : memref<4096xf32, #tpu.memory_space<vmem>> -> memref<32xf32, #tpu.memory_space<vmem>>
          %dma_start3A_927 = tpu.memref_slice %arg8[%mul3A_925] : memref<1064960xf32, #tpu.memory_space<hbm>> -> memref<32xf32, #tpu.memory_space<hbm>>
          %dma_start3A_928 = tpu.memref_slice %arg8[%mul3A_925] : memref<1064960xf32, #tpu.memory_space<hbm>> -> memref<32xf32, #tpu.memory_space<hbm>>
          %dma_start3A_929 = tpu.memref_slice %arg14[%add3A_923] : memref<4096xf32, #tpu.memory_space<vmem>> -> memref<32xf32, #tpu.memory_space<vmem>>
          tpu.enqueue_dma source(%dma_start3A_929 : memref<32xf32, #tpu.memory_space<vmem>>) target(%dma_start3A_928 : memref<32xf32, #tpu.memory_space<hbm>>) target_semaphore(%arg18 : memref<!tpu.dma_semaphore, #tpu.memory_space<semaphore_mem>>)
          %add3A_930 = arith.constant 128 : i32
          %add3A_931 = arith.addi %mul3A_180, %add3A_930 : i32
          %mul3A_932 = arith.constant 32 : i32
          %mul3A_933 = arith.muli %squeeze3A_921, %mul3A_932 : i32
          %dma_start3A_934 = tpu.memref_slice %arg15[%add3A_931] : memref<4096xf32, #tpu.memory_space<vmem>> -> memref<32xf32, #tpu.memory_space<vmem>>
          %dma_start3A_935 = tpu.memref_slice %arg9[%mul3A_933] : memref<1064960xf32, #tpu.memory_space<hbm>> -> memref<32xf32, #tpu.memory_space<hbm>>
          %dma_start3A_936 = tpu.memref_slice %arg9[%mul3A_933] : memref<1064960xf32, #tpu.memory_space<hbm>> -> memref<32xf32, #tpu.memory_space<hbm>>
          %dma_start3A_937 = tpu.memref_slice %arg15[%add3A_931] : memref<4096xf32, #tpu.memory_space<vmem>> -> memref<32xf32, #tpu.memory_space<vmem>>
          tpu.enqueue_dma source(%dma_start3A_937 : memref<32xf32, #tpu.memory_space<vmem>>) target(%dma_start3A_936 : memref<32xf32, #tpu.memory_space<hbm>>) target_semaphore(%arg18 : memref<!tpu.dma_semaphore, #tpu.memory_space<semaphore_mem>>)
          %slice3A_938 = vector.extract_strided_slice %get3A_209 {offsets = [5], sizes = [1], strides = [1]} : vector<16xi32> to vector<1xi32>
          %squeeze3A_939 = vector.extract %slice3A_938[0] : i32 from vector<1xi32>
          %add3A_940 = arith.constant 160 : i32
          %add3A_941 = arith.addi %mul3A_180, %add3A_940 : i32
          %mul3A_942 = arith.constant 32 : i32
          %mul3A_943 = arith.muli %squeeze3A_939, %mul3A_942 : i32
          %dma_start3A_944 = tpu.memref_slice %arg14[%add3A_941] : memref<4096xf32, #tpu.memory_space<vmem>> -> memref<32xf32, #tpu.memory_space<vmem>>
          %dma_start3A_945 = tpu.memref_slice %arg8[%mul3A_943] : memref<1064960xf32, #tpu.memory_space<hbm>> -> memref<32xf32, #tpu.memory_space<hbm>>
          %dma_start3A_946 = tpu.memref_slice %arg8[%mul3A_943] : memref<1064960xf32, #tpu.memory_space<hbm>> -> memref<32xf32, #tpu.memory_space<hbm>>
          %dma_start3A_947 = tpu.memref_slice %arg14[%add3A_941] : memref<4096xf32, #tpu.memory_space<vmem>> -> memref<32xf32, #tpu.memory_space<vmem>>
          tpu.enqueue_dma source(%dma_start3A_947 : memref<32xf32, #tpu.memory_space<vmem>>) target(%dma_start3A_946 : memref<32xf32, #tpu.memory_space<hbm>>) target_semaphore(%arg18 : memref<!tpu.dma_semaphore, #tpu.memory_space<semaphore_mem>>)
          %add3A_948 = arith.constant 160 : i32
          %add3A_949 = arith.addi %mul3A_180, %add3A_948 : i32
          %mul3A_950 = arith.constant 32 : i32
          %mul3A_951 = arith.muli %squeeze3A_939, %mul3A_950 : i32
          %dma_start3A_952 = tpu.memref_slice %arg15[%add3A_949] : memref<4096xf32, #tpu.memory_space<vmem>> -> memref<32xf32, #tpu.memory_space<vmem>>
          %dma_start3A_953 = tpu.memref_slice %arg9[%mul3A_951] : memref<1064960xf32, #tpu.memory_space<hbm>> -> memref<32xf32, #tpu.memory_space<hbm>>
          %dma_start3A_954 = tpu.memref_slice %arg9[%mul3A_951] : memref<1064960xf32, #tpu.memory_space<hbm>> -> memref<32xf32, #tpu.memory_space<hbm>>
          %dma_start3A_955 = tpu.memref_slice %arg15[%add3A_949] : memref<4096xf32, #tpu.memory_space<vmem>> -> memref<32xf32, #tpu.memory_space<vmem>>
          tpu.enqueue_dma source(%dma_start3A_955 : memref<32xf32, #tpu.memory_space<vmem>>) target(%dma_start3A_954 : memref<32xf32, #tpu.memory_space<hbm>>) target_semaphore(%arg18 : memref<!tpu.dma_semaphore, #tpu.memory_space<semaphore_mem>>)
          %slice3A_956 = vector.extract_strided_slice %get3A_209 {offsets = [6], sizes = [1], strides = [1]} : vector<16xi32> to vector<1xi32>
          %squeeze3A_957 = vector.extract %slice3A_956[0] : i32 from vector<1xi32>
          %add3A_958 = arith.constant 192 : i32
          %add3A_959 = arith.addi %mul3A_180, %add3A_958 : i32
          %mul3A_960 = arith.constant 32 : i32
          %mul3A_961 = arith.muli %squeeze3A_957, %mul3A_960 : i32
          %dma_start3A_962 = tpu.memref_slice %arg14[%add3A_959] : memref<4096xf32, #tpu.memory_space<vmem>> -> memref<32xf32, #tpu.memory_space<vmem>>
          %dma_start3A_963 = tpu.memref_slice %arg8[%mul3A_961] : memref<1064960xf32, #tpu.memory_space<hbm>> -> memref<32xf32, #tpu.memory_space<hbm>>
          %dma_start3A_964 = tpu.memref_slice %arg8[%mul3A_961] : memref<1064960xf32, #tpu.memory_space<hbm>> -> memref<32xf32, #tpu.memory_space<hbm>>
          %dma_start3A_965 = tpu.memref_slice %arg14[%add3A_959] : memref<4096xf32, #tpu.memory_space<vmem>> -> memref<32xf32, #tpu.memory_space<vmem>>
          tpu.enqueue_dma source(%dma_start3A_965 : memref<32xf32, #tpu.memory_space<vmem>>) target(%dma_start3A_964 : memref<32xf32, #tpu.memory_space<hbm>>) target_semaphore(%arg18 : memref<!tpu.dma_semaphore, #tpu.memory_space<semaphore_mem>>)
          %add3A_966 = arith.constant 192 : i32
          %add3A_967 = arith.addi %mul3A_180, %add3A_966 : i32
          %mul3A_968 = arith.constant 32 : i32
          %mul3A_969 = arith.muli %squeeze3A_957, %mul3A_968 : i32
          %dma_start3A_970 = tpu.memref_slice %arg15[%add3A_967] : memref<4096xf32, #tpu.memory_space<vmem>> -> memref<32xf32, #tpu.memory_space<vmem>>
          %dma_start3A_971 = tpu.memref_slice %arg9[%mul3A_969] : memref<1064960xf32, #tpu.memory_space<hbm>> -> memref<32xf32, #tpu.memory_space<hbm>>
          %dma_start3A_972 = tpu.memref_slice %arg9[%mul3A_969] : memref<1064960xf32, #tpu.memory_space<hbm>> -> memref<32xf32, #tpu.memory_space<hbm>>
          %dma_start3A_973 = tpu.memref_slice %arg15[%add3A_967] : memref<4096xf32, #tpu.memory_space<vmem>> -> memref<32xf32, #tpu.memory_space<vmem>>
          tpu.enqueue_dma source(%dma_start3A_973 : memref<32xf32, #tpu.memory_space<vmem>>) target(%dma_start3A_972 : memref<32xf32, #tpu.memory_space<hbm>>) target_semaphore(%arg18 : memref<!tpu.dma_semaphore, #tpu.memory_space<semaphore_mem>>)
          %slice3A_974 = vector.extract_strided_slice %get3A_209 {offsets = [7], sizes = [1], strides = [1]} : vector<16xi32> to vector<1xi32>
          %squeeze3A_975 = vector.extract %slice3A_974[0] : i32 from vector<1xi32>
          %add3A_976 = arith.constant 224 : i32
          %add3A_977 = arith.addi %mul3A_180, %add3A_976 : i32
          %mul3A_978 = arith.constant 32 : i32
          %mul3A_979 = arith.muli %squeeze3A_975, %mul3A_978 : i32
          %dma_start3A_980 = tpu.memref_slice %arg14[%add3A_977] : memref<4096xf32, #tpu.memory_space<vmem>> -> memref<32xf32, #tpu.memory_space<vmem>>
          %dma_start3A_981 = tpu.memref_slice %arg8[%mul3A_979] : memref<1064960xf32, #tpu.memory_space<hbm>> -> memref<32xf32, #tpu.memory_space<hbm>>
          %dma_start3A_982 = tpu.memref_slice %arg8[%mul3A_979] : memref<1064960xf32, #tpu.memory_space<hbm>> -> memref<32xf32, #tpu.memory_space<hbm>>
          %dma_start3A_983 = tpu.memref_slice %arg14[%add3A_977] : memref<4096xf32, #tpu.memory_space<vmem>> -> memref<32xf32, #tpu.memory_space<vmem>>
          tpu.enqueue_dma source(%dma_start3A_983 : memref<32xf32, #tpu.memory_space<vmem>>) target(%dma_start3A_982 : memref<32xf32, #tpu.memory_space<hbm>>) target_semaphore(%arg18 : memref<!tpu.dma_semaphore, #tpu.memory_space<semaphore_mem>>)
          %add3A_984 = arith.constant 224 : i32
          %add3A_985 = arith.addi %mul3A_180, %add3A_984 : i32
          %mul3A_986 = arith.constant 32 : i32
          %mul3A_987 = arith.muli %squeeze3A_975, %mul3A_986 : i32
          %dma_start3A_988 = tpu.memref_slice %arg15[%add3A_985] : memref<4096xf32, #tpu.memory_space<vmem>> -> memref<32xf32, #tpu.memory_space<vmem>>
          %dma_start3A_989 = tpu.memref_slice %arg9[%mul3A_987] : memref<1064960xf32, #tpu.memory_space<hbm>> -> memref<32xf32, #tpu.memory_space<hbm>>
          %dma_start3A_990 = tpu.memref_slice %arg9[%mul3A_987] : memref<1064960xf32, #tpu.memory_space<hbm>> -> memref<32xf32, #tpu.memory_space<hbm>>
          %dma_start3A_991 = tpu.memref_slice %arg15[%add3A_985] : memref<4096xf32, #tpu.memory_space<vmem>> -> memref<32xf32, #tpu.memory_space<vmem>>
          tpu.enqueue_dma source(%dma_start3A_991 : memref<32xf32, #tpu.memory_space<vmem>>) target(%dma_start3A_990 : memref<32xf32, #tpu.memory_space<hbm>>) target_semaphore(%arg18 : memref<!tpu.dma_semaphore, #tpu.memory_space<semaphore_mem>>)
          %slice3A_992 = vector.extract_strided_slice %get3A_209 {offsets = [8], sizes = [1], strides = [1]} : vector<16xi32> to vector<1xi32>
          %squeeze3A_993 = vector.extract %slice3A_992[0] : i32 from vector<1xi32>
          %add3A_994 = arith.constant 256 : i32
          %add3A_995 = arith.addi %mul3A_180, %add3A_994 : i32
          %mul3A_996 = arith.constant 32 : i32
          %mul3A_997 = arith.muli %squeeze3A_993, %mul3A_996 : i32
          %dma_start3A_998 = tpu.memref_slice %arg14[%add3A_995] : memref<4096xf32, #tpu.memory_space<vmem>> -> memref<32xf32, #tpu.memory_space<vmem>>
          %dma_start3A_999 = tpu.memref_slice %arg8[%mul3A_997] : memref<1064960xf32, #tpu.memory_space<hbm>> -> memref<32xf32, #tpu.memory_space<hbm>>
          %dma_start3A_1000 = tpu.memref_slice %arg8[%mul3A_997] : memref<1064960xf32, #tpu.memory_space<hbm>> -> memref<32xf32, #tpu.memory_space<hbm>>
          %dma_start3A_1001 = tpu.memref_slice %arg14[%add3A_995] : memref<4096xf32, #tpu.memory_space<vmem>> -> memref<32xf32, #tpu.memory_space<vmem>>
          tpu.enqueue_dma source(%dma_start3A_1001 : memref<32xf32, #tpu.memory_space<vmem>>) target(%dma_start3A_1000 : memref<32xf32, #tpu.memory_space<hbm>>) target_semaphore(%arg18 : memref<!tpu.dma_semaphore, #tpu.memory_space<semaphore_mem>>)
          %add3A_1002 = arith.constant 256 : i32
          %add3A_1003 = arith.addi %mul3A_180, %add3A_1002 : i32
          %mul3A_1004 = arith.constant 32 : i32
          %mul3A_1005 = arith.muli %squeeze3A_993, %mul3A_1004 : i32
          %dma_start3A_1006 = tpu.memref_slice %arg15[%add3A_1003] : memref<4096xf32, #tpu.memory_space<vmem>> -> memref<32xf32, #tpu.memory_space<vmem>>
          %dma_start3A_1007 = tpu.memref_slice %arg9[%mul3A_1005] : memref<1064960xf32, #tpu.memory_space<hbm>> -> memref<32xf32, #tpu.memory_space<hbm>>
          %dma_start3A_1008 = tpu.memref_slice %arg9[%mul3A_1005] : memref<1064960xf32, #tpu.memory_space<hbm>> -> memref<32xf32, #tpu.memory_space<hbm>>
          %dma_start3A_1009 = tpu.memref_slice %arg15[%add3A_1003] : memref<4096xf32, #tpu.memory_space<vmem>> -> memref<32xf32, #tpu.memory_space<vmem>>
          tpu.enqueue_dma source(%dma_start3A_1009 : memref<32xf32, #tpu.memory_space<vmem>>) target(%dma_start3A_1008 : memref<32xf32, #tpu.memory_space<hbm>>) target_semaphore(%arg18 : memref<!tpu.dma_semaphore, #tpu.memory_space<semaphore_mem>>)
          %slice3A_1010 = vector.extract_strided_slice %get3A_209 {offsets = [9], sizes = [1], strides = [1]} : vector<16xi32> to vector<1xi32>
          %squeeze3A_1011 = vector.extract %slice3A_1010[0] : i32 from vector<1xi32>
          %add3A_1012 = arith.constant 288 : i32
          %add3A_1013 = arith.addi %mul3A_180, %add3A_1012 : i32
          %mul3A_1014 = arith.constant 32 : i32
          %mul3A_1015 = arith.muli %squeeze3A_1011, %mul3A_1014 : i32
          %dma_start3A_1016 = tpu.memref_slice %arg14[%add3A_1013] : memref<4096xf32, #tpu.memory_space<vmem>> -> memref<32xf32, #tpu.memory_space<vmem>>
          %dma_start3A_1017 = tpu.memref_slice %arg8[%mul3A_1015] : memref<1064960xf32, #tpu.memory_space<hbm>> -> memref<32xf32, #tpu.memory_space<hbm>>
          %dma_start3A_1018 = tpu.memref_slice %arg8[%mul3A_1015] : memref<1064960xf32, #tpu.memory_space<hbm>> -> memref<32xf32, #tpu.memory_space<hbm>>
          %dma_start3A_1019 = tpu.memref_slice %arg14[%add3A_1013] : memref<4096xf32, #tpu.memory_space<vmem>> -> memref<32xf32, #tpu.memory_space<vmem>>
          tpu.enqueue_dma source(%dma_start3A_1019 : memref<32xf32, #tpu.memory_space<vmem>>) target(%dma_start3A_1018 : memref<32xf32, #tpu.memory_space<hbm>>) target_semaphore(%arg18 : memref<!tpu.dma_semaphore, #tpu.memory_space<semaphore_mem>>)
          %add3A_1020 = arith.constant 288 : i32
          %add3A_1021 = arith.addi %mul3A_180, %add3A_1020 : i32
          %mul3A_1022 = arith.constant 32 : i32
          %mul3A_1023 = arith.muli %squeeze3A_1011, %mul3A_1022 : i32
          %dma_start3A_1024 = tpu.memref_slice %arg15[%add3A_1021] : memref<4096xf32, #tpu.memory_space<vmem>> -> memref<32xf32, #tpu.memory_space<vmem>>
          %dma_start3A_1025 = tpu.memref_slice %arg9[%mul3A_1023] : memref<1064960xf32, #tpu.memory_space<hbm>> -> memref<32xf32, #tpu.memory_space<hbm>>
          %dma_start3A_1026 = tpu.memref_slice %arg9[%mul3A_1023] : memref<1064960xf32, #tpu.memory_space<hbm>> -> memref<32xf32, #tpu.memory_space<hbm>>
          %dma_start3A_1027 = tpu.memref_slice %arg15[%add3A_1021] : memref<4096xf32, #tpu.memory_space<vmem>> -> memref<32xf32, #tpu.memory_space<vmem>>
          tpu.enqueue_dma source(%dma_start3A_1027 : memref<32xf32, #tpu.memory_space<vmem>>) target(%dma_start3A_1026 : memref<32xf32, #tpu.memory_space<hbm>>) target_semaphore(%arg18 : memref<!tpu.dma_semaphore, #tpu.memory_space<semaphore_mem>>)
          %slice3A_1028 = vector.extract_strided_slice %get3A_209 {offsets = [10], sizes = [1], strides = [1]} : vector<16xi32> to vector<1xi32>
          %squeeze3A_1029 = vector.extract %slice3A_1028[0] : i32 from vector<1xi32>
          %add3A_1030 = arith.constant 320 : i32
          %add3A_1031 = arith.addi %mul3A_180, %add3A_1030 : i32
          %mul3A_1032 = arith.constant 32 : i32
          %mul3A_1033 = arith.muli %squeeze3A_1029, %mul3A_1032 : i32
          %dma_start3A_1034 = tpu.memref_slice %arg14[%add3A_1031] : memref<4096xf32, #tpu.memory_space<vmem>> -> memref<32xf32, #tpu.memory_space<vmem>>
          %dma_start3A_1035 = tpu.memref_slice %arg8[%mul3A_1033] : memref<1064960xf32, #tpu.memory_space<hbm>> -> memref<32xf32, #tpu.memory_space<hbm>>
          %dma_start3A_1036 = tpu.memref_slice %arg8[%mul3A_1033] : memref<1064960xf32, #tpu.memory_space<hbm>> -> memref<32xf32, #tpu.memory_space<hbm>>
          %dma_start3A_1037 = tpu.memref_slice %arg14[%add3A_1031] : memref<4096xf32, #tpu.memory_space<vmem>> -> memref<32xf32, #tpu.memory_space<vmem>>
          tpu.enqueue_dma source(%dma_start3A_1037 : memref<32xf32, #tpu.memory_space<vmem>>) target(%dma_start3A_1036 : memref<32xf32, #tpu.memory_space<hbm>>) target_semaphore(%arg18 : memref<!tpu.dma_semaphore, #tpu.memory_space<semaphore_mem>>)
          %add3A_1038 = arith.constant 320 : i32
          %add3A_1039 = arith.addi %mul3A_180, %add3A_1038 : i32
          %mul3A_1040 = arith.constant 32 : i32
          %mul3A_1041 = arith.muli %squeeze3A_1029, %mul3A_1040 : i32
          %dma_start3A_1042 = tpu.memref_slice %arg15[%add3A_1039] : memref<4096xf32, #tpu.memory_space<vmem>> -> memref<32xf32, #tpu.memory_space<vmem>>
          %dma_start3A_1043 = tpu.memref_slice %arg9[%mul3A_1041] : memref<1064960xf32, #tpu.memory_space<hbm>> -> memref<32xf32, #tpu.memory_space<hbm>>
          %dma_start3A_1044 = tpu.memref_slice %arg9[%mul3A_1041] : memref<1064960xf32, #tpu.memory_space<hbm>> -> memref<32xf32, #tpu.memory_space<hbm>>
          %dma_start3A_1045 = tpu.memref_slice %arg15[%add3A_1039] : memref<4096xf32, #tpu.memory_space<vmem>> -> memref<32xf32, #tpu.memory_space<vmem>>
          tpu.enqueue_dma source(%dma_start3A_1045 : memref<32xf32, #tpu.memory_space<vmem>>) target(%dma_start3A_1044 : memref<32xf32, #tpu.memory_space<hbm>>) target_semaphore(%arg18 : memref<!tpu.dma_semaphore, #tpu.memory_space<semaphore_mem>>)
          %slice3A_1046 = vector.extract_strided_slice %get3A_209 {offsets = [11], sizes = [1], strides = [1]} : vector<16xi32> to vector<1xi32>
          %squeeze3A_1047 = vector.extract %slice3A_1046[0] : i32 from vector<1xi32>
          %add3A_1048 = arith.constant 352 : i32
          %add3A_1049 = arith.addi %mul3A_180, %add3A_1048 : i32
          %mul3A_1050 = arith.constant 32 : i32
          %mul3A_1051 = arith.muli %squeeze3A_1047, %mul3A_1050 : i32
          %dma_start3A_1052 = tpu.memref_slice %arg14[%add3A_1049] : memref<4096xf32, #tpu.memory_space<vmem>> -> memref<32xf32, #tpu.memory_space<vmem>>
          %dma_start3A_1053 = tpu.memref_slice %arg8[%mul3A_1051] : memref<1064960xf32, #tpu.memory_space<hbm>> -> memref<32xf32, #tpu.memory_space<hbm>>
          %dma_start3A_1054 = tpu.memref_slice %arg8[%mul3A_1051] : memref<1064960xf32, #tpu.memory_space<hbm>> -> memref<32xf32, #tpu.memory_space<hbm>>
          %dma_start3A_1055 = tpu.memref_slice %arg14[%add3A_1049] : memref<4096xf32, #tpu.memory_space<vmem>> -> memref<32xf32, #tpu.memory_space<vmem>>
          tpu.enqueue_dma source(%dma_start3A_1055 : memref<32xf32, #tpu.memory_space<vmem>>) target(%dma_start3A_1054 : memref<32xf32, #tpu.memory_space<hbm>>) target_semaphore(%arg18 : memref<!tpu.dma_semaphore, #tpu.memory_space<semaphore_mem>>)
          %add3A_1056 = arith.constant 352 : i32
          %add3A_1057 = arith.addi %mul3A_180, %add3A_1056 : i32
          %mul3A_1058 = arith.constant 32 : i32
          %mul3A_1059 = arith.muli %squeeze3A_1047, %mul3A_1058 : i32
          %dma_start3A_1060 = tpu.memref_slice %arg15[%add3A_1057] : memref<4096xf32, #tpu.memory_space<vmem>> -> memref<32xf32, #tpu.memory_space<vmem>>
          %dma_start3A_1061 = tpu.memref_slice %arg9[%mul3A_1059] : memref<1064960xf32, #tpu.memory_space<hbm>> -> memref<32xf32, #tpu.memory_space<hbm>>
          %dma_start3A_1062 = tpu.memref_slice %arg9[%mul3A_1059] : memref<1064960xf32, #tpu.memory_space<hbm>> -> memref<32xf32, #tpu.memory_space<hbm>>
          %dma_start3A_1063 = tpu.memref_slice %arg15[%add3A_1057] : memref<4096xf32, #tpu.memory_space<vmem>> -> memref<32xf32, #tpu.memory_space<vmem>>
          tpu.enqueue_dma source(%dma_start3A_1063 : memref<32xf32, #tpu.memory_space<vmem>>) target(%dma_start3A_1062 : memref<32xf32, #tpu.memory_space<hbm>>) target_semaphore(%arg18 : memref<!tpu.dma_semaphore, #tpu.memory_space<semaphore_mem>>)
          %slice3A_1064 = vector.extract_strided_slice %get3A_209 {offsets = [12], sizes = [1], strides = [1]} : vector<16xi32> to vector<1xi32>
          %squeeze3A_1065 = vector.extract %slice3A_1064[0] : i32 from vector<1xi32>
          %add3A_1066 = arith.constant 384 : i32
          %add3A_1067 = arith.addi %mul3A_180, %add3A_1066 : i32
          %mul3A_1068 = arith.constant 32 : i32
          %mul3A_1069 = arith.muli %squeeze3A_1065, %mul3A_1068 : i32
          %dma_start3A_1070 = tpu.memref_slice %arg14[%add3A_1067] : memref<4096xf32, #tpu.memory_space<vmem>> -> memref<32xf32, #tpu.memory_space<vmem>>
          %dma_start3A_1071 = tpu.memref_slice %arg8[%mul3A_1069] : memref<1064960xf32, #tpu.memory_space<hbm>> -> memref<32xf32, #tpu.memory_space<hbm>>
          %dma_start3A_1072 = tpu.memref_slice %arg8[%mul3A_1069] : memref<1064960xf32, #tpu.memory_space<hbm>> -> memref<32xf32, #tpu.memory_space<hbm>>
          %dma_start3A_1073 = tpu.memref_slice %arg14[%add3A_1067] : memref<4096xf32, #tpu.memory_space<vmem>> -> memref<32xf32, #tpu.memory_space<vmem>>
          tpu.enqueue_dma source(%dma_start3A_1073 : memref<32xf32, #tpu.memory_space<vmem>>) target(%dma_start3A_1072 : memref<32xf32, #tpu.memory_space<hbm>>) target_semaphore(%arg18 : memref<!tpu.dma_semaphore, #tpu.memory_space<semaphore_mem>>)
          %add3A_1074 = arith.constant 384 : i32
          %add3A_1075 = arith.addi %mul3A_180, %add3A_1074 : i32
          %mul3A_1076 = arith.constant 32 : i32
          %mul3A_1077 = arith.muli %squeeze3A_1065, %mul3A_1076 : i32
          %dma_start3A_1078 = tpu.memref_slice %arg15[%add3A_1075] : memref<4096xf32, #tpu.memory_space<vmem>> -> memref<32xf32, #tpu.memory_space<vmem>>
          %dma_start3A_1079 = tpu.memref_slice %arg9[%mul3A_1077] : memref<1064960xf32, #tpu.memory_space<hbm>> -> memref<32xf32, #tpu.memory_space<hbm>>
          %dma_start3A_1080 = tpu.memref_slice %arg9[%mul3A_1077] : memref<1064960xf32, #tpu.memory_space<hbm>> -> memref<32xf32, #tpu.memory_space<hbm>>
          %dma_start3A_1081 = tpu.memref_slice %arg15[%add3A_1075] : memref<4096xf32, #tpu.memory_space<vmem>> -> memref<32xf32, #tpu.memory_space<vmem>>
          tpu.enqueue_dma source(%dma_start3A_1081 : memref<32xf32, #tpu.memory_space<vmem>>) target(%dma_start3A_1080 : memref<32xf32, #tpu.memory_space<hbm>>) target_semaphore(%arg18 : memref<!tpu.dma_semaphore, #tpu.memory_space<semaphore_mem>>)
          %slice3A_1082 = vector.extract_strided_slice %get3A_209 {offsets = [13], sizes = [1], strides = [1]} : vector<16xi32> to vector<1xi32>
          %squeeze3A_1083 = vector.extract %slice3A_1082[0] : i32 from vector<1xi32>
          %add3A_1084 = arith.constant 416 : i32
          %add3A_1085 = arith.addi %mul3A_180, %add3A_1084 : i32
          %mul3A_1086 = arith.constant 32 : i32
          %mul3A_1087 = arith.muli %squeeze3A_1083, %mul3A_1086 : i32
          %dma_start3A_1088 = tpu.memref_slice %arg14[%add3A_1085] : memref<4096xf32, #tpu.memory_space<vmem>> -> memref<32xf32, #tpu.memory_space<vmem>>
          %dma_start3A_1089 = tpu.memref_slice %arg8[%mul3A_1087] : memref<1064960xf32, #tpu.memory_space<hbm>> -> memref<32xf32, #tpu.memory_space<hbm>>
          %dma_start3A_1090 = tpu.memref_slice %arg8[%mul3A_1087] : memref<1064960xf32, #tpu.memory_space<hbm>> -> memref<32xf32, #tpu.memory_space<hbm>>
          %dma_start3A_1091 = tpu.memref_slice %arg14[%add3A_1085] : memref<4096xf32, #tpu.memory_space<vmem>> -> memref<32xf32, #tpu.memory_space<vmem>>
          tpu.enqueue_dma source(%dma_start3A_1091 : memref<32xf32, #tpu.memory_space<vmem>>) target(%dma_start3A_1090 : memref<32xf32, #tpu.memory_space<hbm>>) target_semaphore(%arg18 : memref<!tpu.dma_semaphore, #tpu.memory_space<semaphore_mem>>)
          %add3A_1092 = arith.constant 416 : i32
          %add3A_1093 = arith.addi %mul3A_180, %add3A_1092 : i32
          %mul3A_1094 = arith.constant 32 : i32
          %mul3A_1095 = arith.muli %squeeze3A_1083, %mul3A_1094 : i32
          %dma_start3A_1096 = tpu.memref_slice %arg15[%add3A_1093] : memref<4096xf32, #tpu.memory_space<vmem>> -> memref<32xf32, #tpu.memory_space<vmem>>
          %dma_start3A_1097 = tpu.memref_slice %arg9[%mul3A_1095] : memref<1064960xf32, #tpu.memory_space<hbm>> -> memref<32xf32, #tpu.memory_space<hbm>>
          %dma_start3A_1098 = tpu.memref_slice %arg9[%mul3A_1095] : memref<1064960xf32, #tpu.memory_space<hbm>> -> memref<32xf32, #tpu.memory_space<hbm>>
          %dma_start3A_1099 = tpu.memref_slice %arg15[%add3A_1093] : memref<4096xf32, #tpu.memory_space<vmem>> -> memref<32xf32, #tpu.memory_space<vmem>>
          tpu.enqueue_dma source(%dma_start3A_1099 : memref<32xf32, #tpu.memory_space<vmem>>) target(%dma_start3A_1098 : memref<32xf32, #tpu.memory_space<hbm>>) target_semaphore(%arg18 : memref<!tpu.dma_semaphore, #tpu.memory_space<semaphore_mem>>)
          %slice3A_1100 = vector.extract_strided_slice %get3A_209 {offsets = [14], sizes = [1], strides = [1]} : vector<16xi32> to vector<1xi32>
          %squeeze3A_1101 = vector.extract %slice3A_1100[0] : i32 from vector<1xi32>
          %add3A_1102 = arith.constant 448 : i32
          %add3A_1103 = arith.addi %mul3A_180, %add3A_1102 : i32
          %mul3A_1104 = arith.constant 32 : i32
          %mul3A_1105 = arith.muli %squeeze3A_1101, %mul3A_1104 : i32
          %dma_start3A_1106 = tpu.memref_slice %arg14[%add3A_1103] : memref<4096xf32, #tpu.memory_space<vmem>> -> memref<32xf32, #tpu.memory_space<vmem>>
          %dma_start3A_1107 = tpu.memref_slice %arg8[%mul3A_1105] : memref<1064960xf32, #tpu.memory_space<hbm>> -> memref<32xf32, #tpu.memory_space<hbm>>
          %dma_start3A_1108 = tpu.memref_slice %arg8[%mul3A_1105] : memref<1064960xf32, #tpu.memory_space<hbm>> -> memref<32xf32, #tpu.memory_space<hbm>>
          %dma_start3A_1109 = tpu.memref_slice %arg14[%add3A_1103] : memref<4096xf32, #tpu.memory_space<vmem>> -> memref<32xf32, #tpu.memory_space<vmem>>
          tpu.enqueue_dma source(%dma_start3A_1109 : memref<32xf32, #tpu.memory_space<vmem>>) target(%dma_start3A_1108 : memref<32xf32, #tpu.memory_space<hbm>>) target_semaphore(%arg18 : memref<!tpu.dma_semaphore, #tpu.memory_space<semaphore_mem>>)
          %add3A_1110 = arith.constant 448 : i32
          %add3A_1111 = arith.addi %mul3A_180, %add3A_1110 : i32
          %mul3A_1112 = arith.constant 32 : i32
          %mul3A_1113 = arith.muli %squeeze3A_1101, %mul3A_1112 : i32
          %dma_start3A_1114 = tpu.memref_slice %arg15[%add3A_1111] : memref<4096xf32, #tpu.memory_space<vmem>> -> memref<32xf32, #tpu.memory_space<vmem>>
          %dma_start3A_1115 = tpu.memref_slice %arg9[%mul3A_1113] : memref<1064960xf32, #tpu.memory_space<hbm>> -> memref<32xf32, #tpu.memory_space<hbm>>
          %dma_start3A_1116 = tpu.memref_slice %arg9[%mul3A_1113] : memref<1064960xf32, #tpu.memory_space<hbm>> -> memref<32xf32, #tpu.memory_space<hbm>>
          %dma_start3A_1117 = tpu.memref_slice %arg15[%add3A_1111] : memref<4096xf32, #tpu.memory_space<vmem>> -> memref<32xf32, #tpu.memory_space<vmem>>
          tpu.enqueue_dma source(%dma_start3A_1117 : memref<32xf32, #tpu.memory_space<vmem>>) target(%dma_start3A_1116 : memref<32xf32, #tpu.memory_space<hbm>>) target_semaphore(%arg18 : memref<!tpu.dma_semaphore, #tpu.memory_space<semaphore_mem>>)
          %slice3A_1118 = vector.extract_strided_slice %get3A_209 {offsets = [15], sizes = [1], strides = [1]} : vector<16xi32> to vector<1xi32>
          %squeeze3A_1119 = vector.extract %slice3A_1118[0] : i32 from vector<1xi32>
          %add3A_1120 = arith.constant 480 : i32
          %add3A_1121 = arith.addi %mul3A_180, %add3A_1120 : i32
          %mul3A_1122 = arith.constant 32 : i32
          %mul3A_1123 = arith.muli %squeeze3A_1119, %mul3A_1122 : i32
          %dma_start3A_1124 = tpu.memref_slice %arg14[%add3A_1121] : memref<4096xf32, #tpu.memory_space<vmem>> -> memref<32xf32, #tpu.memory_space<vmem>>
          %dma_start3A_1125 = tpu.memref_slice %arg8[%mul3A_1123] : memref<1064960xf32, #tpu.memory_space<hbm>> -> memref<32xf32, #tpu.memory_space<hbm>>
          %dma_start3A_1126 = tpu.memref_slice %arg8[%mul3A_1123] : memref<1064960xf32, #tpu.memory_space<hbm>> -> memref<32xf32, #tpu.memory_space<hbm>>
          %dma_start3A_1127 = tpu.memref_slice %arg14[%add3A_1121] : memref<4096xf32, #tpu.memory_space<vmem>> -> memref<32xf32, #tpu.memory_space<vmem>>
          tpu.enqueue_dma source(%dma_start3A_1127 : memref<32xf32, #tpu.memory_space<vmem>>) target(%dma_start3A_1126 : memref<32xf32, #tpu.memory_space<hbm>>) target_semaphore(%arg18 : memref<!tpu.dma_semaphore, #tpu.memory_space<semaphore_mem>>)
          %add3A_1128 = arith.constant 480 : i32
          %add3A_1129 = arith.addi %mul3A_180, %add3A_1128 : i32
          %mul3A_1130 = arith.constant 32 : i32
          %mul3A_1131 = arith.muli %squeeze3A_1119, %mul3A_1130 : i32
          %dma_start3A_1132 = tpu.memref_slice %arg15[%add3A_1129] : memref<4096xf32, #tpu.memory_space<vmem>> -> memref<32xf32, #tpu.memory_space<vmem>>
          %dma_start3A_1133 = tpu.memref_slice %arg9[%mul3A_1131] : memref<1064960xf32, #tpu.memory_space<hbm>> -> memref<32xf32, #tpu.memory_space<hbm>>
          %dma_start3A_1134 = tpu.memref_slice %arg9[%mul3A_1131] : memref<1064960xf32, #tpu.memory_space<hbm>> -> memref<32xf32, #tpu.memory_space<hbm>>
          %dma_start3A_1135 = tpu.memref_slice %arg15[%add3A_1129] : memref<4096xf32, #tpu.memory_space<vmem>> -> memref<32xf32, #tpu.memory_space<vmem>>
          tpu.enqueue_dma source(%dma_start3A_1135 : memref<32xf32, #tpu.memory_space<vmem>>) target(%dma_start3A_1134 : memref<32xf32, #tpu.memory_space<hbm>>) target_semaphore(%arg18 : memref<!tpu.dma_semaphore, #tpu.memory_space<semaphore_mem>>)
        } else {
        }
        %gt3A_159 = arith.constant 0 : i32
        %gt3A_160 = arith.cmpi sgt, %squeeze3A, %gt3A_159 : i32
        %jit3A_161 = arith.constant 1 : i32
        %jit3A_162 = arith.constant 0 : i32
        %select_n3A_163 = arith.select %gt3A_160, %jit3A_161, %jit3A_162 : i32
        %add3A_164 = arith.addi %while3A_137, %select_n3A_163 : i32
        %slice3A_165 = vector.extract_strided_slice %get3A_141 {offsets = [15], sizes = [1], strides = [1]} : vector<16xi32> to vector<1xi32>
        %squeeze3A_166 = vector.extract %slice3A_165[0] : i32 from vector<1xi32>
        %sub3A_167 = arith.subi %squeeze3A_166, %mul3A_15 : i32
        %add3A_168 = arith.constant 256 : i32
        %add3A_169 = arith.addi %mul3A_133, %add3A_168 : i32
        %lt3A_170 = arith.cmpi slt, %sub3A_167, %add3A_169 : i32
        %add3A_171 = arith.constant 1 : i32
        %add3A_172 = arith.addi %while3A_136, %add3A_171 : i32
        %min3A_173 = arith.constant 2047 : i32
        %min3A_174 = arith.minsi %add3A_172, %min3A_173 : i32
        %ne3A = arith.cmpi ne, %min3A_174, %while3A_136 : i32
        %and3A_175 = arith.andi %lt3A_170, %ne3A : i1
        %select_n3A_176 = arith.select %lt3A_170, %min3A_174, %while3A_136 : i32
        scf.yield %select_n3A_176, %add3A_164, %and3A_175 : i32, i32, i1
      }
      scf.yield %while3A_135#0, %while3A_135#1 : i32, i32
    }
    %while3A_59 = arith.constant 1 : i32
    %while3A_60:2 = scf.for %while3A_96 = %while3A_56 to %while3A_52 step %while3A_59 iter_args(%while3A_97 = %while3A_58#0, %while3A_98 = %while3A_58#1) -> (i32, i32)  : i32 {
      %rem3A_99 = arith.constant 3 : i32
      %rem3A_100 = arith.remsi %while3A_96, %rem3A_99 : i32
      %mul3A_101 = arith.constant 256 : i32
      %mul3A_102 = arith.muli %rem3A_100, %mul3A_101 : i32
      %eq3A_103 = arith.cmpi eq, %while3A_96, %add3A_8 : i32
      %and3A_104 = arith.andi %eq3A_9, %eq3A_103 : i1
      %not3A = arith.constant true
      %not3A_105 = arith.xori %and3A_104, %not3A : i1
      %convert_element_type3A_106 = arith.extui %not3A_105 : i1 to i32
      %cond3A_107 = arith.constant 0 : i32
      %cond3A_108 = arith.cmpi ne, %convert_element_type3A_106, %cond3A_107 : i32
      scf.if %cond3A_108 {
        %dma_wait3A = arith.constant 0 : i32
        %dma_wait3A_136 = tpu.memref_slice %arg12[%dma_wait3A, %mul3A_102] : memref<32x768xf32, #tpu.memory_space<vmem>> -> memref<32x256xf32, #tpu.memory_space<vmem>>
        %dma_wait3A_137 = arith.constant 0 : i32
        %dma_wait3A_138 = arith.constant 0 : i32
        %dma_wait3A_139 = tpu.memref_slice %arg4[%dma_wait3A_137, %dma_wait3A_138] : memref<32x1000000xf32, #tpu.memory_space<hbm>> -> memref<32x256xf32, #tpu.memory_space<hbm>>
        %dma_wait3A_140 = arith.constant 0 : i32
        %dma_wait3A_141 = tpu.memref_slice %arg12[%dma_wait3A_140, %mul3A_102] : memref<32x768xf32, #tpu.memory_space<vmem>> -> memref<32x256xf32, #tpu.memory_space<vmem>>
        %dma_wait3A_142 = arith.constant 0 : i32
        %dma_wait3A_143 = arith.constant 0 : i32
        %dma_wait3A_144 = tpu.memref_slice %arg4[%dma_wait3A_142, %dma_wait3A_143] : memref<32x1000000xf32, #tpu.memory_space<hbm>> -> memref<32x256xf32, #tpu.memory_space<hbm>>
        tpu.wait_dma2 semaphore(%arg19 : memref<!tpu.dma_semaphore, #tpu.memory_space<semaphore_mem>>) src(%dma_wait3A_144 : memref<32x256xf32, #tpu.memory_space<hbm>>) dst(%dma_wait3A_141 : memref<32x256xf32, #tpu.memory_space<vmem>>)
        %dma_wait3A_145 = arith.constant 0 : i32
        %dma_wait3A_146 = tpu.memref_slice %arg13[%dma_wait3A_145, %mul3A_102] : memref<32x768xf32, #tpu.memory_space<vmem>> -> memref<32x256xf32, #tpu.memory_space<vmem>>
        %dma_wait3A_147 = arith.constant 0 : i32
        %dma_wait3A_148 = arith.constant 0 : i32
        %dma_wait3A_149 = tpu.memref_slice %arg4[%dma_wait3A_147, %dma_wait3A_148] : memref<32x1000000xf32, #tpu.memory_space<hbm>> -> memref<32x256xf32, #tpu.memory_space<hbm>>
        %dma_wait3A_150 = arith.constant 0 : i32
        %dma_wait3A_151 = tpu.memref_slice %arg13[%dma_wait3A_150, %mul3A_102] : memref<32x768xf32, #tpu.memory_space<vmem>> -> memref<32x256xf32, #tpu.memory_space<vmem>>
        %dma_wait3A_152 = arith.constant 0 : i32
        %dma_wait3A_153 = arith.constant 0 : i32
        %dma_wait3A_154 = tpu.memref_slice %arg4[%dma_wait3A_152, %dma_wait3A_153] : memref<32x1000000xf32, #tpu.memory_space<hbm>> -> memref<32x256xf32, #tpu.memory_space<hbm>>
        tpu.wait_dma2 semaphore(%arg19 : memref<!tpu.dma_semaphore, #tpu.memory_space<semaphore_mem>>) src(%dma_wait3A_154 : memref<32x256xf32, #tpu.memory_space<hbm>>) dst(%dma_wait3A_151 : memref<32x256xf32, #tpu.memory_space<vmem>>)
      } else {
      }
      %convert_element_type3A_109 = arith.extui %and3A_104 : i1 to i32
      %cond3A_110 = arith.constant 0 : i32
      %cond3A_111 = arith.cmpi ne, %convert_element_type3A_109, %cond3A_110 : i32
      scf.if %cond3A_111 {
        %dma_wait3A = arith.constant 0 : i32
        %dma_wait3A_136 = tpu.memref_slice %arg12[%dma_wait3A, %mul3A_102] : memref<32x768xf32, #tpu.memory_space<vmem>> -> memref<32x128xf32, #tpu.memory_space<vmem>>
        %dma_wait3A_137 = arith.constant 0 : i32
        %dma_wait3A_138 = arith.constant 0 : i32
        %dma_wait3A_139 = tpu.memref_slice %arg4[%dma_wait3A_137, %dma_wait3A_138] : memref<32x1000000xf32, #tpu.memory_space<hbm>> -> memref<32x128xf32, #tpu.memory_space<hbm>>
        %dma_wait3A_140 = arith.constant 0 : i32
        %dma_wait3A_141 = tpu.memref_slice %arg12[%dma_wait3A_140, %mul3A_102] : memref<32x768xf32, #tpu.memory_space<vmem>> -> memref<32x128xf32, #tpu.memory_space<vmem>>
        %dma_wait3A_142 = arith.constant 0 : i32
        %dma_wait3A_143 = arith.constant 0 : i32
        %dma_wait3A_144 = tpu.memref_slice %arg4[%dma_wait3A_142, %dma_wait3A_143] : memref<32x1000000xf32, #tpu.memory_space<hbm>> -> memref<32x128xf32, #tpu.memory_space<hbm>>
        tpu.wait_dma2 semaphore(%arg19 : memref<!tpu.dma_semaphore, #tpu.memory_space<semaphore_mem>>) src(%dma_wait3A_144 : memref<32x128xf32, #tpu.memory_space<hbm>>) dst(%dma_wait3A_141 : memref<32x128xf32, #tpu.memory_space<vmem>>)
        %dma_wait3A_145 = arith.constant 0 : i32
        %dma_wait3A_146 = tpu.memref_slice %arg13[%dma_wait3A_145, %mul3A_102] : memref<32x768xf32, #tpu.memory_space<vmem>> -> memref<32x128xf32, #tpu.memory_space<vmem>>
        %dma_wait3A_147 = arith.constant 0 : i32
        %dma_wait3A_148 = arith.constant 0 : i32
        %dma_wait3A_149 = tpu.memref_slice %arg4[%dma_wait3A_147, %dma_wait3A_148] : memref<32x1000000xf32, #tpu.memory_space<hbm>> -> memref<32x128xf32, #tpu.memory_space<hbm>>
        %dma_wait3A_150 = arith.constant 0 : i32
        %dma_wait3A_151 = tpu.memref_slice %arg13[%dma_wait3A_150, %mul3A_102] : memref<32x768xf32, #tpu.memory_space<vmem>> -> memref<32x128xf32, #tpu.memory_space<vmem>>
        %dma_wait3A_152 = arith.constant 0 : i32
        %dma_wait3A_153 = arith.constant 0 : i32
        %dma_wait3A_154 = tpu.memref_slice %arg4[%dma_wait3A_152, %dma_wait3A_153] : memref<32x1000000xf32, #tpu.memory_space<hbm>> -> memref<32x128xf32, #tpu.memory_space<hbm>>
        tpu.wait_dma2 semaphore(%arg19 : memref<!tpu.dma_semaphore, #tpu.memory_space<semaphore_mem>>) src(%dma_wait3A_154 : memref<32x128xf32, #tpu.memory_space<hbm>>) dst(%dma_wait3A_151 : memref<32x128xf32, #tpu.memory_space<vmem>>)
      } else {
      }
      %add3A_112 = arith.constant 3 : i32
      %add3A_113 = arith.addi %while3A_96, %add3A_112 : i32
      %sub3A = arith.constant 1 : i32
      %sub3A_114 = arith.subi %add3A_113, %sub3A : i32
      %rem3A_115 = arith.constant 3 : i32
      %rem3A_116 = arith.remsi %sub3A_114, %rem3A_115 : i32
      %mul3A_117 = arith.constant 256 : i32
      %mul3A_118 = arith.muli %rem3A_116, %mul3A_117 : i32
      %lt3A_119 = arith.cmpi slt, %sub3A_114, %add3A_8 : i32
      %convert_element_type3A_120 = arith.extui %lt3A_119 : i1 to i32
      %cond3A_121 = arith.constant 0 : i32
      %cond3A_122 = arith.cmpi ne, %convert_element_type3A_120, %cond3A_121 : i32
      scf.if %cond3A_122 {
        %mul3A_136 = arith.constant 256 : i32
        %mul3A_137 = arith.muli %sub3A_114, %mul3A_136 : i32
        %add3A_138 = arith.addi %mul3A_15, %mul3A_137 : i32
        %dma_start3A = arith.constant 0 : i32
        %dma_start3A_139 = tpu.memref_slice %arg12[%dma_start3A, %mul3A_118] : memref<32x768xf32, #tpu.memory_space<vmem>> -> memref<32x256xf32, #tpu.memory_space<vmem>>
        %dma_start3A_140 = arith.constant 0 : i32
        %dma_start3A_141 = tpu.memref_slice %arg4[%dma_start3A_140, %add3A_138] : memref<32x1000000xf32, #tpu.memory_space<hbm>> -> memref<32x256xf32, #tpu.memory_space<hbm>>
        %dma_start3A_142 = arith.constant 0 : i32
        %dma_start3A_143 = tpu.memref_slice %arg12[%dma_start3A_142, %mul3A_118] : memref<32x768xf32, #tpu.memory_space<vmem>> -> memref<32x256xf32, #tpu.memory_space<vmem>>
        %dma_start3A_144 = arith.constant 0 : i32
        %dma_start3A_145 = tpu.memref_slice %arg4[%dma_start3A_144, %add3A_138] : memref<32x1000000xf32, #tpu.memory_space<hbm>> -> memref<32x256xf32, #tpu.memory_space<hbm>>
        tpu.enqueue_dma source(%dma_start3A_145 : memref<32x256xf32, #tpu.memory_space<hbm>>) target(%dma_start3A_143 : memref<32x256xf32, #tpu.memory_space<vmem>>) target_semaphore(%arg19 : memref<!tpu.dma_semaphore, #tpu.memory_space<semaphore_mem>>)
        %mul3A_146 = arith.constant 256 : i32
        %mul3A_147 = arith.muli %sub3A_114, %mul3A_146 : i32
        %add3A_148 = arith.addi %mul3A_15, %mul3A_147 : i32
        %dma_start3A_149 = arith.constant 0 : i32
        %dma_start3A_150 = tpu.memref_slice %arg13[%dma_start3A_149, %mul3A_118] : memref<32x768xf32, #tpu.memory_space<vmem>> -> memref<32x256xf32, #tpu.memory_space<vmem>>
        %dma_start3A_151 = arith.constant 0 : i32
        %dma_start3A_152 = tpu.memref_slice %arg5[%dma_start3A_151, %add3A_148] : memref<32x1000000xf32, #tpu.memory_space<hbm>> -> memref<32x256xf32, #tpu.memory_space<hbm>>
        %dma_start3A_153 = arith.constant 0 : i32
        %dma_start3A_154 = tpu.memref_slice %arg13[%dma_start3A_153, %mul3A_118] : memref<32x768xf32, #tpu.memory_space<vmem>> -> memref<32x256xf32, #tpu.memory_space<vmem>>
        %dma_start3A_155 = arith.constant 0 : i32
        %dma_start3A_156 = tpu.memref_slice %arg5[%dma_start3A_155, %add3A_148] : memref<32x1000000xf32, #tpu.memory_space<hbm>> -> memref<32x256xf32, #tpu.memory_space<hbm>>
        tpu.enqueue_dma source(%dma_start3A_156 : memref<32x256xf32, #tpu.memory_space<hbm>>) target(%dma_start3A_154 : memref<32x256xf32, #tpu.memory_space<vmem>>) target_semaphore(%arg19 : memref<!tpu.dma_semaphore, #tpu.memory_space<semaphore_mem>>)
      } else {
      }
      %eq3A_123 = arith.cmpi eq, %sub3A_114, %add3A_8 : i32
      %and3A_124 = arith.andi %eq3A_9, %eq3A_123 : i1
      %convert_element_type3A_125 = arith.extui %and3A_124 : i1 to i32
      %cond3A_126 = arith.constant 0 : i32
      %cond3A_127 = arith.cmpi ne, %convert_element_type3A_125, %cond3A_126 : i32
      scf.if %cond3A_127 {
        %dma_start3A = arith.constant 0 : i32
        %dma_start3A_136 = tpu.memref_slice %arg12[%dma_start3A, %mul3A_118] : memref<32x768xf32, #tpu.memory_space<vmem>> -> memref<32x128xf32, #tpu.memory_space<vmem>>
        %dma_start3A_137 = arith.constant 0 : i32
        %dma_start3A_138 = tpu.memref_slice %arg12[%dma_start3A_137, %mul3A_118] : memref<32x768xf32, #tpu.memory_space<vmem>> -> memref<32x128xf32, #tpu.memory_space<vmem>>
        tpu.enqueue_dma source(%arg6 : memref<32x128xf32, #tpu.memory_space<hbm>>) target(%dma_start3A_138 : memref<32x128xf32, #tpu.memory_space<vmem>>) target_semaphore(%arg19 : memref<!tpu.dma_semaphore, #tpu.memory_space<semaphore_mem>>)
        %dma_start3A_139 = arith.constant 0 : i32
        %dma_start3A_140 = tpu.memref_slice %arg13[%dma_start3A_139, %mul3A_118] : memref<32x768xf32, #tpu.memory_space<vmem>> -> memref<32x128xf32, #tpu.memory_space<vmem>>
        %dma_start3A_141 = arith.constant 0 : i32
        %dma_start3A_142 = tpu.memref_slice %arg13[%dma_start3A_141, %mul3A_118] : memref<32x768xf32, #tpu.memory_space<vmem>> -> memref<32x128xf32, #tpu.memory_space<vmem>>
        tpu.enqueue_dma source(%arg7 : memref<32x128xf32, #tpu.memory_space<hbm>>) target(%dma_start3A_142 : memref<32x128xf32, #tpu.memory_space<vmem>>) target_semaphore(%arg19 : memref<!tpu.dma_semaphore, #tpu.memory_space<semaphore_mem>>)
      } else {
      }
      %jit3A_128 = arith.constant 64 : i32
      %jit3A_129 = arith.constant 0 : i32
      %select_n3A_130 = arith.select %and3A_104, %jit3A_128, %jit3A_129 : i32
      %add3A_131 = arith.addi %mul3A_102, %select_n3A_130 : i32
      %mul3A_132 = arith.constant 256 : i32
      %mul3A_133 = arith.muli %while3A_96, %mul3A_132 : i32
      %while3A_134 = arith.constant true
      %while3A_135:3 = scf.while (%while3A_136 = %while3A_97, %while3A_137 = %while3A_98, %while3A_138 = %while3A_134) : (i32, i32, i1) -> (i32, i32, i1) {
        scf.condition(%while3A_138) %while3A_136, %while3A_137, %while3A_138 : i32, i32, i1
      } do {
      ^bb0(%while3A_136: i32, %while3A_137: i32, %while3A_138: i1):
        %mul3A_139 = arith.constant 16 : i32
        %mul3A_140 = arith.muli %while3A_136, %mul3A_139 : i32
        %get3A = arith.index_cast %mul3A_140 : i32 to index
        %get3A_141 = tpu.vector_load %arg10[%get3A] {strides = array<i32>} : memref<32768xi32, #tpu.memory_space<vmem>>, vector<16xi32>,
        %mul3A_142 = arith.constant 16 : i32
        %mul3A_143 = arith.muli %while3A_136, %mul3A_142 : i32
        %get3A_144 = arith.index_cast %mul3A_143 : i32 to index
        %get3A_145 = tpu.vector_load %arg11[%get3A_144] {strides = array<i32>} : memref<32768xi32, #tpu.memory_space<vmem>>, vector<16xi32>,
        %sub3A_146 = vector.broadcast %mul3A_15 : i32 to vector<16xi32>
        %sub3A_147 = arith.subi %get3A_141, %sub3A_146 : vector<16xi32>
        %ge3A = vector.broadcast %mul3A_133 : i32 to vector<16xi32>
        %ge3A_148 = arith.cmpi sge, %sub3A_147, %ge3A : vector<16xi32>
        %add3A_149 = arith.constant 256 : i32
        %add3A_150 = arith.addi %mul3A_133, %add3A_149 : i32
        %lt3A_151 = vector.broadcast %add3A_150 : i32 to vector<16xi32>
        %lt3A_152 = arith.cmpi slt, %sub3A_147, %lt3A_151 : vector<16xi32>
        %and3A_153 = arith.andi %ge3A_148, %lt3A_152 : vector<16xi1>
        %all_reduce_population_count3A = tpu.all_reduce %and3A_153 {dim = 0 : i64, kind = #tpu.reduction_kind<sum>} : vector<16xi1> -> vector<16xi32>
        %slice3A = vector.extract_strided_slice %all_reduce_population_count3A {offsets = [0], sizes = [1], strides = [1]} : vector<16xi32> to vector<1xi32>
        %squeeze3A = vector.extract %slice3A[0] : i32 from vector<1xi32>
        %gt3A_154 = arith.constant 0 : i32
        %gt3A_155 = arith.cmpi sgt, %squeeze3A, %gt3A_154 : i32
        %convert_element_type3A_156 = arith.extui %gt3A_155 : i1 to i32
        %cond3A_157 = arith.constant 0 : i32
        %cond3A_158 = arith.cmpi ne, %convert_element_type3A_156, %cond3A_157 : i32
        scf.if %cond3A_158 {
          %rem3A_177 = arith.constant 8 : i32
          %rem3A_178 = arith.remsi %while3A_137, %rem3A_177 : i32
          %mul3A_179 = arith.constant 512 : i32
          %mul3A_180 = arith.muli %rem3A_178, %mul3A_179 : i32
          %ge3A_181 = arith.constant 7 : i32
          %ge3A_182 = arith.cmpi sge, %while3A_137, %ge3A_181 : i32
          %convert_element_type3A_183 = arith.extui %ge3A_182 : i1 to i32
          %cond3A_184 = arith.constant 0 : i32
          %cond3A_185 = arith.cmpi ne, %convert_element_type3A_183, %cond3A_184 : i32
          scf.if %cond3A_185 {
            %dma_wait3A = arith.constant 0 : i32
            %dma_wait3A_1136 = tpu.memref_slice %arg14[%dma_wait3A] : memref<4096xf32, #tpu.memory_space<vmem>> -> memref<512xf32, #tpu.memory_space<vmem>>
            %dma_wait3A_1137 = arith.constant 0 : i32
            %dma_wait3A_1138 = tpu.memref_slice %arg8[%dma_wait3A_1137] : memref<1064960xf32, #tpu.memory_space<hbm>> -> memref<512xf32, #tpu.memory_space<hbm>>
            %dma_wait3A_1139 = arith.constant 0 : i32
            %dma_wait3A_1140 = tpu.memref_slice %arg14[%dma_wait3A_1139] : memref<4096xf32, #tpu.memory_space<vmem>> -> memref<512xf32, #tpu.memory_space<vmem>>
            %dma_wait3A_1141 = arith.constant 0 : i32
            %dma_wait3A_1142 = tpu.memref_slice %arg8[%dma_wait3A_1141] : memref<1064960xf32, #tpu.memory_space<hbm>> -> memref<512xf32, #tpu.memory_space<hbm>>
            tpu.wait_dma2 semaphore(%arg18 : memref<!tpu.dma_semaphore, #tpu.memory_space<semaphore_mem>>) src(%dma_wait3A_1142 : memref<512xf32, #tpu.memory_space<hbm>>) dst(%dma_wait3A_1140 : memref<512xf32, #tpu.memory_space<vmem>>)
            %dma_wait3A_1143 = arith.constant 0 : i32
            %dma_wait3A_1144 = tpu.memref_slice %arg15[%dma_wait3A_1143] : memref<4096xf32, #tpu.memory_space<vmem>> -> memref<512xf32, #tpu.memory_space<vmem>>
            %dma_wait3A_1145 = arith.constant 0 : i32
            %dma_wait3A_1146 = tpu.memref_slice %arg9[%dma_wait3A_1145] : memref<1064960xf32, #tpu.memory_space<hbm>> -> memref<512xf32, #tpu.memory_space<hbm>>
            %dma_wait3A_1147 = arith.constant 0 : i32
            %dma_wait3A_1148 = tpu.memref_slice %arg15[%dma_wait3A_1147] : memref<4096xf32, #tpu.memory_space<vmem>> -> memref<512xf32, #tpu.memory_space<vmem>>
            %dma_wait3A_1149 = arith.constant 0 : i32
            %dma_wait3A_1150 = tpu.memref_slice %arg9[%dma_wait3A_1149] : memref<1064960xf32, #tpu.memory_space<hbm>> -> memref<512xf32, #tpu.memory_space<hbm>>
            tpu.wait_dma2 semaphore(%arg18 : memref<!tpu.dma_semaphore, #tpu.memory_space<semaphore_mem>>) src(%dma_wait3A_1150 : memref<512xf32, #tpu.memory_space<hbm>>) dst(%dma_wait3A_1148 : memref<512xf32, #tpu.memory_space<vmem>>)
          } else {
          }
          %convert_element_type3A_186 = arith.extui %and3A_153 : vector<16xi1> to vector<16xi32>
          %broadcast_in_dim3A = arith.constant true
          %broadcast_in_dim3A_187 = vector.broadcast %broadcast_in_dim3A : i1 to vector<16xi1>
          %masked_cumsum3A = tpu.scan <sum>, %convert_element_type3A_186 masked %broadcast_in_dim3A_187 : vector<16xi32>, vector<16xi1> -> vector<16xi32>
          %sub3A_188 = arith.constant 1 : i32
          %sub3A_189 = vector.broadcast %sub3A_188 : i32 to vector<16xi32>
          %sub3A_190 = arith.subi %masked_cumsum3A, %sub3A_189 : vector<16xi32>
          %broadcast_in_dim3A_191 = arith.constant 0 : i32
          %broadcast_in_dim3A_192 = vector.broadcast %broadcast_in_dim3A_191 : i32 to vector<16xi32>
          %swap3A = arith.constant 0 : index
          %swap3A_193 = tpu.vector_load %arg16[%swap3A] {strides = array<i32>} : memref<16xi32, #tpu.memory_space<vmem>>, vector<16xi32>,
          tpu.vector_store %arg16[%swap3A], %broadcast_in_dim3A_192 {strides = array<i32>} : memref<16xi32, #tpu.memory_space<vmem>>, vector<16xi32>,
          %mul3A_194 = arith.constant 16 : i32
          %mul3A_195 = arith.muli %add3A, %mul3A_194 : i32
          %add3A_196 = arith.constant 32768 : i32
          %add3A_197 = arith.addi %add3A_196, %mul3A_195 : i32
          %add3A_198 = vector.broadcast %add3A_197 : i32 to vector<16xi32>
          %add3A_199 = arith.addi %add3A_198, %iota3A : vector<16xi32>
          %swap3A_200 = arith.constant 0 : index
          %swap3A_201 = tpu.vector_load %arg17[%swap3A_200] {strides = array<i32>} : memref<16xi32, #tpu.memory_space<vmem>>, vector<16xi32>,
          tpu.vector_store %arg17[%swap3A_200], %add3A_199 {strides = array<i32>} : memref<16xi32, #tpu.memory_space<vmem>>, vector<16xi32>,
          %sub3A_202 = vector.broadcast %mul3A_133 : i32 to vector<16xi32>
          %sub3A_203 = arith.subi %sub3A_147, %sub3A_202 : vector<16xi32>
          %add3A_204 = vector.broadcast %add3A_131 : i32 to vector<16xi32>
          %add3A_205 = arith.addi %sub3A_203, %add3A_204 : vector<16xi32>
          tpu.vector_store_idx %arg16[%sub3A_190], %add3A_205 masked %and3A_153 : memref<16xi32, #tpu.memory_space<vmem>>[vector<16xi32>], vector<16xi32>, vector<16xi1>
          tpu.vector_store_idx %arg17[%sub3A_190], %get3A_145 masked %and3A_153 : memref<16xi32, #tpu.memory_space<vmem>>[vector<16xi32>], vector<16xi32>, vector<16xi1>
          %get3A_206 = arith.constant 0 : index
          %get3A_207 = tpu.vector_load %arg16[%get3A_206] {strides = array<i32>} : memref<16xi32, #tpu.memory_space<vmem>>, vector<16xi32>,
          %get3A_208 = arith.constant 0 : index
          %get3A_209 = tpu.vector_load %arg17[%get3A_208] {strides = array<i32>} : memref<16xi32, #tpu.memory_space<vmem>>, vector<16xi32>,
          %broadcast_in_dim3A_210 = arith.constant 0 : i32
          %broadcast_in_dim3A_211 = vector.broadcast %broadcast_in_dim3A_210 : i32 to vector<16xi32>
          %gather3A = tpu.vector_load_idx %arg12[%broadcast_in_dim3A_211, %get3A_207] : memref<32x768xf32, #tpu.memory_space<vmem>>[vector<16xi32>, vector<16xi32>], vector<16xf32>,
          %gather3A_212 = tpu.vector_load_idx %arg13[%broadcast_in_dim3A_211, %get3A_207] : memref<32x768xf32, #tpu.memory_space<vmem>>[vector<16xi32>, vector<16xi32>], vector<16xf32>,
          %mul3A_213 = arith.constant 32 : i32
          %mul3A_214 = vector.broadcast %mul3A_213 : i32 to vector<16xi32>
          %mul3A_215 = arith.muli %iota3A, %mul3A_214 : vector<16xi32>
          %add3A_216 = vector.broadcast %mul3A_180 : i32 to vector<16xi32>
          %add3A_217 = arith.addi %add3A_216, %mul3A_215 : vector<16xi32>
          %add3A_218 = arith.constant 0 : i32
          %add3A_219 = vector.broadcast %add3A_218 : i32 to vector<16xi32>
          %add3A_220 = arith.addi %add3A_217, %add3A_219 : vector<16xi32>
          tpu.vector_store_idx %arg14[%add3A_220], %gather3A : memref<4096xf32, #tpu.memory_space<vmem>>[vector<16xi32>], vector<16xf32>,
          %mul3A_221 = arith.constant 32 : i32
          %mul3A_222 = vector.broadcast %mul3A_221 : i32 to vector<16xi32>
          %mul3A_223 = arith.muli %iota3A, %mul3A_222 : vector<16xi32>
          %add3A_224 = vector.broadcast %mul3A_180 : i32 to vector<16xi32>
          %add3A_225 = arith.addi %add3A_224, %mul3A_223 : vector<16xi32>
          %add3A_226 = arith.constant 0 : i32
          %add3A_227 = vector.broadcast %add3A_226 : i32 to vector<16xi32>
          %add3A_228 = arith.addi %add3A_225, %add3A_227 : vector<16xi32>
          tpu.vector_store_idx %arg15[%add3A_228], %gather3A_212 : memref<4096xf32, #tpu.memory_space<vmem>>[vector<16xi32>], vector<16xf32>,
          %broadcast_in_dim3A_229 = arith.constant 1 : i32
          %broadcast_in_dim3A_230 = vector.broadcast %broadcast_in_dim3A_229 : i32 to vector<16xi32>
          %gather3A_231 = tpu.vector_load_idx %arg12[%broadcast_in_dim3A_230, %get3A_207] : memref<32x768xf32, #tpu.memory_space<vmem>>[vector<16xi32>, vector<16xi32>], vector<16xf32>,
          %gather3A_232 = tpu.vector_load_idx %arg13[%broadcast_in_dim3A_230, %get3A_207] : memref<32x768xf32, #tpu.memory_space<vmem>>[vector<16xi32>, vector<16xi32>], vector<16xf32>,
          %mul3A_233 = arith.constant 32 : i32
          %mul3A_234 = vector.broadcast %mul3A_233 : i32 to vector<16xi32>
          %mul3A_235 = arith.muli %iota3A, %mul3A_234 : vector<16xi32>
          %add3A_236 = vector.broadcast %mul3A_180 : i32 to vector<16xi32>
          %add3A_237 = arith.addi %add3A_236, %mul3A_235 : vector<16xi32>
          %add3A_238 = arith.constant 1 : i32
          %add3A_239 = vector.broadcast %add3A_238 : i32 to vector<16xi32>
          %add3A_240 = arith.addi %add3A_237, %add3A_239 : vector<16xi32>
          tpu.vector_store_idx %arg14[%add3A_240], %gather3A_231 : memref<4096xf32, #tpu.memory_space<vmem>>[vector<16xi32>], vector<16xf32>,
          %mul3A_241 = arith.constant 32 : i32
          %mul3A_242 = vector.broadcast %mul3A_241 : i32 to vector<16xi32>
          %mul3A_243 = arith.muli %iota3A, %mul3A_242 : vector<16xi32>
          %add3A_244 = vector.broadcast %mul3A_180 : i32 to vector<16xi32>
          %add3A_245 = arith.addi %add3A_244, %mul3A_243 : vector<16xi32>
          %add3A_246 = arith.constant 1 : i32
          %add3A_247 = vector.broadcast %add3A_246 : i32 to vector<16xi32>
          %add3A_248 = arith.addi %add3A_245, %add3A_247 : vector<16xi32>
          tpu.vector_store_idx %arg15[%add3A_248], %gather3A_232 : memref<4096xf32, #tpu.memory_space<vmem>>[vector<16xi32>], vector<16xf32>,
          %broadcast_in_dim3A_249 = arith.constant 2 : i32
          %broadcast_in_dim3A_250 = vector.broadcast %broadcast_in_dim3A_249 : i32 to vector<16xi32>
          %gather3A_251 = tpu.vector_load_idx %arg12[%broadcast_in_dim3A_250, %get3A_207] : memref<32x768xf32, #tpu.memory_space<vmem>>[vector<16xi32>, vector<16xi32>], vector<16xf32>,
          %gather3A_252 = tpu.vector_load_idx %arg13[%broadcast_in_dim3A_250, %get3A_207] : memref<32x768xf32, #tpu.memory_space<vmem>>[vector<16xi32>, vector<16xi32>], vector<16xf32>,
          %mul3A_253 = arith.constant 32 : i32
          %mul3A_254 = vector.broadcast %mul3A_253 : i32 to vector<16xi32>
          %mul3A_255 = arith.muli %iota3A, %mul3A_254 : vector<16xi32>
          %add3A_256 = vector.broadcast %mul3A_180 : i32 to vector<16xi32>
          %add3A_257 = arith.addi %add3A_256, %mul3A_255 : vector<16xi32>
          %add3A_258 = arith.constant 2 : i32
          %add3A_259 = vector.broadcast %add3A_258 : i32 to vector<16xi32>
          %add3A_260 = arith.addi %add3A_257, %add3A_259 : vector<16xi32>
          tpu.vector_store_idx %arg14[%add3A_260], %gather3A_251 : memref<4096xf32, #tpu.memory_space<vmem>>[vector<16xi32>], vector<16xf32>,
          %mul3A_261 = arith.constant 32 : i32
          %mul3A_262 = vector.broadcast %mul3A_261 : i32 to vector<16xi32>
          %mul3A_263 = arith.muli %iota3A, %mul3A_262 : vector<16xi32>
          %add3A_264 = vector.broadcast %mul3A_180 : i32 to vector<16xi32>
          %add3A_265 = arith.addi %add3A_264, %mul3A_263 : vector<16xi32>
          %add3A_266 = arith.constant 2 : i32
          %add3A_267 = vector.broadcast %add3A_266 : i32 to vector<16xi32>
          %add3A_268 = arith.addi %add3A_265, %add3A_267 : vector<16xi32>
          tpu.vector_store_idx %arg15[%add3A_268], %gather3A_252 : memref<4096xf32, #tpu.memory_space<vmem>>[vector<16xi32>], vector<16xf32>,
          %broadcast_in_dim3A_269 = arith.constant 3 : i32
          %broadcast_in_dim3A_270 = vector.broadcast %broadcast_in_dim3A_269 : i32 to vector<16xi32>
          %gather3A_271 = tpu.vector_load_idx %arg12[%broadcast_in_dim3A_270, %get3A_207] : memref<32x768xf32, #tpu.memory_space<vmem>>[vector<16xi32>, vector<16xi32>], vector<16xf32>,
          %gather3A_272 = tpu.vector_load_idx %arg13[%broadcast_in_dim3A_270, %get3A_207] : memref<32x768xf32, #tpu.memory_space<vmem>>[vector<16xi32>, vector<16xi32>], vector<16xf32>,
          %mul3A_273 = arith.constant 32 : i32
          %mul3A_274 = vector.broadcast %mul3A_273 : i32 to vector<16xi32>
          %mul3A_275 = arith.muli %iota3A, %mul3A_274 : vector<16xi32>
          %add3A_276 = vector.broadcast %mul3A_180 : i32 to vector<16xi32>
          %add3A_277 = arith.addi %add3A_276, %mul3A_275 : vector<16xi32>
          %add3A_278 = arith.constant 3 : i32
          %add3A_279 = vector.broadcast %add3A_278 : i32 to vector<16xi32>
          %add3A_280 = arith.addi %add3A_277, %add3A_279 : vector<16xi32>
          tpu.vector_store_idx %arg14[%add3A_280], %gather3A_271 : memref<4096xf32, #tpu.memory_space<vmem>>[vector<16xi32>], vector<16xf32>,
          %mul3A_281 = arith.constant 32 : i32
          %mul3A_282 = vector.broadcast %mul3A_281 : i32 to vector<16xi32>
          %mul3A_283 = arith.muli %iota3A, %mul3A_282 : vector<16xi32>
          %add3A_284 = vector.broadcast %mul3A_180 : i32 to vector<16xi32>
          %add3A_285 = arith.addi %add3A_284, %mul3A_283 : vector<16xi32>
          %add3A_286 = arith.constant 3 : i32
          %add3A_287 = vector.broadcast %add3A_286 : i32 to vector<16xi32>
          %add3A_288 = arith.addi %add3A_285, %add3A_287 : vector<16xi32>
          tpu.vector_store_idx %arg15[%add3A_288], %gather3A_272 : memref<4096xf32, #tpu.memory_space<vmem>>[vector<16xi32>], vector<16xf32>,
          %broadcast_in_dim3A_289 = arith.constant 4 : i32
          %broadcast_in_dim3A_290 = vector.broadcast %broadcast_in_dim3A_289 : i32 to vector<16xi32>
          %gather3A_291 = tpu.vector_load_idx %arg12[%broadcast_in_dim3A_290, %get3A_207] : memref<32x768xf32, #tpu.memory_space<vmem>>[vector<16xi32>, vector<16xi32>], vector<16xf32>,
          %gather3A_292 = tpu.vector_load_idx %arg13[%broadcast_in_dim3A_290, %get3A_207] : memref<32x768xf32, #tpu.memory_space<vmem>>[vector<16xi32>, vector<16xi32>], vector<16xf32>,
          %mul3A_293 = arith.constant 32 : i32
          %mul3A_294 = vector.broadcast %mul3A_293 : i32 to vector<16xi32>
          %mul3A_295 = arith.muli %iota3A, %mul3A_294 : vector<16xi32>
          %add3A_296 = vector.broadcast %mul3A_180 : i32 to vector<16xi32>
          %add3A_297 = arith.addi %add3A_296, %mul3A_295 : vector<16xi32>
          %add3A_298 = arith.constant 4 : i32
          %add3A_299 = vector.broadcast %add3A_298 : i32 to vector<16xi32>
          %add3A_300 = arith.addi %add3A_297, %add3A_299 : vector<16xi32>
          tpu.vector_store_idx %arg14[%add3A_300], %gather3A_291 : memref<4096xf32, #tpu.memory_space<vmem>>[vector<16xi32>], vector<16xf32>,
          %mul3A_301 = arith.constant 32 : i32
          %mul3A_302 = vector.broadcast %mul3A_301 : i32 to vector<16xi32>
          %mul3A_303 = arith.muli %iota3A, %mul3A_302 : vector<16xi32>
          %add3A_304 = vector.broadcast %mul3A_180 : i32 to vector<16xi32>
          %add3A_305 = arith.addi %add3A_304, %mul3A_303 : vector<16xi32>
          %add3A_306 = arith.constant 4 : i32
          %add3A_307 = vector.broadcast %add3A_306 : i32 to vector<16xi32>
          %add3A_308 = arith.addi %add3A_305, %add3A_307 : vector<16xi32>
          tpu.vector_store_idx %arg15[%add3A_308], %gather3A_292 : memref<4096xf32, #tpu.memory_space<vmem>>[vector<16xi32>], vector<16xf32>,
          %broadcast_in_dim3A_309 = arith.constant 5 : i32
          %broadcast_in_dim3A_310 = vector.broadcast %broadcast_in_dim3A_309 : i32 to vector<16xi32>
          %gather3A_311 = tpu.vector_load_idx %arg12[%broadcast_in_dim3A_310, %get3A_207] : memref<32x768xf32, #tpu.memory_space<vmem>>[vector<16xi32>, vector<16xi32>], vector<16xf32>,
          %gather3A_312 = tpu.vector_load_idx %arg13[%broadcast_in_dim3A_310, %get3A_207] : memref<32x768xf32, #tpu.memory_space<vmem>>[vector<16xi32>, vector<16xi32>], vector<16xf32>,
          %mul3A_313 = arith.constant 32 : i32
          %mul3A_314 = vector.broadcast %mul3A_313 : i32 to vector<16xi32>
          %mul3A_315 = arith.muli %iota3A, %mul3A_314 : vector<16xi32>
          %add3A_316 = vector.broadcast %mul3A_180 : i32 to vector<16xi32>
          %add3A_317 = arith.addi %add3A_316, %mul3A_315 : vector<16xi32>
          %add3A_318 = arith.constant 5 : i32
          %add3A_319 = vector.broadcast %add3A_318 : i32 to vector<16xi32>
          %add3A_320 = arith.addi %add3A_317, %add3A_319 : vector<16xi32>
          tpu.vector_store_idx %arg14[%add3A_320], %gather3A_311 : memref<4096xf32, #tpu.memory_space<vmem>>[vector<16xi32>], vector<16xf32>,
          %mul3A_321 = arith.constant 32 : i32
          %mul3A_322 = vector.broadcast %mul3A_321 : i32 to vector<16xi32>
          %mul3A_323 = arith.muli %iota3A, %mul3A_322 : vector<16xi32>
          %add3A_324 = vector.broadcast %mul3A_180 : i32 to vector<16xi32>
          %add3A_325 = arith.addi %add3A_324, %mul3A_323 : vector<16xi32>
          %add3A_326 = arith.constant 5 : i32
          %add3A_327 = vector.broadcast %add3A_326 : i32 to vector<16xi32>
          %add3A_328 = arith.addi %add3A_325, %add3A_327 : vector<16xi32>
          tpu.vector_store_idx %arg15[%add3A_328], %gather3A_312 : memref<4096xf32, #tpu.memory_space<vmem>>[vector<16xi32>], vector<16xf32>,
          %broadcast_in_dim3A_329 = arith.constant 6 : i32
          %broadcast_in_dim3A_330 = vector.broadcast %broadcast_in_dim3A_329 : i32 to vector<16xi32>
          %gather3A_331 = tpu.vector_load_idx %arg12[%broadcast_in_dim3A_330, %get3A_207] : memref<32x768xf32, #tpu.memory_space<vmem>>[vector<16xi32>, vector<16xi32>], vector<16xf32>,
          %gather3A_332 = tpu.vector_load_idx %arg13[%broadcast_in_dim3A_330, %get3A_207] : memref<32x768xf32, #tpu.memory_space<vmem>>[vector<16xi32>, vector<16xi32>], vector<16xf32>,
          %mul3A_333 = arith.constant 32 : i32
          %mul3A_334 = vector.broadcast %mul3A_333 : i32 to vector<16xi32>
          %mul3A_335 = arith.muli %iota3A, %mul3A_334 : vector<16xi32>
          %add3A_336 = vector.broadcast %mul3A_180 : i32 to vector<16xi32>
          %add3A_337 = arith.addi %add3A_336, %mul3A_335 : vector<16xi32>
          %add3A_338 = arith.constant 6 : i32
          %add3A_339 = vector.broadcast %add3A_338 : i32 to vector<16xi32>
          %add3A_340 = arith.addi %add3A_337, %add3A_339 : vector<16xi32>
          tpu.vector_store_idx %arg14[%add3A_340], %gather3A_331 : memref<4096xf32, #tpu.memory_space<vmem>>[vector<16xi32>], vector<16xf32>,
          %mul3A_341 = arith.constant 32 : i32
          %mul3A_342 = vector.broadcast %mul3A_341 : i32 to vector<16xi32>
          %mul3A_343 = arith.muli %iota3A, %mul3A_342 : vector<16xi32>
          %add3A_344 = vector.broadcast %mul3A_180 : i32 to vector<16xi32>
          %add3A_345 = arith.addi %add3A_344, %mul3A_343 : vector<16xi32>
          %add3A_346 = arith.constant 6 : i32
          %add3A_347 = vector.broadcast %add3A_346 : i32 to vector<16xi32>
          %add3A_348 = arith.addi %add3A_345, %add3A_347 : vector<16xi32>
          tpu.vector_store_idx %arg15[%add3A_348], %gather3A_332 : memref<4096xf32, #tpu.memory_space<vmem>>[vector<16xi32>], vector<16xf32>,
          %broadcast_in_dim3A_349 = arith.constant 7 : i32
          %broadcast_in_dim3A_350 = vector.broadcast %broadcast_in_dim3A_349 : i32 to vector<16xi32>
          %gather3A_351 = tpu.vector_load_idx %arg12[%broadcast_in_dim3A_350, %get3A_207] : memref<32x768xf32, #tpu.memory_space<vmem>>[vector<16xi32>, vector<16xi32>], vector<16xf32>,
          %gather3A_352 = tpu.vector_load_idx %arg13[%broadcast_in_dim3A_350, %get3A_207] : memref<32x768xf32, #tpu.memory_space<vmem>>[vector<16xi32>, vector<16xi32>], vector<16xf32>,
          %mul3A_353 = arith.constant 32 : i32
          %mul3A_354 = vector.broadcast %mul3A_353 : i32 to vector<16xi32>
          %mul3A_355 = arith.muli %iota3A, %mul3A_354 : vector<16xi32>
          %add3A_356 = vector.broadcast %mul3A_180 : i32 to vector<16xi32>
          %add3A_357 = arith.addi %add3A_356, %mul3A_355 : vector<16xi32>
          %add3A_358 = arith.constant 7 : i32
          %add3A_359 = vector.broadcast %add3A_358 : i32 to vector<16xi32>
          %add3A_360 = arith.addi %add3A_357, %add3A_359 : vector<16xi32>
          tpu.vector_store_idx %arg14[%add3A_360], %gather3A_351 : memref<4096xf32, #tpu.memory_space<vmem>>[vector<16xi32>], vector<16xf32>,
          %mul3A_361 = arith.constant 32 : i32
          %mul3A_362 = vector.broadcast %mul3A_361 : i32 to vector<16xi32>
          %mul3A_363 = arith.muli %iota3A, %mul3A_362 : vector<16xi32>
          %add3A_364 = vector.broadcast %mul3A_180 : i32 to vector<16xi32>
          %add3A_365 = arith.addi %add3A_364, %mul3A_363 : vector<16xi32>
          %add3A_366 = arith.constant 7 : i32
          %add3A_367 = vector.broadcast %add3A_366 : i32 to vector<16xi32>
          %add3A_368 = arith.addi %add3A_365, %add3A_367 : vector<16xi32>
          tpu.vector_store_idx %arg15[%add3A_368], %gather3A_352 : memref<4096xf32, #tpu.memory_space<vmem>>[vector<16xi32>], vector<16xf32>,
          %broadcast_in_dim3A_369 = arith.constant 8 : i32
          %broadcast_in_dim3A_370 = vector.broadcast %broadcast_in_dim3A_369 : i32 to vector<16xi32>
          %gather3A_371 = tpu.vector_load_idx %arg12[%broadcast_in_dim3A_370, %get3A_207] : memref<32x768xf32, #tpu.memory_space<vmem>>[vector<16xi32>, vector<16xi32>], vector<16xf32>,
          %gather3A_372 = tpu.vector_load_idx %arg13[%broadcast_in_dim3A_370, %get3A_207] : memref<32x768xf32, #tpu.memory_space<vmem>>[vector<16xi32>, vector<16xi32>], vector<16xf32>,
          %mul3A_373 = arith.constant 32 : i32
          %mul3A_374 = vector.broadcast %mul3A_373 : i32 to vector<16xi32>
          %mul3A_375 = arith.muli %iota3A, %mul3A_374 : vector<16xi32>
          %add3A_376 = vector.broadcast %mul3A_180 : i32 to vector<16xi32>
          %add3A_377 = arith.addi %add3A_376, %mul3A_375 : vector<16xi32>
          %add3A_378 = arith.constant 8 : i32
          %add3A_379 = vector.broadcast %add3A_378 : i32 to vector<16xi32>
          %add3A_380 = arith.addi %add3A_377, %add3A_379 : vector<16xi32>
          tpu.vector_store_idx %arg14[%add3A_380], %gather3A_371 : memref<4096xf32, #tpu.memory_space<vmem>>[vector<16xi32>], vector<16xf32>,
          %mul3A_381 = arith.constant 32 : i32
          %mul3A_382 = vector.broadcast %mul3A_381 : i32 to vector<16xi32>
          %mul3A_383 = arith.muli %iota3A, %mul3A_382 : vector<16xi32>
          %add3A_384 = vector.broadcast %mul3A_180 : i32 to vector<16xi32>
          %add3A_385 = arith.addi %add3A_384, %mul3A_383 : vector<16xi32>
          %add3A_386 = arith.constant 8 : i32
          %add3A_387 = vector.broadcast %add3A_386 : i32 to vector<16xi32>
          %add3A_388 = arith.addi %add3A_385, %add3A_387 : vector<16xi32>
          tpu.vector_store_idx %arg15[%add3A_388], %gather3A_372 : memref<4096xf32, #tpu.memory_space<vmem>>[vector<16xi32>], vector<16xf32>,
          %broadcast_in_dim3A_389 = arith.constant 9 : i32
          %broadcast_in_dim3A_390 = vector.broadcast %broadcast_in_dim3A_389 : i32 to vector<16xi32>
          %gather3A_391 = tpu.vector_load_idx %arg12[%broadcast_in_dim3A_390, %get3A_207] : memref<32x768xf32, #tpu.memory_space<vmem>>[vector<16xi32>, vector<16xi32>], vector<16xf32>,
          %gather3A_392 = tpu.vector_load_idx %arg13[%broadcast_in_dim3A_390, %get3A_207] : memref<32x768xf32, #tpu.memory_space<vmem>>[vector<16xi32>, vector<16xi32>], vector<16xf32>,
          %mul3A_393 = arith.constant 32 : i32
          %mul3A_394 = vector.broadcast %mul3A_393 : i32 to vector<16xi32>
          %mul3A_395 = arith.muli %iota3A, %mul3A_394 : vector<16xi32>
          %add3A_396 = vector.broadcast %mul3A_180 : i32 to vector<16xi32>
          %add3A_397 = arith.addi %add3A_396, %mul3A_395 : vector<16xi32>
          %add3A_398 = arith.constant 9 : i32
          %add3A_399 = vector.broadcast %add3A_398 : i32 to vector<16xi32>
          %add3A_400 = arith.addi %add3A_397, %add3A_399 : vector<16xi32>
          tpu.vector_store_idx %arg14[%add3A_400], %gather3A_391 : memref<4096xf32, #tpu.memory_space<vmem>>[vector<16xi32>], vector<16xf32>,
          %mul3A_401 = arith.constant 32 : i32
          %mul3A_402 = vector.broadcast %mul3A_401 : i32 to vector<16xi32>
          %mul3A_403 = arith.muli %iota3A, %mul3A_402 : vector<16xi32>
          %add3A_404 = vector.broadcast %mul3A_180 : i32 to vector<16xi32>
          %add3A_405 = arith.addi %add3A_404, %mul3A_403 : vector<16xi32>
          %add3A_406 = arith.constant 9 : i32
          %add3A_407 = vector.broadcast %add3A_406 : i32 to vector<16xi32>
          %add3A_408 = arith.addi %add3A_405, %add3A_407 : vector<16xi32>
          tpu.vector_store_idx %arg15[%add3A_408], %gather3A_392 : memref<4096xf32, #tpu.memory_space<vmem>>[vector<16xi32>], vector<16xf32>,
          %broadcast_in_dim3A_409 = arith.constant 10 : i32
          %broadcast_in_dim3A_410 = vector.broadcast %broadcast_in_dim3A_409 : i32 to vector<16xi32>
          %gather3A_411 = tpu.vector_load_idx %arg12[%broadcast_in_dim3A_410, %get3A_207] : memref<32x768xf32, #tpu.memory_space<vmem>>[vector<16xi32>, vector<16xi32>], vector<16xf32>,
          %gather3A_412 = tpu.vector_load_idx %arg13[%broadcast_in_dim3A_410, %get3A_207] : memref<32x768xf32, #tpu.memory_space<vmem>>[vector<16xi32>, vector<16xi32>], vector<16xf32>,
          %mul3A_413 = arith.constant 32 : i32
          %mul3A_414 = vector.broadcast %mul3A_413 : i32 to vector<16xi32>
          %mul3A_415 = arith.muli %iota3A, %mul3A_414 : vector<16xi32>
          %add3A_416 = vector.broadcast %mul3A_180 : i32 to vector<16xi32>
          %add3A_417 = arith.addi %add3A_416, %mul3A_415 : vector<16xi32>
          %add3A_418 = arith.constant 10 : i32
          %add3A_419 = vector.broadcast %add3A_418 : i32 to vector<16xi32>
          %add3A_420 = arith.addi %add3A_417, %add3A_419 : vector<16xi32>
          tpu.vector_store_idx %arg14[%add3A_420], %gather3A_411 : memref<4096xf32, #tpu.memory_space<vmem>>[vector<16xi32>], vector<16xf32>,
          %mul3A_421 = arith.constant 32 : i32
          %mul3A_422 = vector.broadcast %mul3A_421 : i32 to vector<16xi32>
          %mul3A_423 = arith.muli %iota3A, %mul3A_422 : vector<16xi32>
          %add3A_424 = vector.broadcast %mul3A_180 : i32 to vector<16xi32>
          %add3A_425 = arith.addi %add3A_424, %mul3A_423 : vector<16xi32>
          %add3A_426 = arith.constant 10 : i32
          %add3A_427 = vector.broadcast %add3A_426 : i32 to vector<16xi32>
          %add3A_428 = arith.addi %add3A_425, %add3A_427 : vector<16xi32>
          tpu.vector_store_idx %arg15[%add3A_428], %gather3A_412 : memref<4096xf32, #tpu.memory_space<vmem>>[vector<16xi32>], vector<16xf32>,
          %broadcast_in_dim3A_429 = arith.constant 11 : i32
          %broadcast_in_dim3A_430 = vector.broadcast %broadcast_in_dim3A_429 : i32 to vector<16xi32>
          %gather3A_431 = tpu.vector_load_idx %arg12[%broadcast_in_dim3A_430, %get3A_207] : memref<32x768xf32, #tpu.memory_space<vmem>>[vector<16xi32>, vector<16xi32>], vector<16xf32>,
          %gather3A_432 = tpu.vector_load_idx %arg13[%broadcast_in_dim3A_430, %get3A_207] : memref<32x768xf32, #tpu.memory_space<vmem>>[vector<16xi32>, vector<16xi32>], vector<16xf32>,
          %mul3A_433 = arith.constant 32 : i32
          %mul3A_434 = vector.broadcast %mul3A_433 : i32 to vector<16xi32>
          %mul3A_435 = arith.muli %iota3A, %mul3A_434 : vector<16xi32>
          %add3A_436 = vector.broadcast %mul3A_180 : i32 to vector<16xi32>
          %add3A_437 = arith.addi %add3A_436, %mul3A_435 : vector<16xi32>
          %add3A_438 = arith.constant 11 : i32
          %add3A_439 = vector.broadcast %add3A_438 : i32 to vector<16xi32>
          %add3A_440 = arith.addi %add3A_437, %add3A_439 : vector<16xi32>
          tpu.vector_store_idx %arg14[%add3A_440], %gather3A_431 : memref<4096xf32, #tpu.memory_space<vmem>>[vector<16xi32>], vector<16xf32>,
          %mul3A_441 = arith.constant 32 : i32
          %mul3A_442 = vector.broadcast %mul3A_441 : i32 to vector<16xi32>
          %mul3A_443 = arith.muli %iota3A, %mul3A_442 : vector<16xi32>
          %add3A_444 = vector.broadcast %mul3A_180 : i32 to vector<16xi32>
          %add3A_445 = arith.addi %add3A_444, %mul3A_443 : vector<16xi32>
          %add3A_446 = arith.constant 11 : i32
          %add3A_447 = vector.broadcast %add3A_446 : i32 to vector<16xi32>
          %add3A_448 = arith.addi %add3A_445, %add3A_447 : vector<16xi32>
          tpu.vector_store_idx %arg15[%add3A_448], %gather3A_432 : memref<4096xf32, #tpu.memory_space<vmem>>[vector<16xi32>], vector<16xf32>,
          %broadcast_in_dim3A_449 = arith.constant 12 : i32
          %broadcast_in_dim3A_450 = vector.broadcast %broadcast_in_dim3A_449 : i32 to vector<16xi32>
          %gather3A_451 = tpu.vector_load_idx %arg12[%broadcast_in_dim3A_450, %get3A_207] : memref<32x768xf32, #tpu.memory_space<vmem>>[vector<16xi32>, vector<16xi32>], vector<16xf32>,
          %gather3A_452 = tpu.vector_load_idx %arg13[%broadcast_in_dim3A_450, %get3A_207] : memref<32x768xf32, #tpu.memory_space<vmem>>[vector<16xi32>, vector<16xi32>], vector<16xf32>,
          %mul3A_453 = arith.constant 32 : i32
          %mul3A_454 = vector.broadcast %mul3A_453 : i32 to vector<16xi32>
          %mul3A_455 = arith.muli %iota3A, %mul3A_454 : vector<16xi32>
          %add3A_456 = vector.broadcast %mul3A_180 : i32 to vector<16xi32>
          %add3A_457 = arith.addi %add3A_456, %mul3A_455 : vector<16xi32>
          %add3A_458 = arith.constant 12 : i32
          %add3A_459 = vector.broadcast %add3A_458 : i32 to vector<16xi32>
          %add3A_460 = arith.addi %add3A_457, %add3A_459 : vector<16xi32>
          tpu.vector_store_idx %arg14[%add3A_460], %gather3A_451 : memref<4096xf32, #tpu.memory_space<vmem>>[vector<16xi32>], vector<16xf32>,
          %mul3A_461 = arith.constant 32 : i32
          %mul3A_462 = vector.broadcast %mul3A_461 : i32 to vector<16xi32>
          %mul3A_463 = arith.muli %iota3A, %mul3A_462 : vector<16xi32>
          %add3A_464 = vector.broadcast %mul3A_180 : i32 to vector<16xi32>
          %add3A_465 = arith.addi %add3A_464, %mul3A_463 : vector<16xi32>
          %add3A_466 = arith.constant 12 : i32
          %add3A_467 = vector.broadcast %add3A_466 : i32 to vector<16xi32>
          %add3A_468 = arith.addi %add3A_465, %add3A_467 : vector<16xi32>
          tpu.vector_store_idx %arg15[%add3A_468], %gather3A_452 : memref<4096xf32, #tpu.memory_space<vmem>>[vector<16xi32>], vector<16xf32>,
          %broadcast_in_dim3A_469 = arith.constant 13 : i32
          %broadcast_in_dim3A_470 = vector.broadcast %broadcast_in_dim3A_469 : i32 to vector<16xi32>
          %gather3A_471 = tpu.vector_load_idx %arg12[%broadcast_in_dim3A_470, %get3A_207] : memref<32x768xf32, #tpu.memory_space<vmem>>[vector<16xi32>, vector<16xi32>], vector<16xf32>,
          %gather3A_472 = tpu.vector_load_idx %arg13[%broadcast_in_dim3A_470, %get3A_207] : memref<32x768xf32, #tpu.memory_space<vmem>>[vector<16xi32>, vector<16xi32>], vector<16xf32>,
          %mul3A_473 = arith.constant 32 : i32
          %mul3A_474 = vector.broadcast %mul3A_473 : i32 to vector<16xi32>
          %mul3A_475 = arith.muli %iota3A, %mul3A_474 : vector<16xi32>
          %add3A_476 = vector.broadcast %mul3A_180 : i32 to vector<16xi32>
          %add3A_477 = arith.addi %add3A_476, %mul3A_475 : vector<16xi32>
          %add3A_478 = arith.constant 13 : i32
          %add3A_479 = vector.broadcast %add3A_478 : i32 to vector<16xi32>
          %add3A_480 = arith.addi %add3A_477, %add3A_479 : vector<16xi32>
          tpu.vector_store_idx %arg14[%add3A_480], %gather3A_471 : memref<4096xf32, #tpu.memory_space<vmem>>[vector<16xi32>], vector<16xf32>,
          %mul3A_481 = arith.constant 32 : i32
          %mul3A_482 = vector.broadcast %mul3A_481 : i32 to vector<16xi32>
          %mul3A_483 = arith.muli %iota3A, %mul3A_482 : vector<16xi32>
          %add3A_484 = vector.broadcast %mul3A_180 : i32 to vector<16xi32>
          %add3A_485 = arith.addi %add3A_484, %mul3A_483 : vector<16xi32>
          %add3A_486 = arith.constant 13 : i32
          %add3A_487 = vector.broadcast %add3A_486 : i32 to vector<16xi32>
          %add3A_488 = arith.addi %add3A_485, %add3A_487 : vector<16xi32>
          tpu.vector_store_idx %arg15[%add3A_488], %gather3A_472 : memref<4096xf32, #tpu.memory_space<vmem>>[vector<16xi32>], vector<16xf32>,
          %broadcast_in_dim3A_489 = arith.constant 14 : i32
          %broadcast_in_dim3A_490 = vector.broadcast %broadcast_in_dim3A_489 : i32 to vector<16xi32>
          %gather3A_491 = tpu.vector_load_idx %arg12[%broadcast_in_dim3A_490, %get3A_207] : memref<32x768xf32, #tpu.memory_space<vmem>>[vector<16xi32>, vector<16xi32>], vector<16xf32>,
          %gather3A_492 = tpu.vector_load_idx %arg13[%broadcast_in_dim3A_490, %get3A_207] : memref<32x768xf32, #tpu.memory_space<vmem>>[vector<16xi32>, vector<16xi32>], vector<16xf32>,
          %mul3A_493 = arith.constant 32 : i32
          %mul3A_494 = vector.broadcast %mul3A_493 : i32 to vector<16xi32>
          %mul3A_495 = arith.muli %iota3A, %mul3A_494 : vector<16xi32>
          %add3A_496 = vector.broadcast %mul3A_180 : i32 to vector<16xi32>
          %add3A_497 = arith.addi %add3A_496, %mul3A_495 : vector<16xi32>
          %add3A_498 = arith.constant 14 : i32
          %add3A_499 = vector.broadcast %add3A_498 : i32 to vector<16xi32>
          %add3A_500 = arith.addi %add3A_497, %add3A_499 : vector<16xi32>
          tpu.vector_store_idx %arg14[%add3A_500], %gather3A_491 : memref<4096xf32, #tpu.memory_space<vmem>>[vector<16xi32>], vector<16xf32>,
          %mul3A_501 = arith.constant 32 : i32
          %mul3A_502 = vector.broadcast %mul3A_501 : i32 to vector<16xi32>
          %mul3A_503 = arith.muli %iota3A, %mul3A_502 : vector<16xi32>
          %add3A_504 = vector.broadcast %mul3A_180 : i32 to vector<16xi32>
          %add3A_505 = arith.addi %add3A_504, %mul3A_503 : vector<16xi32>
          %add3A_506 = arith.constant 14 : i32
          %add3A_507 = vector.broadcast %add3A_506 : i32 to vector<16xi32>
          %add3A_508 = arith.addi %add3A_505, %add3A_507 : vector<16xi32>
          tpu.vector_store_idx %arg15[%add3A_508], %gather3A_492 : memref<4096xf32, #tpu.memory_space<vmem>>[vector<16xi32>], vector<16xf32>,
          %broadcast_in_dim3A_509 = arith.constant 15 : i32
          %broadcast_in_dim3A_510 = vector.broadcast %broadcast_in_dim3A_509 : i32 to vector<16xi32>
          %gather3A_511 = tpu.vector_load_idx %arg12[%broadcast_in_dim3A_510, %get3A_207] : memref<32x768xf32, #tpu.memory_space<vmem>>[vector<16xi32>, vector<16xi32>], vector<16xf32>,
          %gather3A_512 = tpu.vector_load_idx %arg13[%broadcast_in_dim3A_510, %get3A_207] : memref<32x768xf32, #tpu.memory_space<vmem>>[vector<16xi32>, vector<16xi32>], vector<16xf32>,
          %mul3A_513 = arith.constant 32 : i32
          %mul3A_514 = vector.broadcast %mul3A_513 : i32 to vector<16xi32>
          %mul3A_515 = arith.muli %iota3A, %mul3A_514 : vector<16xi32>
          %add3A_516 = vector.broadcast %mul3A_180 : i32 to vector<16xi32>
          %add3A_517 = arith.addi %add3A_516, %mul3A_515 : vector<16xi32>
          %add3A_518 = arith.constant 15 : i32
          %add3A_519 = vector.broadcast %add3A_518 : i32 to vector<16xi32>
          %add3A_520 = arith.addi %add3A_517, %add3A_519 : vector<16xi32>
          tpu.vector_store_idx %arg14[%add3A_520], %gather3A_511 : memref<4096xf32, #tpu.memory_space<vmem>>[vector<16xi32>], vector<16xf32>,
          %mul3A_521 = arith.constant 32 : i32
          %mul3A_522 = vector.broadcast %mul3A_521 : i32 to vector<16xi32>
          %mul3A_523 = arith.muli %iota3A, %mul3A_522 : vector<16xi32>
          %add3A_524 = vector.broadcast %mul3A_180 : i32 to vector<16xi32>
          %add3A_525 = arith.addi %add3A_524, %mul3A_523 : vector<16xi32>
          %add3A_526 = arith.constant 15 : i32
          %add3A_527 = vector.broadcast %add3A_526 : i32 to vector<16xi32>
          %add3A_528 = arith.addi %add3A_525, %add3A_527 : vector<16xi32>
          tpu.vector_store_idx %arg15[%add3A_528], %gather3A_512 : memref<4096xf32, #tpu.memory_space<vmem>>[vector<16xi32>], vector<16xf32>,
          %broadcast_in_dim3A_529 = arith.constant 16 : i32
          %broadcast_in_dim3A_530 = vector.broadcast %broadcast_in_dim3A_529 : i32 to vector<16xi32>
          %gather3A_531 = tpu.vector_load_idx %arg12[%broadcast_in_dim3A_530, %get3A_207] : memref<32x768xf32, #tpu.memory_space<vmem>>[vector<16xi32>, vector<16xi32>], vector<16xf32>,
          %gather3A_532 = tpu.vector_load_idx %arg13[%broadcast_in_dim3A_530, %get3A_207] : memref<32x768xf32, #tpu.memory_space<vmem>>[vector<16xi32>, vector<16xi32>], vector<16xf32>,
          %mul3A_533 = arith.constant 32 : i32
          %mul3A_534 = vector.broadcast %mul3A_533 : i32 to vector<16xi32>
          %mul3A_535 = arith.muli %iota3A, %mul3A_534 : vector<16xi32>
          %add3A_536 = vector.broadcast %mul3A_180 : i32 to vector<16xi32>
          %add3A_537 = arith.addi %add3A_536, %mul3A_535 : vector<16xi32>
          %add3A_538 = arith.constant 16 : i32
          %add3A_539 = vector.broadcast %add3A_538 : i32 to vector<16xi32>
          %add3A_540 = arith.addi %add3A_537, %add3A_539 : vector<16xi32>
          tpu.vector_store_idx %arg14[%add3A_540], %gather3A_531 : memref<4096xf32, #tpu.memory_space<vmem>>[vector<16xi32>], vector<16xf32>,
          %mul3A_541 = arith.constant 32 : i32
          %mul3A_542 = vector.broadcast %mul3A_541 : i32 to vector<16xi32>
          %mul3A_543 = arith.muli %iota3A, %mul3A_542 : vector<16xi32>
          %add3A_544 = vector.broadcast %mul3A_180 : i32 to vector<16xi32>
          %add3A_545 = arith.addi %add3A_544, %mul3A_543 : vector<16xi32>
          %add3A_546 = arith.constant 16 : i32
          %add3A_547 = vector.broadcast %add3A_546 : i32 to vector<16xi32>
          %add3A_548 = arith.addi %add3A_545, %add3A_547 : vector<16xi32>
          tpu.vector_store_idx %arg15[%add3A_548], %gather3A_532 : memref<4096xf32, #tpu.memory_space<vmem>>[vector<16xi32>], vector<16xf32>,
          %broadcast_in_dim3A_549 = arith.constant 17 : i32
          %broadcast_in_dim3A_550 = vector.broadcast %broadcast_in_dim3A_549 : i32 to vector<16xi32>
          %gather3A_551 = tpu.vector_load_idx %arg12[%broadcast_in_dim3A_550, %get3A_207] : memref<32x768xf32, #tpu.memory_space<vmem>>[vector<16xi32>, vector<16xi32>], vector<16xf32>,
          %gather3A_552 = tpu.vector_load_idx %arg13[%broadcast_in_dim3A_550, %get3A_207] : memref<32x768xf32, #tpu.memory_space<vmem>>[vector<16xi32>, vector<16xi32>], vector<16xf32>,
          %mul3A_553 = arith.constant 32 : i32
          %mul3A_554 = vector.broadcast %mul3A_553 : i32 to vector<16xi32>
          %mul3A_555 = arith.muli %iota3A, %mul3A_554 : vector<16xi32>
          %add3A_556 = vector.broadcast %mul3A_180 : i32 to vector<16xi32>
          %add3A_557 = arith.addi %add3A_556, %mul3A_555 : vector<16xi32>
          %add3A_558 = arith.constant 17 : i32
          %add3A_559 = vector.broadcast %add3A_558 : i32 to vector<16xi32>
          %add3A_560 = arith.addi %add3A_557, %add3A_559 : vector<16xi32>
          tpu.vector_store_idx %arg14[%add3A_560], %gather3A_551 : memref<4096xf32, #tpu.memory_space<vmem>>[vector<16xi32>], vector<16xf32>,
          %mul3A_561 = arith.constant 32 : i32
          %mul3A_562 = vector.broadcast %mul3A_561 : i32 to vector<16xi32>
          %mul3A_563 = arith.muli %iota3A, %mul3A_562 : vector<16xi32>
          %add3A_564 = vector.broadcast %mul3A_180 : i32 to vector<16xi32>
          %add3A_565 = arith.addi %add3A_564, %mul3A_563 : vector<16xi32>
          %add3A_566 = arith.constant 17 : i32
          %add3A_567 = vector.broadcast %add3A_566 : i32 to vector<16xi32>
          %add3A_568 = arith.addi %add3A_565, %add3A_567 : vector<16xi32>
          tpu.vector_store_idx %arg15[%add3A_568], %gather3A_552 : memref<4096xf32, #tpu.memory_space<vmem>>[vector<16xi32>], vector<16xf32>,
          %broadcast_in_dim3A_569 = arith.constant 18 : i32
          %broadcast_in_dim3A_570 = vector.broadcast %broadcast_in_dim3A_569 : i32 to vector<16xi32>
          %gather3A_571 = tpu.vector_load_idx %arg12[%broadcast_in_dim3A_570, %get3A_207] : memref<32x768xf32, #tpu.memory_space<vmem>>[vector<16xi32>, vector<16xi32>], vector<16xf32>,
          %gather3A_572 = tpu.vector_load_idx %arg13[%broadcast_in_dim3A_570, %get3A_207] : memref<32x768xf32, #tpu.memory_space<vmem>>[vector<16xi32>, vector<16xi32>], vector<16xf32>,
          %mul3A_573 = arith.constant 32 : i32
          %mul3A_574 = vector.broadcast %mul3A_573 : i32 to vector<16xi32>
          %mul3A_575 = arith.muli %iota3A, %mul3A_574 : vector<16xi32>
          %add3A_576 = vector.broadcast %mul3A_180 : i32 to vector<16xi32>
          %add3A_577 = arith.addi %add3A_576, %mul3A_575 : vector<16xi32>
          %add3A_578 = arith.constant 18 : i32
          %add3A_579 = vector.broadcast %add3A_578 : i32 to vector<16xi32>
          %add3A_580 = arith.addi %add3A_577, %add3A_579 : vector<16xi32>
          tpu.vector_store_idx %arg14[%add3A_580], %gather3A_571 : memref<4096xf32, #tpu.memory_space<vmem>>[vector<16xi32>], vector<16xf32>,
          %mul3A_581 = arith.constant 32 : i32
          %mul3A_582 = vector.broadcast %mul3A_581 : i32 to vector<16xi32>
          %mul3A_583 = arith.muli %iota3A, %mul3A_582 : vector<16xi32>
          %add3A_584 = vector.broadcast %mul3A_180 : i32 to vector<16xi32>
          %add3A_585 = arith.addi %add3A_584, %mul3A_583 : vector<16xi32>
          %add3A_586 = arith.constant 18 : i32
          %add3A_587 = vector.broadcast %add3A_586 : i32 to vector<16xi32>
          %add3A_588 = arith.addi %add3A_585, %add3A_587 : vector<16xi32>
          tpu.vector_store_idx %arg15[%add3A_588], %gather3A_572 : memref<4096xf32, #tpu.memory_space<vmem>>[vector<16xi32>], vector<16xf32>,
          %broadcast_in_dim3A_589 = arith.constant 19 : i32
          %broadcast_in_dim3A_590 = vector.broadcast %broadcast_in_dim3A_589 : i32 to vector<16xi32>
          %gather3A_591 = tpu.vector_load_idx %arg12[%broadcast_in_dim3A_590, %get3A_207] : memref<32x768xf32, #tpu.memory_space<vmem>>[vector<16xi32>, vector<16xi32>], vector<16xf32>,
          %gather3A_592 = tpu.vector_load_idx %arg13[%broadcast_in_dim3A_590, %get3A_207] : memref<32x768xf32, #tpu.memory_space<vmem>>[vector<16xi32>, vector<16xi32>], vector<16xf32>,
          %mul3A_593 = arith.constant 32 : i32
          %mul3A_594 = vector.broadcast %mul3A_593 : i32 to vector<16xi32>
          %mul3A_595 = arith.muli %iota3A, %mul3A_594 : vector<16xi32>
          %add3A_596 = vector.broadcast %mul3A_180 : i32 to vector<16xi32>
          %add3A_597 = arith.addi %add3A_596, %mul3A_595 : vector<16xi32>
          %add3A_598 = arith.constant 19 : i32
          %add3A_599 = vector.broadcast %add3A_598 : i32 to vector<16xi32>
          %add3A_600 = arith.addi %add3A_597, %add3A_599 : vector<16xi32>
          tpu.vector_store_idx %arg14[%add3A_600], %gather3A_591 : memref<4096xf32, #tpu.memory_space<vmem>>[vector<16xi32>], vector<16xf32>,
          %mul3A_601 = arith.constant 32 : i32
          %mul3A_602 = vector.broadcast %mul3A_601 : i32 to vector<16xi32>
          %mul3A_603 = arith.muli %iota3A, %mul3A_602 : vector<16xi32>
          %add3A_604 = vector.broadcast %mul3A_180 : i32 to vector<16xi32>
          %add3A_605 = arith.addi %add3A_604, %mul3A_603 : vector<16xi32>
          %add3A_606 = arith.constant 19 : i32
          %add3A_607 = vector.broadcast %add3A_606 : i32 to vector<16xi32>
          %add3A_608 = arith.addi %add3A_605, %add3A_607 : vector<16xi32>
          tpu.vector_store_idx %arg15[%add3A_608], %gather3A_592 : memref<4096xf32, #tpu.memory_space<vmem>>[vector<16xi32>], vector<16xf32>,
          %broadcast_in_dim3A_609 = arith.constant 20 : i32
          %broadcast_in_dim3A_610 = vector.broadcast %broadcast_in_dim3A_609 : i32 to vector<16xi32>
          %gather3A_611 = tpu.vector_load_idx %arg12[%broadcast_in_dim3A_610, %get3A_207] : memref<32x768xf32, #tpu.memory_space<vmem>>[vector<16xi32>, vector<16xi32>], vector<16xf32>,
          %gather3A_612 = tpu.vector_load_idx %arg13[%broadcast_in_dim3A_610, %get3A_207] : memref<32x768xf32, #tpu.memory_space<vmem>>[vector<16xi32>, vector<16xi32>], vector<16xf32>,
          %mul3A_613 = arith.constant 32 : i32
          %mul3A_614 = vector.broadcast %mul3A_613 : i32 to vector<16xi32>
          %mul3A_615 = arith.muli %iota3A, %mul3A_614 : vector<16xi32>
          %add3A_616 = vector.broadcast %mul3A_180 : i32 to vector<16xi32>
          %add3A_617 = arith.addi %add3A_616, %mul3A_615 : vector<16xi32>
          %add3A_618 = arith.constant 20 : i32
          %add3A_619 = vector.broadcast %add3A_618 : i32 to vector<16xi32>
          %add3A_620 = arith.addi %add3A_617, %add3A_619 : vector<16xi32>
          tpu.vector_store_idx %arg14[%add3A_620], %gather3A_611 : memref<4096xf32, #tpu.memory_space<vmem>>[vector<16xi32>], vector<16xf32>,
          %mul3A_621 = arith.constant 32 : i32
          %mul3A_622 = vector.broadcast %mul3A_621 : i32 to vector<16xi32>
          %mul3A_623 = arith.muli %iota3A, %mul3A_622 : vector<16xi32>
          %add3A_624 = vector.broadcast %mul3A_180 : i32 to vector<16xi32>
          %add3A_625 = arith.addi %add3A_624, %mul3A_623 : vector<16xi32>
          %add3A_626 = arith.constant 20 : i32
          %add3A_627 = vector.broadcast %add3A_626 : i32 to vector<16xi32>
          %add3A_628 = arith.addi %add3A_625, %add3A_627 : vector<16xi32>
          tpu.vector_store_idx %arg15[%add3A_628], %gather3A_612 : memref<4096xf32, #tpu.memory_space<vmem>>[vector<16xi32>], vector<16xf32>,
          %broadcast_in_dim3A_629 = arith.constant 21 : i32
          %broadcast_in_dim3A_630 = vector.broadcast %broadcast_in_dim3A_629 : i32 to vector<16xi32>
          %gather3A_631 = tpu.vector_load_idx %arg12[%broadcast_in_dim3A_630, %get3A_207] : memref<32x768xf32, #tpu.memory_space<vmem>>[vector<16xi32>, vector<16xi32>], vector<16xf32>,
          %gather3A_632 = tpu.vector_load_idx %arg13[%broadcast_in_dim3A_630, %get3A_207] : memref<32x768xf32, #tpu.memory_space<vmem>>[vector<16xi32>, vector<16xi32>], vector<16xf32>,
          %mul3A_633 = arith.constant 32 : i32
          %mul3A_634 = vector.broadcast %mul3A_633 : i32 to vector<16xi32>
          %mul3A_635 = arith.muli %iota3A, %mul3A_634 : vector<16xi32>
          %add3A_636 = vector.broadcast %mul3A_180 : i32 to vector<16xi32>
          %add3A_637 = arith.addi %add3A_636, %mul3A_635 : vector<16xi32>
          %add3A_638 = arith.constant 21 : i32
          %add3A_639 = vector.broadcast %add3A_638 : i32 to vector<16xi32>
          %add3A_640 = arith.addi %add3A_637, %add3A_639 : vector<16xi32>
          tpu.vector_store_idx %arg14[%add3A_640], %gather3A_631 : memref<4096xf32, #tpu.memory_space<vmem>>[vector<16xi32>], vector<16xf32>,
          %mul3A_641 = arith.constant 32 : i32
          %mul3A_642 = vector.broadcast %mul3A_641 : i32 to vector<16xi32>
          %mul3A_643 = arith.muli %iota3A, %mul3A_642 : vector<16xi32>
          %add3A_644 = vector.broadcast %mul3A_180 : i32 to vector<16xi32>
          %add3A_645 = arith.addi %add3A_644, %mul3A_643 : vector<16xi32>
          %add3A_646 = arith.constant 21 : i32
          %add3A_647 = vector.broadcast %add3A_646 : i32 to vector<16xi32>
          %add3A_648 = arith.addi %add3A_645, %add3A_647 : vector<16xi32>
          tpu.vector_store_idx %arg15[%add3A_648], %gather3A_632 : memref<4096xf32, #tpu.memory_space<vmem>>[vector<16xi32>], vector<16xf32>,
          %broadcast_in_dim3A_649 = arith.constant 22 : i32
          %broadcast_in_dim3A_650 = vector.broadcast %broadcast_in_dim3A_649 : i32 to vector<16xi32>
          %gather3A_651 = tpu.vector_load_idx %arg12[%broadcast_in_dim3A_650, %get3A_207] : memref<32x768xf32, #tpu.memory_space<vmem>>[vector<16xi32>, vector<16xi32>], vector<16xf32>,
          %gather3A_652 = tpu.vector_load_idx %arg13[%broadcast_in_dim3A_650, %get3A_207] : memref<32x768xf32, #tpu.memory_space<vmem>>[vector<16xi32>, vector<16xi32>], vector<16xf32>,
          %mul3A_653 = arith.constant 32 : i32
          %mul3A_654 = vector.broadcast %mul3A_653 : i32 to vector<16xi32>
          %mul3A_655 = arith.muli %iota3A, %mul3A_654 : vector<16xi32>
          %add3A_656 = vector.broadcast %mul3A_180 : i32 to vector<16xi32>
          %add3A_657 = arith.addi %add3A_656, %mul3A_655 : vector<16xi32>
          %add3A_658 = arith.constant 22 : i32
          %add3A_659 = vector.broadcast %add3A_658 : i32 to vector<16xi32>
          %add3A_660 = arith.addi %add3A_657, %add3A_659 : vector<16xi32>
          tpu.vector_store_idx %arg14[%add3A_660], %gather3A_651 : memref<4096xf32, #tpu.memory_space<vmem>>[vector<16xi32>], vector<16xf32>,
          %mul3A_661 = arith.constant 32 : i32
          %mul3A_662 = vector.broadcast %mul3A_661 : i32 to vector<16xi32>
          %mul3A_663 = arith.muli %iota3A, %mul3A_662 : vector<16xi32>
          %add3A_664 = vector.broadcast %mul3A_180 : i32 to vector<16xi32>
          %add3A_665 = arith.addi %add3A_664, %mul3A_663 : vector<16xi32>
          %add3A_666 = arith.constant 22 : i32
          %add3A_667 = vector.broadcast %add3A_666 : i32 to vector<16xi32>
          %add3A_668 = arith.addi %add3A_665, %add3A_667 : vector<16xi32>
          tpu.vector_store_idx %arg15[%add3A_668], %gather3A_652 : memref<4096xf32, #tpu.memory_space<vmem>>[vector<16xi32>], vector<16xf32>,
          %broadcast_in_dim3A_669 = arith.constant 23 : i32
          %broadcast_in_dim3A_670 = vector.broadcast %broadcast_in_dim3A_669 : i32 to vector<16xi32>
          %gather3A_671 = tpu.vector_load_idx %arg12[%broadcast_in_dim3A_670, %get3A_207] : memref<32x768xf32, #tpu.memory_space<vmem>>[vector<16xi32>, vector<16xi32>], vector<16xf32>,
          %gather3A_672 = tpu.vector_load_idx %arg13[%broadcast_in_dim3A_670, %get3A_207] : memref<32x768xf32, #tpu.memory_space<vmem>>[vector<16xi32>, vector<16xi32>], vector<16xf32>,
          %mul3A_673 = arith.constant 32 : i32
          %mul3A_674 = vector.broadcast %mul3A_673 : i32 to vector<16xi32>
          %mul3A_675 = arith.muli %iota3A, %mul3A_674 : vector<16xi32>
          %add3A_676 = vector.broadcast %mul3A_180 : i32 to vector<16xi32>
          %add3A_677 = arith.addi %add3A_676, %mul3A_675 : vector<16xi32>
          %add3A_678 = arith.constant 23 : i32
          %add3A_679 = vector.broadcast %add3A_678 : i32 to vector<16xi32>
          %add3A_680 = arith.addi %add3A_677, %add3A_679 : vector<16xi32>
          tpu.vector_store_idx %arg14[%add3A_680], %gather3A_671 : memref<4096xf32, #tpu.memory_space<vmem>>[vector<16xi32>], vector<16xf32>,
          %mul3A_681 = arith.constant 32 : i32
          %mul3A_682 = vector.broadcast %mul3A_681 : i32 to vector<16xi32>
          %mul3A_683 = arith.muli %iota3A, %mul3A_682 : vector<16xi32>
          %add3A_684 = vector.broadcast %mul3A_180 : i32 to vector<16xi32>
          %add3A_685 = arith.addi %add3A_684, %mul3A_683 : vector<16xi32>
          %add3A_686 = arith.constant 23 : i32
          %add3A_687 = vector.broadcast %add3A_686 : i32 to vector<16xi32>
          %add3A_688 = arith.addi %add3A_685, %add3A_687 : vector<16xi32>
          tpu.vector_store_idx %arg15[%add3A_688], %gather3A_672 : memref<4096xf32, #tpu.memory_space<vmem>>[vector<16xi32>], vector<16xf32>,
          %broadcast_in_dim3A_689 = arith.constant 24 : i32
          %broadcast_in_dim3A_690 = vector.broadcast %broadcast_in_dim3A_689 : i32 to vector<16xi32>
          %gather3A_691 = tpu.vector_load_idx %arg12[%broadcast_in_dim3A_690, %get3A_207] : memref<32x768xf32, #tpu.memory_space<vmem>>[vector<16xi32>, vector<16xi32>], vector<16xf32>,
          %gather3A_692 = tpu.vector_load_idx %arg13[%broadcast_in_dim3A_690, %get3A_207] : memref<32x768xf32, #tpu.memory_space<vmem>>[vector<16xi32>, vector<16xi32>], vector<16xf32>,
          %mul3A_693 = arith.constant 32 : i32
          %mul3A_694 = vector.broadcast %mul3A_693 : i32 to vector<16xi32>
          %mul3A_695 = arith.muli %iota3A, %mul3A_694 : vector<16xi32>
          %add3A_696 = vector.broadcast %mul3A_180 : i32 to vector<16xi32>
          %add3A_697 = arith.addi %add3A_696, %mul3A_695 : vector<16xi32>
          %add3A_698 = arith.constant 24 : i32
          %add3A_699 = vector.broadcast %add3A_698 : i32 to vector<16xi32>
          %add3A_700 = arith.addi %add3A_697, %add3A_699 : vector<16xi32>
          tpu.vector_store_idx %arg14[%add3A_700], %gather3A_691 : memref<4096xf32, #tpu.memory_space<vmem>>[vector<16xi32>], vector<16xf32>,
          %mul3A_701 = arith.constant 32 : i32
          %mul3A_702 = vector.broadcast %mul3A_701 : i32 to vector<16xi32>
          %mul3A_703 = arith.muli %iota3A, %mul3A_702 : vector<16xi32>
          %add3A_704 = vector.broadcast %mul3A_180 : i32 to vector<16xi32>
          %add3A_705 = arith.addi %add3A_704, %mul3A_703 : vector<16xi32>
          %add3A_706 = arith.constant 24 : i32
          %add3A_707 = vector.broadcast %add3A_706 : i32 to vector<16xi32>
          %add3A_708 = arith.addi %add3A_705, %add3A_707 : vector<16xi32>
          tpu.vector_store_idx %arg15[%add3A_708], %gather3A_692 : memref<4096xf32, #tpu.memory_space<vmem>>[vector<16xi32>], vector<16xf32>,
          %broadcast_in_dim3A_709 = arith.constant 25 : i32
          %broadcast_in_dim3A_710 = vector.broadcast %broadcast_in_dim3A_709 : i32 to vector<16xi32>
          %gather3A_711 = tpu.vector_load_idx %arg12[%broadcast_in_dim3A_710, %get3A_207] : memref<32x768xf32, #tpu.memory_space<vmem>>[vector<16xi32>, vector<16xi32>], vector<16xf32>,
          %gather3A_712 = tpu.vector_load_idx %arg13[%broadcast_in_dim3A_710, %get3A_207] : memref<32x768xf32, #tpu.memory_space<vmem>>[vector<16xi32>, vector<16xi32>], vector<16xf32>,
          %mul3A_713 = arith.constant 32 : i32
          %mul3A_714 = vector.broadcast %mul3A_713 : i32 to vector<16xi32>
          %mul3A_715 = arith.muli %iota3A, %mul3A_714 : vector<16xi32>
          %add3A_716 = vector.broadcast %mul3A_180 : i32 to vector<16xi32>
          %add3A_717 = arith.addi %add3A_716, %mul3A_715 : vector<16xi32>
          %add3A_718 = arith.constant 25 : i32
          %add3A_719 = vector.broadcast %add3A_718 : i32 to vector<16xi32>
          %add3A_720 = arith.addi %add3A_717, %add3A_719 : vector<16xi32>
          tpu.vector_store_idx %arg14[%add3A_720], %gather3A_711 : memref<4096xf32, #tpu.memory_space<vmem>>[vector<16xi32>], vector<16xf32>,
          %mul3A_721 = arith.constant 32 : i32
          %mul3A_722 = vector.broadcast %mul3A_721 : i32 to vector<16xi32>
          %mul3A_723 = arith.muli %iota3A, %mul3A_722 : vector<16xi32>
          %add3A_724 = vector.broadcast %mul3A_180 : i32 to vector<16xi32>
          %add3A_725 = arith.addi %add3A_724, %mul3A_723 : vector<16xi32>
          %add3A_726 = arith.constant 25 : i32
          %add3A_727 = vector.broadcast %add3A_726 : i32 to vector<16xi32>
          %add3A_728 = arith.addi %add3A_725, %add3A_727 : vector<16xi32>
          tpu.vector_store_idx %arg15[%add3A_728], %gather3A_712 : memref<4096xf32, #tpu.memory_space<vmem>>[vector<16xi32>], vector<16xf32>,
          %broadcast_in_dim3A_729 = arith.constant 26 : i32
          %broadcast_in_dim3A_730 = vector.broadcast %broadcast_in_dim3A_729 : i32 to vector<16xi32>
          %gather3A_731 = tpu.vector_load_idx %arg12[%broadcast_in_dim3A_730, %get3A_207] : memref<32x768xf32, #tpu.memory_space<vmem>>[vector<16xi32>, vector<16xi32>], vector<16xf32>,
          %gather3A_732 = tpu.vector_load_idx %arg13[%broadcast_in_dim3A_730, %get3A_207] : memref<32x768xf32, #tpu.memory_space<vmem>>[vector<16xi32>, vector<16xi32>], vector<16xf32>,
          %mul3A_733 = arith.constant 32 : i32
          %mul3A_734 = vector.broadcast %mul3A_733 : i32 to vector<16xi32>
          %mul3A_735 = arith.muli %iota3A, %mul3A_734 : vector<16xi32>
          %add3A_736 = vector.broadcast %mul3A_180 : i32 to vector<16xi32>
          %add3A_737 = arith.addi %add3A_736, %mul3A_735 : vector<16xi32>
          %add3A_738 = arith.constant 26 : i32
          %add3A_739 = vector.broadcast %add3A_738 : i32 to vector<16xi32>
          %add3A_740 = arith.addi %add3A_737, %add3A_739 : vector<16xi32>
          tpu.vector_store_idx %arg14[%add3A_740], %gather3A_731 : memref<4096xf32, #tpu.memory_space<vmem>>[vector<16xi32>], vector<16xf32>,
          %mul3A_741 = arith.constant 32 : i32
          %mul3A_742 = vector.broadcast %mul3A_741 : i32 to vector<16xi32>
          %mul3A_743 = arith.muli %iota3A, %mul3A_742 : vector<16xi32>
          %add3A_744 = vector.broadcast %mul3A_180 : i32 to vector<16xi32>
          %add3A_745 = arith.addi %add3A_744, %mul3A_743 : vector<16xi32>
          %add3A_746 = arith.constant 26 : i32
          %add3A_747 = vector.broadcast %add3A_746 : i32 to vector<16xi32>
          %add3A_748 = arith.addi %add3A_745, %add3A_747 : vector<16xi32>
          tpu.vector_store_idx %arg15[%add3A_748], %gather3A_732 : memref<4096xf32, #tpu.memory_space<vmem>>[vector<16xi32>], vector<16xf32>,
          %broadcast_in_dim3A_749 = arith.constant 27 : i32
          %broadcast_in_dim3A_750 = vector.broadcast %broadcast_in_dim3A_749 : i32 to vector<16xi32>
          %gather3A_751 = tpu.vector_load_idx %arg12[%broadcast_in_dim3A_750, %get3A_207] : memref<32x768xf32, #tpu.memory_space<vmem>>[vector<16xi32>, vector<16xi32>], vector<16xf32>,
          %gather3A_752 = tpu.vector_load_idx %arg13[%broadcast_in_dim3A_750, %get3A_207] : memref<32x768xf32, #tpu.memory_space<vmem>>[vector<16xi32>, vector<16xi32>], vector<16xf32>,
          %mul3A_753 = arith.constant 32 : i32
          %mul3A_754 = vector.broadcast %mul3A_753 : i32 to vector<16xi32>
          %mul3A_755 = arith.muli %iota3A, %mul3A_754 : vector<16xi32>
          %add3A_756 = vector.broadcast %mul3A_180 : i32 to vector<16xi32>
          %add3A_757 = arith.addi %add3A_756, %mul3A_755 : vector<16xi32>
          %add3A_758 = arith.constant 27 : i32
          %add3A_759 = vector.broadcast %add3A_758 : i32 to vector<16xi32>
          %add3A_760 = arith.addi %add3A_757, %add3A_759 : vector<16xi32>
          tpu.vector_store_idx %arg14[%add3A_760], %gather3A_751 : memref<4096xf32, #tpu.memory_space<vmem>>[vector<16xi32>], vector<16xf32>,
          %mul3A_761 = arith.constant 32 : i32
          %mul3A_762 = vector.broadcast %mul3A_761 : i32 to vector<16xi32>
          %mul3A_763 = arith.muli %iota3A, %mul3A_762 : vector<16xi32>
          %add3A_764 = vector.broadcast %mul3A_180 : i32 to vector<16xi32>
          %add3A_765 = arith.addi %add3A_764, %mul3A_763 : vector<16xi32>
          %add3A_766 = arith.constant 27 : i32
          %add3A_767 = vector.broadcast %add3A_766 : i32 to vector<16xi32>
          %add3A_768 = arith.addi %add3A_765, %add3A_767 : vector<16xi32>
          tpu.vector_store_idx %arg15[%add3A_768], %gather3A_752 : memref<4096xf32, #tpu.memory_space<vmem>>[vector<16xi32>], vector<16xf32>,
          %broadcast_in_dim3A_769 = arith.constant 28 : i32
          %broadcast_in_dim3A_770 = vector.broadcast %broadcast_in_dim3A_769 : i32 to vector<16xi32>
          %gather3A_771 = tpu.vector_load_idx %arg12[%broadcast_in_dim3A_770, %get3A_207] : memref<32x768xf32, #tpu.memory_space<vmem>>[vector<16xi32>, vector<16xi32>], vector<16xf32>,
          %gather3A_772 = tpu.vector_load_idx %arg13[%broadcast_in_dim3A_770, %get3A_207] : memref<32x768xf32, #tpu.memory_space<vmem>>[vector<16xi32>, vector<16xi32>], vector<16xf32>,
          %mul3A_773 = arith.constant 32 : i32
          %mul3A_774 = vector.broadcast %mul3A_773 : i32 to vector<16xi32>
          %mul3A_775 = arith.muli %iota3A, %mul3A_774 : vector<16xi32>
          %add3A_776 = vector.broadcast %mul3A_180 : i32 to vector<16xi32>
          %add3A_777 = arith.addi %add3A_776, %mul3A_775 : vector<16xi32>
          %add3A_778 = arith.constant 28 : i32
          %add3A_779 = vector.broadcast %add3A_778 : i32 to vector<16xi32>
          %add3A_780 = arith.addi %add3A_777, %add3A_779 : vector<16xi32>
          tpu.vector_store_idx %arg14[%add3A_780], %gather3A_771 : memref<4096xf32, #tpu.memory_space<vmem>>[vector<16xi32>], vector<16xf32>,
          %mul3A_781 = arith.constant 32 : i32
          %mul3A_782 = vector.broadcast %mul3A_781 : i32 to vector<16xi32>
          %mul3A_783 = arith.muli %iota3A, %mul3A_782 : vector<16xi32>
          %add3A_784 = vector.broadcast %mul3A_180 : i32 to vector<16xi32>
          %add3A_785 = arith.addi %add3A_784, %mul3A_783 : vector<16xi32>
          %add3A_786 = arith.constant 28 : i32
          %add3A_787 = vector.broadcast %add3A_786 : i32 to vector<16xi32>
          %add3A_788 = arith.addi %add3A_785, %add3A_787 : vector<16xi32>
          tpu.vector_store_idx %arg15[%add3A_788], %gather3A_772 : memref<4096xf32, #tpu.memory_space<vmem>>[vector<16xi32>], vector<16xf32>,
          %broadcast_in_dim3A_789 = arith.constant 29 : i32
          %broadcast_in_dim3A_790 = vector.broadcast %broadcast_in_dim3A_789 : i32 to vector<16xi32>
          %gather3A_791 = tpu.vector_load_idx %arg12[%broadcast_in_dim3A_790, %get3A_207] : memref<32x768xf32, #tpu.memory_space<vmem>>[vector<16xi32>, vector<16xi32>], vector<16xf32>,
          %gather3A_792 = tpu.vector_load_idx %arg13[%broadcast_in_dim3A_790, %get3A_207] : memref<32x768xf32, #tpu.memory_space<vmem>>[vector<16xi32>, vector<16xi32>], vector<16xf32>,
          %mul3A_793 = arith.constant 32 : i32
          %mul3A_794 = vector.broadcast %mul3A_793 : i32 to vector<16xi32>
          %mul3A_795 = arith.muli %iota3A, %mul3A_794 : vector<16xi32>
          %add3A_796 = vector.broadcast %mul3A_180 : i32 to vector<16xi32>
          %add3A_797 = arith.addi %add3A_796, %mul3A_795 : vector<16xi32>
          %add3A_798 = arith.constant 29 : i32
          %add3A_799 = vector.broadcast %add3A_798 : i32 to vector<16xi32>
          %add3A_800 = arith.addi %add3A_797, %add3A_799 : vector<16xi32>
          tpu.vector_store_idx %arg14[%add3A_800], %gather3A_791 : memref<4096xf32, #tpu.memory_space<vmem>>[vector<16xi32>], vector<16xf32>,
          %mul3A_801 = arith.constant 32 : i32
          %mul3A_802 = vector.broadcast %mul3A_801 : i32 to vector<16xi32>
          %mul3A_803 = arith.muli %iota3A, %mul3A_802 : vector<16xi32>
          %add3A_804 = vector.broadcast %mul3A_180 : i32 to vector<16xi32>
          %add3A_805 = arith.addi %add3A_804, %mul3A_803 : vector<16xi32>
          %add3A_806 = arith.constant 29 : i32
          %add3A_807 = vector.broadcast %add3A_806 : i32 to vector<16xi32>
          %add3A_808 = arith.addi %add3A_805, %add3A_807 : vector<16xi32>
          tpu.vector_store_idx %arg15[%add3A_808], %gather3A_792 : memref<4096xf32, #tpu.memory_space<vmem>>[vector<16xi32>], vector<16xf32>,
          %broadcast_in_dim3A_809 = arith.constant 30 : i32
          %broadcast_in_dim3A_810 = vector.broadcast %broadcast_in_dim3A_809 : i32 to vector<16xi32>
          %gather3A_811 = tpu.vector_load_idx %arg12[%broadcast_in_dim3A_810, %get3A_207] : memref<32x768xf32, #tpu.memory_space<vmem>>[vector<16xi32>, vector<16xi32>], vector<16xf32>,
          %gather3A_812 = tpu.vector_load_idx %arg13[%broadcast_in_dim3A_810, %get3A_207] : memref<32x768xf32, #tpu.memory_space<vmem>>[vector<16xi32>, vector<16xi32>], vector<16xf32>,
          %mul3A_813 = arith.constant 32 : i32
          %mul3A_814 = vector.broadcast %mul3A_813 : i32 to vector<16xi32>
          %mul3A_815 = arith.muli %iota3A, %mul3A_814 : vector<16xi32>
          %add3A_816 = vector.broadcast %mul3A_180 : i32 to vector<16xi32>
          %add3A_817 = arith.addi %add3A_816, %mul3A_815 : vector<16xi32>
          %add3A_818 = arith.constant 30 : i32
          %add3A_819 = vector.broadcast %add3A_818 : i32 to vector<16xi32>
          %add3A_820 = arith.addi %add3A_817, %add3A_819 : vector<16xi32>
          tpu.vector_store_idx %arg14[%add3A_820], %gather3A_811 : memref<4096xf32, #tpu.memory_space<vmem>>[vector<16xi32>], vector<16xf32>,
          %mul3A_821 = arith.constant 32 : i32
          %mul3A_822 = vector.broadcast %mul3A_821 : i32 to vector<16xi32>
          %mul3A_823 = arith.muli %iota3A, %mul3A_822 : vector<16xi32>
          %add3A_824 = vector.broadcast %mul3A_180 : i32 to vector<16xi32>
          %add3A_825 = arith.addi %add3A_824, %mul3A_823 : vector<16xi32>
          %add3A_826 = arith.constant 30 : i32
          %add3A_827 = vector.broadcast %add3A_826 : i32 to vector<16xi32>
          %add3A_828 = arith.addi %add3A_825, %add3A_827 : vector<16xi32>
          tpu.vector_store_idx %arg15[%add3A_828], %gather3A_812 : memref<4096xf32, #tpu.memory_space<vmem>>[vector<16xi32>], vector<16xf32>,
          %broadcast_in_dim3A_829 = arith.constant 31 : i32
          %broadcast_in_dim3A_830 = vector.broadcast %broadcast_in_dim3A_829 : i32 to vector<16xi32>
          %gather3A_831 = tpu.vector_load_idx %arg12[%broadcast_in_dim3A_830, %get3A_207] : memref<32x768xf32, #tpu.memory_space<vmem>>[vector<16xi32>, vector<16xi32>], vector<16xf32>,
          %gather3A_832 = tpu.vector_load_idx %arg13[%broadcast_in_dim3A_830, %get3A_207] : memref<32x768xf32, #tpu.memory_space<vmem>>[vector<16xi32>, vector<16xi32>], vector<16xf32>,
          %mul3A_833 = arith.constant 32 : i32
          %mul3A_834 = vector.broadcast %mul3A_833 : i32 to vector<16xi32>
          %mul3A_835 = arith.muli %iota3A, %mul3A_834 : vector<16xi32>
          %add3A_836 = vector.broadcast %mul3A_180 : i32 to vector<16xi32>
          %add3A_837 = arith.addi %add3A_836, %mul3A_835 : vector<16xi32>
          %add3A_838 = arith.constant 31 : i32
          %add3A_839 = vector.broadcast %add3A_838 : i32 to vector<16xi32>
          %add3A_840 = arith.addi %add3A_837, %add3A_839 : vector<16xi32>
          tpu.vector_store_idx %arg14[%add3A_840], %gather3A_831 : memref<4096xf32, #tpu.memory_space<vmem>>[vector<16xi32>], vector<16xf32>,
          %mul3A_841 = arith.constant 32 : i32
          %mul3A_842 = vector.broadcast %mul3A_841 : i32 to vector<16xi32>
          %mul3A_843 = arith.muli %iota3A, %mul3A_842 : vector<16xi32>
          %add3A_844 = vector.broadcast %mul3A_180 : i32 to vector<16xi32>
          %add3A_845 = arith.addi %add3A_844, %mul3A_843 : vector<16xi32>
          %add3A_846 = arith.constant 31 : i32
          %add3A_847 = vector.broadcast %add3A_846 : i32 to vector<16xi32>
          %add3A_848 = arith.addi %add3A_845, %add3A_847 : vector<16xi32>
          tpu.vector_store_idx %arg15[%add3A_848], %gather3A_832 : memref<4096xf32, #tpu.memory_space<vmem>>[vector<16xi32>], vector<16xf32>,
          %slice3A_849 = vector.extract_strided_slice %get3A_209 {offsets = [0], sizes = [1], strides = [1]} : vector<16xi32> to vector<1xi32>
          %squeeze3A_850 = vector.extract %slice3A_849[0] : i32 from vector<1xi32>
          %add3A_851 = arith.constant 0 : i32
          %add3A_852 = arith.addi %mul3A_180, %add3A_851 : i32
          %mul3A_853 = arith.constant 32 : i32
          %mul3A_854 = arith.muli %squeeze3A_850, %mul3A_853 : i32
          %dma_start3A = tpu.memref_slice %arg14[%add3A_852] : memref<4096xf32, #tpu.memory_space<vmem>> -> memref<32xf32, #tpu.memory_space<vmem>>
          %dma_start3A_855 = tpu.memref_slice %arg8[%mul3A_854] : memref<1064960xf32, #tpu.memory_space<hbm>> -> memref<32xf32, #tpu.memory_space<hbm>>
          %dma_start3A_856 = tpu.memref_slice %arg8[%mul3A_854] : memref<1064960xf32, #tpu.memory_space<hbm>> -> memref<32xf32, #tpu.memory_space<hbm>>
          %dma_start3A_857 = tpu.memref_slice %arg14[%add3A_852] : memref<4096xf32, #tpu.memory_space<vmem>> -> memref<32xf32, #tpu.memory_space<vmem>>
          tpu.enqueue_dma source(%dma_start3A_857 : memref<32xf32, #tpu.memory_space<vmem>>) target(%dma_start3A_856 : memref<32xf32, #tpu.memory_space<hbm>>) target_semaphore(%arg18 : memref<!tpu.dma_semaphore, #tpu.memory_space<semaphore_mem>>)
          %add3A_858 = arith.constant 0 : i32
          %add3A_859 = arith.addi %mul3A_180, %add3A_858 : i32
          %mul3A_860 = arith.constant 32 : i32
          %mul3A_861 = arith.muli %squeeze3A_850, %mul3A_860 : i32
          %dma_start3A_862 = tpu.memref_slice %arg15[%add3A_859] : memref<4096xf32, #tpu.memory_space<vmem>> -> memref<32xf32, #tpu.memory_space<vmem>>
          %dma_start3A_863 = tpu.memref_slice %arg9[%mul3A_861] : memref<1064960xf32, #tpu.memory_space<hbm>> -> memref<32xf32, #tpu.memory_space<hbm>>
          %dma_start3A_864 = tpu.memref_slice %arg9[%mul3A_861] : memref<1064960xf32, #tpu.memory_space<hbm>> -> memref<32xf32, #tpu.memory_space<hbm>>
          %dma_start3A_865 = tpu.memref_slice %arg15[%add3A_859] : memref<4096xf32, #tpu.memory_space<vmem>> -> memref<32xf32, #tpu.memory_space<vmem>>
          tpu.enqueue_dma source(%dma_start3A_865 : memref<32xf32, #tpu.memory_space<vmem>>) target(%dma_start3A_864 : memref<32xf32, #tpu.memory_space<hbm>>) target_semaphore(%arg18 : memref<!tpu.dma_semaphore, #tpu.memory_space<semaphore_mem>>)
          %slice3A_866 = vector.extract_strided_slice %get3A_209 {offsets = [1], sizes = [1], strides = [1]} : vector<16xi32> to vector<1xi32>
          %squeeze3A_867 = vector.extract %slice3A_866[0] : i32 from vector<1xi32>
          %add3A_868 = arith.constant 32 : i32
          %add3A_869 = arith.addi %mul3A_180, %add3A_868 : i32
          %mul3A_870 = arith.constant 32 : i32
          %mul3A_871 = arith.muli %squeeze3A_867, %mul3A_870 : i32
          %dma_start3A_872 = tpu.memref_slice %arg14[%add3A_869] : memref<4096xf32, #tpu.memory_space<vmem>> -> memref<32xf32, #tpu.memory_space<vmem>>
          %dma_start3A_873 = tpu.memref_slice %arg8[%mul3A_871] : memref<1064960xf32, #tpu.memory_space<hbm>> -> memref<32xf32, #tpu.memory_space<hbm>>
          %dma_start3A_874 = tpu.memref_slice %arg8[%mul3A_871] : memref<1064960xf32, #tpu.memory_space<hbm>> -> memref<32xf32, #tpu.memory_space<hbm>>
          %dma_start3A_875 = tpu.memref_slice %arg14[%add3A_869] : memref<4096xf32, #tpu.memory_space<vmem>> -> memref<32xf32, #tpu.memory_space<vmem>>
          tpu.enqueue_dma source(%dma_start3A_875 : memref<32xf32, #tpu.memory_space<vmem>>) target(%dma_start3A_874 : memref<32xf32, #tpu.memory_space<hbm>>) target_semaphore(%arg18 : memref<!tpu.dma_semaphore, #tpu.memory_space<semaphore_mem>>)
          %add3A_876 = arith.constant 32 : i32
          %add3A_877 = arith.addi %mul3A_180, %add3A_876 : i32
          %mul3A_878 = arith.constant 32 : i32
          %mul3A_879 = arith.muli %squeeze3A_867, %mul3A_878 : i32
          %dma_start3A_880 = tpu.memref_slice %arg15[%add3A_877] : memref<4096xf32, #tpu.memory_space<vmem>> -> memref<32xf32, #tpu.memory_space<vmem>>
          %dma_start3A_881 = tpu.memref_slice %arg9[%mul3A_879] : memref<1064960xf32, #tpu.memory_space<hbm>> -> memref<32xf32, #tpu.memory_space<hbm>>
          %dma_start3A_882 = tpu.memref_slice %arg9[%mul3A_879] : memref<1064960xf32, #tpu.memory_space<hbm>> -> memref<32xf32, #tpu.memory_space<hbm>>
          %dma_start3A_883 = tpu.memref_slice %arg15[%add3A_877] : memref<4096xf32, #tpu.memory_space<vmem>> -> memref<32xf32, #tpu.memory_space<vmem>>
          tpu.enqueue_dma source(%dma_start3A_883 : memref<32xf32, #tpu.memory_space<vmem>>) target(%dma_start3A_882 : memref<32xf32, #tpu.memory_space<hbm>>) target_semaphore(%arg18 : memref<!tpu.dma_semaphore, #tpu.memory_space<semaphore_mem>>)
          %slice3A_884 = vector.extract_strided_slice %get3A_209 {offsets = [2], sizes = [1], strides = [1]} : vector<16xi32> to vector<1xi32>
          %squeeze3A_885 = vector.extract %slice3A_884[0] : i32 from vector<1xi32>
          %add3A_886 = arith.constant 64 : i32
          %add3A_887 = arith.addi %mul3A_180, %add3A_886 : i32
          %mul3A_888 = arith.constant 32 : i32
          %mul3A_889 = arith.muli %squeeze3A_885, %mul3A_888 : i32
          %dma_start3A_890 = tpu.memref_slice %arg14[%add3A_887] : memref<4096xf32, #tpu.memory_space<vmem>> -> memref<32xf32, #tpu.memory_space<vmem>>
          %dma_start3A_891 = tpu.memref_slice %arg8[%mul3A_889] : memref<1064960xf32, #tpu.memory_space<hbm>> -> memref<32xf32, #tpu.memory_space<hbm>>
          %dma_start3A_892 = tpu.memref_slice %arg8[%mul3A_889] : memref<1064960xf32, #tpu.memory_space<hbm>> -> memref<32xf32, #tpu.memory_space<hbm>>
          %dma_start3A_893 = tpu.memref_slice %arg14[%add3A_887] : memref<4096xf32, #tpu.memory_space<vmem>> -> memref<32xf32, #tpu.memory_space<vmem>>
          tpu.enqueue_dma source(%dma_start3A_893 : memref<32xf32, #tpu.memory_space<vmem>>) target(%dma_start3A_892 : memref<32xf32, #tpu.memory_space<hbm>>) target_semaphore(%arg18 : memref<!tpu.dma_semaphore, #tpu.memory_space<semaphore_mem>>)
          %add3A_894 = arith.constant 64 : i32
          %add3A_895 = arith.addi %mul3A_180, %add3A_894 : i32
          %mul3A_896 = arith.constant 32 : i32
          %mul3A_897 = arith.muli %squeeze3A_885, %mul3A_896 : i32
          %dma_start3A_898 = tpu.memref_slice %arg15[%add3A_895] : memref<4096xf32, #tpu.memory_space<vmem>> -> memref<32xf32, #tpu.memory_space<vmem>>
          %dma_start3A_899 = tpu.memref_slice %arg9[%mul3A_897] : memref<1064960xf32, #tpu.memory_space<hbm>> -> memref<32xf32, #tpu.memory_space<hbm>>
          %dma_start3A_900 = tpu.memref_slice %arg9[%mul3A_897] : memref<1064960xf32, #tpu.memory_space<hbm>> -> memref<32xf32, #tpu.memory_space<hbm>>
          %dma_start3A_901 = tpu.memref_slice %arg15[%add3A_895] : memref<4096xf32, #tpu.memory_space<vmem>> -> memref<32xf32, #tpu.memory_space<vmem>>
          tpu.enqueue_dma source(%dma_start3A_901 : memref<32xf32, #tpu.memory_space<vmem>>) target(%dma_start3A_900 : memref<32xf32, #tpu.memory_space<hbm>>) target_semaphore(%arg18 : memref<!tpu.dma_semaphore, #tpu.memory_space<semaphore_mem>>)
          %slice3A_902 = vector.extract_strided_slice %get3A_209 {offsets = [3], sizes = [1], strides = [1]} : vector<16xi32> to vector<1xi32>
          %squeeze3A_903 = vector.extract %slice3A_902[0] : i32 from vector<1xi32>
          %add3A_904 = arith.constant 96 : i32
          %add3A_905 = arith.addi %mul3A_180, %add3A_904 : i32
          %mul3A_906 = arith.constant 32 : i32
          %mul3A_907 = arith.muli %squeeze3A_903, %mul3A_906 : i32
          %dma_start3A_908 = tpu.memref_slice %arg14[%add3A_905] : memref<4096xf32, #tpu.memory_space<vmem>> -> memref<32xf32, #tpu.memory_space<vmem>>
          %dma_start3A_909 = tpu.memref_slice %arg8[%mul3A_907] : memref<1064960xf32, #tpu.memory_space<hbm>> -> memref<32xf32, #tpu.memory_space<hbm>>
          %dma_start3A_910 = tpu.memref_slice %arg8[%mul3A_907] : memref<1064960xf32, #tpu.memory_space<hbm>> -> memref<32xf32, #tpu.memory_space<hbm>>
          %dma_start3A_911 = tpu.memref_slice %arg14[%add3A_905] : memref<4096xf32, #tpu.memory_space<vmem>> -> memref<32xf32, #tpu.memory_space<vmem>>
          tpu.enqueue_dma source(%dma_start3A_911 : memref<32xf32, #tpu.memory_space<vmem>>) target(%dma_start3A_910 : memref<32xf32, #tpu.memory_space<hbm>>) target_semaphore(%arg18 : memref<!tpu.dma_semaphore, #tpu.memory_space<semaphore_mem>>)
          %add3A_912 = arith.constant 96 : i32
          %add3A_913 = arith.addi %mul3A_180, %add3A_912 : i32
          %mul3A_914 = arith.constant 32 : i32
          %mul3A_915 = arith.muli %squeeze3A_903, %mul3A_914 : i32
          %dma_start3A_916 = tpu.memref_slice %arg15[%add3A_913] : memref<4096xf32, #tpu.memory_space<vmem>> -> memref<32xf32, #tpu.memory_space<vmem>>
          %dma_start3A_917 = tpu.memref_slice %arg9[%mul3A_915] : memref<1064960xf32, #tpu.memory_space<hbm>> -> memref<32xf32, #tpu.memory_space<hbm>>
          %dma_start3A_918 = tpu.memref_slice %arg9[%mul3A_915] : memref<1064960xf32, #tpu.memory_space<hbm>> -> memref<32xf32, #tpu.memory_space<hbm>>
          %dma_start3A_919 = tpu.memref_slice %arg15[%add3A_913] : memref<4096xf32, #tpu.memory_space<vmem>> -> memref<32xf32, #tpu.memory_space<vmem>>
          tpu.enqueue_dma source(%dma_start3A_919 : memref<32xf32, #tpu.memory_space<vmem>>) target(%dma_start3A_918 : memref<32xf32, #tpu.memory_space<hbm>>) target_semaphore(%arg18 : memref<!tpu.dma_semaphore, #tpu.memory_space<semaphore_mem>>)
          %slice3A_920 = vector.extract_strided_slice %get3A_209 {offsets = [4], sizes = [1], strides = [1]} : vector<16xi32> to vector<1xi32>
          %squeeze3A_921 = vector.extract %slice3A_920[0] : i32 from vector<1xi32>
          %add3A_922 = arith.constant 128 : i32
          %add3A_923 = arith.addi %mul3A_180, %add3A_922 : i32
          %mul3A_924 = arith.constant 32 : i32
          %mul3A_925 = arith.muli %squeeze3A_921, %mul3A_924 : i32
          %dma_start3A_926 = tpu.memref_slice %arg14[%add3A_923] : memref<4096xf32, #tpu.memory_space<vmem>> -> memref<32xf32, #tpu.memory_space<vmem>>
          %dma_start3A_927 = tpu.memref_slice %arg8[%mul3A_925] : memref<1064960xf32, #tpu.memory_space<hbm>> -> memref<32xf32, #tpu.memory_space<hbm>>
          %dma_start3A_928 = tpu.memref_slice %arg8[%mul3A_925] : memref<1064960xf32, #tpu.memory_space<hbm>> -> memref<32xf32, #tpu.memory_space<hbm>>
          %dma_start3A_929 = tpu.memref_slice %arg14[%add3A_923] : memref<4096xf32, #tpu.memory_space<vmem>> -> memref<32xf32, #tpu.memory_space<vmem>>
          tpu.enqueue_dma source(%dma_start3A_929 : memref<32xf32, #tpu.memory_space<vmem>>) target(%dma_start3A_928 : memref<32xf32, #tpu.memory_space<hbm>>) target_semaphore(%arg18 : memref<!tpu.dma_semaphore, #tpu.memory_space<semaphore_mem>>)
          %add3A_930 = arith.constant 128 : i32
          %add3A_931 = arith.addi %mul3A_180, %add3A_930 : i32
          %mul3A_932 = arith.constant 32 : i32
          %mul3A_933 = arith.muli %squeeze3A_921, %mul3A_932 : i32
          %dma_start3A_934 = tpu.memref_slice %arg15[%add3A_931] : memref<4096xf32, #tpu.memory_space<vmem>> -> memref<32xf32, #tpu.memory_space<vmem>>
          %dma_start3A_935 = tpu.memref_slice %arg9[%mul3A_933] : memref<1064960xf32, #tpu.memory_space<hbm>> -> memref<32xf32, #tpu.memory_space<hbm>>
          %dma_start3A_936 = tpu.memref_slice %arg9[%mul3A_933] : memref<1064960xf32, #tpu.memory_space<hbm>> -> memref<32xf32, #tpu.memory_space<hbm>>
          %dma_start3A_937 = tpu.memref_slice %arg15[%add3A_931] : memref<4096xf32, #tpu.memory_space<vmem>> -> memref<32xf32, #tpu.memory_space<vmem>>
          tpu.enqueue_dma source(%dma_start3A_937 : memref<32xf32, #tpu.memory_space<vmem>>) target(%dma_start3A_936 : memref<32xf32, #tpu.memory_space<hbm>>) target_semaphore(%arg18 : memref<!tpu.dma_semaphore, #tpu.memory_space<semaphore_mem>>)
          %slice3A_938 = vector.extract_strided_slice %get3A_209 {offsets = [5], sizes = [1], strides = [1]} : vector<16xi32> to vector<1xi32>
          %squeeze3A_939 = vector.extract %slice3A_938[0] : i32 from vector<1xi32>
          %add3A_940 = arith.constant 160 : i32
          %add3A_941 = arith.addi %mul3A_180, %add3A_940 : i32
          %mul3A_942 = arith.constant 32 : i32
          %mul3A_943 = arith.muli %squeeze3A_939, %mul3A_942 : i32
          %dma_start3A_944 = tpu.memref_slice %arg14[%add3A_941] : memref<4096xf32, #tpu.memory_space<vmem>> -> memref<32xf32, #tpu.memory_space<vmem>>
          %dma_start3A_945 = tpu.memref_slice %arg8[%mul3A_943] : memref<1064960xf32, #tpu.memory_space<hbm>> -> memref<32xf32, #tpu.memory_space<hbm>>
          %dma_start3A_946 = tpu.memref_slice %arg8[%mul3A_943] : memref<1064960xf32, #tpu.memory_space<hbm>> -> memref<32xf32, #tpu.memory_space<hbm>>
          %dma_start3A_947 = tpu.memref_slice %arg14[%add3A_941] : memref<4096xf32, #tpu.memory_space<vmem>> -> memref<32xf32, #tpu.memory_space<vmem>>
          tpu.enqueue_dma source(%dma_start3A_947 : memref<32xf32, #tpu.memory_space<vmem>>) target(%dma_start3A_946 : memref<32xf32, #tpu.memory_space<hbm>>) target_semaphore(%arg18 : memref<!tpu.dma_semaphore, #tpu.memory_space<semaphore_mem>>)
          %add3A_948 = arith.constant 160 : i32
          %add3A_949 = arith.addi %mul3A_180, %add3A_948 : i32
          %mul3A_950 = arith.constant 32 : i32
          %mul3A_951 = arith.muli %squeeze3A_939, %mul3A_950 : i32
          %dma_start3A_952 = tpu.memref_slice %arg15[%add3A_949] : memref<4096xf32, #tpu.memory_space<vmem>> -> memref<32xf32, #tpu.memory_space<vmem>>
          %dma_start3A_953 = tpu.memref_slice %arg9[%mul3A_951] : memref<1064960xf32, #tpu.memory_space<hbm>> -> memref<32xf32, #tpu.memory_space<hbm>>
          %dma_start3A_954 = tpu.memref_slice %arg9[%mul3A_951] : memref<1064960xf32, #tpu.memory_space<hbm>> -> memref<32xf32, #tpu.memory_space<hbm>>
          %dma_start3A_955 = tpu.memref_slice %arg15[%add3A_949] : memref<4096xf32, #tpu.memory_space<vmem>> -> memref<32xf32, #tpu.memory_space<vmem>>
          tpu.enqueue_dma source(%dma_start3A_955 : memref<32xf32, #tpu.memory_space<vmem>>) target(%dma_start3A_954 : memref<32xf32, #tpu.memory_space<hbm>>) target_semaphore(%arg18 : memref<!tpu.dma_semaphore, #tpu.memory_space<semaphore_mem>>)
          %slice3A_956 = vector.extract_strided_slice %get3A_209 {offsets = [6], sizes = [1], strides = [1]} : vector<16xi32> to vector<1xi32>
          %squeeze3A_957 = vector.extract %slice3A_956[0] : i32 from vector<1xi32>
          %add3A_958 = arith.constant 192 : i32
          %add3A_959 = arith.addi %mul3A_180, %add3A_958 : i32
          %mul3A_960 = arith.constant 32 : i32
          %mul3A_961 = arith.muli %squeeze3A_957, %mul3A_960 : i32
          %dma_start3A_962 = tpu.memref_slice %arg14[%add3A_959] : memref<4096xf32, #tpu.memory_space<vmem>> -> memref<32xf32, #tpu.memory_space<vmem>>
          %dma_start3A_963 = tpu.memref_slice %arg8[%mul3A_961] : memref<1064960xf32, #tpu.memory_space<hbm>> -> memref<32xf32, #tpu.memory_space<hbm>>
          %dma_start3A_964 = tpu.memref_slice %arg8[%mul3A_961] : memref<1064960xf32, #tpu.memory_space<hbm>> -> memref<32xf32, #tpu.memory_space<hbm>>
          %dma_start3A_965 = tpu.memref_slice %arg14[%add3A_959] : memref<4096xf32, #tpu.memory_space<vmem>> -> memref<32xf32, #tpu.memory_space<vmem>>
          tpu.enqueue_dma source(%dma_start3A_965 : memref<32xf32, #tpu.memory_space<vmem>>) target(%dma_start3A_964 : memref<32xf32, #tpu.memory_space<hbm>>) target_semaphore(%arg18 : memref<!tpu.dma_semaphore, #tpu.memory_space<semaphore_mem>>)
          %add3A_966 = arith.constant 192 : i32
          %add3A_967 = arith.addi %mul3A_180, %add3A_966 : i32
          %mul3A_968 = arith.constant 32 : i32
          %mul3A_969 = arith.muli %squeeze3A_957, %mul3A_968 : i32
          %dma_start3A_970 = tpu.memref_slice %arg15[%add3A_967] : memref<4096xf32, #tpu.memory_space<vmem>> -> memref<32xf32, #tpu.memory_space<vmem>>
          %dma_start3A_971 = tpu.memref_slice %arg9[%mul3A_969] : memref<1064960xf32, #tpu.memory_space<hbm>> -> memref<32xf32, #tpu.memory_space<hbm>>
          %dma_start3A_972 = tpu.memref_slice %arg9[%mul3A_969] : memref<1064960xf32, #tpu.memory_space<hbm>> -> memref<32xf32, #tpu.memory_space<hbm>>
          %dma_start3A_973 = tpu.memref_slice %arg15[%add3A_967] : memref<4096xf32, #tpu.memory_space<vmem>> -> memref<32xf32, #tpu.memory_space<vmem>>
          tpu.enqueue_dma source(%dma_start3A_973 : memref<32xf32, #tpu.memory_space<vmem>>) target(%dma_start3A_972 : memref<32xf32, #tpu.memory_space<hbm>>) target_semaphore(%arg18 : memref<!tpu.dma_semaphore, #tpu.memory_space<semaphore_mem>>)
          %slice3A_974 = vector.extract_strided_slice %get3A_209 {offsets = [7], sizes = [1], strides = [1]} : vector<16xi32> to vector<1xi32>
          %squeeze3A_975 = vector.extract %slice3A_974[0] : i32 from vector<1xi32>
          %add3A_976 = arith.constant 224 : i32
          %add3A_977 = arith.addi %mul3A_180, %add3A_976 : i32
          %mul3A_978 = arith.constant 32 : i32
          %mul3A_979 = arith.muli %squeeze3A_975, %mul3A_978 : i32
          %dma_start3A_980 = tpu.memref_slice %arg14[%add3A_977] : memref<4096xf32, #tpu.memory_space<vmem>> -> memref<32xf32, #tpu.memory_space<vmem>>
          %dma_start3A_981 = tpu.memref_slice %arg8[%mul3A_979] : memref<1064960xf32, #tpu.memory_space<hbm>> -> memref<32xf32, #tpu.memory_space<hbm>>
          %dma_start3A_982 = tpu.memref_slice %arg8[%mul3A_979] : memref<1064960xf32, #tpu.memory_space<hbm>> -> memref<32xf32, #tpu.memory_space<hbm>>
          %dma_start3A_983 = tpu.memref_slice %arg14[%add3A_977] : memref<4096xf32, #tpu.memory_space<vmem>> -> memref<32xf32, #tpu.memory_space<vmem>>
          tpu.enqueue_dma source(%dma_start3A_983 : memref<32xf32, #tpu.memory_space<vmem>>) target(%dma_start3A_982 : memref<32xf32, #tpu.memory_space<hbm>>) target_semaphore(%arg18 : memref<!tpu.dma_semaphore, #tpu.memory_space<semaphore_mem>>)
          %add3A_984 = arith.constant 224 : i32
          %add3A_985 = arith.addi %mul3A_180, %add3A_984 : i32
          %mul3A_986 = arith.constant 32 : i32
          %mul3A_987 = arith.muli %squeeze3A_975, %mul3A_986 : i32
          %dma_start3A_988 = tpu.memref_slice %arg15[%add3A_985] : memref<4096xf32, #tpu.memory_space<vmem>> -> memref<32xf32, #tpu.memory_space<vmem>>
          %dma_start3A_989 = tpu.memref_slice %arg9[%mul3A_987] : memref<1064960xf32, #tpu.memory_space<hbm>> -> memref<32xf32, #tpu.memory_space<hbm>>
          %dma_start3A_990 = tpu.memref_slice %arg9[%mul3A_987] : memref<1064960xf32, #tpu.memory_space<hbm>> -> memref<32xf32, #tpu.memory_space<hbm>>
          %dma_start3A_991 = tpu.memref_slice %arg15[%add3A_985] : memref<4096xf32, #tpu.memory_space<vmem>> -> memref<32xf32, #tpu.memory_space<vmem>>
          tpu.enqueue_dma source(%dma_start3A_991 : memref<32xf32, #tpu.memory_space<vmem>>) target(%dma_start3A_990 : memref<32xf32, #tpu.memory_space<hbm>>) target_semaphore(%arg18 : memref<!tpu.dma_semaphore, #tpu.memory_space<semaphore_mem>>)
          %slice3A_992 = vector.extract_strided_slice %get3A_209 {offsets = [8], sizes = [1], strides = [1]} : vector<16xi32> to vector<1xi32>
          %squeeze3A_993 = vector.extract %slice3A_992[0] : i32 from vector<1xi32>
          %add3A_994 = arith.constant 256 : i32
          %add3A_995 = arith.addi %mul3A_180, %add3A_994 : i32
          %mul3A_996 = arith.constant 32 : i32
          %mul3A_997 = arith.muli %squeeze3A_993, %mul3A_996 : i32
          %dma_start3A_998 = tpu.memref_slice %arg14[%add3A_995] : memref<4096xf32, #tpu.memory_space<vmem>> -> memref<32xf32, #tpu.memory_space<vmem>>
          %dma_start3A_999 = tpu.memref_slice %arg8[%mul3A_997] : memref<1064960xf32, #tpu.memory_space<hbm>> -> memref<32xf32, #tpu.memory_space<hbm>>
          %dma_start3A_1000 = tpu.memref_slice %arg8[%mul3A_997] : memref<1064960xf32, #tpu.memory_space<hbm>> -> memref<32xf32, #tpu.memory_space<hbm>>
          %dma_start3A_1001 = tpu.memref_slice %arg14[%add3A_995] : memref<4096xf32, #tpu.memory_space<vmem>> -> memref<32xf32, #tpu.memory_space<vmem>>
          tpu.enqueue_dma source(%dma_start3A_1001 : memref<32xf32, #tpu.memory_space<vmem>>) target(%dma_start3A_1000 : memref<32xf32, #tpu.memory_space<hbm>>) target_semaphore(%arg18 : memref<!tpu.dma_semaphore, #tpu.memory_space<semaphore_mem>>)
          %add3A_1002 = arith.constant 256 : i32
          %add3A_1003 = arith.addi %mul3A_180, %add3A_1002 : i32
          %mul3A_1004 = arith.constant 32 : i32
          %mul3A_1005 = arith.muli %squeeze3A_993, %mul3A_1004 : i32
          %dma_start3A_1006 = tpu.memref_slice %arg15[%add3A_1003] : memref<4096xf32, #tpu.memory_space<vmem>> -> memref<32xf32, #tpu.memory_space<vmem>>
          %dma_start3A_1007 = tpu.memref_slice %arg9[%mul3A_1005] : memref<1064960xf32, #tpu.memory_space<hbm>> -> memref<32xf32, #tpu.memory_space<hbm>>
          %dma_start3A_1008 = tpu.memref_slice %arg9[%mul3A_1005] : memref<1064960xf32, #tpu.memory_space<hbm>> -> memref<32xf32, #tpu.memory_space<hbm>>
          %dma_start3A_1009 = tpu.memref_slice %arg15[%add3A_1003] : memref<4096xf32, #tpu.memory_space<vmem>> -> memref<32xf32, #tpu.memory_space<vmem>>
          tpu.enqueue_dma source(%dma_start3A_1009 : memref<32xf32, #tpu.memory_space<vmem>>) target(%dma_start3A_1008 : memref<32xf32, #tpu.memory_space<hbm>>) target_semaphore(%arg18 : memref<!tpu.dma_semaphore, #tpu.memory_space<semaphore_mem>>)
          %slice3A_1010 = vector.extract_strided_slice %get3A_209 {offsets = [9], sizes = [1], strides = [1]} : vector<16xi32> to vector<1xi32>
          %squeeze3A_1011 = vector.extract %slice3A_1010[0] : i32 from vector<1xi32>
          %add3A_1012 = arith.constant 288 : i32
          %add3A_1013 = arith.addi %mul3A_180, %add3A_1012 : i32
          %mul3A_1014 = arith.constant 32 : i32
          %mul3A_1015 = arith.muli %squeeze3A_1011, %mul3A_1014 : i32
          %dma_start3A_1016 = tpu.memref_slice %arg14[%add3A_1013] : memref<4096xf32, #tpu.memory_space<vmem>> -> memref<32xf32, #tpu.memory_space<vmem>>
          %dma_start3A_1017 = tpu.memref_slice %arg8[%mul3A_1015] : memref<1064960xf32, #tpu.memory_space<hbm>> -> memref<32xf32, #tpu.memory_space<hbm>>
          %dma_start3A_1018 = tpu.memref_slice %arg8[%mul3A_1015] : memref<1064960xf32, #tpu.memory_space<hbm>> -> memref<32xf32, #tpu.memory_space<hbm>>
          %dma_start3A_1019 = tpu.memref_slice %arg14[%add3A_1013] : memref<4096xf32, #tpu.memory_space<vmem>> -> memref<32xf32, #tpu.memory_space<vmem>>
          tpu.enqueue_dma source(%dma_start3A_1019 : memref<32xf32, #tpu.memory_space<vmem>>) target(%dma_start3A_1018 : memref<32xf32, #tpu.memory_space<hbm>>) target_semaphore(%arg18 : memref<!tpu.dma_semaphore, #tpu.memory_space<semaphore_mem>>)
          %add3A_1020 = arith.constant 288 : i32
          %add3A_1021 = arith.addi %mul3A_180, %add3A_1020 : i32
          %mul3A_1022 = arith.constant 32 : i32
          %mul3A_1023 = arith.muli %squeeze3A_1011, %mul3A_1022 : i32
          %dma_start3A_1024 = tpu.memref_slice %arg15[%add3A_1021] : memref<4096xf32, #tpu.memory_space<vmem>> -> memref<32xf32, #tpu.memory_space<vmem>>
          %dma_start3A_1025 = tpu.memref_slice %arg9[%mul3A_1023] : memref<1064960xf32, #tpu.memory_space<hbm>> -> memref<32xf32, #tpu.memory_space<hbm>>
          %dma_start3A_1026 = tpu.memref_slice %arg9[%mul3A_1023] : memref<1064960xf32, #tpu.memory_space<hbm>> -> memref<32xf32, #tpu.memory_space<hbm>>
          %dma_start3A_1027 = tpu.memref_slice %arg15[%add3A_1021] : memref<4096xf32, #tpu.memory_space<vmem>> -> memref<32xf32, #tpu.memory_space<vmem>>
          tpu.enqueue_dma source(%dma_start3A_1027 : memref<32xf32, #tpu.memory_space<vmem>>) target(%dma_start3A_1026 : memref<32xf32, #tpu.memory_space<hbm>>) target_semaphore(%arg18 : memref<!tpu.dma_semaphore, #tpu.memory_space<semaphore_mem>>)
          %slice3A_1028 = vector.extract_strided_slice %get3A_209 {offsets = [10], sizes = [1], strides = [1]} : vector<16xi32> to vector<1xi32>
          %squeeze3A_1029 = vector.extract %slice3A_1028[0] : i32 from vector<1xi32>
          %add3A_1030 = arith.constant 320 : i32
          %add3A_1031 = arith.addi %mul3A_180, %add3A_1030 : i32
          %mul3A_1032 = arith.constant 32 : i32
          %mul3A_1033 = arith.muli %squeeze3A_1029, %mul3A_1032 : i32
          %dma_start3A_1034 = tpu.memref_slice %arg14[%add3A_1031] : memref<4096xf32, #tpu.memory_space<vmem>> -> memref<32xf32, #tpu.memory_space<vmem>>
          %dma_start3A_1035 = tpu.memref_slice %arg8[%mul3A_1033] : memref<1064960xf32, #tpu.memory_space<hbm>> -> memref<32xf32, #tpu.memory_space<hbm>>
          %dma_start3A_1036 = tpu.memref_slice %arg8[%mul3A_1033] : memref<1064960xf32, #tpu.memory_space<hbm>> -> memref<32xf32, #tpu.memory_space<hbm>>
          %dma_start3A_1037 = tpu.memref_slice %arg14[%add3A_1031] : memref<4096xf32, #tpu.memory_space<vmem>> -> memref<32xf32, #tpu.memory_space<vmem>>
          tpu.enqueue_dma source(%dma_start3A_1037 : memref<32xf32, #tpu.memory_space<vmem>>) target(%dma_start3A_1036 : memref<32xf32, #tpu.memory_space<hbm>>) target_semaphore(%arg18 : memref<!tpu.dma_semaphore, #tpu.memory_space<semaphore_mem>>)
          %add3A_1038 = arith.constant 320 : i32
          %add3A_1039 = arith.addi %mul3A_180, %add3A_1038 : i32
          %mul3A_1040 = arith.constant 32 : i32
          %mul3A_1041 = arith.muli %squeeze3A_1029, %mul3A_1040 : i32
          %dma_start3A_1042 = tpu.memref_slice %arg15[%add3A_1039] : memref<4096xf32, #tpu.memory_space<vmem>> -> memref<32xf32, #tpu.memory_space<vmem>>
          %dma_start3A_1043 = tpu.memref_slice %arg9[%mul3A_1041] : memref<1064960xf32, #tpu.memory_space<hbm>> -> memref<32xf32, #tpu.memory_space<hbm>>
          %dma_start3A_1044 = tpu.memref_slice %arg9[%mul3A_1041] : memref<1064960xf32, #tpu.memory_space<hbm>> -> memref<32xf32, #tpu.memory_space<hbm>>
          %dma_start3A_1045 = tpu.memref_slice %arg15[%add3A_1039] : memref<4096xf32, #tpu.memory_space<vmem>> -> memref<32xf32, #tpu.memory_space<vmem>>
          tpu.enqueue_dma source(%dma_start3A_1045 : memref<32xf32, #tpu.memory_space<vmem>>) target(%dma_start3A_1044 : memref<32xf32, #tpu.memory_space<hbm>>) target_semaphore(%arg18 : memref<!tpu.dma_semaphore, #tpu.memory_space<semaphore_mem>>)
          %slice3A_1046 = vector.extract_strided_slice %get3A_209 {offsets = [11], sizes = [1], strides = [1]} : vector<16xi32> to vector<1xi32>
          %squeeze3A_1047 = vector.extract %slice3A_1046[0] : i32 from vector<1xi32>
          %add3A_1048 = arith.constant 352 : i32
          %add3A_1049 = arith.addi %mul3A_180, %add3A_1048 : i32
          %mul3A_1050 = arith.constant 32 : i32
          %mul3A_1051 = arith.muli %squeeze3A_1047, %mul3A_1050 : i32
          %dma_start3A_1052 = tpu.memref_slice %arg14[%add3A_1049] : memref<4096xf32, #tpu.memory_space<vmem>> -> memref<32xf32, #tpu.memory_space<vmem>>
          %dma_start3A_1053 = tpu.memref_slice %arg8[%mul3A_1051] : memref<1064960xf32, #tpu.memory_space<hbm>> -> memref<32xf32, #tpu.memory_space<hbm>>
          %dma_start3A_1054 = tpu.memref_slice %arg8[%mul3A_1051] : memref<1064960xf32, #tpu.memory_space<hbm>> -> memref<32xf32, #tpu.memory_space<hbm>>
          %dma_start3A_1055 = tpu.memref_slice %arg14[%add3A_1049] : memref<4096xf32, #tpu.memory_space<vmem>> -> memref<32xf32, #tpu.memory_space<vmem>>
          tpu.enqueue_dma source(%dma_start3A_1055 : memref<32xf32, #tpu.memory_space<vmem>>) target(%dma_start3A_1054 : memref<32xf32, #tpu.memory_space<hbm>>) target_semaphore(%arg18 : memref<!tpu.dma_semaphore, #tpu.memory_space<semaphore_mem>>)
          %add3A_1056 = arith.constant 352 : i32
          %add3A_1057 = arith.addi %mul3A_180, %add3A_1056 : i32
          %mul3A_1058 = arith.constant 32 : i32
          %mul3A_1059 = arith.muli %squeeze3A_1047, %mul3A_1058 : i32
          %dma_start3A_1060 = tpu.memref_slice %arg15[%add3A_1057] : memref<4096xf32, #tpu.memory_space<vmem>> -> memref<32xf32, #tpu.memory_space<vmem>>
          %dma_start3A_1061 = tpu.memref_slice %arg9[%mul3A_1059] : memref<1064960xf32, #tpu.memory_space<hbm>> -> memref<32xf32, #tpu.memory_space<hbm>>
          %dma_start3A_1062 = tpu.memref_slice %arg9[%mul3A_1059] : memref<1064960xf32, #tpu.memory_space<hbm>> -> memref<32xf32, #tpu.memory_space<hbm>>
          %dma_start3A_1063 = tpu.memref_slice %arg15[%add3A_1057] : memref<4096xf32, #tpu.memory_space<vmem>> -> memref<32xf32, #tpu.memory_space<vmem>>
          tpu.enqueue_dma source(%dma_start3A_1063 : memref<32xf32, #tpu.memory_space<vmem>>) target(%dma_start3A_1062 : memref<32xf32, #tpu.memory_space<hbm>>) target_semaphore(%arg18 : memref<!tpu.dma_semaphore, #tpu.memory_space<semaphore_mem>>)
          %slice3A_1064 = vector.extract_strided_slice %get3A_209 {offsets = [12], sizes = [1], strides = [1]} : vector<16xi32> to vector<1xi32>
          %squeeze3A_1065 = vector.extract %slice3A_1064[0] : i32 from vector<1xi32>
          %add3A_1066 = arith.constant 384 : i32
          %add3A_1067 = arith.addi %mul3A_180, %add3A_1066 : i32
          %mul3A_1068 = arith.constant 32 : i32
          %mul3A_1069 = arith.muli %squeeze3A_1065, %mul3A_1068 : i32
          %dma_start3A_1070 = tpu.memref_slice %arg14[%add3A_1067] : memref<4096xf32, #tpu.memory_space<vmem>> -> memref<32xf32, #tpu.memory_space<vmem>>
          %dma_start3A_1071 = tpu.memref_slice %arg8[%mul3A_1069] : memref<1064960xf32, #tpu.memory_space<hbm>> -> memref<32xf32, #tpu.memory_space<hbm>>
          %dma_start3A_1072 = tpu.memref_slice %arg8[%mul3A_1069] : memref<1064960xf32, #tpu.memory_space<hbm>> -> memref<32xf32, #tpu.memory_space<hbm>>
          %dma_start3A_1073 = tpu.memref_slice %arg14[%add3A_1067] : memref<4096xf32, #tpu.memory_space<vmem>> -> memref<32xf32, #tpu.memory_space<vmem>>
          tpu.enqueue_dma source(%dma_start3A_1073 : memref<32xf32, #tpu.memory_space<vmem>>) target(%dma_start3A_1072 : memref<32xf32, #tpu.memory_space<hbm>>) target_semaphore(%arg18 : memref<!tpu.dma_semaphore, #tpu.memory_space<semaphore_mem>>)
          %add3A_1074 = arith.constant 384 : i32
          %add3A_1075 = arith.addi %mul3A_180, %add3A_1074 : i32
          %mul3A_1076 = arith.constant 32 : i32
          %mul3A_1077 = arith.muli %squeeze3A_1065, %mul3A_1076 : i32
          %dma_start3A_1078 = tpu.memref_slice %arg15[%add3A_1075] : memref<4096xf32, #tpu.memory_space<vmem>> -> memref<32xf32, #tpu.memory_space<vmem>>
          %dma_start3A_1079 = tpu.memref_slice %arg9[%mul3A_1077] : memref<1064960xf32, #tpu.memory_space<hbm>> -> memref<32xf32, #tpu.memory_space<hbm>>
          %dma_start3A_1080 = tpu.memref_slice %arg9[%mul3A_1077] : memref<1064960xf32, #tpu.memory_space<hbm>> -> memref<32xf32, #tpu.memory_space<hbm>>
          %dma_start3A_1081 = tpu.memref_slice %arg15[%add3A_1075] : memref<4096xf32, #tpu.memory_space<vmem>> -> memref<32xf32, #tpu.memory_space<vmem>>
          tpu.enqueue_dma source(%dma_start3A_1081 : memref<32xf32, #tpu.memory_space<vmem>>) target(%dma_start3A_1080 : memref<32xf32, #tpu.memory_space<hbm>>) target_semaphore(%arg18 : memref<!tpu.dma_semaphore, #tpu.memory_space<semaphore_mem>>)
          %slice3A_1082 = vector.extract_strided_slice %get3A_209 {offsets = [13], sizes = [1], strides = [1]} : vector<16xi32> to vector<1xi32>
          %squeeze3A_1083 = vector.extract %slice3A_1082[0] : i32 from vector<1xi32>
          %add3A_1084 = arith.constant 416 : i32
          %add3A_1085 = arith.addi %mul3A_180, %add3A_1084 : i32
          %mul3A_1086 = arith.constant 32 : i32
          %mul3A_1087 = arith.muli %squeeze3A_1083, %mul3A_1086 : i32
          %dma_start3A_1088 = tpu.memref_slice %arg14[%add3A_1085] : memref<4096xf32, #tpu.memory_space<vmem>> -> memref<32xf32, #tpu.memory_space<vmem>>
          %dma_start3A_1089 = tpu.memref_slice %arg8[%mul3A_1087] : memref<1064960xf32, #tpu.memory_space<hbm>> -> memref<32xf32, #tpu.memory_space<hbm>>
          %dma_start3A_1090 = tpu.memref_slice %arg8[%mul3A_1087] : memref<1064960xf32, #tpu.memory_space<hbm>> -> memref<32xf32, #tpu.memory_space<hbm>>
          %dma_start3A_1091 = tpu.memref_slice %arg14[%add3A_1085] : memref<4096xf32, #tpu.memory_space<vmem>> -> memref<32xf32, #tpu.memory_space<vmem>>
          tpu.enqueue_dma source(%dma_start3A_1091 : memref<32xf32, #tpu.memory_space<vmem>>) target(%dma_start3A_1090 : memref<32xf32, #tpu.memory_space<hbm>>) target_semaphore(%arg18 : memref<!tpu.dma_semaphore, #tpu.memory_space<semaphore_mem>>)
          %add3A_1092 = arith.constant 416 : i32
          %add3A_1093 = arith.addi %mul3A_180, %add3A_1092 : i32
          %mul3A_1094 = arith.constant 32 : i32
          %mul3A_1095 = arith.muli %squeeze3A_1083, %mul3A_1094 : i32
          %dma_start3A_1096 = tpu.memref_slice %arg15[%add3A_1093] : memref<4096xf32, #tpu.memory_space<vmem>> -> memref<32xf32, #tpu.memory_space<vmem>>
          %dma_start3A_1097 = tpu.memref_slice %arg9[%mul3A_1095] : memref<1064960xf32, #tpu.memory_space<hbm>> -> memref<32xf32, #tpu.memory_space<hbm>>
          %dma_start3A_1098 = tpu.memref_slice %arg9[%mul3A_1095] : memref<1064960xf32, #tpu.memory_space<hbm>> -> memref<32xf32, #tpu.memory_space<hbm>>
          %dma_start3A_1099 = tpu.memref_slice %arg15[%add3A_1093] : memref<4096xf32, #tpu.memory_space<vmem>> -> memref<32xf32, #tpu.memory_space<vmem>>
          tpu.enqueue_dma source(%dma_start3A_1099 : memref<32xf32, #tpu.memory_space<vmem>>) target(%dma_start3A_1098 : memref<32xf32, #tpu.memory_space<hbm>>) target_semaphore(%arg18 : memref<!tpu.dma_semaphore, #tpu.memory_space<semaphore_mem>>)
          %slice3A_1100 = vector.extract_strided_slice %get3A_209 {offsets = [14], sizes = [1], strides = [1]} : vector<16xi32> to vector<1xi32>
          %squeeze3A_1101 = vector.extract %slice3A_1100[0] : i32 from vector<1xi32>
          %add3A_1102 = arith.constant 448 : i32
          %add3A_1103 = arith.addi %mul3A_180, %add3A_1102 : i32
          %mul3A_1104 = arith.constant 32 : i32
          %mul3A_1105 = arith.muli %squeeze3A_1101, %mul3A_1104 : i32
          %dma_start3A_1106 = tpu.memref_slice %arg14[%add3A_1103] : memref<4096xf32, #tpu.memory_space<vmem>> -> memref<32xf32, #tpu.memory_space<vmem>>
          %dma_start3A_1107 = tpu.memref_slice %arg8[%mul3A_1105] : memref<1064960xf32, #tpu.memory_space<hbm>> -> memref<32xf32, #tpu.memory_space<hbm>>
          %dma_start3A_1108 = tpu.memref_slice %arg8[%mul3A_1105] : memref<1064960xf32, #tpu.memory_space<hbm>> -> memref<32xf32, #tpu.memory_space<hbm>>
          %dma_start3A_1109 = tpu.memref_slice %arg14[%add3A_1103] : memref<4096xf32, #tpu.memory_space<vmem>> -> memref<32xf32, #tpu.memory_space<vmem>>
          tpu.enqueue_dma source(%dma_start3A_1109 : memref<32xf32, #tpu.memory_space<vmem>>) target(%dma_start3A_1108 : memref<32xf32, #tpu.memory_space<hbm>>) target_semaphore(%arg18 : memref<!tpu.dma_semaphore, #tpu.memory_space<semaphore_mem>>)
          %add3A_1110 = arith.constant 448 : i32
          %add3A_1111 = arith.addi %mul3A_180, %add3A_1110 : i32
          %mul3A_1112 = arith.constant 32 : i32
          %mul3A_1113 = arith.muli %squeeze3A_1101, %mul3A_1112 : i32
          %dma_start3A_1114 = tpu.memref_slice %arg15[%add3A_1111] : memref<4096xf32, #tpu.memory_space<vmem>> -> memref<32xf32, #tpu.memory_space<vmem>>
          %dma_start3A_1115 = tpu.memref_slice %arg9[%mul3A_1113] : memref<1064960xf32, #tpu.memory_space<hbm>> -> memref<32xf32, #tpu.memory_space<hbm>>
          %dma_start3A_1116 = tpu.memref_slice %arg9[%mul3A_1113] : memref<1064960xf32, #tpu.memory_space<hbm>> -> memref<32xf32, #tpu.memory_space<hbm>>
          %dma_start3A_1117 = tpu.memref_slice %arg15[%add3A_1111] : memref<4096xf32, #tpu.memory_space<vmem>> -> memref<32xf32, #tpu.memory_space<vmem>>
          tpu.enqueue_dma source(%dma_start3A_1117 : memref<32xf32, #tpu.memory_space<vmem>>) target(%dma_start3A_1116 : memref<32xf32, #tpu.memory_space<hbm>>) target_semaphore(%arg18 : memref<!tpu.dma_semaphore, #tpu.memory_space<semaphore_mem>>)
          %slice3A_1118 = vector.extract_strided_slice %get3A_209 {offsets = [15], sizes = [1], strides = [1]} : vector<16xi32> to vector<1xi32>
          %squeeze3A_1119 = vector.extract %slice3A_1118[0] : i32 from vector<1xi32>
          %add3A_1120 = arith.constant 480 : i32
          %add3A_1121 = arith.addi %mul3A_180, %add3A_1120 : i32
          %mul3A_1122 = arith.constant 32 : i32
          %mul3A_1123 = arith.muli %squeeze3A_1119, %mul3A_1122 : i32
          %dma_start3A_1124 = tpu.memref_slice %arg14[%add3A_1121] : memref<4096xf32, #tpu.memory_space<vmem>> -> memref<32xf32, #tpu.memory_space<vmem>>
          %dma_start3A_1125 = tpu.memref_slice %arg8[%mul3A_1123] : memref<1064960xf32, #tpu.memory_space<hbm>> -> memref<32xf32, #tpu.memory_space<hbm>>
          %dma_start3A_1126 = tpu.memref_slice %arg8[%mul3A_1123] : memref<1064960xf32, #tpu.memory_space<hbm>> -> memref<32xf32, #tpu.memory_space<hbm>>
          %dma_start3A_1127 = tpu.memref_slice %arg14[%add3A_1121] : memref<4096xf32, #tpu.memory_space<vmem>> -> memref<32xf32, #tpu.memory_space<vmem>>
          tpu.enqueue_dma source(%dma_start3A_1127 : memref<32xf32, #tpu.memory_space<vmem>>) target(%dma_start3A_1126 : memref<32xf32, #tpu.memory_space<hbm>>) target_semaphore(%arg18 : memref<!tpu.dma_semaphore, #tpu.memory_space<semaphore_mem>>)
          %add3A_1128 = arith.constant 480 : i32
          %add3A_1129 = arith.addi %mul3A_180, %add3A_1128 : i32
          %mul3A_1130 = arith.constant 32 : i32
          %mul3A_1131 = arith.muli %squeeze3A_1119, %mul3A_1130 : i32
          %dma_start3A_1132 = tpu.memref_slice %arg15[%add3A_1129] : memref<4096xf32, #tpu.memory_space<vmem>> -> memref<32xf32, #tpu.memory_space<vmem>>
          %dma_start3A_1133 = tpu.memref_slice %arg9[%mul3A_1131] : memref<1064960xf32, #tpu.memory_space<hbm>> -> memref<32xf32, #tpu.memory_space<hbm>>
          %dma_start3A_1134 = tpu.memref_slice %arg9[%mul3A_1131] : memref<1064960xf32, #tpu.memory_space<hbm>> -> memref<32xf32, #tpu.memory_space<hbm>>
          %dma_start3A_1135 = tpu.memref_slice %arg15[%add3A_1129] : memref<4096xf32, #tpu.memory_space<vmem>> -> memref<32xf32, #tpu.memory_space<vmem>>
          tpu.enqueue_dma source(%dma_start3A_1135 : memref<32xf32, #tpu.memory_space<vmem>>) target(%dma_start3A_1134 : memref<32xf32, #tpu.memory_space<hbm>>) target_semaphore(%arg18 : memref<!tpu.dma_semaphore, #tpu.memory_space<semaphore_mem>>)
        } else {
        }
        %gt3A_159 = arith.constant 0 : i32
        %gt3A_160 = arith.cmpi sgt, %squeeze3A, %gt3A_159 : i32
        %jit3A_161 = arith.constant 1 : i32
        %jit3A_162 = arith.constant 0 : i32
        %select_n3A_163 = arith.select %gt3A_160, %jit3A_161, %jit3A_162 : i32
        %add3A_164 = arith.addi %while3A_137, %select_n3A_163 : i32
        %slice3A_165 = vector.extract_strided_slice %get3A_141 {offsets = [15], sizes = [1], strides = [1]} : vector<16xi32> to vector<1xi32>
        %squeeze3A_166 = vector.extract %slice3A_165[0] : i32 from vector<1xi32>
        %sub3A_167 = arith.subi %squeeze3A_166, %mul3A_15 : i32
        %add3A_168 = arith.constant 256 : i32
        %add3A_169 = arith.addi %mul3A_133, %add3A_168 : i32
        %lt3A_170 = arith.cmpi slt, %sub3A_167, %add3A_169 : i32
        %add3A_171 = arith.constant 1 : i32
        %add3A_172 = arith.addi %while3A_136, %add3A_171 : i32
        %min3A_173 = arith.constant 2047 : i32
        %min3A_174 = arith.minsi %add3A_172, %min3A_173 : i32
        %ne3A = arith.cmpi ne, %min3A_174, %while3A_136 : i32
        %and3A_175 = arith.andi %lt3A_170, %ne3A : i1
        %select_n3A_176 = arith.select %lt3A_170, %min3A_174, %while3A_136 : i32
        scf.yield %select_n3A_176, %add3A_164, %and3A_175 : i32, i32, i1
      }
      scf.yield %while3A_135#0, %while3A_135#1 : i32, i32
    }
    %gt3A_61 = arith.constant 0 : i32
    %gt3A_62 = arith.cmpi sgt, %while3A_60#1, %gt3A_61 : i32
    %convert_element_type3A_63 = arith.extui %gt3A_62 : i1 to i32
    %cond3A_64 = arith.constant 0 : i32
    %cond3A_65 = arith.cmpi ne, %convert_element_type3A_63, %cond3A_64 : i32
    scf.if %cond3A_65 {
      %dma_wait3A = arith.constant 0 : i32
      %dma_wait3A_96 = tpu.memref_slice %arg14[%dma_wait3A] : memref<4096xf32, #tpu.memory_space<vmem>> -> memref<512xf32, #tpu.memory_space<vmem>>
      %dma_wait3A_97 = arith.constant 0 : i32
      %dma_wait3A_98 = tpu.memref_slice %arg8[%dma_wait3A_97] : memref<1064960xf32, #tpu.memory_space<hbm>> -> memref<512xf32, #tpu.memory_space<hbm>>
      %dma_wait3A_99 = arith.constant 0 : i32
      %dma_wait3A_100 = tpu.memref_slice %arg14[%dma_wait3A_99] : memref<4096xf32, #tpu.memory_space<vmem>> -> memref<512xf32, #tpu.memory_space<vmem>>
      %dma_wait3A_101 = arith.constant 0 : i32
      %dma_wait3A_102 = tpu.memref_slice %arg8[%dma_wait3A_101] : memref<1064960xf32, #tpu.memory_space<hbm>> -> memref<512xf32, #tpu.memory_space<hbm>>
      tpu.wait_dma2 semaphore(%arg18 : memref<!tpu.dma_semaphore, #tpu.memory_space<semaphore_mem>>) src(%dma_wait3A_102 : memref<512xf32, #tpu.memory_space<hbm>>) dst(%dma_wait3A_100 : memref<512xf32, #tpu.memory_space<vmem>>)
      %dma_wait3A_103 = arith.constant 0 : i32
      %dma_wait3A_104 = tpu.memref_slice %arg15[%dma_wait3A_103] : memref<4096xf32, #tpu.memory_space<vmem>> -> memref<512xf32, #tpu.memory_space<vmem>>
      %dma_wait3A_105 = arith.constant 0 : i32
      %dma_wait3A_106 = tpu.memref_slice %arg9[%dma_wait3A_105] : memref<1064960xf32, #tpu.memory_space<hbm>> -> memref<512xf32, #tpu.memory_space<hbm>>
      %dma_wait3A_107 = arith.constant 0 : i32
      %dma_wait3A_108 = tpu.memref_slice %arg15[%dma_wait3A_107] : memref<4096xf32, #tpu.memory_space<vmem>> -> memref<512xf32, #tpu.memory_space<vmem>>
      %dma_wait3A_109 = arith.constant 0 : i32
      %dma_wait3A_110 = tpu.memref_slice %arg9[%dma_wait3A_109] : memref<1064960xf32, #tpu.memory_space<hbm>> -> memref<512xf32, #tpu.memory_space<hbm>>
      tpu.wait_dma2 semaphore(%arg18 : memref<!tpu.dma_semaphore, #tpu.memory_space<semaphore_mem>>) src(%dma_wait3A_110 : memref<512xf32, #tpu.memory_space<hbm>>) dst(%dma_wait3A_108 : memref<512xf32, #tpu.memory_space<vmem>>)
    } else {
    }
    %gt3A_66 = arith.constant 1 : i32
    %gt3A_67 = arith.cmpi sgt, %while3A_60#1, %gt3A_66 : i32
    %convert_element_type3A_68 = arith.extui %gt3A_67 : i1 to i32
    %cond3A_69 = arith.constant 0 : i32
    %cond3A_70 = arith.cmpi ne, %convert_element_type3A_68, %cond3A_69 : i32
    scf.if %cond3A_70 {
      %dma_wait3A = arith.constant 0 : i32
      %dma_wait3A_96 = tpu.memref_slice %arg14[%dma_wait3A] : memref<4096xf32, #tpu.memory_space<vmem>> -> memref<512xf32, #tpu.memory_space<vmem>>
      %dma_wait3A_97 = arith.constant 0 : i32
      %dma_wait3A_98 = tpu.memref_slice %arg8[%dma_wait3A_97] : memref<1064960xf32, #tpu.memory_space<hbm>> -> memref<512xf32, #tpu.memory_space<hbm>>
      %dma_wait3A_99 = arith.constant 0 : i32
      %dma_wait3A_100 = tpu.memref_slice %arg14[%dma_wait3A_99] : memref<4096xf32, #tpu.memory_space<vmem>> -> memref<512xf32, #tpu.memory_space<vmem>>
      %dma_wait3A_101 = arith.constant 0 : i32
      %dma_wait3A_102 = tpu.memref_slice %arg8[%dma_wait3A_101] : memref<1064960xf32, #tpu.memory_space<hbm>> -> memref<512xf32, #tpu.memory_space<hbm>>
      tpu.wait_dma2 semaphore(%arg18 : memref<!tpu.dma_semaphore, #tpu.memory_space<semaphore_mem>>) src(%dma_wait3A_102 : memref<512xf32, #tpu.memory_space<hbm>>) dst(%dma_wait3A_100 : memref<512xf32, #tpu.memory_space<vmem>>)
      %dma_wait3A_103 = arith.constant 0 : i32
      %dma_wait3A_104 = tpu.memref_slice %arg15[%dma_wait3A_103] : memref<4096xf32, #tpu.memory_space<vmem>> -> memref<512xf32, #tpu.memory_space<vmem>>
      %dma_wait3A_105 = arith.constant 0 : i32
      %dma_wait3A_106 = tpu.memref_slice %arg9[%dma_wait3A_105] : memref<1064960xf32, #tpu.memory_space<hbm>> -> memref<512xf32, #tpu.memory_space<hbm>>
      %dma_wait3A_107 = arith.constant 0 : i32
      %dma_wait3A_108 = tpu.memref_slice %arg15[%dma_wait3A_107] : memref<4096xf32, #tpu.memory_space<vmem>> -> memref<512xf32, #tpu.memory_space<vmem>>
      %dma_wait3A_109 = arith.constant 0 : i32
      %dma_wait3A_110 = tpu.memref_slice %arg9[%dma_wait3A_109] : memref<1064960xf32, #tpu.memory_space<hbm>> -> memref<512xf32, #tpu.memory_space<hbm>>
      tpu.wait_dma2 semaphore(%arg18 : memref<!tpu.dma_semaphore, #tpu.memory_space<semaphore_mem>>) src(%dma_wait3A_110 : memref<512xf32, #tpu.memory_space<hbm>>) dst(%dma_wait3A_108 : memref<512xf32, #tpu.memory_space<vmem>>)
    } else {
    }
    %gt3A_71 = arith.constant 2 : i32
    %gt3A_72 = arith.cmpi sgt, %while3A_60#1, %gt3A_71 : i32
    %convert_element_type3A_73 = arith.extui %gt3A_72 : i1 to i32
    %cond3A_74 = arith.constant 0 : i32
    %cond3A_75 = arith.cmpi ne, %convert_element_type3A_73, %cond3A_74 : i32
    scf.if %cond3A_75 {
      %dma_wait3A = arith.constant 0 : i32
      %dma_wait3A_96 = tpu.memref_slice %arg14[%dma_wait3A] : memref<4096xf32, #tpu.memory_space<vmem>> -> memref<512xf32, #tpu.memory_space<vmem>>
      %dma_wait3A_97 = arith.constant 0 : i32
      %dma_wait3A_98 = tpu.memref_slice %arg8[%dma_wait3A_97] : memref<1064960xf32, #tpu.memory_space<hbm>> -> memref<512xf32, #tpu.memory_space<hbm>>
      %dma_wait3A_99 = arith.constant 0 : i32
      %dma_wait3A_100 = tpu.memref_slice %arg14[%dma_wait3A_99] : memref<4096xf32, #tpu.memory_space<vmem>> -> memref<512xf32, #tpu.memory_space<vmem>>
      %dma_wait3A_101 = arith.constant 0 : i32
      %dma_wait3A_102 = tpu.memref_slice %arg8[%dma_wait3A_101] : memref<1064960xf32, #tpu.memory_space<hbm>> -> memref<512xf32, #tpu.memory_space<hbm>>
      tpu.wait_dma2 semaphore(%arg18 : memref<!tpu.dma_semaphore, #tpu.memory_space<semaphore_mem>>) src(%dma_wait3A_102 : memref<512xf32, #tpu.memory_space<hbm>>) dst(%dma_wait3A_100 : memref<512xf32, #tpu.memory_space<vmem>>)
      %dma_wait3A_103 = arith.constant 0 : i32
      %dma_wait3A_104 = tpu.memref_slice %arg15[%dma_wait3A_103] : memref<4096xf32, #tpu.memory_space<vmem>> -> memref<512xf32, #tpu.memory_space<vmem>>
      %dma_wait3A_105 = arith.constant 0 : i32
      %dma_wait3A_106 = tpu.memref_slice %arg9[%dma_wait3A_105] : memref<1064960xf32, #tpu.memory_space<hbm>> -> memref<512xf32, #tpu.memory_space<hbm>>
      %dma_wait3A_107 = arith.constant 0 : i32
      %dma_wait3A_108 = tpu.memref_slice %arg15[%dma_wait3A_107] : memref<4096xf32, #tpu.memory_space<vmem>> -> memref<512xf32, #tpu.memory_space<vmem>>
      %dma_wait3A_109 = arith.constant 0 : i32
      %dma_wait3A_110 = tpu.memref_slice %arg9[%dma_wait3A_109] : memref<1064960xf32, #tpu.memory_space<hbm>> -> memref<512xf32, #tpu.memory_space<hbm>>
      tpu.wait_dma2 semaphore(%arg18 : memref<!tpu.dma_semaphore, #tpu.memory_space<semaphore_mem>>) src(%dma_wait3A_110 : memref<512xf32, #tpu.memory_space<hbm>>) dst(%dma_wait3A_108 : memref<512xf32, #tpu.memory_space<vmem>>)
    } else {
    }
    %gt3A_76 = arith.constant 3 : i32
    %gt3A_77 = arith.cmpi sgt, %while3A_60#1, %gt3A_76 : i32
    %convert_element_type3A_78 = arith.extui %gt3A_77 : i1 to i32
    %cond3A_79 = arith.constant 0 : i32
    %cond3A_80 = arith.cmpi ne, %convert_element_type3A_78, %cond3A_79 : i32
    scf.if %cond3A_80 {
      %dma_wait3A = arith.constant 0 : i32
      %dma_wait3A_96 = tpu.memref_slice %arg14[%dma_wait3A] : memref<4096xf32, #tpu.memory_space<vmem>> -> memref<512xf32, #tpu.memory_space<vmem>>
      %dma_wait3A_97 = arith.constant 0 : i32
      %dma_wait3A_98 = tpu.memref_slice %arg8[%dma_wait3A_97] : memref<1064960xf32, #tpu.memory_space<hbm>> -> memref<512xf32, #tpu.memory_space<hbm>>
      %dma_wait3A_99 = arith.constant 0 : i32
      %dma_wait3A_100 = tpu.memref_slice %arg14[%dma_wait3A_99] : memref<4096xf32, #tpu.memory_space<vmem>> -> memref<512xf32, #tpu.memory_space<vmem>>
      %dma_wait3A_101 = arith.constant 0 : i32
      %dma_wait3A_102 = tpu.memref_slice %arg8[%dma_wait3A_101] : memref<1064960xf32, #tpu.memory_space<hbm>> -> memref<512xf32, #tpu.memory_space<hbm>>
      tpu.wait_dma2 semaphore(%arg18 : memref<!tpu.dma_semaphore, #tpu.memory_space<semaphore_mem>>) src(%dma_wait3A_102 : memref<512xf32, #tpu.memory_space<hbm>>) dst(%dma_wait3A_100 : memref<512xf32, #tpu.memory_space<vmem>>)
      %dma_wait3A_103 = arith.constant 0 : i32
      %dma_wait3A_104 = tpu.memref_slice %arg15[%dma_wait3A_103] : memref<4096xf32, #tpu.memory_space<vmem>> -> memref<512xf32, #tpu.memory_space<vmem>>
      %dma_wait3A_105 = arith.constant 0 : i32
      %dma_wait3A_106 = tpu.memref_slice %arg9[%dma_wait3A_105] : memref<1064960xf32, #tpu.memory_space<hbm>> -> memref<512xf32, #tpu.memory_space<hbm>>
      %dma_wait3A_107 = arith.constant 0 : i32
      %dma_wait3A_108 = tpu.memref_slice %arg15[%dma_wait3A_107] : memref<4096xf32, #tpu.memory_space<vmem>> -> memref<512xf32, #tpu.memory_space<vmem>>
      %dma_wait3A_109 = arith.constant 0 : i32
      %dma_wait3A_110 = tpu.memref_slice %arg9[%dma_wait3A_109] : memref<1064960xf32, #tpu.memory_space<hbm>> -> memref<512xf32, #tpu.memory_space<hbm>>
      tpu.wait_dma2 semaphore(%arg18 : memref<!tpu.dma_semaphore, #tpu.memory_space<semaphore_mem>>) src(%dma_wait3A_110 : memref<512xf32, #tpu.memory_space<hbm>>) dst(%dma_wait3A_108 : memref<512xf32, #tpu.memory_space<vmem>>)
    } else {
    }
    %gt3A_81 = arith.constant 4 : i32
    %gt3A_82 = arith.cmpi sgt, %while3A_60#1, %gt3A_81 : i32
    %convert_element_type3A_83 = arith.extui %gt3A_82 : i1 to i32
    %cond3A_84 = arith.constant 0 : i32
    %cond3A_85 = arith.cmpi ne, %convert_element_type3A_83, %cond3A_84 : i32
    scf.if %cond3A_85 {
      %dma_wait3A = arith.constant 0 : i32
      %dma_wait3A_96 = tpu.memref_slice %arg14[%dma_wait3A] : memref<4096xf32, #tpu.memory_space<vmem>> -> memref<512xf32, #tpu.memory_space<vmem>>
      %dma_wait3A_97 = arith.constant 0 : i32
      %dma_wait3A_98 = tpu.memref_slice %arg8[%dma_wait3A_97] : memref<1064960xf32, #tpu.memory_space<hbm>> -> memref<512xf32, #tpu.memory_space<hbm>>
      %dma_wait3A_99 = arith.constant 0 : i32
      %dma_wait3A_100 = tpu.memref_slice %arg14[%dma_wait3A_99] : memref<4096xf32, #tpu.memory_space<vmem>> -> memref<512xf32, #tpu.memory_space<vmem>>
      %dma_wait3A_101 = arith.constant 0 : i32
      %dma_wait3A_102 = tpu.memref_slice %arg8[%dma_wait3A_101] : memref<1064960xf32, #tpu.memory_space<hbm>> -> memref<512xf32, #tpu.memory_space<hbm>>
      tpu.wait_dma2 semaphore(%arg18 : memref<!tpu.dma_semaphore, #tpu.memory_space<semaphore_mem>>) src(%dma_wait3A_102 : memref<512xf32, #tpu.memory_space<hbm>>) dst(%dma_wait3A_100 : memref<512xf32, #tpu.memory_space<vmem>>)
      %dma_wait3A_103 = arith.constant 0 : i32
      %dma_wait3A_104 = tpu.memref_slice %arg15[%dma_wait3A_103] : memref<4096xf32, #tpu.memory_space<vmem>> -> memref<512xf32, #tpu.memory_space<vmem>>
      %dma_wait3A_105 = arith.constant 0 : i32
      %dma_wait3A_106 = tpu.memref_slice %arg9[%dma_wait3A_105] : memref<1064960xf32, #tpu.memory_space<hbm>> -> memref<512xf32, #tpu.memory_space<hbm>>
      %dma_wait3A_107 = arith.constant 0 : i32
      %dma_wait3A_108 = tpu.memref_slice %arg15[%dma_wait3A_107] : memref<4096xf32, #tpu.memory_space<vmem>> -> memref<512xf32, #tpu.memory_space<vmem>>
      %dma_wait3A_109 = arith.constant 0 : i32
      %dma_wait3A_110 = tpu.memref_slice %arg9[%dma_wait3A_109] : memref<1064960xf32, #tpu.memory_space<hbm>> -> memref<512xf32, #tpu.memory_space<hbm>>
      tpu.wait_dma2 semaphore(%arg18 : memref<!tpu.dma_semaphore, #tpu.memory_space<semaphore_mem>>) src(%dma_wait3A_110 : memref<512xf32, #tpu.memory_space<hbm>>) dst(%dma_wait3A_108 : memref<512xf32, #tpu.memory_space<vmem>>)
    } else {
    }
    %gt3A_86 = arith.constant 5 : i32
    %gt3A_87 = arith.cmpi sgt, %while3A_60#1, %gt3A_86 : i32
    %convert_element_type3A_88 = arith.extui %gt3A_87 : i1 to i32
    %cond3A_89 = arith.constant 0 : i32
    %cond3A_90 = arith.cmpi ne, %convert_element_type3A_88, %cond3A_89 : i32
    scf.if %cond3A_90 {
      %dma_wait3A = arith.constant 0 : i32
      %dma_wait3A_96 = tpu.memref_slice %arg14[%dma_wait3A] : memref<4096xf32, #tpu.memory_space<vmem>> -> memref<512xf32, #tpu.memory_space<vmem>>
      %dma_wait3A_97 = arith.constant 0 : i32
      %dma_wait3A_98 = tpu.memref_slice %arg8[%dma_wait3A_97] : memref<1064960xf32, #tpu.memory_space<hbm>> -> memref<512xf32, #tpu.memory_space<hbm>>
      %dma_wait3A_99 = arith.constant 0 : i32
      %dma_wait3A_100 = tpu.memref_slice %arg14[%dma_wait3A_99] : memref<4096xf32, #tpu.memory_space<vmem>> -> memref<512xf32, #tpu.memory_space<vmem>>
      %dma_wait3A_101 = arith.constant 0 : i32
      %dma_wait3A_102 = tpu.memref_slice %arg8[%dma_wait3A_101] : memref<1064960xf32, #tpu.memory_space<hbm>> -> memref<512xf32, #tpu.memory_space<hbm>>
      tpu.wait_dma2 semaphore(%arg18 : memref<!tpu.dma_semaphore, #tpu.memory_space<semaphore_mem>>) src(%dma_wait3A_102 : memref<512xf32, #tpu.memory_space<hbm>>) dst(%dma_wait3A_100 : memref<512xf32, #tpu.memory_space<vmem>>)
      %dma_wait3A_103 = arith.constant 0 : i32
      %dma_wait3A_104 = tpu.memref_slice %arg15[%dma_wait3A_103] : memref<4096xf32, #tpu.memory_space<vmem>> -> memref<512xf32, #tpu.memory_space<vmem>>
      %dma_wait3A_105 = arith.constant 0 : i32
      %dma_wait3A_106 = tpu.memref_slice %arg9[%dma_wait3A_105] : memref<1064960xf32, #tpu.memory_space<hbm>> -> memref<512xf32, #tpu.memory_space<hbm>>
      %dma_wait3A_107 = arith.constant 0 : i32
      %dma_wait3A_108 = tpu.memref_slice %arg15[%dma_wait3A_107] : memref<4096xf32, #tpu.memory_space<vmem>> -> memref<512xf32, #tpu.memory_space<vmem>>
      %dma_wait3A_109 = arith.constant 0 : i32
      %dma_wait3A_110 = tpu.memref_slice %arg9[%dma_wait3A_109] : memref<1064960xf32, #tpu.memory_space<hbm>> -> memref<512xf32, #tpu.memory_space<hbm>>
      tpu.wait_dma2 semaphore(%arg18 : memref<!tpu.dma_semaphore, #tpu.memory_space<semaphore_mem>>) src(%dma_wait3A_110 : memref<512xf32, #tpu.memory_space<hbm>>) dst(%dma_wait3A_108 : memref<512xf32, #tpu.memory_space<vmem>>)
    } else {
    }
    %gt3A_91 = arith.constant 6 : i32
    %gt3A_92 = arith.cmpi sgt, %while3A_60#1, %gt3A_91 : i32
    %convert_element_type3A_93 = arith.extui %gt3A_92 : i1 to i32
    %cond3A_94 = arith.constant 0 : i32
    %cond3A_95 = arith.cmpi ne, %convert_element_type3A_93, %cond3A_94 : i32
    scf.if %cond3A_95 {
      %dma_wait3A = arith.constant 0 : i32
      %dma_wait3A_96 = tpu.memref_slice %arg14[%dma_wait3A] : memref<4096xf32, #tpu.memory_space<vmem>> -> memref<512xf32, #tpu.memory_space<vmem>>
      %dma_wait3A_97 = arith.constant 0 : i32
      %dma_wait3A_98 = tpu.memref_slice %arg8[%dma_wait3A_97] : memref<1064960xf32, #tpu.memory_space<hbm>> -> memref<512xf32, #tpu.memory_space<hbm>>
      %dma_wait3A_99 = arith.constant 0 : i32
      %dma_wait3A_100 = tpu.memref_slice %arg14[%dma_wait3A_99] : memref<4096xf32, #tpu.memory_space<vmem>> -> memref<512xf32, #tpu.memory_space<vmem>>
      %dma_wait3A_101 = arith.constant 0 : i32
      %dma_wait3A_102 = tpu.memref_slice %arg8[%dma_wait3A_101] : memref<1064960xf32, #tpu.memory_space<hbm>> -> memref<512xf32, #tpu.memory_space<hbm>>
      tpu.wait_dma2 semaphore(%arg18 : memref<!tpu.dma_semaphore, #tpu.memory_space<semaphore_mem>>) src(%dma_wait3A_102 : memref<512xf32, #tpu.memory_space<hbm>>) dst(%dma_wait3A_100 : memref<512xf32, #tpu.memory_space<vmem>>)
      %dma_wait3A_103 = arith.constant 0 : i32
      %dma_wait3A_104 = tpu.memref_slice %arg15[%dma_wait3A_103] : memref<4096xf32, #tpu.memory_space<vmem>> -> memref<512xf32, #tpu.memory_space<vmem>>
      %dma_wait3A_105 = arith.constant 0 : i32
      %dma_wait3A_106 = tpu.memref_slice %arg9[%dma_wait3A_105] : memref<1064960xf32, #tpu.memory_space<hbm>> -> memref<512xf32, #tpu.memory_space<hbm>>
      %dma_wait3A_107 = arith.constant 0 : i32
      %dma_wait3A_108 = tpu.memref_slice %arg15[%dma_wait3A_107] : memref<4096xf32, #tpu.memory_space<vmem>> -> memref<512xf32, #tpu.memory_space<vmem>>
      %dma_wait3A_109 = arith.constant 0 : i32
      %dma_wait3A_110 = tpu.memref_slice %arg9[%dma_wait3A_109] : memref<1064960xf32, #tpu.memory_space<hbm>> -> memref<512xf32, #tpu.memory_space<hbm>>
      tpu.wait_dma2 semaphore(%arg18 : memref<!tpu.dma_semaphore, #tpu.memory_space<semaphore_mem>>) src(%dma_wait3A_110 : memref<512xf32, #tpu.memory_space<hbm>>) dst(%dma_wait3A_108 : memref<512xf32, #tpu.memory_space<vmem>>)
    } else {
    }
    return
  }
}

#map = affine_map<(d0, d1) -> (0)>
#map1 = affine_map<(d0, d1) -> (0, 0)>
module attributes {stable_mosaic.version = 14 : i64} {
  func.func @simple_combine_sc(%arg0: i32, %arg1: i32, %arg2: memref<16384xi32, #tpu.memory_space<hbm>>, %arg3: memref<1064960xf32, #tpu.memory_space<hbm>>, %arg4: memref<1064960xf32, #tpu.memory_space<hbm>>, %arg5: memref<1000x32xf32, #tpu.memory_space<hbm>>, %arg6: memref<1000x32xf32, #tpu.memory_space<hbm>>, %arg7: memref<16384xf32, #tpu.memory_space<hbm>>, %arg8: memref<512xi32, #tpu.memory_space<vmem>>, %arg9: memref<16384xf32, #tpu.memory_space<vmem>>, %arg10: memref<16384xf32, #tpu.memory_space<vmem>>, %arg11: memref<16384xf32, #tpu.memory_space<vmem>>, %arg12: memref<16384xf32, #tpu.memory_space<vmem>>, %arg13: memref<512x32xf32, #tpu.memory_space<vmem>>, %arg14: memref<512x32xf32, #tpu.memory_space<vmem>>, %arg15: memref<8192xf32, #tpu.memory_space<vmem>>, %arg16: memref<512xf32, #tpu.memory_space<vmem>>, %arg17: memref<!tpu.dma_semaphore, #tpu.memory_space<semaphore_mem>>) attributes {dimension_semantics = [#tpu.dimension_semantics<core_parallel>, #tpu.dimension_semantics<subcore_parallel>], iteration_bounds = array<i64: 2, 16>, scalar_prefetch = 0 : i64, scratch_operands = 10 : i64, tpu.core_type = #tpu.core_type<sc_vector_subcore>, window_params = [{transform_indices = #map}, {transform_indices = #map}, {transform_indices = #map}, {transform_indices = #map1}, {transform_indices = #map1}, {transform_indices = #map}]} {
    %mul3A = arith.constant 2 : i32
    %mul3A_0 = arith.muli %arg1, %mul3A : i32
    %add3A = arith.addi %mul3A_0, %arg0 : i32
    %mul3A_1 = arith.constant 512 : i32
    %mul3A_2 = arith.muli %add3A, %mul3A_1 : i32
    "tpu.region"() ({
      %run_scoped3A = tpu.sem_alloc : memref<!tpu.dma_semaphore, #tpu.memory_space<semaphore_mem>>
      %dma_start3A_478 = tpu.memref_slice %arg2[%mul3A_2] : memref<16384xi32, #tpu.memory_space<hbm>> -> memref<512xi32, #tpu.memory_space<hbm>>
      %dma_start3A_479 = tpu.memref_slice %arg2[%mul3A_2] : memref<16384xi32, #tpu.memory_space<hbm>> -> memref<512xi32, #tpu.memory_space<hbm>>
      tpu.enqueue_dma source(%dma_start3A_479 : memref<512xi32, #tpu.memory_space<hbm>>) target(%arg8 : memref<512xi32, #tpu.memory_space<vmem>>) target_semaphore(%run_scoped3A : memref<!tpu.dma_semaphore, #tpu.memory_space<semaphore_mem>>)
      %dma_wait3A_480 = tpu.memref_slice %arg2[%mul3A_2] : memref<16384xi32, #tpu.memory_space<hbm>> -> memref<512xi32, #tpu.memory_space<hbm>>
      %dma_wait3A_481 = tpu.memref_slice %arg2[%mul3A_2] : memref<16384xi32, #tpu.memory_space<hbm>> -> memref<512xi32, #tpu.memory_space<hbm>>
      tpu.wait_dma2 semaphore(%run_scoped3A : memref<!tpu.dma_semaphore, #tpu.memory_space<semaphore_mem>>) src(%dma_wait3A_481 : memref<512xi32, #tpu.memory_space<hbm>>) dst(%arg8 : memref<512xi32, #tpu.memory_space<vmem>>)
      tpu.yield
    }) : () -> ()
    %iota3A = tpu.iota {dimensions = array<i32: 0>} : vector<16xi32>
    %add3A_3 = arith.constant 0 : i32
    %add3A_4 = arith.addi %mul3A_2, %add3A_3 : i32
    %mul3A_5 = arith.constant 32 : i32
    %mul3A_6 = arith.muli %add3A_4, %mul3A_5 : i32
    %dma_start3A = arith.constant 0 : i32
    %dma_start3A_7 = tpu.memref_slice %arg9[%dma_start3A] : memref<16384xf32, #tpu.memory_space<vmem>> -> memref<4096xf32, #tpu.memory_space<vmem>>
    %dma_start3A_8 = tpu.memref_slice %arg3[%mul3A_6] : memref<1064960xf32, #tpu.memory_space<hbm>> -> memref<4096xf32, #tpu.memory_space<hbm>>
    %dma_start3A_9 = arith.constant 0 : i32
    %dma_start3A_10 = tpu.memref_slice %arg9[%dma_start3A_9] : memref<16384xf32, #tpu.memory_space<vmem>> -> memref<4096xf32, #tpu.memory_space<vmem>>
    %dma_start3A_11 = tpu.memref_slice %arg3[%mul3A_6] : memref<1064960xf32, #tpu.memory_space<hbm>> -> memref<4096xf32, #tpu.memory_space<hbm>>
    tpu.enqueue_dma source(%dma_start3A_11 : memref<4096xf32, #tpu.memory_space<hbm>>) target(%dma_start3A_10 : memref<4096xf32, #tpu.memory_space<vmem>>) target_semaphore(%arg17 : memref<!tpu.dma_semaphore, #tpu.memory_space<semaphore_mem>>)
    %mul3A_12 = arith.constant 32 : i32
    %mul3A_13 = arith.muli %add3A_4, %mul3A_12 : i32
    %dma_start3A_14 = arith.constant 0 : i32
    %dma_start3A_15 = tpu.memref_slice %arg12[%dma_start3A_14] : memref<16384xf32, #tpu.memory_space<vmem>> -> memref<4096xf32, #tpu.memory_space<vmem>>
    %dma_start3A_16 = tpu.memref_slice %arg4[%mul3A_13] : memref<1064960xf32, #tpu.memory_space<hbm>> -> memref<4096xf32, #tpu.memory_space<hbm>>
    %dma_start3A_17 = arith.constant 0 : i32
    %dma_start3A_18 = tpu.memref_slice %arg12[%dma_start3A_17] : memref<16384xf32, #tpu.memory_space<vmem>> -> memref<4096xf32, #tpu.memory_space<vmem>>
    %dma_start3A_19 = tpu.memref_slice %arg4[%mul3A_13] : memref<1064960xf32, #tpu.memory_space<hbm>> -> memref<4096xf32, #tpu.memory_space<hbm>>
    tpu.enqueue_dma source(%dma_start3A_19 : memref<4096xf32, #tpu.memory_space<hbm>>) target(%dma_start3A_18 : memref<4096xf32, #tpu.memory_space<vmem>>) target_semaphore(%arg17 : memref<!tpu.dma_semaphore, #tpu.memory_space<semaphore_mem>>)
    %add3A_20 = arith.constant 16384 : i32
    %add3A_21 = arith.addi %add3A_4, %add3A_20 : i32
    %mul3A_22 = arith.constant 32 : i32
    %mul3A_23 = arith.muli %add3A_21, %mul3A_22 : i32
    %dma_start3A_24 = arith.constant 0 : i32
    %dma_start3A_25 = tpu.memref_slice %arg11[%dma_start3A_24] : memref<16384xf32, #tpu.memory_space<vmem>> -> memref<4096xf32, #tpu.memory_space<vmem>>
    %dma_start3A_26 = tpu.memref_slice %arg3[%mul3A_23] : memref<1064960xf32, #tpu.memory_space<hbm>> -> memref<4096xf32, #tpu.memory_space<hbm>>
    %dma_start3A_27 = arith.constant 0 : i32
    %dma_start3A_28 = tpu.memref_slice %arg11[%dma_start3A_27] : memref<16384xf32, #tpu.memory_space<vmem>> -> memref<4096xf32, #tpu.memory_space<vmem>>
    %dma_start3A_29 = tpu.memref_slice %arg3[%mul3A_23] : memref<1064960xf32, #tpu.memory_space<hbm>> -> memref<4096xf32, #tpu.memory_space<hbm>>
    tpu.enqueue_dma source(%dma_start3A_29 : memref<4096xf32, #tpu.memory_space<hbm>>) target(%dma_start3A_28 : memref<4096xf32, #tpu.memory_space<vmem>>) target_semaphore(%arg17 : memref<!tpu.dma_semaphore, #tpu.memory_space<semaphore_mem>>)
    %add3A_30 = arith.constant 16384 : i32
    %add3A_31 = arith.addi %add3A_4, %add3A_30 : i32
    %mul3A_32 = arith.constant 32 : i32
    %mul3A_33 = arith.muli %add3A_31, %mul3A_32 : i32
    %dma_start3A_34 = arith.constant 0 : i32
    %dma_start3A_35 = tpu.memref_slice %arg10[%dma_start3A_34] : memref<16384xf32, #tpu.memory_space<vmem>> -> memref<4096xf32, #tpu.memory_space<vmem>>
    %dma_start3A_36 = tpu.memref_slice %arg4[%mul3A_33] : memref<1064960xf32, #tpu.memory_space<hbm>> -> memref<4096xf32, #tpu.memory_space<hbm>>
    %dma_start3A_37 = arith.constant 0 : i32
    %dma_start3A_38 = tpu.memref_slice %arg10[%dma_start3A_37] : memref<16384xf32, #tpu.memory_space<vmem>> -> memref<4096xf32, #tpu.memory_space<vmem>>
    %dma_start3A_39 = tpu.memref_slice %arg4[%mul3A_33] : memref<1064960xf32, #tpu.memory_space<hbm>> -> memref<4096xf32, #tpu.memory_space<hbm>>
    tpu.enqueue_dma source(%dma_start3A_39 : memref<4096xf32, #tpu.memory_space<hbm>>) target(%dma_start3A_38 : memref<4096xf32, #tpu.memory_space<vmem>>) target_semaphore(%arg17 : memref<!tpu.dma_semaphore, #tpu.memory_space<semaphore_mem>>)
    %dma_start3A_40 = arith.constant 0 : i32
    %dma_start3A_41 = arith.constant 0 : i32
    %dma_start3A_42 = tpu.memref_slice %arg13[%dma_start3A_40, %dma_start3A_41] : memref<512x32xf32, #tpu.memory_space<vmem>> -> memref<128x32xf32, #tpu.memory_space<vmem>>
    %dma_start3A_43 = arith.constant 0 : i32
    %dma_start3A_44 = tpu.memref_slice %arg8[%dma_start3A_43] : memref<512xi32, #tpu.memory_space<vmem>> -> memref<128xi32, #tpu.memory_space<vmem>>
    %dma_start3A_45 = arith.constant 0 : i32
    %dma_start3A_46 = arith.constant 0 : i32
    %dma_start3A_47 = tpu.memref_slice %arg5[%dma_start3A_45, %dma_start3A_46] : memref<1000x32xf32, #tpu.memory_space<hbm>> -> memref<1000x32xf32, #tpu.memory_space<hbm>>
    tpu.enqueue_indirect_dma source(%dma_start3A_47 : memref<1000x32xf32, #tpu.memory_space<hbm>>) target(%dma_start3A_42 : memref<128x32xf32, #tpu.memory_space<vmem>>) offsets(%dma_start3A_44 : memref<128xi32, #tpu.memory_space<vmem>>) semaphore(%arg17 : memref<!tpu.dma_semaphore, #tpu.memory_space<semaphore_mem>>)
    %dma_start3A_48 = arith.constant 0 : i32
    %dma_start3A_49 = arith.constant 0 : i32
    %dma_start3A_50 = tpu.memref_slice %arg14[%dma_start3A_48, %dma_start3A_49] : memref<512x32xf32, #tpu.memory_space<vmem>> -> memref<128x32xf32, #tpu.memory_space<vmem>>
    %dma_start3A_51 = arith.constant 0 : i32
    %dma_start3A_52 = tpu.memref_slice %arg8[%dma_start3A_51] : memref<512xi32, #tpu.memory_space<vmem>> -> memref<128xi32, #tpu.memory_space<vmem>>
    %dma_start3A_53 = arith.constant 0 : i32
    %dma_start3A_54 = arith.constant 0 : i32
    %dma_start3A_55 = tpu.memref_slice %arg6[%dma_start3A_53, %dma_start3A_54] : memref<1000x32xf32, #tpu.memory_space<hbm>> -> memref<1000x32xf32, #tpu.memory_space<hbm>>
    tpu.enqueue_indirect_dma source(%dma_start3A_55 : memref<1000x32xf32, #tpu.memory_space<hbm>>) target(%dma_start3A_50 : memref<128x32xf32, #tpu.memory_space<vmem>>) offsets(%dma_start3A_52 : memref<128xi32, #tpu.memory_space<vmem>>) semaphore(%arg17 : memref<!tpu.dma_semaphore, #tpu.memory_space<semaphore_mem>>)
    %add3A_56 = arith.constant 128 : i32
    %add3A_57 = arith.addi %mul3A_2, %add3A_56 : i32
    %mul3A_58 = arith.constant 32 : i32
    %mul3A_59 = arith.muli %add3A_57, %mul3A_58 : i32
    %dma_start3A_60 = arith.constant 4096 : i32
    %dma_start3A_61 = tpu.memref_slice %arg9[%dma_start3A_60] : memref<16384xf32, #tpu.memory_space<vmem>> -> memref<4096xf32, #tpu.memory_space<vmem>>
    %dma_start3A_62 = tpu.memref_slice %arg3[%mul3A_59] : memref<1064960xf32, #tpu.memory_space<hbm>> -> memref<4096xf32, #tpu.memory_space<hbm>>
    %dma_start3A_63 = arith.constant 4096 : i32
    %dma_start3A_64 = tpu.memref_slice %arg9[%dma_start3A_63] : memref<16384xf32, #tpu.memory_space<vmem>> -> memref<4096xf32, #tpu.memory_space<vmem>>
    %dma_start3A_65 = tpu.memref_slice %arg3[%mul3A_59] : memref<1064960xf32, #tpu.memory_space<hbm>> -> memref<4096xf32, #tpu.memory_space<hbm>>
    tpu.enqueue_dma source(%dma_start3A_65 : memref<4096xf32, #tpu.memory_space<hbm>>) target(%dma_start3A_64 : memref<4096xf32, #tpu.memory_space<vmem>>) target_semaphore(%arg17 : memref<!tpu.dma_semaphore, #tpu.memory_space<semaphore_mem>>)
    %mul3A_66 = arith.constant 32 : i32
    %mul3A_67 = arith.muli %add3A_57, %mul3A_66 : i32
    %dma_start3A_68 = arith.constant 4096 : i32
    %dma_start3A_69 = tpu.memref_slice %arg12[%dma_start3A_68] : memref<16384xf32, #tpu.memory_space<vmem>> -> memref<4096xf32, #tpu.memory_space<vmem>>
    %dma_start3A_70 = tpu.memref_slice %arg4[%mul3A_67] : memref<1064960xf32, #tpu.memory_space<hbm>> -> memref<4096xf32, #tpu.memory_space<hbm>>
    %dma_start3A_71 = arith.constant 4096 : i32
    %dma_start3A_72 = tpu.memref_slice %arg12[%dma_start3A_71] : memref<16384xf32, #tpu.memory_space<vmem>> -> memref<4096xf32, #tpu.memory_space<vmem>>
    %dma_start3A_73 = tpu.memref_slice %arg4[%mul3A_67] : memref<1064960xf32, #tpu.memory_space<hbm>> -> memref<4096xf32, #tpu.memory_space<hbm>>
    tpu.enqueue_dma source(%dma_start3A_73 : memref<4096xf32, #tpu.memory_space<hbm>>) target(%dma_start3A_72 : memref<4096xf32, #tpu.memory_space<vmem>>) target_semaphore(%arg17 : memref<!tpu.dma_semaphore, #tpu.memory_space<semaphore_mem>>)
    %add3A_74 = arith.constant 16384 : i32
    %add3A_75 = arith.addi %add3A_57, %add3A_74 : i32
    %mul3A_76 = arith.constant 32 : i32
    %mul3A_77 = arith.muli %add3A_75, %mul3A_76 : i32
    %dma_start3A_78 = arith.constant 4096 : i32
    %dma_start3A_79 = tpu.memref_slice %arg11[%dma_start3A_78] : memref<16384xf32, #tpu.memory_space<vmem>> -> memref<4096xf32, #tpu.memory_space<vmem>>
    %dma_start3A_80 = tpu.memref_slice %arg3[%mul3A_77] : memref<1064960xf32, #tpu.memory_space<hbm>> -> memref<4096xf32, #tpu.memory_space<hbm>>
    %dma_start3A_81 = arith.constant 4096 : i32
    %dma_start3A_82 = tpu.memref_slice %arg11[%dma_start3A_81] : memref<16384xf32, #tpu.memory_space<vmem>> -> memref<4096xf32, #tpu.memory_space<vmem>>
    %dma_start3A_83 = tpu.memref_slice %arg3[%mul3A_77] : memref<1064960xf32, #tpu.memory_space<hbm>> -> memref<4096xf32, #tpu.memory_space<hbm>>
    tpu.enqueue_dma source(%dma_start3A_83 : memref<4096xf32, #tpu.memory_space<hbm>>) target(%dma_start3A_82 : memref<4096xf32, #tpu.memory_space<vmem>>) target_semaphore(%arg17 : memref<!tpu.dma_semaphore, #tpu.memory_space<semaphore_mem>>)
    %add3A_84 = arith.constant 16384 : i32
    %add3A_85 = arith.addi %add3A_57, %add3A_84 : i32
    %mul3A_86 = arith.constant 32 : i32
    %mul3A_87 = arith.muli %add3A_85, %mul3A_86 : i32
    %dma_start3A_88 = arith.constant 4096 : i32
    %dma_start3A_89 = tpu.memref_slice %arg10[%dma_start3A_88] : memref<16384xf32, #tpu.memory_space<vmem>> -> memref<4096xf32, #tpu.memory_space<vmem>>
    %dma_start3A_90 = tpu.memref_slice %arg4[%mul3A_87] : memref<1064960xf32, #tpu.memory_space<hbm>> -> memref<4096xf32, #tpu.memory_space<hbm>>
    %dma_start3A_91 = arith.constant 4096 : i32
    %dma_start3A_92 = tpu.memref_slice %arg10[%dma_start3A_91] : memref<16384xf32, #tpu.memory_space<vmem>> -> memref<4096xf32, #tpu.memory_space<vmem>>
    %dma_start3A_93 = tpu.memref_slice %arg4[%mul3A_87] : memref<1064960xf32, #tpu.memory_space<hbm>> -> memref<4096xf32, #tpu.memory_space<hbm>>
    tpu.enqueue_dma source(%dma_start3A_93 : memref<4096xf32, #tpu.memory_space<hbm>>) target(%dma_start3A_92 : memref<4096xf32, #tpu.memory_space<vmem>>) target_semaphore(%arg17 : memref<!tpu.dma_semaphore, #tpu.memory_space<semaphore_mem>>)
    %dma_start3A_94 = arith.constant 128 : i32
    %dma_start3A_95 = arith.constant 0 : i32
    %dma_start3A_96 = tpu.memref_slice %arg13[%dma_start3A_94, %dma_start3A_95] : memref<512x32xf32, #tpu.memory_space<vmem>> -> memref<128x32xf32, #tpu.memory_space<vmem>>
    %dma_start3A_97 = arith.constant 128 : i32
    %dma_start3A_98 = tpu.memref_slice %arg8[%dma_start3A_97] : memref<512xi32, #tpu.memory_space<vmem>> -> memref<128xi32, #tpu.memory_space<vmem>>
    %dma_start3A_99 = arith.constant 0 : i32
    %dma_start3A_100 = arith.constant 0 : i32
    %dma_start3A_101 = tpu.memref_slice %arg5[%dma_start3A_99, %dma_start3A_100] : memref<1000x32xf32, #tpu.memory_space<hbm>> -> memref<1000x32xf32, #tpu.memory_space<hbm>>
    tpu.enqueue_indirect_dma source(%dma_start3A_101 : memref<1000x32xf32, #tpu.memory_space<hbm>>) target(%dma_start3A_96 : memref<128x32xf32, #tpu.memory_space<vmem>>) offsets(%dma_start3A_98 : memref<128xi32, #tpu.memory_space<vmem>>) semaphore(%arg17 : memref<!tpu.dma_semaphore, #tpu.memory_space<semaphore_mem>>)
    %dma_start3A_102 = arith.constant 128 : i32
    %dma_start3A_103 = arith.constant 0 : i32
    %dma_start3A_104 = tpu.memref_slice %arg14[%dma_start3A_102, %dma_start3A_103] : memref<512x32xf32, #tpu.memory_space<vmem>> -> memref<128x32xf32, #tpu.memory_space<vmem>>
    %dma_start3A_105 = arith.constant 128 : i32
    %dma_start3A_106 = tpu.memref_slice %arg8[%dma_start3A_105] : memref<512xi32, #tpu.memory_space<vmem>> -> memref<128xi32, #tpu.memory_space<vmem>>
    %dma_start3A_107 = arith.constant 0 : i32
    %dma_start3A_108 = arith.constant 0 : i32
    %dma_start3A_109 = tpu.memref_slice %arg6[%dma_start3A_107, %dma_start3A_108] : memref<1000x32xf32, #tpu.memory_space<hbm>> -> memref<1000x32xf32, #tpu.memory_space<hbm>>
    tpu.enqueue_indirect_dma source(%dma_start3A_109 : memref<1000x32xf32, #tpu.memory_space<hbm>>) target(%dma_start3A_104 : memref<128x32xf32, #tpu.memory_space<vmem>>) offsets(%dma_start3A_106 : memref<128xi32, #tpu.memory_space<vmem>>) semaphore(%arg17 : memref<!tpu.dma_semaphore, #tpu.memory_space<semaphore_mem>>)
    %add3A_110 = arith.constant 256 : i32
    %add3A_111 = arith.addi %mul3A_2, %add3A_110 : i32
    %mul3A_112 = arith.constant 32 : i32
    %mul3A_113 = arith.muli %add3A_111, %mul3A_112 : i32
    %dma_start3A_114 = arith.constant 8192 : i32
    %dma_start3A_115 = tpu.memref_slice %arg9[%dma_start3A_114] : memref<16384xf32, #tpu.memory_space<vmem>> -> memref<4096xf32, #tpu.memory_space<vmem>>
    %dma_start3A_116 = tpu.memref_slice %arg3[%mul3A_113] : memref<1064960xf32, #tpu.memory_space<hbm>> -> memref<4096xf32, #tpu.memory_space<hbm>>
    %dma_start3A_117 = arith.constant 8192 : i32
    %dma_start3A_118 = tpu.memref_slice %arg9[%dma_start3A_117] : memref<16384xf32, #tpu.memory_space<vmem>> -> memref<4096xf32, #tpu.memory_space<vmem>>
    %dma_start3A_119 = tpu.memref_slice %arg3[%mul3A_113] : memref<1064960xf32, #tpu.memory_space<hbm>> -> memref<4096xf32, #tpu.memory_space<hbm>>
    tpu.enqueue_dma source(%dma_start3A_119 : memref<4096xf32, #tpu.memory_space<hbm>>) target(%dma_start3A_118 : memref<4096xf32, #tpu.memory_space<vmem>>) target_semaphore(%arg17 : memref<!tpu.dma_semaphore, #tpu.memory_space<semaphore_mem>>)
    %mul3A_120 = arith.constant 32 : i32
    %mul3A_121 = arith.muli %add3A_111, %mul3A_120 : i32
    %dma_start3A_122 = arith.constant 8192 : i32
    %dma_start3A_123 = tpu.memref_slice %arg12[%dma_start3A_122] : memref<16384xf32, #tpu.memory_space<vmem>> -> memref<4096xf32, #tpu.memory_space<vmem>>
    %dma_start3A_124 = tpu.memref_slice %arg4[%mul3A_121] : memref<1064960xf32, #tpu.memory_space<hbm>> -> memref<4096xf32, #tpu.memory_space<hbm>>
    %dma_start3A_125 = arith.constant 8192 : i32
    %dma_start3A_126 = tpu.memref_slice %arg12[%dma_start3A_125] : memref<16384xf32, #tpu.memory_space<vmem>> -> memref<4096xf32, #tpu.memory_space<vmem>>
    %dma_start3A_127 = tpu.memref_slice %arg4[%mul3A_121] : memref<1064960xf32, #tpu.memory_space<hbm>> -> memref<4096xf32, #tpu.memory_space<hbm>>
    tpu.enqueue_dma source(%dma_start3A_127 : memref<4096xf32, #tpu.memory_space<hbm>>) target(%dma_start3A_126 : memref<4096xf32, #tpu.memory_space<vmem>>) target_semaphore(%arg17 : memref<!tpu.dma_semaphore, #tpu.memory_space<semaphore_mem>>)
    %add3A_128 = arith.constant 16384 : i32
    %add3A_129 = arith.addi %add3A_111, %add3A_128 : i32
    %mul3A_130 = arith.constant 32 : i32
    %mul3A_131 = arith.muli %add3A_129, %mul3A_130 : i32
    %dma_start3A_132 = arith.constant 8192 : i32
    %dma_start3A_133 = tpu.memref_slice %arg11[%dma_start3A_132] : memref<16384xf32, #tpu.memory_space<vmem>> -> memref<4096xf32, #tpu.memory_space<vmem>>
    %dma_start3A_134 = tpu.memref_slice %arg3[%mul3A_131] : memref<1064960xf32, #tpu.memory_space<hbm>> -> memref<4096xf32, #tpu.memory_space<hbm>>
    %dma_start3A_135 = arith.constant 8192 : i32
    %dma_start3A_136 = tpu.memref_slice %arg11[%dma_start3A_135] : memref<16384xf32, #tpu.memory_space<vmem>> -> memref<4096xf32, #tpu.memory_space<vmem>>
    %dma_start3A_137 = tpu.memref_slice %arg3[%mul3A_131] : memref<1064960xf32, #tpu.memory_space<hbm>> -> memref<4096xf32, #tpu.memory_space<hbm>>
    tpu.enqueue_dma source(%dma_start3A_137 : memref<4096xf32, #tpu.memory_space<hbm>>) target(%dma_start3A_136 : memref<4096xf32, #tpu.memory_space<vmem>>) target_semaphore(%arg17 : memref<!tpu.dma_semaphore, #tpu.memory_space<semaphore_mem>>)
    %add3A_138 = arith.constant 16384 : i32
    %add3A_139 = arith.addi %add3A_111, %add3A_138 : i32
    %mul3A_140 = arith.constant 32 : i32
    %mul3A_141 = arith.muli %add3A_139, %mul3A_140 : i32
    %dma_start3A_142 = arith.constant 8192 : i32
    %dma_start3A_143 = tpu.memref_slice %arg10[%dma_start3A_142] : memref<16384xf32, #tpu.memory_space<vmem>> -> memref<4096xf32, #tpu.memory_space<vmem>>
    %dma_start3A_144 = tpu.memref_slice %arg4[%mul3A_141] : memref<1064960xf32, #tpu.memory_space<hbm>> -> memref<4096xf32, #tpu.memory_space<hbm>>
    %dma_start3A_145 = arith.constant 8192 : i32
    %dma_start3A_146 = tpu.memref_slice %arg10[%dma_start3A_145] : memref<16384xf32, #tpu.memory_space<vmem>> -> memref<4096xf32, #tpu.memory_space<vmem>>
    %dma_start3A_147 = tpu.memref_slice %arg4[%mul3A_141] : memref<1064960xf32, #tpu.memory_space<hbm>> -> memref<4096xf32, #tpu.memory_space<hbm>>
    tpu.enqueue_dma source(%dma_start3A_147 : memref<4096xf32, #tpu.memory_space<hbm>>) target(%dma_start3A_146 : memref<4096xf32, #tpu.memory_space<vmem>>) target_semaphore(%arg17 : memref<!tpu.dma_semaphore, #tpu.memory_space<semaphore_mem>>)
    %dma_start3A_148 = arith.constant 256 : i32
    %dma_start3A_149 = arith.constant 0 : i32
    %dma_start3A_150 = tpu.memref_slice %arg13[%dma_start3A_148, %dma_start3A_149] : memref<512x32xf32, #tpu.memory_space<vmem>> -> memref<128x32xf32, #tpu.memory_space<vmem>>
    %dma_start3A_151 = arith.constant 256 : i32
    %dma_start3A_152 = tpu.memref_slice %arg8[%dma_start3A_151] : memref<512xi32, #tpu.memory_space<vmem>> -> memref<128xi32, #tpu.memory_space<vmem>>
    %dma_start3A_153 = arith.constant 0 : i32
    %dma_start3A_154 = arith.constant 0 : i32
    %dma_start3A_155 = tpu.memref_slice %arg5[%dma_start3A_153, %dma_start3A_154] : memref<1000x32xf32, #tpu.memory_space<hbm>> -> memref<1000x32xf32, #tpu.memory_space<hbm>>
    tpu.enqueue_indirect_dma source(%dma_start3A_155 : memref<1000x32xf32, #tpu.memory_space<hbm>>) target(%dma_start3A_150 : memref<128x32xf32, #tpu.memory_space<vmem>>) offsets(%dma_start3A_152 : memref<128xi32, #tpu.memory_space<vmem>>) semaphore(%arg17 : memref<!tpu.dma_semaphore, #tpu.memory_space<semaphore_mem>>)
    %dma_start3A_156 = arith.constant 256 : i32
    %dma_start3A_157 = arith.constant 0 : i32
    %dma_start3A_158 = tpu.memref_slice %arg14[%dma_start3A_156, %dma_start3A_157] : memref<512x32xf32, #tpu.memory_space<vmem>> -> memref<128x32xf32, #tpu.memory_space<vmem>>
    %dma_start3A_159 = arith.constant 256 : i32
    %dma_start3A_160 = tpu.memref_slice %arg8[%dma_start3A_159] : memref<512xi32, #tpu.memory_space<vmem>> -> memref<128xi32, #tpu.memory_space<vmem>>
    %dma_start3A_161 = arith.constant 0 : i32
    %dma_start3A_162 = arith.constant 0 : i32
    %dma_start3A_163 = tpu.memref_slice %arg6[%dma_start3A_161, %dma_start3A_162] : memref<1000x32xf32, #tpu.memory_space<hbm>> -> memref<1000x32xf32, #tpu.memory_space<hbm>>
    tpu.enqueue_indirect_dma source(%dma_start3A_163 : memref<1000x32xf32, #tpu.memory_space<hbm>>) target(%dma_start3A_158 : memref<128x32xf32, #tpu.memory_space<vmem>>) offsets(%dma_start3A_160 : memref<128xi32, #tpu.memory_space<vmem>>) semaphore(%arg17 : memref<!tpu.dma_semaphore, #tpu.memory_space<semaphore_mem>>)
    %add3A_164 = arith.constant 384 : i32
    %add3A_165 = arith.addi %mul3A_2, %add3A_164 : i32
    %mul3A_166 = arith.constant 32 : i32
    %mul3A_167 = arith.muli %add3A_165, %mul3A_166 : i32
    %dma_start3A_168 = arith.constant 12288 : i32
    %dma_start3A_169 = tpu.memref_slice %arg9[%dma_start3A_168] : memref<16384xf32, #tpu.memory_space<vmem>> -> memref<4096xf32, #tpu.memory_space<vmem>>
    %dma_start3A_170 = tpu.memref_slice %arg3[%mul3A_167] : memref<1064960xf32, #tpu.memory_space<hbm>> -> memref<4096xf32, #tpu.memory_space<hbm>>
    %dma_start3A_171 = arith.constant 12288 : i32
    %dma_start3A_172 = tpu.memref_slice %arg9[%dma_start3A_171] : memref<16384xf32, #tpu.memory_space<vmem>> -> memref<4096xf32, #tpu.memory_space<vmem>>
    %dma_start3A_173 = tpu.memref_slice %arg3[%mul3A_167] : memref<1064960xf32, #tpu.memory_space<hbm>> -> memref<4096xf32, #tpu.memory_space<hbm>>
    tpu.enqueue_dma source(%dma_start3A_173 : memref<4096xf32, #tpu.memory_space<hbm>>) target(%dma_start3A_172 : memref<4096xf32, #tpu.memory_space<vmem>>) target_semaphore(%arg17 : memref<!tpu.dma_semaphore, #tpu.memory_space<semaphore_mem>>)
    %mul3A_174 = arith.constant 32 : i32
    %mul3A_175 = arith.muli %add3A_165, %mul3A_174 : i32
    %dma_start3A_176 = arith.constant 12288 : i32
    %dma_start3A_177 = tpu.memref_slice %arg12[%dma_start3A_176] : memref<16384xf32, #tpu.memory_space<vmem>> -> memref<4096xf32, #tpu.memory_space<vmem>>
    %dma_start3A_178 = tpu.memref_slice %arg4[%mul3A_175] : memref<1064960xf32, #tpu.memory_space<hbm>> -> memref<4096xf32, #tpu.memory_space<hbm>>
    %dma_start3A_179 = arith.constant 12288 : i32
    %dma_start3A_180 = tpu.memref_slice %arg12[%dma_start3A_179] : memref<16384xf32, #tpu.memory_space<vmem>> -> memref<4096xf32, #tpu.memory_space<vmem>>
    %dma_start3A_181 = tpu.memref_slice %arg4[%mul3A_175] : memref<1064960xf32, #tpu.memory_space<hbm>> -> memref<4096xf32, #tpu.memory_space<hbm>>
    tpu.enqueue_dma source(%dma_start3A_181 : memref<4096xf32, #tpu.memory_space<hbm>>) target(%dma_start3A_180 : memref<4096xf32, #tpu.memory_space<vmem>>) target_semaphore(%arg17 : memref<!tpu.dma_semaphore, #tpu.memory_space<semaphore_mem>>)
    %add3A_182 = arith.constant 16384 : i32
    %add3A_183 = arith.addi %add3A_165, %add3A_182 : i32
    %mul3A_184 = arith.constant 32 : i32
    %mul3A_185 = arith.muli %add3A_183, %mul3A_184 : i32
    %dma_start3A_186 = arith.constant 12288 : i32
    %dma_start3A_187 = tpu.memref_slice %arg11[%dma_start3A_186] : memref<16384xf32, #tpu.memory_space<vmem>> -> memref<4096xf32, #tpu.memory_space<vmem>>
    %dma_start3A_188 = tpu.memref_slice %arg3[%mul3A_185] : memref<1064960xf32, #tpu.memory_space<hbm>> -> memref<4096xf32, #tpu.memory_space<hbm>>
    %dma_start3A_189 = arith.constant 12288 : i32
    %dma_start3A_190 = tpu.memref_slice %arg11[%dma_start3A_189] : memref<16384xf32, #tpu.memory_space<vmem>> -> memref<4096xf32, #tpu.memory_space<vmem>>
    %dma_start3A_191 = tpu.memref_slice %arg3[%mul3A_185] : memref<1064960xf32, #tpu.memory_space<hbm>> -> memref<4096xf32, #tpu.memory_space<hbm>>
    tpu.enqueue_dma source(%dma_start3A_191 : memref<4096xf32, #tpu.memory_space<hbm>>) target(%dma_start3A_190 : memref<4096xf32, #tpu.memory_space<vmem>>) target_semaphore(%arg17 : memref<!tpu.dma_semaphore, #tpu.memory_space<semaphore_mem>>)
    %add3A_192 = arith.constant 16384 : i32
    %add3A_193 = arith.addi %add3A_165, %add3A_192 : i32
    %mul3A_194 = arith.constant 32 : i32
    %mul3A_195 = arith.muli %add3A_193, %mul3A_194 : i32
    %dma_start3A_196 = arith.constant 12288 : i32
    %dma_start3A_197 = tpu.memref_slice %arg10[%dma_start3A_196] : memref<16384xf32, #tpu.memory_space<vmem>> -> memref<4096xf32, #tpu.memory_space<vmem>>
    %dma_start3A_198 = tpu.memref_slice %arg4[%mul3A_195] : memref<1064960xf32, #tpu.memory_space<hbm>> -> memref<4096xf32, #tpu.memory_space<hbm>>
    %dma_start3A_199 = arith.constant 12288 : i32
    %dma_start3A_200 = tpu.memref_slice %arg10[%dma_start3A_199] : memref<16384xf32, #tpu.memory_space<vmem>> -> memref<4096xf32, #tpu.memory_space<vmem>>
    %dma_start3A_201 = tpu.memref_slice %arg4[%mul3A_195] : memref<1064960xf32, #tpu.memory_space<hbm>> -> memref<4096xf32, #tpu.memory_space<hbm>>
    tpu.enqueue_dma source(%dma_start3A_201 : memref<4096xf32, #tpu.memory_space<hbm>>) target(%dma_start3A_200 : memref<4096xf32, #tpu.memory_space<vmem>>) target_semaphore(%arg17 : memref<!tpu.dma_semaphore, #tpu.memory_space<semaphore_mem>>)
    %dma_start3A_202 = arith.constant 384 : i32
    %dma_start3A_203 = arith.constant 0 : i32
    %dma_start3A_204 = tpu.memref_slice %arg13[%dma_start3A_202, %dma_start3A_203] : memref<512x32xf32, #tpu.memory_space<vmem>> -> memref<128x32xf32, #tpu.memory_space<vmem>>
    %dma_start3A_205 = arith.constant 384 : i32
    %dma_start3A_206 = tpu.memref_slice %arg8[%dma_start3A_205] : memref<512xi32, #tpu.memory_space<vmem>> -> memref<128xi32, #tpu.memory_space<vmem>>
    %dma_start3A_207 = arith.constant 0 : i32
    %dma_start3A_208 = arith.constant 0 : i32
    %dma_start3A_209 = tpu.memref_slice %arg5[%dma_start3A_207, %dma_start3A_208] : memref<1000x32xf32, #tpu.memory_space<hbm>> -> memref<1000x32xf32, #tpu.memory_space<hbm>>
    tpu.enqueue_indirect_dma source(%dma_start3A_209 : memref<1000x32xf32, #tpu.memory_space<hbm>>) target(%dma_start3A_204 : memref<128x32xf32, #tpu.memory_space<vmem>>) offsets(%dma_start3A_206 : memref<128xi32, #tpu.memory_space<vmem>>) semaphore(%arg17 : memref<!tpu.dma_semaphore, #tpu.memory_space<semaphore_mem>>)
    %dma_start3A_210 = arith.constant 384 : i32
    %dma_start3A_211 = arith.constant 0 : i32
    %dma_start3A_212 = tpu.memref_slice %arg14[%dma_start3A_210, %dma_start3A_211] : memref<512x32xf32, #tpu.memory_space<vmem>> -> memref<128x32xf32, #tpu.memory_space<vmem>>
    %dma_start3A_213 = arith.constant 384 : i32
    %dma_start3A_214 = tpu.memref_slice %arg8[%dma_start3A_213] : memref<512xi32, #tpu.memory_space<vmem>> -> memref<128xi32, #tpu.memory_space<vmem>>
    %dma_start3A_215 = arith.constant 0 : i32
    %dma_start3A_216 = arith.constant 0 : i32
    %dma_start3A_217 = tpu.memref_slice %arg6[%dma_start3A_215, %dma_start3A_216] : memref<1000x32xf32, #tpu.memory_space<hbm>> -> memref<1000x32xf32, #tpu.memory_space<hbm>>
    tpu.enqueue_indirect_dma source(%dma_start3A_217 : memref<1000x32xf32, #tpu.memory_space<hbm>>) target(%dma_start3A_212 : memref<128x32xf32, #tpu.memory_space<vmem>>) offsets(%dma_start3A_214 : memref<128xi32, #tpu.memory_space<vmem>>) semaphore(%arg17 : memref<!tpu.dma_semaphore, #tpu.memory_space<semaphore_mem>>)
    %add3A_218 = arith.constant 0 : i32
    %add3A_219 = arith.addi %mul3A_2, %add3A_218 : i32
    %dma_wait3A = arith.constant 0 : i32
    %dma_wait3A_220 = tpu.memref_slice %arg9[%dma_wait3A] : memref<16384xf32, #tpu.memory_space<vmem>> -> memref<4096xf32, #tpu.memory_space<vmem>>
    %dma_wait3A_221 = arith.constant 0 : i32
    %dma_wait3A_222 = tpu.memref_slice %arg3[%dma_wait3A_221] : memref<1064960xf32, #tpu.memory_space<hbm>> -> memref<4096xf32, #tpu.memory_space<hbm>>
    %dma_wait3A_223 = arith.constant 0 : i32
    %dma_wait3A_224 = tpu.memref_slice %arg9[%dma_wait3A_223] : memref<16384xf32, #tpu.memory_space<vmem>> -> memref<4096xf32, #tpu.memory_space<vmem>>
    %dma_wait3A_225 = arith.constant 0 : i32
    %dma_wait3A_226 = tpu.memref_slice %arg3[%dma_wait3A_225] : memref<1064960xf32, #tpu.memory_space<hbm>> -> memref<4096xf32, #tpu.memory_space<hbm>>
    tpu.wait_dma2 semaphore(%arg17 : memref<!tpu.dma_semaphore, #tpu.memory_space<semaphore_mem>>) src(%dma_wait3A_226 : memref<4096xf32, #tpu.memory_space<hbm>>) dst(%dma_wait3A_224 : memref<4096xf32, #tpu.memory_space<vmem>>)
    %dma_wait3A_227 = arith.constant 0 : i32
    %dma_wait3A_228 = tpu.memref_slice %arg12[%dma_wait3A_227] : memref<16384xf32, #tpu.memory_space<vmem>> -> memref<4096xf32, #tpu.memory_space<vmem>>
    %dma_wait3A_229 = arith.constant 0 : i32
    %dma_wait3A_230 = tpu.memref_slice %arg3[%dma_wait3A_229] : memref<1064960xf32, #tpu.memory_space<hbm>> -> memref<4096xf32, #tpu.memory_space<hbm>>
    %dma_wait3A_231 = arith.constant 0 : i32
    %dma_wait3A_232 = tpu.memref_slice %arg12[%dma_wait3A_231] : memref<16384xf32, #tpu.memory_space<vmem>> -> memref<4096xf32, #tpu.memory_space<vmem>>
    %dma_wait3A_233 = arith.constant 0 : i32
    %dma_wait3A_234 = tpu.memref_slice %arg3[%dma_wait3A_233] : memref<1064960xf32, #tpu.memory_space<hbm>> -> memref<4096xf32, #tpu.memory_space<hbm>>
    tpu.wait_dma2 semaphore(%arg17 : memref<!tpu.dma_semaphore, #tpu.memory_space<semaphore_mem>>) src(%dma_wait3A_234 : memref<4096xf32, #tpu.memory_space<hbm>>) dst(%dma_wait3A_232 : memref<4096xf32, #tpu.memory_space<vmem>>)
    %dma_wait3A_235 = arith.constant 0 : i32
    %dma_wait3A_236 = tpu.memref_slice %arg11[%dma_wait3A_235] : memref<16384xf32, #tpu.memory_space<vmem>> -> memref<4096xf32, #tpu.memory_space<vmem>>
    %dma_wait3A_237 = arith.constant 0 : i32
    %dma_wait3A_238 = tpu.memref_slice %arg3[%dma_wait3A_237] : memref<1064960xf32, #tpu.memory_space<hbm>> -> memref<4096xf32, #tpu.memory_space<hbm>>
    %dma_wait3A_239 = arith.constant 0 : i32
    %dma_wait3A_240 = tpu.memref_slice %arg11[%dma_wait3A_239] : memref<16384xf32, #tpu.memory_space<vmem>> -> memref<4096xf32, #tpu.memory_space<vmem>>
    %dma_wait3A_241 = arith.constant 0 : i32
    %dma_wait3A_242 = tpu.memref_slice %arg3[%dma_wait3A_241] : memref<1064960xf32, #tpu.memory_space<hbm>> -> memref<4096xf32, #tpu.memory_space<hbm>>
    tpu.wait_dma2 semaphore(%arg17 : memref<!tpu.dma_semaphore, #tpu.memory_space<semaphore_mem>>) src(%dma_wait3A_242 : memref<4096xf32, #tpu.memory_space<hbm>>) dst(%dma_wait3A_240 : memref<4096xf32, #tpu.memory_space<vmem>>)
    %dma_wait3A_243 = arith.constant 0 : i32
    %dma_wait3A_244 = tpu.memref_slice %arg10[%dma_wait3A_243] : memref<16384xf32, #tpu.memory_space<vmem>> -> memref<4096xf32, #tpu.memory_space<vmem>>
    %dma_wait3A_245 = arith.constant 0 : i32
    %dma_wait3A_246 = tpu.memref_slice %arg3[%dma_wait3A_245] : memref<1064960xf32, #tpu.memory_space<hbm>> -> memref<4096xf32, #tpu.memory_space<hbm>>
    %dma_wait3A_247 = arith.constant 0 : i32
    %dma_wait3A_248 = tpu.memref_slice %arg10[%dma_wait3A_247] : memref<16384xf32, #tpu.memory_space<vmem>> -> memref<4096xf32, #tpu.memory_space<vmem>>
    %dma_wait3A_249 = arith.constant 0 : i32
    %dma_wait3A_250 = tpu.memref_slice %arg3[%dma_wait3A_249] : memref<1064960xf32, #tpu.memory_space<hbm>> -> memref<4096xf32, #tpu.memory_space<hbm>>
    tpu.wait_dma2 semaphore(%arg17 : memref<!tpu.dma_semaphore, #tpu.memory_space<semaphore_mem>>) src(%dma_wait3A_250 : memref<4096xf32, #tpu.memory_space<hbm>>) dst(%dma_wait3A_248 : memref<4096xf32, #tpu.memory_space<vmem>>)
    %dma_wait3A_251 = arith.constant 0 : i32
    %dma_wait3A_252 = arith.constant 0 : i32
    %dma_wait3A_253 = tpu.memref_slice %arg13[%dma_wait3A_251, %dma_wait3A_252] : memref<512x32xf32, #tpu.memory_space<vmem>> -> memref<128x32xf32, #tpu.memory_space<vmem>>
    %dma_wait3A_254 = arith.constant 0 : i32
    %dma_wait3A_255 = arith.constant 0 : i32
    %dma_wait3A_256 = tpu.memref_slice %arg5[%dma_wait3A_254, %dma_wait3A_255] : memref<1000x32xf32, #tpu.memory_space<hbm>> -> memref<128x32xf32, #tpu.memory_space<hbm>>
    %dma_wait3A_257 = arith.constant 0 : i32
    %dma_wait3A_258 = arith.constant 0 : i32
    %dma_wait3A_259 = tpu.memref_slice %arg13[%dma_wait3A_257, %dma_wait3A_258] : memref<512x32xf32, #tpu.memory_space<vmem>> -> memref<128x32xf32, #tpu.memory_space<vmem>>
    %dma_wait3A_260 = arith.constant 0 : i32
    %dma_wait3A_261 = arith.constant 0 : i32
    %dma_wait3A_262 = tpu.memref_slice %arg5[%dma_wait3A_260, %dma_wait3A_261] : memref<1000x32xf32, #tpu.memory_space<hbm>> -> memref<128x32xf32, #tpu.memory_space<hbm>>
    tpu.wait_dma2 semaphore(%arg17 : memref<!tpu.dma_semaphore, #tpu.memory_space<semaphore_mem>>) src(%dma_wait3A_262 : memref<128x32xf32, #tpu.memory_space<hbm>>) dst(%dma_wait3A_259 : memref<128x32xf32, #tpu.memory_space<vmem>>)
    %dma_wait3A_263 = arith.constant 0 : i32
    %dma_wait3A_264 = arith.constant 0 : i32
    %dma_wait3A_265 = tpu.memref_slice %arg14[%dma_wait3A_263, %dma_wait3A_264] : memref<512x32xf32, #tpu.memory_space<vmem>> -> memref<128x32xf32, #tpu.memory_space<vmem>>
    %dma_wait3A_266 = arith.constant 0 : i32
    %dma_wait3A_267 = arith.constant 0 : i32
    %dma_wait3A_268 = tpu.memref_slice %arg5[%dma_wait3A_266, %dma_wait3A_267] : memref<1000x32xf32, #tpu.memory_space<hbm>> -> memref<128x32xf32, #tpu.memory_space<hbm>>
    %dma_wait3A_269 = arith.constant 0 : i32
    %dma_wait3A_270 = arith.constant 0 : i32
    %dma_wait3A_271 = tpu.memref_slice %arg14[%dma_wait3A_269, %dma_wait3A_270] : memref<512x32xf32, #tpu.memory_space<vmem>> -> memref<128x32xf32, #tpu.memory_space<vmem>>
    %dma_wait3A_272 = arith.constant 0 : i32
    %dma_wait3A_273 = arith.constant 0 : i32
    %dma_wait3A_274 = tpu.memref_slice %arg5[%dma_wait3A_272, %dma_wait3A_273] : memref<1000x32xf32, #tpu.memory_space<hbm>> -> memref<128x32xf32, #tpu.memory_space<hbm>>
    tpu.wait_dma2 semaphore(%arg17 : memref<!tpu.dma_semaphore, #tpu.memory_space<semaphore_mem>>) src(%dma_wait3A_274 : memref<128x32xf32, #tpu.memory_space<hbm>>) dst(%dma_wait3A_271 : memref<128x32xf32, #tpu.memory_space<vmem>>)
    %scan3A = arith.constant 0 : i32
    %scan3A_275 = arith.constant 0 : i32
    %scan3A_276 = arith.constant 128 : i32
    %scan3A_277 = arith.addi %scan3A_275, %scan3A_276 : i32
    %scan3A_278 = arith.constant 1 : i32
    scf.for %scan3A_478 = %scan3A_275 to %scan3A_277 step %scan3A_278  : i32 {
      %mul3A_479 = arith.constant 32 : i32
      %mul3A_480 = arith.muli %scan3A_478, %mul3A_479 : i32
      %mul3A_481 = arith.constant 32 : i32
      %mul3A_482 = arith.muli %scan3A_478, %mul3A_481 : i32
      %add3A_483 = arith.constant 16 : i32
      %add3A_484 = arith.addi %mul3A_482, %add3A_483 : i32
      %get3A = arith.index_cast %mul3A_480 : i32 to index
      %get3A_485 = tpu.vector_load %arg9[%get3A] {strides = array<i32>} : memref<16384xf32, #tpu.memory_space<vmem>>, vector<16xf32>,
      %get3A_486 = arith.index_cast %scan3A_478 : i32 to index
      %get3A_487 = arith.constant 0 : index
      %get3A_488 = tpu.vector_load %arg13[%get3A_486, %get3A_487] {strides = array<i32>} : memref<512x32xf32, #tpu.memory_space<vmem>>, vector<16xf32>,
      %mul3A_489 = arith.mulf %get3A_485, %get3A_488 : vector<16xf32>
      %get3A_490 = arith.index_cast %mul3A_480 : i32 to index
      %get3A_491 = tpu.vector_load %arg10[%get3A_490] {strides = array<i32>} : memref<16384xf32, #tpu.memory_space<vmem>>, vector<16xf32>,
      %mul3A_492 = arith.mulf %mul3A_489, %get3A_491 : vector<16xf32>
      %get3A_493 = arith.index_cast %mul3A_480 : i32 to index
      %get3A_494 = tpu.vector_load %arg11[%get3A_493] {strides = array<i32>} : memref<16384xf32, #tpu.memory_space<vmem>>, vector<16xf32>,
      %get3A_495 = arith.index_cast %scan3A_478 : i32 to index
      %get3A_496 = arith.constant 0 : index
      %get3A_497 = tpu.vector_load %arg14[%get3A_495, %get3A_496] {strides = array<i32>} : memref<512x32xf32, #tpu.memory_space<vmem>>, vector<16xf32>,
      %mul3A_498 = arith.mulf %get3A_494, %get3A_497 : vector<16xf32>
      %get3A_499 = arith.index_cast %mul3A_480 : i32 to index
      %get3A_500 = tpu.vector_load %arg12[%get3A_499] {strides = array<i32>} : memref<16384xf32, #tpu.memory_space<vmem>>, vector<16xf32>,
      %mul3A_501 = arith.mulf %mul3A_498, %get3A_500 : vector<16xf32>
      %add3A_502 = arith.addf %mul3A_492, %mul3A_501 : vector<16xf32>
      %get3A_503 = arith.index_cast %add3A_484 : i32 to index
      %get3A_504 = tpu.vector_load %arg9[%get3A_503] {strides = array<i32>} : memref<16384xf32, #tpu.memory_space<vmem>>, vector<16xf32>,
      %get3A_505 = arith.index_cast %scan3A_478 : i32 to index
      %get3A_506 = arith.constant 16 : index
      %get3A_507 = tpu.vector_load %arg13[%get3A_505, %get3A_506] {strides = array<i32>} : memref<512x32xf32, #tpu.memory_space<vmem>>, vector<16xf32>,
      %mul3A_508 = arith.mulf %get3A_504, %get3A_507 : vector<16xf32>
      %get3A_509 = arith.index_cast %add3A_484 : i32 to index
      %get3A_510 = tpu.vector_load %arg10[%get3A_509] {strides = array<i32>} : memref<16384xf32, #tpu.memory_space<vmem>>, vector<16xf32>,
      %mul3A_511 = arith.mulf %mul3A_508, %get3A_510 : vector<16xf32>
      %get3A_512 = arith.index_cast %add3A_484 : i32 to index
      %get3A_513 = tpu.vector_load %arg11[%get3A_512] {strides = array<i32>} : memref<16384xf32, #tpu.memory_space<vmem>>, vector<16xf32>,
      %get3A_514 = arith.index_cast %scan3A_478 : i32 to index
      %get3A_515 = arith.constant 16 : index
      %get3A_516 = tpu.vector_load %arg14[%get3A_514, %get3A_515] {strides = array<i32>} : memref<512x32xf32, #tpu.memory_space<vmem>>, vector<16xf32>,
      %mul3A_517 = arith.mulf %get3A_513, %get3A_516 : vector<16xf32>
      %get3A_518 = arith.index_cast %add3A_484 : i32 to index
      %get3A_519 = tpu.vector_load %arg12[%get3A_518] {strides = array<i32>} : memref<16384xf32, #tpu.memory_space<vmem>>, vector<16xf32>,
      %mul3A_520 = arith.mulf %mul3A_517, %get3A_519 : vector<16xf32>
      %add3A_521 = arith.addf %mul3A_511, %mul3A_520 : vector<16xf32>
      %add3A_522 = arith.addf %add3A_502, %add3A_521 : vector<16xf32>
      %jit3A = arith.constant 16 : i32
      %div3A = arith.divsi %scan3A_478, %jit3A : i32
      %sign3A = arith.constant 0 : i32
      %sign3A_523 = arith.cmpi sgt, %scan3A_478, %sign3A : i32
      %sign3A_524 = arith.extui %sign3A_523 : i1 to i32
      %sign3A_525 = arith.constant 0 : i32
      %sign3A_526 = arith.cmpi slt, %scan3A_478, %sign3A_525 : i32
      %sign3A_527 = arith.extui %sign3A_526 : i1 to i32
      %sign3A_528 = arith.subi %sign3A_524, %sign3A_527 : i32
      %sign3A_529 = arith.constant 0 : i32
      %sign3A_530 = arith.cmpi sgt, %jit3A, %sign3A_529 : i32
      %sign3A_531 = arith.extui %sign3A_530 : i1 to i32
      %sign3A_532 = arith.constant 0 : i32
      %sign3A_533 = arith.cmpi slt, %jit3A, %sign3A_532 : i32
      %sign3A_534 = arith.extui %sign3A_533 : i1 to i32
      %sign3A_535 = arith.subi %sign3A_531, %sign3A_534 : i32
      %ne3A = arith.cmpi ne, %sign3A_528, %sign3A_535 : i32
      %rem3A = arith.remsi %scan3A_478, %jit3A : i32
      %ne3A_536 = arith.constant 0 : i32
      %ne3A_537 = arith.cmpi ne, %rem3A, %ne3A_536 : i32
      %and3A = arith.andi %ne3A, %ne3A_537 : i1
      %sub3A = arith.constant 1 : i32
      %sub3A_538 = arith.subi %div3A, %sub3A : i32
      %select_n3A = arith.select %and3A, %sub3A_538, %div3A : i32
      %mul3A_539 = arith.constant 16 : i32
      %mul3A_540 = arith.muli %select_n3A, %mul3A_539 : i32
      %sub3A_541 = arith.subi %scan3A_478, %mul3A_540 : i32
      %mul3A_542 = arith.constant 256 : i32
      %mul3A_543 = arith.muli %select_n3A, %mul3A_542 : i32
      %mul3A_544 = arith.constant 16 : i32
      %mul3A_545 = vector.broadcast %mul3A_544 : i32 to vector<16xi32>
      %mul3A_546 = arith.muli %iota3A, %mul3A_545 : vector<16xi32>
      %add3A_547 = vector.broadcast %mul3A_543 : i32 to vector<16xi32>
      %add3A_548 = arith.addi %add3A_547, %mul3A_546 : vector<16xi32>
      %add3A_549 = vector.broadcast %sub3A_541 : i32 to vector<16xi32>
      %add3A_550 = arith.addi %add3A_548, %add3A_549 : vector<16xi32>
      tpu.vector_store_idx %arg15[%add3A_550], %add3A_522 : memref<8192xf32, #tpu.memory_space<vmem>>[vector<16xi32>], vector<16xf32>,
    }
    %scan3A_279 = arith.constant 128 : i32
    %add3A_280 = arith.constant 128 : i32
    %add3A_281 = arith.addi %mul3A_2, %add3A_280 : i32
    %dma_wait3A_282 = arith.constant 4096 : i32
    %dma_wait3A_283 = tpu.memref_slice %arg9[%dma_wait3A_282] : memref<16384xf32, #tpu.memory_space<vmem>> -> memref<4096xf32, #tpu.memory_space<vmem>>
    %dma_wait3A_284 = arith.constant 0 : i32
    %dma_wait3A_285 = tpu.memref_slice %arg3[%dma_wait3A_284] : memref<1064960xf32, #tpu.memory_space<hbm>> -> memref<4096xf32, #tpu.memory_space<hbm>>
    %dma_wait3A_286 = arith.constant 4096 : i32
    %dma_wait3A_287 = tpu.memref_slice %arg9[%dma_wait3A_286] : memref<16384xf32, #tpu.memory_space<vmem>> -> memref<4096xf32, #tpu.memory_space<vmem>>
    %dma_wait3A_288 = arith.constant 0 : i32
    %dma_wait3A_289 = tpu.memref_slice %arg3[%dma_wait3A_288] : memref<1064960xf32, #tpu.memory_space<hbm>> -> memref<4096xf32, #tpu.memory_space<hbm>>
    tpu.wait_dma2 semaphore(%arg17 : memref<!tpu.dma_semaphore, #tpu.memory_space<semaphore_mem>>) src(%dma_wait3A_289 : memref<4096xf32, #tpu.memory_space<hbm>>) dst(%dma_wait3A_287 : memref<4096xf32, #tpu.memory_space<vmem>>)
    %dma_wait3A_290 = arith.constant 4096 : i32
    %dma_wait3A_291 = tpu.memref_slice %arg12[%dma_wait3A_290] : memref<16384xf32, #tpu.memory_space<vmem>> -> memref<4096xf32, #tpu.memory_space<vmem>>
    %dma_wait3A_292 = arith.constant 0 : i32
    %dma_wait3A_293 = tpu.memref_slice %arg3[%dma_wait3A_292] : memref<1064960xf32, #tpu.memory_space<hbm>> -> memref<4096xf32, #tpu.memory_space<hbm>>
    %dma_wait3A_294 = arith.constant 4096 : i32
    %dma_wait3A_295 = tpu.memref_slice %arg12[%dma_wait3A_294] : memref<16384xf32, #tpu.memory_space<vmem>> -> memref<4096xf32, #tpu.memory_space<vmem>>
    %dma_wait3A_296 = arith.constant 0 : i32
    %dma_wait3A_297 = tpu.memref_slice %arg3[%dma_wait3A_296] : memref<1064960xf32, #tpu.memory_space<hbm>> -> memref<4096xf32, #tpu.memory_space<hbm>>
    tpu.wait_dma2 semaphore(%arg17 : memref<!tpu.dma_semaphore, #tpu.memory_space<semaphore_mem>>) src(%dma_wait3A_297 : memref<4096xf32, #tpu.memory_space<hbm>>) dst(%dma_wait3A_295 : memref<4096xf32, #tpu.memory_space<vmem>>)
    %dma_wait3A_298 = arith.constant 4096 : i32
    %dma_wait3A_299 = tpu.memref_slice %arg11[%dma_wait3A_298] : memref<16384xf32, #tpu.memory_space<vmem>> -> memref<4096xf32, #tpu.memory_space<vmem>>
    %dma_wait3A_300 = arith.constant 0 : i32
    %dma_wait3A_301 = tpu.memref_slice %arg3[%dma_wait3A_300] : memref<1064960xf32, #tpu.memory_space<hbm>> -> memref<4096xf32, #tpu.memory_space<hbm>>
    %dma_wait3A_302 = arith.constant 4096 : i32
    %dma_wait3A_303 = tpu.memref_slice %arg11[%dma_wait3A_302] : memref<16384xf32, #tpu.memory_space<vmem>> -> memref<4096xf32, #tpu.memory_space<vmem>>
    %dma_wait3A_304 = arith.constant 0 : i32
    %dma_wait3A_305 = tpu.memref_slice %arg3[%dma_wait3A_304] : memref<1064960xf32, #tpu.memory_space<hbm>> -> memref<4096xf32, #tpu.memory_space<hbm>>
    tpu.wait_dma2 semaphore(%arg17 : memref<!tpu.dma_semaphore, #tpu.memory_space<semaphore_mem>>) src(%dma_wait3A_305 : memref<4096xf32, #tpu.memory_space<hbm>>) dst(%dma_wait3A_303 : memref<4096xf32, #tpu.memory_space<vmem>>)
    %dma_wait3A_306 = arith.constant 4096 : i32
    %dma_wait3A_307 = tpu.memref_slice %arg10[%dma_wait3A_306] : memref<16384xf32, #tpu.memory_space<vmem>> -> memref<4096xf32, #tpu.memory_space<vmem>>
    %dma_wait3A_308 = arith.constant 0 : i32
    %dma_wait3A_309 = tpu.memref_slice %arg3[%dma_wait3A_308] : memref<1064960xf32, #tpu.memory_space<hbm>> -> memref<4096xf32, #tpu.memory_space<hbm>>
    %dma_wait3A_310 = arith.constant 4096 : i32
    %dma_wait3A_311 = tpu.memref_slice %arg10[%dma_wait3A_310] : memref<16384xf32, #tpu.memory_space<vmem>> -> memref<4096xf32, #tpu.memory_space<vmem>>
    %dma_wait3A_312 = arith.constant 0 : i32
    %dma_wait3A_313 = tpu.memref_slice %arg3[%dma_wait3A_312] : memref<1064960xf32, #tpu.memory_space<hbm>> -> memref<4096xf32, #tpu.memory_space<hbm>>
    tpu.wait_dma2 semaphore(%arg17 : memref<!tpu.dma_semaphore, #tpu.memory_space<semaphore_mem>>) src(%dma_wait3A_313 : memref<4096xf32, #tpu.memory_space<hbm>>) dst(%dma_wait3A_311 : memref<4096xf32, #tpu.memory_space<vmem>>)
    %dma_wait3A_314 = arith.constant 128 : i32
    %dma_wait3A_315 = arith.constant 0 : i32
    %dma_wait3A_316 = tpu.memref_slice %arg13[%dma_wait3A_314, %dma_wait3A_315] : memref<512x32xf32, #tpu.memory_space<vmem>> -> memref<128x32xf32, #tpu.memory_space<vmem>>
    %dma_wait3A_317 = arith.constant 0 : i32
    %dma_wait3A_318 = arith.constant 0 : i32
    %dma_wait3A_319 = tpu.memref_slice %arg5[%dma_wait3A_317, %dma_wait3A_318] : memref<1000x32xf32, #tpu.memory_space<hbm>> -> memref<128x32xf32, #tpu.memory_space<hbm>>
    %dma_wait3A_320 = arith.constant 128 : i32
    %dma_wait3A_321 = arith.constant 0 : i32
    %dma_wait3A_322 = tpu.memref_slice %arg13[%dma_wait3A_320, %dma_wait3A_321] : memref<512x32xf32, #tpu.memory_space<vmem>> -> memref<128x32xf32, #tpu.memory_space<vmem>>
    %dma_wait3A_323 = arith.constant 0 : i32
    %dma_wait3A_324 = arith.constant 0 : i32
    %dma_wait3A_325 = tpu.memref_slice %arg5[%dma_wait3A_323, %dma_wait3A_324] : memref<1000x32xf32, #tpu.memory_space<hbm>> -> memref<128x32xf32, #tpu.memory_space<hbm>>
    tpu.wait_dma2 semaphore(%arg17 : memref<!tpu.dma_semaphore, #tpu.memory_space<semaphore_mem>>) src(%dma_wait3A_325 : memref<128x32xf32, #tpu.memory_space<hbm>>) dst(%dma_wait3A_322 : memref<128x32xf32, #tpu.memory_space<vmem>>)
    %dma_wait3A_326 = arith.constant 128 : i32
    %dma_wait3A_327 = arith.constant 0 : i32
    %dma_wait3A_328 = tpu.memref_slice %arg14[%dma_wait3A_326, %dma_wait3A_327] : memref<512x32xf32, #tpu.memory_space<vmem>> -> memref<128x32xf32, #tpu.memory_space<vmem>>
    %dma_wait3A_329 = arith.constant 0 : i32
    %dma_wait3A_330 = arith.constant 0 : i32
    %dma_wait3A_331 = tpu.memref_slice %arg5[%dma_wait3A_329, %dma_wait3A_330] : memref<1000x32xf32, #tpu.memory_space<hbm>> -> memref<128x32xf32, #tpu.memory_space<hbm>>
    %dma_wait3A_332 = arith.constant 128 : i32
    %dma_wait3A_333 = arith.constant 0 : i32
    %dma_wait3A_334 = tpu.memref_slice %arg14[%dma_wait3A_332, %dma_wait3A_333] : memref<512x32xf32, #tpu.memory_space<vmem>> -> memref<128x32xf32, #tpu.memory_space<vmem>>
    %dma_wait3A_335 = arith.constant 0 : i32
    %dma_wait3A_336 = arith.constant 0 : i32
    %dma_wait3A_337 = tpu.memref_slice %arg5[%dma_wait3A_335, %dma_wait3A_336] : memref<1000x32xf32, #tpu.memory_space<hbm>> -> memref<128x32xf32, #tpu.memory_space<hbm>>
    tpu.wait_dma2 semaphore(%arg17 : memref<!tpu.dma_semaphore, #tpu.memory_space<semaphore_mem>>) src(%dma_wait3A_337 : memref<128x32xf32, #tpu.memory_space<hbm>>) dst(%dma_wait3A_334 : memref<128x32xf32, #tpu.memory_space<vmem>>)
    %scan3A_338 = arith.constant 0 : i32
    %scan3A_339 = arith.constant 128 : i32
    %scan3A_340 = arith.constant 128 : i32
    %scan3A_341 = arith.addi %scan3A_339, %scan3A_340 : i32
    %scan3A_342 = arith.constant 1 : i32
    scf.for %scan3A_478 = %scan3A_339 to %scan3A_341 step %scan3A_342  : i32 {
      %mul3A_479 = arith.constant 32 : i32
      %mul3A_480 = arith.muli %scan3A_478, %mul3A_479 : i32
      %mul3A_481 = arith.constant 32 : i32
      %mul3A_482 = arith.muli %scan3A_478, %mul3A_481 : i32
      %add3A_483 = arith.constant 16 : i32
      %add3A_484 = arith.addi %mul3A_482, %add3A_483 : i32
      %get3A = arith.index_cast %mul3A_480 : i32 to index
      %get3A_485 = tpu.vector_load %arg9[%get3A] {strides = array<i32>} : memref<16384xf32, #tpu.memory_space<vmem>>, vector<16xf32>,
      %get3A_486 = arith.index_cast %scan3A_478 : i32 to index
      %get3A_487 = arith.constant 0 : index
      %get3A_488 = tpu.vector_load %arg13[%get3A_486, %get3A_487] {strides = array<i32>} : memref<512x32xf32, #tpu.memory_space<vmem>>, vector<16xf32>,
      %mul3A_489 = arith.mulf %get3A_485, %get3A_488 : vector<16xf32>
      %get3A_490 = arith.index_cast %mul3A_480 : i32 to index
      %get3A_491 = tpu.vector_load %arg10[%get3A_490] {strides = array<i32>} : memref<16384xf32, #tpu.memory_space<vmem>>, vector<16xf32>,
      %mul3A_492 = arith.mulf %mul3A_489, %get3A_491 : vector<16xf32>
      %get3A_493 = arith.index_cast %mul3A_480 : i32 to index
      %get3A_494 = tpu.vector_load %arg11[%get3A_493] {strides = array<i32>} : memref<16384xf32, #tpu.memory_space<vmem>>, vector<16xf32>,
      %get3A_495 = arith.index_cast %scan3A_478 : i32 to index
      %get3A_496 = arith.constant 0 : index
      %get3A_497 = tpu.vector_load %arg14[%get3A_495, %get3A_496] {strides = array<i32>} : memref<512x32xf32, #tpu.memory_space<vmem>>, vector<16xf32>,
      %mul3A_498 = arith.mulf %get3A_494, %get3A_497 : vector<16xf32>
      %get3A_499 = arith.index_cast %mul3A_480 : i32 to index
      %get3A_500 = tpu.vector_load %arg12[%get3A_499] {strides = array<i32>} : memref<16384xf32, #tpu.memory_space<vmem>>, vector<16xf32>,
      %mul3A_501 = arith.mulf %mul3A_498, %get3A_500 : vector<16xf32>
      %add3A_502 = arith.addf %mul3A_492, %mul3A_501 : vector<16xf32>
      %get3A_503 = arith.index_cast %add3A_484 : i32 to index
      %get3A_504 = tpu.vector_load %arg9[%get3A_503] {strides = array<i32>} : memref<16384xf32, #tpu.memory_space<vmem>>, vector<16xf32>,
      %get3A_505 = arith.index_cast %scan3A_478 : i32 to index
      %get3A_506 = arith.constant 16 : index
      %get3A_507 = tpu.vector_load %arg13[%get3A_505, %get3A_506] {strides = array<i32>} : memref<512x32xf32, #tpu.memory_space<vmem>>, vector<16xf32>,
      %mul3A_508 = arith.mulf %get3A_504, %get3A_507 : vector<16xf32>
      %get3A_509 = arith.index_cast %add3A_484 : i32 to index
      %get3A_510 = tpu.vector_load %arg10[%get3A_509] {strides = array<i32>} : memref<16384xf32, #tpu.memory_space<vmem>>, vector<16xf32>,
      %mul3A_511 = arith.mulf %mul3A_508, %get3A_510 : vector<16xf32>
      %get3A_512 = arith.index_cast %add3A_484 : i32 to index
      %get3A_513 = tpu.vector_load %arg11[%get3A_512] {strides = array<i32>} : memref<16384xf32, #tpu.memory_space<vmem>>, vector<16xf32>,
      %get3A_514 = arith.index_cast %scan3A_478 : i32 to index
      %get3A_515 = arith.constant 16 : index
      %get3A_516 = tpu.vector_load %arg14[%get3A_514, %get3A_515] {strides = array<i32>} : memref<512x32xf32, #tpu.memory_space<vmem>>, vector<16xf32>,
      %mul3A_517 = arith.mulf %get3A_513, %get3A_516 : vector<16xf32>
      %get3A_518 = arith.index_cast %add3A_484 : i32 to index
      %get3A_519 = tpu.vector_load %arg12[%get3A_518] {strides = array<i32>} : memref<16384xf32, #tpu.memory_space<vmem>>, vector<16xf32>,
      %mul3A_520 = arith.mulf %mul3A_517, %get3A_519 : vector<16xf32>
      %add3A_521 = arith.addf %mul3A_511, %mul3A_520 : vector<16xf32>
      %add3A_522 = arith.addf %add3A_502, %add3A_521 : vector<16xf32>
      %jit3A = arith.constant 16 : i32
      %div3A = arith.divsi %scan3A_478, %jit3A : i32
      %sign3A = arith.constant 0 : i32
      %sign3A_523 = arith.cmpi sgt, %scan3A_478, %sign3A : i32
      %sign3A_524 = arith.extui %sign3A_523 : i1 to i32
      %sign3A_525 = arith.constant 0 : i32
      %sign3A_526 = arith.cmpi slt, %scan3A_478, %sign3A_525 : i32
      %sign3A_527 = arith.extui %sign3A_526 : i1 to i32
      %sign3A_528 = arith.subi %sign3A_524, %sign3A_527 : i32
      %sign3A_529 = arith.constant 0 : i32
      %sign3A_530 = arith.cmpi sgt, %jit3A, %sign3A_529 : i32
      %sign3A_531 = arith.extui %sign3A_530 : i1 to i32
      %sign3A_532 = arith.constant 0 : i32
      %sign3A_533 = arith.cmpi slt, %jit3A, %sign3A_532 : i32
      %sign3A_534 = arith.extui %sign3A_533 : i1 to i32
      %sign3A_535 = arith.subi %sign3A_531, %sign3A_534 : i32
      %ne3A = arith.cmpi ne, %sign3A_528, %sign3A_535 : i32
      %rem3A = arith.remsi %scan3A_478, %jit3A : i32
      %ne3A_536 = arith.constant 0 : i32
      %ne3A_537 = arith.cmpi ne, %rem3A, %ne3A_536 : i32
      %and3A = arith.andi %ne3A, %ne3A_537 : i1
      %sub3A = arith.constant 1 : i32
      %sub3A_538 = arith.subi %div3A, %sub3A : i32
      %select_n3A = arith.select %and3A, %sub3A_538, %div3A : i32
      %mul3A_539 = arith.constant 16 : i32
      %mul3A_540 = arith.muli %select_n3A, %mul3A_539 : i32
      %sub3A_541 = arith.subi %scan3A_478, %mul3A_540 : i32
      %mul3A_542 = arith.constant 256 : i32
      %mul3A_543 = arith.muli %select_n3A, %mul3A_542 : i32
      %mul3A_544 = arith.constant 16 : i32
      %mul3A_545 = vector.broadcast %mul3A_544 : i32 to vector<16xi32>
      %mul3A_546 = arith.muli %iota3A, %mul3A_545 : vector<16xi32>
      %add3A_547 = vector.broadcast %mul3A_543 : i32 to vector<16xi32>
      %add3A_548 = arith.addi %add3A_547, %mul3A_546 : vector<16xi32>
      %add3A_549 = vector.broadcast %sub3A_541 : i32 to vector<16xi32>
      %add3A_550 = arith.addi %add3A_548, %add3A_549 : vector<16xi32>
      tpu.vector_store_idx %arg15[%add3A_550], %add3A_522 : memref<8192xf32, #tpu.memory_space<vmem>>[vector<16xi32>], vector<16xf32>,
    }
    %scan3A_343 = arith.constant 128 : i32
    %add3A_344 = arith.constant 256 : i32
    %add3A_345 = arith.addi %mul3A_2, %add3A_344 : i32
    %dma_wait3A_346 = arith.constant 8192 : i32
    %dma_wait3A_347 = tpu.memref_slice %arg9[%dma_wait3A_346] : memref<16384xf32, #tpu.memory_space<vmem>> -> memref<4096xf32, #tpu.memory_space<vmem>>
    %dma_wait3A_348 = arith.constant 0 : i32
    %dma_wait3A_349 = tpu.memref_slice %arg3[%dma_wait3A_348] : memref<1064960xf32, #tpu.memory_space<hbm>> -> memref<4096xf32, #tpu.memory_space<hbm>>
    %dma_wait3A_350 = arith.constant 8192 : i32
    %dma_wait3A_351 = tpu.memref_slice %arg9[%dma_wait3A_350] : memref<16384xf32, #tpu.memory_space<vmem>> -> memref<4096xf32, #tpu.memory_space<vmem>>
    %dma_wait3A_352 = arith.constant 0 : i32
    %dma_wait3A_353 = tpu.memref_slice %arg3[%dma_wait3A_352] : memref<1064960xf32, #tpu.memory_space<hbm>> -> memref<4096xf32, #tpu.memory_space<hbm>>
    tpu.wait_dma2 semaphore(%arg17 : memref<!tpu.dma_semaphore, #tpu.memory_space<semaphore_mem>>) src(%dma_wait3A_353 : memref<4096xf32, #tpu.memory_space<hbm>>) dst(%dma_wait3A_351 : memref<4096xf32, #tpu.memory_space<vmem>>)
    %dma_wait3A_354 = arith.constant 8192 : i32
    %dma_wait3A_355 = tpu.memref_slice %arg12[%dma_wait3A_354] : memref<16384xf32, #tpu.memory_space<vmem>> -> memref<4096xf32, #tpu.memory_space<vmem>>
    %dma_wait3A_356 = arith.constant 0 : i32
    %dma_wait3A_357 = tpu.memref_slice %arg3[%dma_wait3A_356] : memref<1064960xf32, #tpu.memory_space<hbm>> -> memref<4096xf32, #tpu.memory_space<hbm>>
    %dma_wait3A_358 = arith.constant 8192 : i32
    %dma_wait3A_359 = tpu.memref_slice %arg12[%dma_wait3A_358] : memref<16384xf32, #tpu.memory_space<vmem>> -> memref<4096xf32, #tpu.memory_space<vmem>>
    %dma_wait3A_360 = arith.constant 0 : i32
    %dma_wait3A_361 = tpu.memref_slice %arg3[%dma_wait3A_360] : memref<1064960xf32, #tpu.memory_space<hbm>> -> memref<4096xf32, #tpu.memory_space<hbm>>
    tpu.wait_dma2 semaphore(%arg17 : memref<!tpu.dma_semaphore, #tpu.memory_space<semaphore_mem>>) src(%dma_wait3A_361 : memref<4096xf32, #tpu.memory_space<hbm>>) dst(%dma_wait3A_359 : memref<4096xf32, #tpu.memory_space<vmem>>)
    %dma_wait3A_362 = arith.constant 8192 : i32
    %dma_wait3A_363 = tpu.memref_slice %arg11[%dma_wait3A_362] : memref<16384xf32, #tpu.memory_space<vmem>> -> memref<4096xf32, #tpu.memory_space<vmem>>
    %dma_wait3A_364 = arith.constant 0 : i32
    %dma_wait3A_365 = tpu.memref_slice %arg3[%dma_wait3A_364] : memref<1064960xf32, #tpu.memory_space<hbm>> -> memref<4096xf32, #tpu.memory_space<hbm>>
    %dma_wait3A_366 = arith.constant 8192 : i32
    %dma_wait3A_367 = tpu.memref_slice %arg11[%dma_wait3A_366] : memref<16384xf32, #tpu.memory_space<vmem>> -> memref<4096xf32, #tpu.memory_space<vmem>>
    %dma_wait3A_368 = arith.constant 0 : i32
    %dma_wait3A_369 = tpu.memref_slice %arg3[%dma_wait3A_368] : memref<1064960xf32, #tpu.memory_space<hbm>> -> memref<4096xf32, #tpu.memory_space<hbm>>
    tpu.wait_dma2 semaphore(%arg17 : memref<!tpu.dma_semaphore, #tpu.memory_space<semaphore_mem>>) src(%dma_wait3A_369 : memref<4096xf32, #tpu.memory_space<hbm>>) dst(%dma_wait3A_367 : memref<4096xf32, #tpu.memory_space<vmem>>)
    %dma_wait3A_370 = arith.constant 8192 : i32
    %dma_wait3A_371 = tpu.memref_slice %arg10[%dma_wait3A_370] : memref<16384xf32, #tpu.memory_space<vmem>> -> memref<4096xf32, #tpu.memory_space<vmem>>
    %dma_wait3A_372 = arith.constant 0 : i32
    %dma_wait3A_373 = tpu.memref_slice %arg3[%dma_wait3A_372] : memref<1064960xf32, #tpu.memory_space<hbm>> -> memref<4096xf32, #tpu.memory_space<hbm>>
    %dma_wait3A_374 = arith.constant 8192 : i32
    %dma_wait3A_375 = tpu.memref_slice %arg10[%dma_wait3A_374] : memref<16384xf32, #tpu.memory_space<vmem>> -> memref<4096xf32, #tpu.memory_space<vmem>>
    %dma_wait3A_376 = arith.constant 0 : i32
    %dma_wait3A_377 = tpu.memref_slice %arg3[%dma_wait3A_376] : memref<1064960xf32, #tpu.memory_space<hbm>> -> memref<4096xf32, #tpu.memory_space<hbm>>
    tpu.wait_dma2 semaphore(%arg17 : memref<!tpu.dma_semaphore, #tpu.memory_space<semaphore_mem>>) src(%dma_wait3A_377 : memref<4096xf32, #tpu.memory_space<hbm>>) dst(%dma_wait3A_375 : memref<4096xf32, #tpu.memory_space<vmem>>)
    %dma_wait3A_378 = arith.constant 256 : i32
    %dma_wait3A_379 = arith.constant 0 : i32
    %dma_wait3A_380 = tpu.memref_slice %arg13[%dma_wait3A_378, %dma_wait3A_379] : memref<512x32xf32, #tpu.memory_space<vmem>> -> memref<128x32xf32, #tpu.memory_space<vmem>>
    %dma_wait3A_381 = arith.constant 0 : i32
    %dma_wait3A_382 = arith.constant 0 : i32
    %dma_wait3A_383 = tpu.memref_slice %arg5[%dma_wait3A_381, %dma_wait3A_382] : memref<1000x32xf32, #tpu.memory_space<hbm>> -> memref<128x32xf32, #tpu.memory_space<hbm>>
    %dma_wait3A_384 = arith.constant 256 : i32
    %dma_wait3A_385 = arith.constant 0 : i32
    %dma_wait3A_386 = tpu.memref_slice %arg13[%dma_wait3A_384, %dma_wait3A_385] : memref<512x32xf32, #tpu.memory_space<vmem>> -> memref<128x32xf32, #tpu.memory_space<vmem>>
    %dma_wait3A_387 = arith.constant 0 : i32
    %dma_wait3A_388 = arith.constant 0 : i32
    %dma_wait3A_389 = tpu.memref_slice %arg5[%dma_wait3A_387, %dma_wait3A_388] : memref<1000x32xf32, #tpu.memory_space<hbm>> -> memref<128x32xf32, #tpu.memory_space<hbm>>
    tpu.wait_dma2 semaphore(%arg17 : memref<!tpu.dma_semaphore, #tpu.memory_space<semaphore_mem>>) src(%dma_wait3A_389 : memref<128x32xf32, #tpu.memory_space<hbm>>) dst(%dma_wait3A_386 : memref<128x32xf32, #tpu.memory_space<vmem>>)
    %dma_wait3A_390 = arith.constant 256 : i32
    %dma_wait3A_391 = arith.constant 0 : i32
    %dma_wait3A_392 = tpu.memref_slice %arg14[%dma_wait3A_390, %dma_wait3A_391] : memref<512x32xf32, #tpu.memory_space<vmem>> -> memref<128x32xf32, #tpu.memory_space<vmem>>
    %dma_wait3A_393 = arith.constant 0 : i32
    %dma_wait3A_394 = arith.constant 0 : i32
    %dma_wait3A_395 = tpu.memref_slice %arg5[%dma_wait3A_393, %dma_wait3A_394] : memref<1000x32xf32, #tpu.memory_space<hbm>> -> memref<128x32xf32, #tpu.memory_space<hbm>>
    %dma_wait3A_396 = arith.constant 256 : i32
    %dma_wait3A_397 = arith.constant 0 : i32
    %dma_wait3A_398 = tpu.memref_slice %arg14[%dma_wait3A_396, %dma_wait3A_397] : memref<512x32xf32, #tpu.memory_space<vmem>> -> memref<128x32xf32, #tpu.memory_space<vmem>>
    %dma_wait3A_399 = arith.constant 0 : i32
    %dma_wait3A_400 = arith.constant 0 : i32
    %dma_wait3A_401 = tpu.memref_slice %arg5[%dma_wait3A_399, %dma_wait3A_400] : memref<1000x32xf32, #tpu.memory_space<hbm>> -> memref<128x32xf32, #tpu.memory_space<hbm>>
    tpu.wait_dma2 semaphore(%arg17 : memref<!tpu.dma_semaphore, #tpu.memory_space<semaphore_mem>>) src(%dma_wait3A_401 : memref<128x32xf32, #tpu.memory_space<hbm>>) dst(%dma_wait3A_398 : memref<128x32xf32, #tpu.memory_space<vmem>>)
    %scan3A_402 = arith.constant 0 : i32
    %scan3A_403 = arith.constant 256 : i32
    %scan3A_404 = arith.constant 128 : i32
    %scan3A_405 = arith.addi %scan3A_403, %scan3A_404 : i32
    %scan3A_406 = arith.constant 1 : i32
    scf.for %scan3A_478 = %scan3A_403 to %scan3A_405 step %scan3A_406  : i32 {
      %mul3A_479 = arith.constant 32 : i32
      %mul3A_480 = arith.muli %scan3A_478, %mul3A_479 : i32
      %mul3A_481 = arith.constant 32 : i32
      %mul3A_482 = arith.muli %scan3A_478, %mul3A_481 : i32
      %add3A_483 = arith.constant 16 : i32
      %add3A_484 = arith.addi %mul3A_482, %add3A_483 : i32
      %get3A = arith.index_cast %mul3A_480 : i32 to index
      %get3A_485 = tpu.vector_load %arg9[%get3A] {strides = array<i32>} : memref<16384xf32, #tpu.memory_space<vmem>>, vector<16xf32>,
      %get3A_486 = arith.index_cast %scan3A_478 : i32 to index
      %get3A_487 = arith.constant 0 : index
      %get3A_488 = tpu.vector_load %arg13[%get3A_486, %get3A_487] {strides = array<i32>} : memref<512x32xf32, #tpu.memory_space<vmem>>, vector<16xf32>,
      %mul3A_489 = arith.mulf %get3A_485, %get3A_488 : vector<16xf32>
      %get3A_490 = arith.index_cast %mul3A_480 : i32 to index
      %get3A_491 = tpu.vector_load %arg10[%get3A_490] {strides = array<i32>} : memref<16384xf32, #tpu.memory_space<vmem>>, vector<16xf32>,
      %mul3A_492 = arith.mulf %mul3A_489, %get3A_491 : vector<16xf32>
      %get3A_493 = arith.index_cast %mul3A_480 : i32 to index
      %get3A_494 = tpu.vector_load %arg11[%get3A_493] {strides = array<i32>} : memref<16384xf32, #tpu.memory_space<vmem>>, vector<16xf32>,
      %get3A_495 = arith.index_cast %scan3A_478 : i32 to index
      %get3A_496 = arith.constant 0 : index
      %get3A_497 = tpu.vector_load %arg14[%get3A_495, %get3A_496] {strides = array<i32>} : memref<512x32xf32, #tpu.memory_space<vmem>>, vector<16xf32>,
      %mul3A_498 = arith.mulf %get3A_494, %get3A_497 : vector<16xf32>
      %get3A_499 = arith.index_cast %mul3A_480 : i32 to index
      %get3A_500 = tpu.vector_load %arg12[%get3A_499] {strides = array<i32>} : memref<16384xf32, #tpu.memory_space<vmem>>, vector<16xf32>,
      %mul3A_501 = arith.mulf %mul3A_498, %get3A_500 : vector<16xf32>
      %add3A_502 = arith.addf %mul3A_492, %mul3A_501 : vector<16xf32>
      %get3A_503 = arith.index_cast %add3A_484 : i32 to index
      %get3A_504 = tpu.vector_load %arg9[%get3A_503] {strides = array<i32>} : memref<16384xf32, #tpu.memory_space<vmem>>, vector<16xf32>,
      %get3A_505 = arith.index_cast %scan3A_478 : i32 to index
      %get3A_506 = arith.constant 16 : index
      %get3A_507 = tpu.vector_load %arg13[%get3A_505, %get3A_506] {strides = array<i32>} : memref<512x32xf32, #tpu.memory_space<vmem>>, vector<16xf32>,
      %mul3A_508 = arith.mulf %get3A_504, %get3A_507 : vector<16xf32>
      %get3A_509 = arith.index_cast %add3A_484 : i32 to index
      %get3A_510 = tpu.vector_load %arg10[%get3A_509] {strides = array<i32>} : memref<16384xf32, #tpu.memory_space<vmem>>, vector<16xf32>,
      %mul3A_511 = arith.mulf %mul3A_508, %get3A_510 : vector<16xf32>
      %get3A_512 = arith.index_cast %add3A_484 : i32 to index
      %get3A_513 = tpu.vector_load %arg11[%get3A_512] {strides = array<i32>} : memref<16384xf32, #tpu.memory_space<vmem>>, vector<16xf32>,
      %get3A_514 = arith.index_cast %scan3A_478 : i32 to index
      %get3A_515 = arith.constant 16 : index
      %get3A_516 = tpu.vector_load %arg14[%get3A_514, %get3A_515] {strides = array<i32>} : memref<512x32xf32, #tpu.memory_space<vmem>>, vector<16xf32>,
      %mul3A_517 = arith.mulf %get3A_513, %get3A_516 : vector<16xf32>
      %get3A_518 = arith.index_cast %add3A_484 : i32 to index
      %get3A_519 = tpu.vector_load %arg12[%get3A_518] {strides = array<i32>} : memref<16384xf32, #tpu.memory_space<vmem>>, vector<16xf32>,
      %mul3A_520 = arith.mulf %mul3A_517, %get3A_519 : vector<16xf32>
      %add3A_521 = arith.addf %mul3A_511, %mul3A_520 : vector<16xf32>
      %add3A_522 = arith.addf %add3A_502, %add3A_521 : vector<16xf32>
      %jit3A = arith.constant 16 : i32
      %div3A = arith.divsi %scan3A_478, %jit3A : i32
      %sign3A = arith.constant 0 : i32
      %sign3A_523 = arith.cmpi sgt, %scan3A_478, %sign3A : i32
      %sign3A_524 = arith.extui %sign3A_523 : i1 to i32
      %sign3A_525 = arith.constant 0 : i32
      %sign3A_526 = arith.cmpi slt, %scan3A_478, %sign3A_525 : i32
      %sign3A_527 = arith.extui %sign3A_526 : i1 to i32
      %sign3A_528 = arith.subi %sign3A_524, %sign3A_527 : i32
      %sign3A_529 = arith.constant 0 : i32
      %sign3A_530 = arith.cmpi sgt, %jit3A, %sign3A_529 : i32
      %sign3A_531 = arith.extui %sign3A_530 : i1 to i32
      %sign3A_532 = arith.constant 0 : i32
      %sign3A_533 = arith.cmpi slt, %jit3A, %sign3A_532 : i32
      %sign3A_534 = arith.extui %sign3A_533 : i1 to i32
      %sign3A_535 = arith.subi %sign3A_531, %sign3A_534 : i32
      %ne3A = arith.cmpi ne, %sign3A_528, %sign3A_535 : i32
      %rem3A = arith.remsi %scan3A_478, %jit3A : i32
      %ne3A_536 = arith.constant 0 : i32
      %ne3A_537 = arith.cmpi ne, %rem3A, %ne3A_536 : i32
      %and3A = arith.andi %ne3A, %ne3A_537 : i1
      %sub3A = arith.constant 1 : i32
      %sub3A_538 = arith.subi %div3A, %sub3A : i32
      %select_n3A = arith.select %and3A, %sub3A_538, %div3A : i32
      %mul3A_539 = arith.constant 16 : i32
      %mul3A_540 = arith.muli %select_n3A, %mul3A_539 : i32
      %sub3A_541 = arith.subi %scan3A_478, %mul3A_540 : i32
      %mul3A_542 = arith.constant 256 : i32
      %mul3A_543 = arith.muli %select_n3A, %mul3A_542 : i32
      %mul3A_544 = arith.constant 16 : i32
      %mul3A_545 = vector.broadcast %mul3A_544 : i32 to vector<16xi32>
      %mul3A_546 = arith.muli %iota3A, %mul3A_545 : vector<16xi32>
      %add3A_547 = vector.broadcast %mul3A_543 : i32 to vector<16xi32>
      %add3A_548 = arith.addi %add3A_547, %mul3A_546 : vector<16xi32>
      %add3A_549 = vector.broadcast %sub3A_541 : i32 to vector<16xi32>
      %add3A_550 = arith.addi %add3A_548, %add3A_549 : vector<16xi32>
      tpu.vector_store_idx %arg15[%add3A_550], %add3A_522 : memref<8192xf32, #tpu.memory_space<vmem>>[vector<16xi32>], vector<16xf32>,
    }
    %scan3A_407 = arith.constant 128 : i32
    %add3A_408 = arith.constant 384 : i32
    %add3A_409 = arith.addi %mul3A_2, %add3A_408 : i32
    %dma_wait3A_410 = arith.constant 12288 : i32
    %dma_wait3A_411 = tpu.memref_slice %arg9[%dma_wait3A_410] : memref<16384xf32, #tpu.memory_space<vmem>> -> memref<4096xf32, #tpu.memory_space<vmem>>
    %dma_wait3A_412 = arith.constant 0 : i32
    %dma_wait3A_413 = tpu.memref_slice %arg3[%dma_wait3A_412] : memref<1064960xf32, #tpu.memory_space<hbm>> -> memref<4096xf32, #tpu.memory_space<hbm>>
    %dma_wait3A_414 = arith.constant 12288 : i32
    %dma_wait3A_415 = tpu.memref_slice %arg9[%dma_wait3A_414] : memref<16384xf32, #tpu.memory_space<vmem>> -> memref<4096xf32, #tpu.memory_space<vmem>>
    %dma_wait3A_416 = arith.constant 0 : i32
    %dma_wait3A_417 = tpu.memref_slice %arg3[%dma_wait3A_416] : memref<1064960xf32, #tpu.memory_space<hbm>> -> memref<4096xf32, #tpu.memory_space<hbm>>
    tpu.wait_dma2 semaphore(%arg17 : memref<!tpu.dma_semaphore, #tpu.memory_space<semaphore_mem>>) src(%dma_wait3A_417 : memref<4096xf32, #tpu.memory_space<hbm>>) dst(%dma_wait3A_415 : memref<4096xf32, #tpu.memory_space<vmem>>)
    %dma_wait3A_418 = arith.constant 12288 : i32
    %dma_wait3A_419 = tpu.memref_slice %arg12[%dma_wait3A_418] : memref<16384xf32, #tpu.memory_space<vmem>> -> memref<4096xf32, #tpu.memory_space<vmem>>
    %dma_wait3A_420 = arith.constant 0 : i32
    %dma_wait3A_421 = tpu.memref_slice %arg3[%dma_wait3A_420] : memref<1064960xf32, #tpu.memory_space<hbm>> -> memref<4096xf32, #tpu.memory_space<hbm>>
    %dma_wait3A_422 = arith.constant 12288 : i32
    %dma_wait3A_423 = tpu.memref_slice %arg12[%dma_wait3A_422] : memref<16384xf32, #tpu.memory_space<vmem>> -> memref<4096xf32, #tpu.memory_space<vmem>>
    %dma_wait3A_424 = arith.constant 0 : i32
    %dma_wait3A_425 = tpu.memref_slice %arg3[%dma_wait3A_424] : memref<1064960xf32, #tpu.memory_space<hbm>> -> memref<4096xf32, #tpu.memory_space<hbm>>
    tpu.wait_dma2 semaphore(%arg17 : memref<!tpu.dma_semaphore, #tpu.memory_space<semaphore_mem>>) src(%dma_wait3A_425 : memref<4096xf32, #tpu.memory_space<hbm>>) dst(%dma_wait3A_423 : memref<4096xf32, #tpu.memory_space<vmem>>)
    %dma_wait3A_426 = arith.constant 12288 : i32
    %dma_wait3A_427 = tpu.memref_slice %arg11[%dma_wait3A_426] : memref<16384xf32, #tpu.memory_space<vmem>> -> memref<4096xf32, #tpu.memory_space<vmem>>
    %dma_wait3A_428 = arith.constant 0 : i32
    %dma_wait3A_429 = tpu.memref_slice %arg3[%dma_wait3A_428] : memref<1064960xf32, #tpu.memory_space<hbm>> -> memref<4096xf32, #tpu.memory_space<hbm>>
    %dma_wait3A_430 = arith.constant 12288 : i32
    %dma_wait3A_431 = tpu.memref_slice %arg11[%dma_wait3A_430] : memref<16384xf32, #tpu.memory_space<vmem>> -> memref<4096xf32, #tpu.memory_space<vmem>>
    %dma_wait3A_432 = arith.constant 0 : i32
    %dma_wait3A_433 = tpu.memref_slice %arg3[%dma_wait3A_432] : memref<1064960xf32, #tpu.memory_space<hbm>> -> memref<4096xf32, #tpu.memory_space<hbm>>
    tpu.wait_dma2 semaphore(%arg17 : memref<!tpu.dma_semaphore, #tpu.memory_space<semaphore_mem>>) src(%dma_wait3A_433 : memref<4096xf32, #tpu.memory_space<hbm>>) dst(%dma_wait3A_431 : memref<4096xf32, #tpu.memory_space<vmem>>)
    %dma_wait3A_434 = arith.constant 12288 : i32
    %dma_wait3A_435 = tpu.memref_slice %arg10[%dma_wait3A_434] : memref<16384xf32, #tpu.memory_space<vmem>> -> memref<4096xf32, #tpu.memory_space<vmem>>
    %dma_wait3A_436 = arith.constant 0 : i32
    %dma_wait3A_437 = tpu.memref_slice %arg3[%dma_wait3A_436] : memref<1064960xf32, #tpu.memory_space<hbm>> -> memref<4096xf32, #tpu.memory_space<hbm>>
    %dma_wait3A_438 = arith.constant 12288 : i32
    %dma_wait3A_439 = tpu.memref_slice %arg10[%dma_wait3A_438] : memref<16384xf32, #tpu.memory_space<vmem>> -> memref<4096xf32, #tpu.memory_space<vmem>>
    %dma_wait3A_440 = arith.constant 0 : i32
    %dma_wait3A_441 = tpu.memref_slice %arg3[%dma_wait3A_440] : memref<1064960xf32, #tpu.memory_space<hbm>> -> memref<4096xf32, #tpu.memory_space<hbm>>
    tpu.wait_dma2 semaphore(%arg17 : memref<!tpu.dma_semaphore, #tpu.memory_space<semaphore_mem>>) src(%dma_wait3A_441 : memref<4096xf32, #tpu.memory_space<hbm>>) dst(%dma_wait3A_439 : memref<4096xf32, #tpu.memory_space<vmem>>)
    %dma_wait3A_442 = arith.constant 384 : i32
    %dma_wait3A_443 = arith.constant 0 : i32
    %dma_wait3A_444 = tpu.memref_slice %arg13[%dma_wait3A_442, %dma_wait3A_443] : memref<512x32xf32, #tpu.memory_space<vmem>> -> memref<128x32xf32, #tpu.memory_space<vmem>>
    %dma_wait3A_445 = arith.constant 0 : i32
    %dma_wait3A_446 = arith.constant 0 : i32
    %dma_wait3A_447 = tpu.memref_slice %arg5[%dma_wait3A_445, %dma_wait3A_446] : memref<1000x32xf32, #tpu.memory_space<hbm>> -> memref<128x32xf32, #tpu.memory_space<hbm>>
    %dma_wait3A_448 = arith.constant 384 : i32
    %dma_wait3A_449 = arith.constant 0 : i32
    %dma_wait3A_450 = tpu.memref_slice %arg13[%dma_wait3A_448, %dma_wait3A_449] : memref<512x32xf32, #tpu.memory_space<vmem>> -> memref<128x32xf32, #tpu.memory_space<vmem>>
    %dma_wait3A_451 = arith.constant 0 : i32
    %dma_wait3A_452 = arith.constant 0 : i32
    %dma_wait3A_453 = tpu.memref_slice %arg5[%dma_wait3A_451, %dma_wait3A_452] : memref<1000x32xf32, #tpu.memory_space<hbm>> -> memref<128x32xf32, #tpu.memory_space<hbm>>
    tpu.wait_dma2 semaphore(%arg17 : memref<!tpu.dma_semaphore, #tpu.memory_space<semaphore_mem>>) src(%dma_wait3A_453 : memref<128x32xf32, #tpu.memory_space<hbm>>) dst(%dma_wait3A_450 : memref<128x32xf32, #tpu.memory_space<vmem>>)
    %dma_wait3A_454 = arith.constant 384 : i32
    %dma_wait3A_455 = arith.constant 0 : i32
    %dma_wait3A_456 = tpu.memref_slice %arg14[%dma_wait3A_454, %dma_wait3A_455] : memref<512x32xf32, #tpu.memory_space<vmem>> -> memref<128x32xf32, #tpu.memory_space<vmem>>
    %dma_wait3A_457 = arith.constant 0 : i32
    %dma_wait3A_458 = arith.constant 0 : i32
    %dma_wait3A_459 = tpu.memref_slice %arg5[%dma_wait3A_457, %dma_wait3A_458] : memref<1000x32xf32, #tpu.memory_space<hbm>> -> memref<128x32xf32, #tpu.memory_space<hbm>>
    %dma_wait3A_460 = arith.constant 384 : i32
    %dma_wait3A_461 = arith.constant 0 : i32
    %dma_wait3A_462 = tpu.memref_slice %arg14[%dma_wait3A_460, %dma_wait3A_461] : memref<512x32xf32, #tpu.memory_space<vmem>> -> memref<128x32xf32, #tpu.memory_space<vmem>>
    %dma_wait3A_463 = arith.constant 0 : i32
    %dma_wait3A_464 = arith.constant 0 : i32
    %dma_wait3A_465 = tpu.memref_slice %arg5[%dma_wait3A_463, %dma_wait3A_464] : memref<1000x32xf32, #tpu.memory_space<hbm>> -> memref<128x32xf32, #tpu.memory_space<hbm>>
    tpu.wait_dma2 semaphore(%arg17 : memref<!tpu.dma_semaphore, #tpu.memory_space<semaphore_mem>>) src(%dma_wait3A_465 : memref<128x32xf32, #tpu.memory_space<hbm>>) dst(%dma_wait3A_462 : memref<128x32xf32, #tpu.memory_space<vmem>>)
    %scan3A_466 = arith.constant 0 : i32
    %scan3A_467 = arith.constant 384 : i32
    %scan3A_468 = arith.constant 128 : i32
    %scan3A_469 = arith.addi %scan3A_467, %scan3A_468 : i32
    %scan3A_470 = arith.constant 1 : i32
    scf.for %scan3A_478 = %scan3A_467 to %scan3A_469 step %scan3A_470  : i32 {
      %mul3A_479 = arith.constant 32 : i32
      %mul3A_480 = arith.muli %scan3A_478, %mul3A_479 : i32
      %mul3A_481 = arith.constant 32 : i32
      %mul3A_482 = arith.muli %scan3A_478, %mul3A_481 : i32
      %add3A_483 = arith.constant 16 : i32
      %add3A_484 = arith.addi %mul3A_482, %add3A_483 : i32
      %get3A = arith.index_cast %mul3A_480 : i32 to index
      %get3A_485 = tpu.vector_load %arg9[%get3A] {strides = array<i32>} : memref<16384xf32, #tpu.memory_space<vmem>>, vector<16xf32>,
      %get3A_486 = arith.index_cast %scan3A_478 : i32 to index
      %get3A_487 = arith.constant 0 : index
      %get3A_488 = tpu.vector_load %arg13[%get3A_486, %get3A_487] {strides = array<i32>} : memref<512x32xf32, #tpu.memory_space<vmem>>, vector<16xf32>,
      %mul3A_489 = arith.mulf %get3A_485, %get3A_488 : vector<16xf32>
      %get3A_490 = arith.index_cast %mul3A_480 : i32 to index
      %get3A_491 = tpu.vector_load %arg10[%get3A_490] {strides = array<i32>} : memref<16384xf32, #tpu.memory_space<vmem>>, vector<16xf32>,
      %mul3A_492 = arith.mulf %mul3A_489, %get3A_491 : vector<16xf32>
      %get3A_493 = arith.index_cast %mul3A_480 : i32 to index
      %get3A_494 = tpu.vector_load %arg11[%get3A_493] {strides = array<i32>} : memref<16384xf32, #tpu.memory_space<vmem>>, vector<16xf32>,
      %get3A_495 = arith.index_cast %scan3A_478 : i32 to index
      %get3A_496 = arith.constant 0 : index
      %get3A_497 = tpu.vector_load %arg14[%get3A_495, %get3A_496] {strides = array<i32>} : memref<512x32xf32, #tpu.memory_space<vmem>>, vector<16xf32>,
      %mul3A_498 = arith.mulf %get3A_494, %get3A_497 : vector<16xf32>
      %get3A_499 = arith.index_cast %mul3A_480 : i32 to index
      %get3A_500 = tpu.vector_load %arg12[%get3A_499] {strides = array<i32>} : memref<16384xf32, #tpu.memory_space<vmem>>, vector<16xf32>,
      %mul3A_501 = arith.mulf %mul3A_498, %get3A_500 : vector<16xf32>
      %add3A_502 = arith.addf %mul3A_492, %mul3A_501 : vector<16xf32>
      %get3A_503 = arith.index_cast %add3A_484 : i32 to index
      %get3A_504 = tpu.vector_load %arg9[%get3A_503] {strides = array<i32>} : memref<16384xf32, #tpu.memory_space<vmem>>, vector<16xf32>,
      %get3A_505 = arith.index_cast %scan3A_478 : i32 to index
      %get3A_506 = arith.constant 16 : index
      %get3A_507 = tpu.vector_load %arg13[%get3A_505, %get3A_506] {strides = array<i32>} : memref<512x32xf32, #tpu.memory_space<vmem>>, vector<16xf32>,
      %mul3A_508 = arith.mulf %get3A_504, %get3A_507 : vector<16xf32>
      %get3A_509 = arith.index_cast %add3A_484 : i32 to index
      %get3A_510 = tpu.vector_load %arg10[%get3A_509] {strides = array<i32>} : memref<16384xf32, #tpu.memory_space<vmem>>, vector<16xf32>,
      %mul3A_511 = arith.mulf %mul3A_508, %get3A_510 : vector<16xf32>
      %get3A_512 = arith.index_cast %add3A_484 : i32 to index
      %get3A_513 = tpu.vector_load %arg11[%get3A_512] {strides = array<i32>} : memref<16384xf32, #tpu.memory_space<vmem>>, vector<16xf32>,
      %get3A_514 = arith.index_cast %scan3A_478 : i32 to index
      %get3A_515 = arith.constant 16 : index
      %get3A_516 = tpu.vector_load %arg14[%get3A_514, %get3A_515] {strides = array<i32>} : memref<512x32xf32, #tpu.memory_space<vmem>>, vector<16xf32>,
      %mul3A_517 = arith.mulf %get3A_513, %get3A_516 : vector<16xf32>
      %get3A_518 = arith.index_cast %add3A_484 : i32 to index
      %get3A_519 = tpu.vector_load %arg12[%get3A_518] {strides = array<i32>} : memref<16384xf32, #tpu.memory_space<vmem>>, vector<16xf32>,
      %mul3A_520 = arith.mulf %mul3A_517, %get3A_519 : vector<16xf32>
      %add3A_521 = arith.addf %mul3A_511, %mul3A_520 : vector<16xf32>
      %add3A_522 = arith.addf %add3A_502, %add3A_521 : vector<16xf32>
      %jit3A = arith.constant 16 : i32
      %div3A = arith.divsi %scan3A_478, %jit3A : i32
      %sign3A = arith.constant 0 : i32
      %sign3A_523 = arith.cmpi sgt, %scan3A_478, %sign3A : i32
      %sign3A_524 = arith.extui %sign3A_523 : i1 to i32
      %sign3A_525 = arith.constant 0 : i32
      %sign3A_526 = arith.cmpi slt, %scan3A_478, %sign3A_525 : i32
      %sign3A_527 = arith.extui %sign3A_526 : i1 to i32
      %sign3A_528 = arith.subi %sign3A_524, %sign3A_527 : i32
      %sign3A_529 = arith.constant 0 : i32
      %sign3A_530 = arith.cmpi sgt, %jit3A, %sign3A_529 : i32
      %sign3A_531 = arith.extui %sign3A_530 : i1 to i32
      %sign3A_532 = arith.constant 0 : i32
      %sign3A_533 = arith.cmpi slt, %jit3A, %sign3A_532 : i32
      %sign3A_534 = arith.extui %sign3A_533 : i1 to i32
      %sign3A_535 = arith.subi %sign3A_531, %sign3A_534 : i32
      %ne3A = arith.cmpi ne, %sign3A_528, %sign3A_535 : i32
      %rem3A = arith.remsi %scan3A_478, %jit3A : i32
      %ne3A_536 = arith.constant 0 : i32
      %ne3A_537 = arith.cmpi ne, %rem3A, %ne3A_536 : i32
      %and3A = arith.andi %ne3A, %ne3A_537 : i1
      %sub3A = arith.constant 1 : i32
      %sub3A_538 = arith.subi %div3A, %sub3A : i32
      %select_n3A = arith.select %and3A, %sub3A_538, %div3A : i32
      %mul3A_539 = arith.constant 16 : i32
      %mul3A_540 = arith.muli %select_n3A, %mul3A_539 : i32
      %sub3A_541 = arith.subi %scan3A_478, %mul3A_540 : i32
      %mul3A_542 = arith.constant 256 : i32
      %mul3A_543 = arith.muli %select_n3A, %mul3A_542 : i32
      %mul3A_544 = arith.constant 16 : i32
      %mul3A_545 = vector.broadcast %mul3A_544 : i32 to vector<16xi32>
      %mul3A_546 = arith.muli %iota3A, %mul3A_545 : vector<16xi32>
      %add3A_547 = vector.broadcast %mul3A_543 : i32 to vector<16xi32>
      %add3A_548 = arith.addi %add3A_547, %mul3A_546 : vector<16xi32>
      %add3A_549 = vector.broadcast %sub3A_541 : i32 to vector<16xi32>
      %add3A_550 = arith.addi %add3A_548, %add3A_549 : vector<16xi32>
      tpu.vector_store_idx %arg15[%add3A_550], %add3A_522 : memref<8192xf32, #tpu.memory_space<vmem>>[vector<16xi32>], vector<16xf32>,
    }
    %scan3A_471 = arith.constant 128 : i32
    %scan3A_472 = arith.constant 0 : i32
    %scan3A_473 = arith.constant 0 : i32
    %scan3A_474 = arith.constant 32 : i32
    %scan3A_475 = arith.addi %scan3A_473, %scan3A_474 : i32
    %scan3A_476 = arith.constant 1 : i32
    scf.for %scan3A_478 = %scan3A_473 to %scan3A_475 step %scan3A_476  : i32 {
      %mul3A_479 = arith.constant 256 : i32
      %mul3A_480 = arith.muli %scan3A_478, %mul3A_479 : i32
      %get3A = arith.index_cast %mul3A_480 : i32 to index
      %get3A_481 = tpu.vector_load %arg15[%get3A] {strides = array<i32>} : memref<8192xf32, #tpu.memory_space<vmem>>, vector<16xf32>,
      %add3A_482 = arith.constant 16 : i32
      %add3A_483 = arith.addi %mul3A_480, %add3A_482 : i32
      %get3A_484 = arith.index_cast %add3A_483 : i32 to index
      %get3A_485 = tpu.vector_load %arg15[%get3A_484] {strides = array<i32>} : memref<8192xf32, #tpu.memory_space<vmem>>, vector<16xf32>,
      %add3A_486 = arith.addf %get3A_481, %get3A_485 : vector<16xf32>
      %add3A_487 = arith.constant 32 : i32
      %add3A_488 = arith.addi %mul3A_480, %add3A_487 : i32
      %get3A_489 = arith.index_cast %add3A_488 : i32 to index
      %get3A_490 = tpu.vector_load %arg15[%get3A_489] {strides = array<i32>} : memref<8192xf32, #tpu.memory_space<vmem>>, vector<16xf32>,
      %add3A_491 = arith.addf %add3A_486, %get3A_490 : vector<16xf32>
      %add3A_492 = arith.constant 48 : i32
      %add3A_493 = arith.addi %mul3A_480, %add3A_492 : i32
      %get3A_494 = arith.index_cast %add3A_493 : i32 to index
      %get3A_495 = tpu.vector_load %arg15[%get3A_494] {strides = array<i32>} : memref<8192xf32, #tpu.memory_space<vmem>>, vector<16xf32>,
      %add3A_496 = arith.addf %add3A_491, %get3A_495 : vector<16xf32>
      %add3A_497 = arith.constant 64 : i32
      %add3A_498 = arith.addi %mul3A_480, %add3A_497 : i32
      %get3A_499 = arith.index_cast %add3A_498 : i32 to index
      %get3A_500 = tpu.vector_load %arg15[%get3A_499] {strides = array<i32>} : memref<8192xf32, #tpu.memory_space<vmem>>, vector<16xf32>,
      %add3A_501 = arith.addf %add3A_496, %get3A_500 : vector<16xf32>
      %add3A_502 = arith.constant 80 : i32
      %add3A_503 = arith.addi %mul3A_480, %add3A_502 : i32
      %get3A_504 = arith.index_cast %add3A_503 : i32 to index
      %get3A_505 = tpu.vector_load %arg15[%get3A_504] {strides = array<i32>} : memref<8192xf32, #tpu.memory_space<vmem>>, vector<16xf32>,
      %add3A_506 = arith.addf %add3A_501, %get3A_505 : vector<16xf32>
      %add3A_507 = arith.constant 96 : i32
      %add3A_508 = arith.addi %mul3A_480, %add3A_507 : i32
      %get3A_509 = arith.index_cast %add3A_508 : i32 to index
      %get3A_510 = tpu.vector_load %arg15[%get3A_509] {strides = array<i32>} : memref<8192xf32, #tpu.memory_space<vmem>>, vector<16xf32>,
      %add3A_511 = arith.addf %add3A_506, %get3A_510 : vector<16xf32>
      %add3A_512 = arith.constant 112 : i32
      %add3A_513 = arith.addi %mul3A_480, %add3A_512 : i32
      %get3A_514 = arith.index_cast %add3A_513 : i32 to index
      %get3A_515 = tpu.vector_load %arg15[%get3A_514] {strides = array<i32>} : memref<8192xf32, #tpu.memory_space<vmem>>, vector<16xf32>,
      %add3A_516 = arith.addf %add3A_511, %get3A_515 : vector<16xf32>
      %add3A_517 = arith.constant 128 : i32
      %add3A_518 = arith.addi %mul3A_480, %add3A_517 : i32
      %get3A_519 = arith.index_cast %add3A_518 : i32 to index
      %get3A_520 = tpu.vector_load %arg15[%get3A_519] {strides = array<i32>} : memref<8192xf32, #tpu.memory_space<vmem>>, vector<16xf32>,
      %add3A_521 = arith.addf %add3A_516, %get3A_520 : vector<16xf32>
      %add3A_522 = arith.constant 144 : i32
      %add3A_523 = arith.addi %mul3A_480, %add3A_522 : i32
      %get3A_524 = arith.index_cast %add3A_523 : i32 to index
      %get3A_525 = tpu.vector_load %arg15[%get3A_524] {strides = array<i32>} : memref<8192xf32, #tpu.memory_space<vmem>>, vector<16xf32>,
      %add3A_526 = arith.addf %add3A_521, %get3A_525 : vector<16xf32>
      %add3A_527 = arith.constant 160 : i32
      %add3A_528 = arith.addi %mul3A_480, %add3A_527 : i32
      %get3A_529 = arith.index_cast %add3A_528 : i32 to index
      %get3A_530 = tpu.vector_load %arg15[%get3A_529] {strides = array<i32>} : memref<8192xf32, #tpu.memory_space<vmem>>, vector<16xf32>,
      %add3A_531 = arith.addf %add3A_526, %get3A_530 : vector<16xf32>
      %add3A_532 = arith.constant 176 : i32
      %add3A_533 = arith.addi %mul3A_480, %add3A_532 : i32
      %get3A_534 = arith.index_cast %add3A_533 : i32 to index
      %get3A_535 = tpu.vector_load %arg15[%get3A_534] {strides = array<i32>} : memref<8192xf32, #tpu.memory_space<vmem>>, vector<16xf32>,
      %add3A_536 = arith.addf %add3A_531, %get3A_535 : vector<16xf32>
      %add3A_537 = arith.constant 192 : i32
      %add3A_538 = arith.addi %mul3A_480, %add3A_537 : i32
      %get3A_539 = arith.index_cast %add3A_538 : i32 to index
      %get3A_540 = tpu.vector_load %arg15[%get3A_539] {strides = array<i32>} : memref<8192xf32, #tpu.memory_space<vmem>>, vector<16xf32>,
      %add3A_541 = arith.addf %add3A_536, %get3A_540 : vector<16xf32>
      %add3A_542 = arith.constant 208 : i32
      %add3A_543 = arith.addi %mul3A_480, %add3A_542 : i32
      %get3A_544 = arith.index_cast %add3A_543 : i32 to index
      %get3A_545 = tpu.vector_load %arg15[%get3A_544] {strides = array<i32>} : memref<8192xf32, #tpu.memory_space<vmem>>, vector<16xf32>,
      %add3A_546 = arith.addf %add3A_541, %get3A_545 : vector<16xf32>
      %add3A_547 = arith.constant 224 : i32
      %add3A_548 = arith.addi %mul3A_480, %add3A_547 : i32
      %get3A_549 = arith.index_cast %add3A_548 : i32 to index
      %get3A_550 = tpu.vector_load %arg15[%get3A_549] {strides = array<i32>} : memref<8192xf32, #tpu.memory_space<vmem>>, vector<16xf32>,
      %add3A_551 = arith.addf %add3A_546, %get3A_550 : vector<16xf32>
      %add3A_552 = arith.constant 240 : i32
      %add3A_553 = arith.addi %mul3A_480, %add3A_552 : i32
      %get3A_554 = arith.index_cast %add3A_553 : i32 to index
      %get3A_555 = tpu.vector_load %arg15[%get3A_554] {strides = array<i32>} : memref<8192xf32, #tpu.memory_space<vmem>>, vector<16xf32>,
      %add3A_556 = arith.addf %add3A_551, %get3A_555 : vector<16xf32>
      %mul3A_557 = arith.constant 5.000000e-01 : f32
      %mul3A_558 = vector.broadcast %mul3A_557 : f32 to vector<16xf32>
      %mul3A_559 = arith.mulf %add3A_556, %mul3A_558 : vector<16xf32>
      %mul3A_560 = arith.constant 16 : i32
      %mul3A_561 = arith.muli %scan3A_478, %mul3A_560 : i32
      %swap3A = arith.index_cast %mul3A_561 : i32 to index
      %swap3A_562 = tpu.vector_load %arg16[%swap3A] {strides = array<i32>} : memref<512xf32, #tpu.memory_space<vmem>>, vector<16xf32>,
      tpu.vector_store %arg16[%swap3A], %mul3A_559 {strides = array<i32>} : memref<512xf32, #tpu.memory_space<vmem>>, vector<16xf32>,
    }
    %scan3A_477 = arith.constant 32 : i32
    "tpu.region"() ({
      %run_scoped3A = tpu.sem_alloc : memref<!tpu.dma_semaphore, #tpu.memory_space<semaphore_mem>>
      %dma_start3A_478 = tpu.memref_slice %arg7[%mul3A_2] : memref<16384xf32, #tpu.memory_space<hbm>> -> memref<512xf32, #tpu.memory_space<hbm>>
      %dma_start3A_479 = tpu.memref_slice %arg7[%mul3A_2] : memref<16384xf32, #tpu.memory_space<hbm>> -> memref<512xf32, #tpu.memory_space<hbm>>
      tpu.enqueue_dma source(%arg16 : memref<512xf32, #tpu.memory_space<vmem>>) target(%dma_start3A_479 : memref<512xf32, #tpu.memory_space<hbm>>) target_semaphore(%run_scoped3A : memref<!tpu.dma_semaphore, #tpu.memory_space<semaphore_mem>>)
      %dma_wait3A_480 = tpu.memref_slice %arg7[%mul3A_2] : memref<16384xf32, #tpu.memory_space<hbm>> -> memref<512xf32, #tpu.memory_space<hbm>>
      %dma_wait3A_481 = tpu.memref_slice %arg7[%mul3A_2] : memref<16384xf32, #tpu.memory_space<hbm>> -> memref<512xf32, #tpu.memory_space<hbm>>
      tpu.wait_dma2 semaphore(%run_scoped3A : memref<!tpu.dma_semaphore, #tpu.memory_space<semaphore_mem>>) src(%arg16 : memref<512xf32, #tpu.memory_space<vmem>>) dst(%dma_wait3A_481 : memref<512xf32, #tpu.memory_space<hbm>>)
      tpu.yield
    }) : () -> ()
    return
  }
}

</mosaic_0001>

<sc_bundles>
// kernel: simple_combine_sc.3.cloned.1.call-start
scs
__scs_entry_jumppad:
0x0: {  	(pc) =	sbr.rel $0x88, $3  }
0x1: {  	(tag) =	ssettag $0x0;
	lr =	simm.s32 $0x1  }
0x2: {  	[smem:$0x3F9A] =	sst lr;
	_ =	strace $0xD0000000  }
0x3: {  	_ = 	snop  }
0x4: {  	_ = 	snop  }
0x5: {  	_ = 	snop  }
0x6: {  	_ = 	snop  }
0x7: {  	_ = 	snop  }
__scs_overlays_trampoline_lowered:
0x8: {  	[smem:$0x3FA9] =	sst s0  }
0x9: {  	[smem:$0x3FAA] =	sst s1  }
0xa: {  	[smem:$0x3FAB] =	sst s2  }
0xb: {  	[smem:$0x3FAC] =	sst s3  }
0xc: {  	[smem:$0x3FAD] =	sst s4  }
0xd: {  	[smem:$0x3FAE] =	sst s5  }
0xe: {  	[smem:$0x3FAF] =	sst s6  }
0xf: {  	[smem:$0x3FB0] =	sst s7  }
0x10: {  	[smem:$0x3FB1] =	sst s8  }
0x11: {  	[smem:$0x3FB2] =	sst s9;
	s0 =	simm.s32 @!p0 $0x0  }
0x12: {  	s1 =	sld [smem:$0x3F98];
	s0 =	simm.s32 @p0 $0x1  }
0x13: {  	[smem:$0x3FB3] =	sst s0;
	s0 =	simm.s32 @!p1 $0x0  }
0x14: {  	s2 =	sld [smem:$0x3F97];
	s0 =	simm.s32 @p1 $0x1  }
0x15: {  	[smem:$0x3FB4] =	sst s0;
	s0 =	simm.s32 @!p2 $0x0  }
0x16: {  	s3 =	sld [smem:$0x3FDB];
	s0 =	simm.s32 @p2 $0x1  }
0x17: {  	s4 =	simm.s32 $0x1BF5;
	[smem:$0x3FB6] =	sst s0  }
0x18: {  	s0 =	sld [smem:$0x3F99];
	_ =	swait.ge [sflag:s4], $0x0  }
0x19: {  	s7 =	sld [smem:$0x3F9A]  }
0x1a: {  	s8 =	sadd.s32 $0xFFFFE003, lr  }
0x1b: {  	s9 =	sadd.s32 $0xFFFFFEF7, lr;
	s5 =	simm.s32 $0xFFFFFFFF;
	p2 =	slt.u32 s8, $0xFFFFF086  }
0x1c: {  	p1 =	slt.u32 s9, $0xF7A;
	s5 =	simm.s32 @!p2 $0x0  }
0x1d: {  	s5 =	simm.s32 @p1 $0x1;
	p0 =	seq.s32 s7, s2  }
0x1e: {  	s7 =	smul.u32 @!p0 $0xF7A, s2;
	p2 =	seq.s32 @!p0 s5, $0x0  }
0x1f: {  	s9 =	smul.u32 $0xF7A, s1;
	s8 =	simm.s32 @!p0 $0x1BF5;
	p2 =	por !p2, p0  }
0x20: {  	[sflag:s8] =	ssyncset.s32 @!p0 $0xFFFFF086;
	s6 =	sadd.s32 @!p0 s3, s7;
	s7 =	simm.s32 @!p0 $0x108  }
0x21: {  	s3 =	sadd.s32 s3, s9;
	s6 =	sadd.s32 @!p0 $0x88, s6;
	s7 =	simm.s32 @p2 $0x1082  }
0x22: {  	[simem:s7], [sflag:s8] =	dma.local @!p0 [hbm:s6], $0xF7A  }
0x23: {  	s9 =	sor.u32 $0xD0000000, s2;
	s6 =	simm.s32 $0x108;
	_ =	swait.ge @!p0 [sflag:s8], $0x0  }
0x24: {  	s3 =	sadd.s32 $0x88, s3;
	s6 =	simm.s32 @!p1 $0x1082;
	[sflag:s4] =	ssyncset.s32 $0xFFFFF086  }
0x25: {  	[simem:s6], [sflag:s4] =	dma.local [hbm:s3], $0xF7A  }
0x26: {  	[smem:$0x3F9A] =	sst s1;
	(tag) =	ssettag s2;
	_ =	strace s9  }
0x27: {  	s1 =	sld [smem:$0x3FAA]  }
0x28: {  	s2 =	sld [smem:$0x3FAB]  }
0x29: {  	s4 =	sld [smem:$0x3FAD]  }
0x2a: {  	p0 =	seq.s32 s5, $0x0;
	s5 =	sld [smem:$0x3FAE]  }
0x2b: {  	s6 =	sld [smem:$0x3FAF]  }
0x2c: {  	s7 =	sld [smem:$0x3FB0]  }
0x2d: {  	s3 =	simm.s32 $0x108;
	s8 =	sld [smem:$0x3FB1]  }
0x2e: {  	s3 =	simm.s32 @!p0 $0x1082;
	s9 =	sld [smem:$0x3FB2]  }
0x2f: {  	lr =	sadd.s32 s0, s3;
	s0 =	sld [smem:$0x3FA9]  }
0x30: {  	s3 =	sld [smem:$0x3FAC]  }
0x31: {  	[smem:$0x3FB5] =	sst s10  }
0x32: {  	s10 =	sld [smem:$0x3FB3];
	_ =	sdelay $0x3  }
0x33: {  	p0 =	seq.s32 s10, $0x1;
	s10 =	sld [smem:$0x3FB5];
	_ =	sdelay $0x3  }
0x34: {  	[smem:$0x3FB5] =	sst s10  }
0x35: {  	s10 =	sld [smem:$0x3FB4];
	_ =	sdelay $0x3  }
0x36: {  	p1 =	seq.s32 s10, $0x1;
	s10 =	sld [smem:$0x3FB5];
	_ =	sdelay $0x3  }
0x37: {  	[smem:$0x3FB5] =	sst s10  }
0x38: {  	s10 =	sld [smem:$0x3FB6]  }
0x39: {  	_ = 	snop;
	(pc) =	sbr.ind lr, $3  }
0x3a: {  	_ = 	snop  }
0x3b: {  	_ = 	snop  }
0x3c: {  	p2 =	seq.s32 s10, $0x1;
	s10 =	sld [smem:$0x3FB5]  }
0x3d: {  	_ =	shalt  }
0x3e: {  	_ =	shalt  }
0x3f: {  	_ =	shalt  }
0x40: {  	_ =	shalt  }
0x41: {  	_ =	shalt  }
0x42: {  	_ =	shalt  }
0x43: {  	_ =	shalt  }
0x44: {  	_ =	shalt  }
0x45: {  	_ =	shalt  }
0x46: {  	_ =	shalt  }
0x47: {  	_ =	shalt  }
0x48: {  	_ =	shalt  }
0x49: {  	_ =	shalt  }
0x4a: {  	_ =	shalt  }
0x4b: {  	_ =	shalt  }
0x4c: {  	_ =	shalt  }
0x4d: {  	_ =	shalt  }
0x4e: {  	_ =	shalt  }
0x4f: {  	_ =	shalt  }
0x50: {  	_ =	shalt  }
0x51: {  	_ =	shalt  }
0x52: {  	_ =	shalt  }
0x53: {  	_ =	shalt  }
0x54: {  	_ =	shalt  }
0x55: {  	_ =	shalt  }
0x56: {  	_ =	shalt  }
0x57: {  	_ =	shalt  }
0x58: {  	_ =	shalt  }
0x59: {  	_ =	shalt  }
0x5a: {  	_ =	shalt  }
0x5b: {  	_ =	shalt  }
0x5c: {  	_ =	shalt  }
0x5d: {  	_ =	shalt  }
0x5e: {  	_ =	shalt  }
0x5f: {  	_ =	shalt  }
0x60: {  	_ =	shalt  }
0x61: {  	_ =	shalt  }
0x62: {  	_ =	shalt  }
0x63: {  	_ =	shalt  }
0x64: {  	_ =	shalt  }
0x65: {  	_ =	shalt  }
0x66: {  	_ =	shalt  }
0x67: {  	_ =	shalt  }
0x68: {  	_ =	shalt  }
0x69: {  	_ =	shalt  }
0x6a: {  	_ =	shalt  }
0x6b: {  	_ =	shalt  }
0x6c: {  	_ =	shalt  }
0x6d: {  	_ =	shalt  }
0x6e: {  	_ =	shalt  }
0x6f: {  	_ =	shalt  }
0x70: {  	_ =	shalt  }
0x71: {  	_ =	shalt  }
0x72: {  	_ =	shalt  }
0x73: {  	_ =	shalt  }
0x74: {  	_ =	shalt  }
0x75: {  	_ =	shalt  }
0x76: {  	_ =	shalt  }
0x77: {  	_ =	shalt  }
0x78: {  	_ =	shalt  }
0x79: {  	_ =	shalt  }
0x7a: {  	_ =	shalt  }
0x7b: {  	_ =	shalt  }
0x7c: {  	_ =	shalt  }
0x7d: {  	_ =	shalt  }
0x7e: {  	_ =	shalt  }
0x7f: {  	_ =	shalt  }
0x80: {  	_ =	shalt  }
0x81: {  	_ =	shalt  }
0x82: {  	_ =	shalt  }
0x83: {  	_ =	shalt  }
0x84: {  	_ =	shalt  }
0x85: {  	_ =	shalt  }
0x86: {  	_ =	shalt  }
0x87: {  	_ =	shalt  }
.Lfunc_end0:
.L_simem_size_0:
called_computation.1_lowered:
.L_overlay_start_0:
0x88: {  	s2 =	sld [smem:$0x3FD9]  }
0x89: {  	s3 =	sld [smem:$0x3FFE];
	_ =	sdelay $0x1  }
0x8a: {  	s1 =	srdreg.scid  }
0x8b: {  	s0 =	sand.u32 $0x1, s1  }
0x8c: {  	s17 =	sshll.u32 s0, $0xA;
	s2 =	sadd.s32 s3, s2  }
0x8d: {  	s2 =	sadd.s32 s2, s17  }
0x8e: {  	[smem:$0x3FC1] =	sst s2  }
0x8f: {  	_ = 	snop  }
0x90: {  	s2 =	sld [smem:$0x3FC8]  }
0x91: {  	s18 =	sld [smem:$0x3FD0];
	(tm) =	ssettm $0x1  }
0x92: {  	s4 =	sld [smem:$0x3FFB];
	_ =	sdelay $0x3  }
0x93: {  	_ =	strace s4  }
0x94: {  	s4 =	sld [smem:$0x3FFC];
	_ =	sdelay $0x3  }
0x95: {  	_ =	strace s4  }
0x96: {  	s4 =	sld [smem:$0x3FFD];
	_ =	sdelay $0x3  }
0x97: {  	_ =	strace s4  }
0x98: {  	_ =	strace $0x8FFFFFFF  }
0x99: {  	s19 =	sld [smem:$0x3FDB];
	_ =	sdelay $0x1  }
0x9a: {  	s5 =	simm.s32 $_scs_section_size  }
0x9b: {  	s6 =	simm.s32 $_size__tile_overlayer_lowered;
	s7 =	simm.s32 $_tile_overlayer_lowered  }
0x9c: {  	s22 =	simm.s32 $0x1BFF;
	s21 =	sshll.u32 s7, $0x1;
	s4 =	sadd.s32 s5, s19  }
0x9d: {  	s8 =	simm.s32 $0x0;
	s20 =	sshll.u32 s6, $0x1;
	s6 =	sadd.s32 s21, s4  }
0x9e: {  	[timem:s8], [sflag:s22] =	dma.local [hbm:s6], s20  }
0x9f: {  	_ =	swait.ge [sflag:s22], s20  }
0xa0: {  	s5 =	ssub.s32 $0x0, s20;
	[sflag:s22] =	ssyncset.done $0x0  }
0xa1: {  	[sflag:s22] =	ssyncadd.s32 s5;
	_ =	sdelay $0x1  }
0xa2: {  	s23 =	simm.s32 $0x1B8B  }
0xa3: {  	_ =	swait.ge [sflag:s23], $0x1  }
0xa4: {  	[sflag:s23] =	ssyncset.done $0x0  }
0xa5: {  	s25 =	simm.s32 $0x1B8E;
	s24 =	sld [smem:$0x3FFE];
	[sflag:s23] =	ssyncadd.s32 $0xFFFFFFFF  }
0xa6: {  	s26 =	simm.s32 $execute0_lowered;
	[smem:$0x3FD2] =	sst s25  }
0xa7: {  	s6 =	sshll.u32 s26, $0x1;
	_ =	strace $0x80000049;
	[dreg:$0x1] =	wrdreg $0xFFFFFFFF  }
0xa8: {  	s28 =	simm.s32 $_size_execute0_lowered;
	s4 =	sadd.s32 s4, s6;
	[dreg:$0x0] =	wrdreg $0x0  }
0xa9: {  	s6 =	sshll.u32 s28, $0x1;
	[dreg:$0x2] =	wrdreg s4  }
0xaa: {  	[dreg:$0x3] =	wrdreg s6  }
0xab: {  	[dreg:$0x4] =	wrdreg $0xC0  }
0xac: {  	_ =	task [dreg:s8], $0x5FFFF  }
0xad: {  	[dreg:$0x1] =	wrdreg $0xFFFFFFFF  }
0xae: {  	[dreg:$0x0] =	wrdreg $0x60  }
0xaf: {  	[dreg:$0x2] =	wrdreg s2  }
0xb0: {  	[dreg:$0x3] =	wrdreg s24  }
0xb1: {  	[dreg:$0x4] =	wrdreg s18  }
0xb2: {  	[dreg:$0x5] =	wrdreg $0x9  }
0xb3: {  	_ =	task.clear_ibuf [dreg:s8], $0x6FFFF;
	_ =	strace $0x90000049  }
0xb4: {  	s29 =	simm.s32 $0x9;
	_ =	strace $0x8000004B  }
0xb5: {  	_ =	swait.ge [sflag:s29], $0x1  }
0xb6: {  	[sflag:s29] =	ssyncadd.s32 $0xFFFFFFFF  }
0xb7: {  	_ =	strace $0x9000004B  }
0xb8: {  	_ =	sfence  }
0xb9: {  	s30 =	sld [smem:$0x0];
	_ =	sdelay $0x2  }
0xba: {  	s31 =	sshll.u32 s1, $0xD;
	s1 =	sshrl.u32 s1, $0x2  }
0xbb: {  	s3 =	sand.u32 $0x4000, s31;
	s1 =	sadd.s32 s1, s30  }
0xbc: {  	s0 =	sor.u32 s3, s0;
	s1 =	sshll.u32 s1, $0x11  }
0xbd: {  	s0 =	sor.u32 s1, s0  }
0xbe: {  	s0 =	sadd.s32 $0x8F2B, s0  }
0xbf: {  	[sflag:s0] =	ssyncadd.remote.s32 $0x1  }
0xc0: {  	_ =	sfence.sel $0xFFFF  }
0xc1: {  	[dreg:$0x0] =	wrdreg $0xFFFFFFFF;
	(pc) =	sbr.abs _section_cstart, $3  }
0xc2: {  	[dreg:$0x1] =	wrdreg $0xFFFFFFFF  }
0xc3: {  	_ =	task.clear_ibuf [dreg:s8], $0x2FFFF;
	_ =	strace $0x9FFFFFFF  }
0xc4: {  	(tm) =	ssettm $0x7FFFFFFF  }
0xc5: {  	_ =	shalt  }
tec
execute0_lowered:
.L_overlay_start_1:
0x0: {  	(tag) =	ssettag $0x1  }
0x1: {  	s0 =	rddreg [dreg:$0x0]  }
0x2: {  	s2 =	rddreg [dreg:$0x1]  }
0x3: {  	s5 =	rddreg [dreg:$0x2]  }
0x4: {  	s1 =	simm.s32 $0x0;
	s3 =	srdreg.scid;
	s8 =	stileid.u32  }
0x5: {  	s30 =	simm.s32 $0x80;
	s28 =	simm.s32 $0x100;
	s29 =	simm.s32 $0x180  }
0x6: {  	s31 =	simm.s32 $0x0;
	[smem:$0x7FF] =	sst s1;
	s6 =	sadd.s32 $0x2400, s2  }
0x7: {  	s7 =	sadd.s32 $0x22C00, s2;
	s4 =	sand.u32 $0x1, s3;
	s8 =	sshll.u32 s8, $0x1  }
0x8: {  	s3 =	sadd.s32 $0x43400, s2;
	_ =	strace $0x8000004A;
	s9 =	ssub.s32 $0x2, s4  }
0x9: {  	s8 =	sor.u32 s4, s8;
	s4 =	sadd.s32 $0x44400, s2;
	s21 =	sshrl.u32 s9, $0x1  }
0xa: {  	s22 =	sshll.u32 s8, $0x6;
	s23 =	sshll.u32 s8, $0xB;
	s2 =	ssub.s32 s9, s21  }
0xb: {  	s0 =	sadd.s32 s0, s22;
	s8 =	sadd.s32 s6, s23;
	s24 =	sadd.s32 s7, s23  }
0xc: {  	s25 =	sor.u32 $0x10000, s23;
	s11 =	sor.u32 $0x200, s23;
	s13 =	sor.u32 $0x10200, s23  }
0xd: {  	s15 =	sor.u32 $0x400, s23;
	s17 =	sor.u32 $0x10400, s23;
	[dreg:$0x4] =	wrdreg s0  }
0xe: {  	s19 =	sor.u32 $0x600, s23;
	s22 =	sadd.s32 s5, s22;
	[dreg:$0x5] =	wrdreg s8  }
0xf: {  	[dreg:$0x6] =	wrdreg s24;
	s26 =	sadd.s32 s6, s25;
	s9 =	sadd.s32 s7, s25  }
0x10: {  	s10 =	sadd.s32 s6, s11;
	s11 =	sadd.s32 s7, s11;
	s12 =	sadd.s32 s6, s13  }
0x11: {  	s13 =	sadd.s32 s7, s13;
	s14 =	sadd.s32 s6, s15;
	s15 =	sadd.s32 s7, s15  }
0x12: {  	s16 =	sadd.s32 s6, s17;
	s17 =	sadd.s32 s7, s17;
	s18 =	sadd.s32 s6, s19  }
0x13: {  	s19 =	sadd.s32 s7, s19;
	s0 =	sor.u32 $0x10600, s23;
	s23 =	smax.u32 s2, $0x1  }
0x14: {  	v0 =	vlaneseq.u32;
	s24 =	simm.s32 $0x2;
	s2 =	simm.s32 $0x1;
	s25 =	simm.s32 $0x18200  }
0x15: {  	v0 =	vmul.u32 $0x10, v0;
	[dreg:$0x7] =	wrdreg s26;
	s20 =	sadd.s32 s6, s0;
	s21 =	sadd.s32 s7, s0  }
.LBB2_1:
0x16: {  	s0 =	rddreg [dreg:$0x4]  }
0x17: {  	[tilespmem:s1], [sflag:$0x2] =	stream.linear.gather [hbm4b:s0+s1], $0x200, $0x38;
	[tilespmem:$0x1A400] =	vst v63  }
0x18: {  	_ =	swait.ge [sflag:s24], $0x200  }
0x19: {  	[sflag:s24] =	ssyncset.done $0x0  }
0x1a: {  	s5 =	simm.s32 $0x200;
	s26 =	rddreg [dreg:$0x5];
	[sflag:s24] =	ssyncadd.s32 $0xFFFFFE00  }
0x1b: {  	[tilespmem:s5], [sflag:$0x1] =	stream.linear.gather [hbm4b:s26+s1], $0x1000, $0x38;
	[tilespmem:$0x1A400] =	vst v63  }
0x1c: {  	s7 =	simm.s32 $0xC200;
	s6 =	rddreg [dreg:$0x6]  }
0x1d: {  	[tilespmem:s7], [sflag:$0x1] =	stream.linear.gather [hbm4b:s6+s1], $0x1000, $0x38;
	[tilespmem:$0x1A400] =	vst v63  }
0x1e: {  	s8 =	rddreg [dreg:$0x7];
	s26 =	simm.s32 $0x8200  }
0x1f: {  	[tilespmem:s26], [sflag:$0x1] =	stream.linear.gather [hbm4b:s8+s1], $0x1000, $0x38;
	[tilespmem:$0x1A400] =	vst v63  }
0x20: {  	s6 =	simm.s32 $0x4200  }
0x21: {  	[tilespmem:s6], [sflag:$0x1] =	stream.linear.gather [hbm4b:s9+s1], $0x1000, $0x38;
	[tilespmem:$0x1A400] =	vst v63  }
0x22: {  	s7 =	simm.s32 $0x10200  }
0x23: {  	[tilespmem:s7], [sflag:$0x1] =	stream.indirect.gather [hbm4b:s3+s30], $0x20, s1, s30, $0xb8;
	[tilespmem:$0x1A400] =	vst v63  }
0x24: {  	s8 =	simm.s32 $0x14200  }
0x25: {  	[tilespmem:s8], [sflag:$0x1] =	stream.indirect.gather [hbm4b:s4+s30], $0x20, s1, s30, $0xb8;
	[tilespmem:$0x1A400] =	vst v63  }
0x26: {  	s26 =	simm.s32 $0x1200  }
0x27: {  	[tilespmem:s26], [sflag:$0x1] =	stream.linear.gather [hbm4b:s10+s1], $0x1000, $0x38;
	[tilespmem:$0x1A400] =	vst v63  }
0x28: {  	s5 =	simm.s32 $0xD200  }
0x29: {  	[tilespmem:s5], [sflag:$0x1] =	stream.linear.gather [hbm4b:s11+s1], $0x1000, $0x38;
	[tilespmem:$0x1A400] =	vst v63  }
0x2a: {  	s6 =	simm.s32 $0x9200  }
0x2b: {  	[tilespmem:s6], [sflag:$0x1] =	stream.linear.gather [hbm4b:s12+s1], $0x1000, $0x38;
	[tilespmem:$0x1A400] =	vst v63  }
0x2c: {  	s7 =	simm.s32 $0x5200  }
0x2d: {  	[tilespmem:s7], [sflag:$0x1] =	stream.linear.gather [hbm4b:s13+s1], $0x1000, $0x38;
	[tilespmem:$0x1A400] =	vst v63  }
0x2e: {  	s8 =	simm.s32 $0x11200  }
0x2f: {  	[tilespmem:s8], [sflag:$0x1] =	stream.indirect.gather [hbm4b:s3+s30], $0x20, s30, s30, $0xb8;
	[tilespmem:$0x1A400] =	vst v63  }
0x30: {  	s26 =	simm.s32 $0x15200  }
0x31: {  	[tilespmem:s26], [sflag:$0x1] =	stream.indirect.gather [hbm4b:s4+s30], $0x20, s30, s30, $0xb8;
	[tilespmem:$0x1A400] =	vst v63  }
0x32: {  	s5 =	simm.s32 $0x2200  }
0x33: {  	[tilespmem:s5], [sflag:$0x1] =	stream.linear.gather [hbm4b:s14+s1], $0x1000, $0x38;
	[tilespmem:$0x1A400] =	vst v63  }
0x34: {  	s6 =	simm.s32 $0xE200  }
0x35: {  	[tilespmem:s6], [sflag:$0x1] =	stream.linear.gather [hbm4b:s15+s1], $0x1000, $0x38;
	[tilespmem:$0x1A400] =	vst v63  }
0x36: {  	s7 =	simm.s32 $0xA200  }
0x37: {  	[tilespmem:s7], [sflag:$0x1] =	stream.linear.gather [hbm4b:s16+s1], $0x1000, $0x38;
	[tilespmem:$0x1A400] =	vst v63  }
0x38: {  	s8 =	simm.s32 $0x6200  }
0x39: {  	[tilespmem:s8], [sflag:$0x1] =	stream.linear.gather [hbm4b:s17+s1], $0x1000, $0x38;
	[tilespmem:$0x1A400] =	vst v63  }
0x3a: {  	s26 =	simm.s32 $0x12200  }
0x3b: {  	[tilespmem:s26], [sflag:$0x1] =	stream.indirect.gather [hbm4b:s3+s30], $0x20, s28, s30, $0xb8;
	[tilespmem:$0x1A400] =	vst v63  }
0x3c: {  	s5 =	simm.s32 $0x16200  }
0x3d: {  	[tilespmem:s5], [sflag:$0x1] =	stream.indirect.gather [hbm4b:s4+s30], $0x20, s28, s30, $0xb8;
	[tilespmem:$0x1A400] =	vst v63  }
0x3e: {  	s6 =	simm.s32 $0x3200  }
0x3f: {  	[tilespmem:s6], [sflag:$0x1] =	stream.linear.gather [hbm4b:s18+s1], $0x1000, $0x38;
	[tilespmem:$0x1A400] =	vst v63  }
0x40: {  	s7 =	simm.s32 $0xF200  }
0x41: {  	[tilespmem:s7], [sflag:$0x1] =	stream.linear.gather [hbm4b:s19+s1], $0x1000, $0x38;
	[tilespmem:$0x1A400] =	vst v63  }
0x42: {  	s8 =	simm.s32 $0xB200  }
0x43: {  	[tilespmem:s8], [sflag:$0x1] =	stream.linear.gather [hbm4b:s20+s1], $0x1000, $0x38;
	[tilespmem:$0x1A400] =	vst v63  }
0x44: {  	s26 =	simm.s32 $0x7200  }
0x45: {  	[tilespmem:s26], [sflag:$0x1] =	stream.linear.gather [hbm4b:s21+s1], $0x1000, $0x38;
	[tilespmem:$0x1A400] =	vst v63  }
0x46: {  	s5 =	simm.s32 $0x13200  }
0x47: {  	[tilespmem:s5], [sflag:$0x1] =	stream.indirect.gather [hbm4b:s3+s30], $0x20, s29, s30, $0xb8;
	[tilespmem:$0x1A400] =	vst v63  }
0x48: {  	s6 =	simm.s32 $0x17200  }
0x49: {  	[tilespmem:s6], [sflag:$0x1] =	stream.indirect.gather [hbm4b:s4+s30], $0x20, s29, s30, $0xb8;
	[tilespmem:$0x1A400] =	vst v63  }
0x4a: {  	_ =	swait.ge [sflag:s2], $0x1000  }
0x4b: {  	[sflag:s2] =	ssyncset.done $0x0  }
0x4c: {  	[sflag:s2] =	ssyncadd.s32 $0xFFFFF000  }
0x4d: {  	_ =	swait.ge [sflag:s2], $0x1000  }
0x4e: {  	[sflag:s2] =	ssyncset.done $0x0  }
0x4f: {  	[sflag:s2] =	ssyncadd.s32 $0xFFFFF000  }
0x50: {  	_ =	swait.ge [sflag:s2], $0x1000  }
0x51: {  	[sflag:s2] =	ssyncset.done $0x0  }
0x52: {  	[sflag:s2] =	ssyncadd.s32 $0xFFFFF000  }
0x53: {  	_ =	swait.ge [sflag:s2], $0x1000  }
0x54: {  	[sflag:s2] =	ssyncset.done $0x0  }
0x55: {  	[sflag:s2] =	ssyncadd.s32 $0xFFFFF000  }
0x56: {  	_ =	swait.ge [sflag:s2], $0x1000  }
0x57: {  	[sflag:s2] =	ssyncset.done $0x0  }
0x58: {  	[sflag:s2] =	ssyncadd.s32 $0xFFFFF000  }
0x59: {  	_ =	swait.ge [sflag:s2], $0x1000  }
0x5a: {  	[sflag:s2] =	ssyncset.done $0x0  }
0x5b: {  	s7 =	simm.s32 $0x0;
	[sflag:s2] =	ssyncadd.s32 $0xFFFFF000  }
0x5c: {  	v1 =	vld [tilespmem:s7+$0x4200]  }
0x5d: {  	v2 =	vld [tilespmem:s7+$0xC200]  }
0x5e: {  	v3 =	vld [tilespmem:s7+$0x10200]  }
0x5f: {  	v4 =	vld [tilespmem:s7+$0x200]  }
0x60: {  	v5 =	vld [tilespmem:s7+$0x8200]  }
0x61: {  	v6 =	vld [tilespmem:s7+$0x14200]  }
0x62: {  	v7 =	vld [tilespmem:s7+$0x210]  }
0x63: {  	v8 =	vld [tilespmem:s7+$0x10210]  }
0x64: {  	v9 =	vld [tilespmem:s7+$0x8210]  }
0x65: {  	v10 =	vld [tilespmem:s7+$0x14210]  }
0x66: {  	v11 =	vld [tilespmem:s7+$0x4210]  }
0x67: {  	v12 =	vld [tilespmem:s7+$0xC210];
	_ =	sdelay $0x1  }
0x68: {  	v3 =	vmul.f32 v3, v4;
	v4 =	vmul.f32 v6, v5  }
0x69: {  	v5 =	vmul.f32 v8, v7;
	v6 =	vmul.f32 v10, v9  }
0x6a: {  	s8 =	sand.u32 $0xF, s1;
	s26 =	sand.u32 $0x700, s1;
	v1 =	vmul.f32 v1, v3;
	v2 =	vmul.f32 v2, v4  }
0x6b: {  	s0 =	sor.u32 s8, s26;
	v3 =	vmul.f32 v11, v5;
	v4 =	vmul.f32 v12, v6  }
0x6c: {  	v5 =	vor.u32 s0, v0  }
0x6d: {  	v1 =	vadd.f32 v2, v1;
	v2 =	vadd.f32 v4, v3;
	_ =	sdelay $0x1  }
0x6e: {  	v1 =	vadd.f32 v2, v1;
	_ =	sdelay $0x1  }
0x6f: {  	s6 =	simm.s32 $0x20;
	[tilespmem:v5+s25+$0x0] =	vst.idx.msk $0xffff, v1  }
0x70: {  	v1 =	vld [tilespmem:s6+$0x4200]  }
0x71: {  	v2 =	vld [tilespmem:s6+$0xC200]  }
0x72: {  	v3 =	vld [tilespmem:s6+$0x10200]  }
0x73: {  	v4 =	vld [tilespmem:s6+$0x200]  }
0x74: {  	v5 =	vld [tilespmem:s6+$0x8200]  }
0x75: {  	v6 =	vld [tilespmem:s6+$0x14200]  }
0x76: {  	v7 =	vld [tilespmem:s6+$0x210]  }
0x77: {  	v8 =	vld [tilespmem:s6+$0x10210]  }
0x78: {  	s26 =	simm.s32 $0x100;
	s5 =	simm.s32 $0x0;
	s0 =	simm.s32 $0x0;
	v9 =	vld [tilespmem:s6+$0x8210]  }
.LBB2_2:
0x79: {  	p0 =	sne.s32 s26, $0x3F80;
	v10 =	vld [tilespmem:s6+$0x14210]  }
0x7a: {  	v11 =	vld [tilespmem:s6+$0x4210]  }
0x7b: {  	v12 =	vld [tilespmem:s6+$0xC210];
	_ =	sdelay $0x1  }
0x7c: {  	v3 =	vmul.f32 v3, v4;
	v4 =	vmul.f32 v6, v5  }
0x7d: {  	s0 =	sadd.s32 $0x1, s0;
	s5 =	sadd.s32 $0x10, s5;
	v5 =	vmul.f32 v8, v7;
	v6 =	vmul.f32 v10, v9  }
0x7e: {  	s7 =	sand.u32 $0x700, s5;
	v1 =	vmul.f32 v1, v3;
	s6 =	sand.u32 $0xF, s0;
	v2 =	vmul.f32 v2, v4  }
0x7f: {  	s6 =	sor.u32 s6, s7;
	v3 =	vmul.f32 v11, v5;
	v4 =	vmul.f32 v12, v6  }
0x80: {  	v5 =	vor.u32 s6, v0  }
0x81: {  	v1 =	vadd.f32 v2, v1;
	v2 =	vadd.f32 v4, v3;
	_ =	sdelay $0x1  }
0x82: {  	v1 =	vadd.f32 v2, v1;
	_ =	sdelay $0x1  }
0x83: {  	s6 =	sshra.s32 s26, $0x2;
	[tilespmem:v5+s25+$0x0] =	vst.idx.msk $0xffff, v1  }
0x84: {  	v1 =	vld [tilespmem:s6+$0x4200]  }
0x85: {  	v2 =	vld [tilespmem:s6+$0xC200]  }
0x86: {  	v3 =	vld [tilespmem:s6+$0x10200]  }
0x87: {  	v4 =	vld [tilespmem:s6+$0x200]  }
.Ltmp0:
0x88: {  	v5 =	vld [tilespmem:s6+$0x8200];
	(pc) =	sbr.rel @p0 .LBB2_2-.Ltmp0, $4  }
0x89: {  	v6 =	vld [tilespmem:s6+$0x14200]  }
0x8a: {  	v7 =	vld [tilespmem:s6+$0x210]  }
0x8b: {  	v8 =	vld [tilespmem:s6+$0x10210]  }
0x8c: {  	s26 =	sadd.s32 $0x80, s26;
	v9 =	vld [tilespmem:s6+$0x8210]  }
0x8d: {  	v10 =	vld [tilespmem:s6+$0x14210]  }
0x8e: {  	v11 =	vld [tilespmem:s6+$0x4210]  }
0x8f: {  	v12 =	vld [tilespmem:s6+$0xC210];
	_ =	sdelay $0x1  }
0x90: {  	v3 =	vmul.f32 v3, v4;
	v4 =	vmul.f32 v6, v5  }
0x91: {  	s0 =	sadd.s32 $0x1, s0;
	s5 =	sadd.s32 $0x10, s5;
	v5 =	vmul.f32 v8, v7;
	v6 =	vmul.f32 v10, v9  }
0x92: {  	s0 =	sand.u32 $0xF, s0;
	s5 =	sand.u32 $0x700, s5;
	v1 =	vmul.f32 v1, v3;
	v2 =	vmul.f32 v2, v4  }
0x93: {  	s0 =	sor.u32 s0, s5;
	v3 =	vmul.f32 v11, v5;
	v4 =	vmul.f32 v12, v6  }
0x94: {  	v5 =	vor.u32 s0, v0  }
0x95: {  	v1 =	vadd.f32 v2, v1;
	v2 =	vadd.f32 v4, v3;
	_ =	sdelay $0x1  }
0x96: {  	v1 =	vadd.f32 v2, v1;
	_ =	sdelay $0x1  }
0x97: {  	[tilespmem:v5+s25+$0x0] =	vst.idx.msk $0xffff, v1  }
0x98: {  	_ =	swait.ge [sflag:s2], $0x1000  }
0x99: {  	[sflag:s2] =	ssyncset.done $0x0  }
0x9a: {  	[sflag:s2] =	ssyncadd.s32 $0xFFFFF000  }
0x9b: {  	_ =	swait.ge [sflag:s2], $0x1000  }
0x9c: {  	[sflag:s2] =	ssyncset.done $0x0  }
0x9d: {  	[sflag:s2] =	ssyncadd.s32 $0xFFFFF000  }
0x9e: {  	_ =	swait.ge [sflag:s2], $0x1000  }
0x9f: {  	[sflag:s2] =	ssyncset.done $0x0  }
0xa0: {  	[sflag:s2] =	ssyncadd.s32 $0xFFFFF000  }
0xa1: {  	_ =	swait.ge [sflag:s2], $0x1000  }
0xa2: {  	[sflag:s2] =	ssyncset.done $0x0  }
0xa3: {  	[sflag:s2] =	ssyncadd.s32 $0xFFFFF000  }
0xa4: {  	_ =	swait.ge [sflag:s2], $0x1000  }
0xa5: {  	[sflag:s2] =	ssyncset.done $0x0  }
0xa6: {  	[sflag:s2] =	ssyncadd.s32 $0xFFFFF000  }
0xa7: {  	_ =	swait.ge [sflag:s2], $0x1000  }
0xa8: {  	[sflag:s2] =	ssyncset.done $0x0  }
0xa9: {  	s6 =	simm.s32 $0x0;
	[sflag:s2] =	ssyncadd.s32 $0xFFFFF000  }
0xaa: {  	v1 =	vld [tilespmem:s6+$0x5200]  }
0xab: {  	v2 =	vld [tilespmem:s6+$0xD200]  }
0xac: {  	v3 =	vld [tilespmem:s6+$0x11200]  }
0xad: {  	v4 =	vld [tilespmem:s6+$0x1200]  }
0xae: {  	v5 =	vld [tilespmem:s6+$0x9200]  }
0xaf: {  	v6 =	vld [tilespmem:s6+$0x15200]  }
0xb0: {  	v7 =	vld [tilespmem:s6+$0x1210]  }
0xb1: {  	v8 =	vld [tilespmem:s6+$0x11210]  }
0xb2: {  	v9 =	vld [tilespmem:s6+$0x9210]  }
0xb3: {  	v10 =	vld [tilespmem:s6+$0x15210]  }
0xb4: {  	v11 =	vld [tilespmem:s6+$0x5210]  }
0xb5: {  	v63 =	vld [tilespmem:s6+$0xD210];
	_ =	sdelay $0x1  }
0xb6: {  	v3 =	vmul.f32 v3, v4;
	v4 =	vmul.f32 v6, v5  }
0xb7: {  	s26 =	simm.s32 $0x800;
	s0 =	simm.s32 $0x80;
	v5 =	vmul.f32 v8, v7;
	v6 =	vmul.f32 v10, v9  }
0xb8: {  	s8 =	sand.u32 $0xF00, s26;
	s7 =	sand.u32 $0xF, s0;
	v1 =	vmul.f32 v1, v3;
	v2 =	vmul.f32 v2, v4  }
0xb9: {  	s5 =	sor.u32 s7, s8;
	v3 =	vmul.f32 v11, v5;
	v4 =	vmul.f32 v63, v6  }
0xba: {  	v5 =	vor.u32 s5, v0  }
0xbb: {  	v1 =	vadd.f32 v2, v1;
	v2 =	vadd.f32 v4, v3;
	_ =	sdelay $0x1  }
0xbc: {  	v1 =	vadd.f32 v2, v1;
	_ =	sdelay $0x1  }
0xbd: {  	s6 =	simm.s32 $0x20;
	[tilespmem:v5+s25+$0x0] =	vst.idx.msk $0xffff, v1  }
0xbe: {  	v1 =	vld [tilespmem:s6+$0x5200]  }
0xbf: {  	v2 =	vld [tilespmem:s6+$0xD200]  }
0xc0: {  	v3 =	vld [tilespmem:s6+$0x11200]  }
0xc1: {  	v4 =	vld [tilespmem:s6+$0x1200]  }
0xc2: {  	v5 =	vld [tilespmem:s6+$0x9200]  }
0xc3: {  	v6 =	vld [tilespmem:s6+$0x15200]  }
0xc4: {  	v7 =	vld [tilespmem:s6+$0x1210]  }
0xc5: {  	v8 =	vld [tilespmem:s6+$0x11210]  }
0xc6: {  	s5 =	simm.s32 $0x100;
	v9 =	vld [tilespmem:s6+$0x9210]  }
.LBB2_4:
0xc7: {  	p0 =	sne.s32 s5, $0x3F80;
	v10 =	vld [tilespmem:s6+$0x15210]  }
0xc8: {  	v11 =	vld [tilespmem:s6+$0x5210]  }
0xc9: {  	v12 =	vld [tilespmem:s6+$0xD210];
	_ =	sdelay $0x1  }
0xca: {  	v3 =	vmul.f32 v3, v4;
	v4 =	vmul.f32 v6, v5  }
0xcb: {  	s0 =	sadd.s32 $0x1, s0;
	s26 =	sadd.s32 $0x10, s26;
	v5 =	vmul.f32 v8, v7;
	v6 =	vmul.f32 v10, v9  }
0xcc: {  	s7 =	sand.u32 $0xF00, s26;
	v1 =	vmul.f32 v1, v3;
	s6 =	sand.u32 $0xF, s0;
	v2 =	vmul.f32 v2, v4  }
0xcd: {  	s6 =	sor.u32 s6, s7;
	v3 =	vmul.f32 v11, v5;
	v4 =	vmul.f32 v12, v6  }
0xce: {  	v5 =	vor.u32 s6, v0  }
0xcf: {  	v1 =	vadd.f32 v2, v1;
	v2 =	vadd.f32 v4, v3;
	_ =	sdelay $0x1  }
0xd0: {  	v1 =	vadd.f32 v2, v1;
	_ =	sdelay $0x1  }
0xd1: {  	s6 =	sshra.s32 s5, $0x2;
	[tilespmem:v5+s25+$0x0] =	vst.idx.msk $0xffff, v1  }
0xd2: {  	v1 =	vld [tilespmem:s6+$0x5200]  }
0xd3: {  	v2 =	vld [tilespmem:s6+$0xD200]  }
0xd4: {  	v3 =	vld [tilespmem:s6+$0x11200]  }
0xd5: {  	v4 =	vld [tilespmem:s6+$0x1200]  }
.Ltmp1:
0xd6: {  	v5 =	vld [tilespmem:s6+$0x9200];
	(pc) =	sbr.rel @p0 .LBB2_4-.Ltmp1, $4  }
0xd7: {  	v6 =	vld [tilespmem:s6+$0x15200]  }
0xd8: {  	v7 =	vld [tilespmem:s6+$0x1210]  }
0xd9: {  	v8 =	vld [tilespmem:s6+$0x11210]  }
0xda: {  	s5 =	sadd.s32 $0x80, s5;
	v9 =	vld [tilespmem:s6+$0x9210]  }
0xdb: {  	v10 =	vld [tilespmem:s6+$0x15210]  }
0xdc: {  	v11 =	vld [tilespmem:s6+$0x5210]  }
0xdd: {  	v12 =	vld [tilespmem:s6+$0xD210];
	_ =	sdelay $0x1  }
0xde: {  	v3 =	vmul.f32 v3, v4;
	v4 =	vmul.f32 v6, v5  }
0xdf: {  	s0 =	sadd.s32 $0x1, s0;
	s5 =	sadd.s32 $0x10, s26;
	v5 =	vmul.f32 v8, v7;
	v6 =	vmul.f32 v10, v9  }
0xe0: {  	s0 =	sand.u32 $0xF, s0;
	s5 =	sand.u32 $0xF00, s5;
	v1 =	vmul.f32 v1, v3;
	v2 =	vmul.f32 v2, v4  }
0xe1: {  	s0 =	sor.u32 s0, s5;
	v3 =	vmul.f32 v11, v5;
	v4 =	vmul.f32 v12, v6  }
0xe2: {  	v5 =	vor.u32 s0, v0  }
0xe3: {  	v1 =	vadd.f32 v2, v1;
	v2 =	vadd.f32 v4, v3;
	_ =	sdelay $0x1  }
0xe4: {  	v1 =	vadd.f32 v2, v1;
	_ =	sdelay $0x1  }
0xe5: {  	[tilespmem:v5+s25+$0x0] =	vst.idx.msk $0xffff, v1  }
0xe6: {  	_ =	swait.ge [sflag:s2], $0x1000  }
0xe7: {  	[sflag:s2] =	ssyncset.done $0x0  }
0xe8: {  	[sflag:s2] =	ssyncadd.s32 $0xFFFFF000  }
0xe9: {  	_ =	swait.ge [sflag:s2], $0x1000  }
0xea: {  	[sflag:s2] =	ssyncset.done $0x0  }
0xeb: {  	[sflag:s2] =	ssyncadd.s32 $0xFFFFF000  }
0xec: {  	_ =	swait.ge [sflag:s2], $0x1000  }
0xed: {  	[sflag:s2] =	ssyncset.done $0x0  }
0xee: {  	[sflag:s2] =	ssyncadd.s32 $0xFFFFF000  }
0xef: {  	_ =	swait.ge [sflag:s2], $0x1000  }
0xf0: {  	[sflag:s2] =	ssyncset.done $0x0  }
0xf1: {  	[sflag:s2] =	ssyncadd.s32 $0xFFFFF000  }
0xf2: {  	_ =	swait.ge [sflag:s2], $0x1000  }
0xf3: {  	[sflag:s2] =	ssyncset.done $0x0  }
0xf4: {  	[sflag:s2] =	ssyncadd.s32 $0xFFFFF000  }
0xf5: {  	_ =	swait.ge [sflag:s2], $0x1000  }
0xf6: {  	[sflag:s2] =	ssyncset.done $0x0  }
0xf7: {  	s6 =	simm.s32 $0x0;
	[sflag:s2] =	ssyncadd.s32 $0xFFFFF000  }
0xf8: {  	v1 =	vld [tilespmem:s6+$0x6200]  }
0xf9: {  	v2 =	vld [tilespmem:s6+$0xE200]  }
0xfa: {  	v3 =	vld [tilespmem:s6+$0x12200]  }
0xfb: {  	v4 =	vld [tilespmem:s6+$0x2200]  }
0xfc: {  	v5 =	vld [tilespmem:s6+$0xA200]  }
0xfd: {  	v6 =	vld [tilespmem:s6+$0x16200]  }
0xfe: {  	v7 =	vld [tilespmem:s6+$0x2210]  }
0xff: {  	v8 =	vld [tilespmem:s6+$0x12210]  }
0x100: {  	v9 =	vld [tilespmem:s6+$0xA210]  }
0x101: {  	v10 =	vld [tilespmem:s6+$0x16210]  }
0x102: {  	v11 =	vld [tilespmem:s6+$0x6210]  }
0x103: {  	v63 =	vld [tilespmem:s6+$0xE210];
	_ =	sdelay $0x1  }
0x104: {  	v3 =	vmul.f32 v3, v4;
	v4 =	vmul.f32 v6, v5  }
0x105: {  	s26 =	simm.s32 $0x1000;
	s0 =	simm.s32 $0x100;
	v5 =	vmul.f32 v8, v7;
	v6 =	vmul.f32 v10, v9  }
0x106: {  	s8 =	sand.u32 $0x1F00, s26;
	s7 =	sand.u32 $0xF, s0;
	v1 =	vmul.f32 v1, v3;
	v2 =	vmul.f32 v2, v4  }
0x107: {  	s5 =	sor.u32 s7, s8;
	v3 =	vmul.f32 v11, v5;
	v4 =	vmul.f32 v63, v6  }
0x108: {  	v5 =	vor.u32 s5, v0  }
0x109: {  	v1 =	vadd.f32 v2, v1;
	v2 =	vadd.f32 v4, v3;
	_ =	sdelay $0x1  }
0x10a: {  	v1 =	vadd.f32 v2, v1;
	_ =	sdelay $0x1  }
0x10b: {  	s6 =	simm.s32 $0x20;
	[tilespmem:v5+s25+$0x0] =	vst.idx.msk $0xffff, v1  }
0x10c: {  	v1 =	vld [tilespmem:s6+$0x6200]  }
0x10d: {  	v2 =	vld [tilespmem:s6+$0xE200]  }
0x10e: {  	v3 =	vld [tilespmem:s6+$0x12200]  }
0x10f: {  	v4 =	vld [tilespmem:s6+$0x2200]  }
0x110: {  	v5 =	vld [tilespmem:s6+$0xA200]  }
0x111: {  	v6 =	vld [tilespmem:s6+$0x16200]  }
0x112: {  	v7 =	vld [tilespmem:s6+$0x2210]  }
0x113: {  	v8 =	vld [tilespmem:s6+$0x12210]  }
0x114: {  	s5 =	simm.s32 $0x100;
	v9 =	vld [tilespmem:s6+$0xA210]  }
.LBB2_6:
0x115: {  	p0 =	sne.s32 s5, $0x3F80;
	v10 =	vld [tilespmem:s6+$0x16210]  }
0x116: {  	v11 =	vld [tilespmem:s6+$0x6210]  }
0x117: {  	v12 =	vld [tilespmem:s6+$0xE210];
	_ =	sdelay $0x1  }
0x118: {  	v3 =	vmul.f32 v3, v4;
	v4 =	vmul.f32 v6, v5  }
0x119: {  	s0 =	sadd.s32 $0x1, s0;
	s26 =	sadd.s32 $0x10, s26;
	v5 =	vmul.f32 v8, v7;
	v6 =	vmul.f32 v10, v9  }
0x11a: {  	s7 =	sand.u32 $0x1F00, s26;
	v1 =	vmul.f32 v1, v3;
	s6 =	sand.u32 $0xF, s0;
	v2 =	vmul.f32 v2, v4  }
0x11b: {  	s6 =	sor.u32 s6, s7;
	v3 =	vmul.f32 v11, v5;
	v4 =	vmul.f32 v12, v6  }
0x11c: {  	v5 =	vor.u32 s6, v0  }
0x11d: {  	v1 =	vadd.f32 v2, v1;
	v2 =	vadd.f32 v4, v3;
	_ =	sdelay $0x1  }
0x11e: {  	v1 =	vadd.f32 v2, v1;
	_ =	sdelay $0x1  }
0x11f: {  	s6 =	sshra.s32 s5, $0x2;
	[tilespmem:v5+s25+$0x0] =	vst.idx.msk $0xffff, v1  }
0x120: {  	v1 =	vld [tilespmem:s6+$0x6200]  }
0x121: {  	v2 =	vld [tilespmem:s6+$0xE200]  }
0x122: {  	v3 =	vld [tilespmem:s6+$0x12200]  }
0x123: {  	v4 =	vld [tilespmem:s6+$0x2200]  }
.Ltmp2:
0x124: {  	v5 =	vld [tilespmem:s6+$0xA200];
	(pc) =	sbr.rel @p0 .LBB2_6-.Ltmp2, $4  }
0x125: {  	v6 =	vld [tilespmem:s6+$0x16200]  }
0x126: {  	v7 =	vld [tilespmem:s6+$0x2210]  }
0x127: {  	v8 =	vld [tilespmem:s6+$0x12210]  }
0x128: {  	s5 =	sadd.s32 $0x80, s5;
	v9 =	vld [tilespmem:s6+$0xA210]  }
0x129: {  	v10 =	vld [tilespmem:s6+$0x16210]  }
0x12a: {  	v11 =	vld [tilespmem:s6+$0x6210]  }
0x12b: {  	v12 =	vld [tilespmem:s6+$0xE210];
	_ =	sdelay $0x1  }
0x12c: {  	v3 =	vmul.f32 v3, v4;
	v4 =	vmul.f32 v6, v5  }
0x12d: {  	s0 =	sadd.s32 $0x1, s0;
	s5 =	sadd.s32 $0x10, s26;
	v5 =	vmul.f32 v8, v7;
	v6 =	vmul.f32 v10, v9  }
0x12e: {  	s0 =	sand.u32 $0xF, s0;
	s5 =	sand.u32 $0x1F00, s5;
	v1 =	vmul.f32 v1, v3;
	v2 =	vmul.f32 v2, v4  }
0x12f: {  	s0 =	sor.u32 s0, s5;
	v3 =	vmul.f32 v11, v5;
	v4 =	vmul.f32 v12, v6  }
0x130: {  	v5 =	vor.u32 s0, v0  }
0x131: {  	v1 =	vadd.f32 v2, v1;
	v2 =	vadd.f32 v4, v3;
	_ =	sdelay $0x1  }
0x132: {  	v1 =	vadd.f32 v2, v1;
	_ =	sdelay $0x1  }
0x133: {  	[tilespmem:v5+s25+$0x0] =	vst.idx.msk $0xffff, v1  }
0x134: {  	_ =	swait.ge [sflag:s2], $0x1000  }
0x135: {  	[sflag:s2] =	ssyncset.done $0x0  }
0x136: {  	[sflag:s2] =	ssyncadd.s32 $0xFFFFF000  }
0x137: {  	_ =	swait.ge [sflag:s2], $0x1000  }
0x138: {  	[sflag:s2] =	ssyncset.done $0x0  }
0x139: {  	[sflag:s2] =	ssyncadd.s32 $0xFFFFF000  }
0x13a: {  	_ =	swait.ge [sflag:s2], $0x1000  }
0x13b: {  	[sflag:s2] =	ssyncset.done $0x0  }
0x13c: {  	[sflag:s2] =	ssyncadd.s32 $0xFFFFF000  }
0x13d: {  	_ =	swait.ge [sflag:s2], $0x1000  }
0x13e: {  	[sflag:s2] =	ssyncset.done $0x0  }
0x13f: {  	[sflag:s2] =	ssyncadd.s32 $0xFFFFF000  }
0x140: {  	_ =	swait.ge [sflag:s2], $0x1000  }
0x141: {  	[sflag:s2] =	ssyncset.done $0x0  }
0x142: {  	[sflag:s2] =	ssyncadd.s32 $0xFFFFF000  }
0x143: {  	_ =	swait.ge [sflag:s2], $0x1000  }
0x144: {  	[sflag:s2] =	ssyncset.done $0x0  }
0x145: {  	s6 =	simm.s32 $0x0;
	[sflag:s2] =	ssyncadd.s32 $0xFFFFF000  }
0x146: {  	v1 =	vld [tilespmem:s6+$0x7200]  }
0x147: {  	v2 =	vld [tilespmem:s6+$0xF200]  }
0x148: {  	v3 =	vld [tilespmem:s6+$0x13200]  }
0x149: {  	v4 =	vld [tilespmem:s6+$0x3200]  }
0x14a: {  	v5 =	vld [tilespmem:s6+$0xB200]  }
0x14b: {  	v6 =	vld [tilespmem:s6+$0x17200]  }
0x14c: {  	v7 =	vld [tilespmem:s6+$0x3210]  }
0x14d: {  	v8 =	vld [tilespmem:s6+$0x13210]  }
0x14e: {  	v9 =	vld [tilespmem:s6+$0xB210]  }
0x14f: {  	v10 =	vld [tilespmem:s6+$0x17210]  }
0x150: {  	v11 =	vld [tilespmem:s6+$0x7210]  }
0x151: {  	v63 =	vld [tilespmem:s6+$0xF210];
	_ =	sdelay $0x1  }
0x152: {  	v3 =	vmul.f32 v3, v4;
	v4 =	vmul.f32 v6, v5  }
0x153: {  	s26 =	simm.s32 $0x180;
	s5 =	simm.s32 $0x1800;
	v5 =	vmul.f32 v8, v7;
	v6 =	vmul.f32 v10, v9  }
0x154: {  	s7 =	sand.u32 $0xF, s26;
	s8 =	sand.u32 $0x1F00, s5;
	v1 =	vmul.f32 v1, v3;
	v2 =	vmul.f32 v2, v4  }
0x155: {  	s0 =	sor.u32 s7, s8;
	v3 =	vmul.f32 v11, v5;
	v4 =	vmul.f32 v63, v6  }
0x156: {  	v5 =	vor.u32 s0, v0  }
0x157: {  	v1 =	vadd.f32 v2, v1;
	v2 =	vadd.f32 v4, v3;
	_ =	sdelay $0x1  }
0x158: {  	v1 =	vadd.f32 v2, v1;
	_ =	sdelay $0x1  }
0x159: {  	s7 =	simm.s32 $0x20;
	[tilespmem:v5+s25+$0x0] =	vst.idx.msk $0xffff, v1  }
0x15a: {  	v1 =	vld [tilespmem:s7+$0x7200]  }
0x15b: {  	v2 =	vld [tilespmem:s7+$0xF200]  }
0x15c: {  	v3 =	vld [tilespmem:s7+$0x13200]  }
0x15d: {  	v4 =	vld [tilespmem:s7+$0x3200]  }
0x15e: {  	v5 =	vld [tilespmem:s7+$0xB200]  }
0x15f: {  	v6 =	vld [tilespmem:s7+$0x17200]  }
0x160: {  	v7 =	vld [tilespmem:s7+$0x3210]  }
0x161: {  	v8 =	vld [tilespmem:s7+$0x13210]  }
0x162: {  	s6 =	simm.s32 $0x100;
	s0 =	simm.s32 $0x0;
	v9 =	vld [tilespmem:s7+$0xB210]  }
.LBB2_8:
0x163: {  	p0 =	sne.s32 s6, $0x3F80;
	v10 =	vld [tilespmem:s7+$0x17210]  }
0x164: {  	v11 =	vld [tilespmem:s7+$0x7210]  }
0x165: {  	v12 =	vld [tilespmem:s7+$0xF210];
	_ =	sdelay $0x1  }
0x166: {  	v3 =	vmul.f32 v3, v4;
	v4 =	vmul.f32 v6, v5  }
0x167: {  	s26 =	sadd.s32 $0x1, s26;
	s5 =	sadd.s32 $0x10, s5;
	v5 =	vmul.f32 v8, v7;
	v6 =	vmul.f32 v10, v9  }
0x168: {  	s8 =	sand.u32 $0x1F00, s5;
	v1 =	vmul.f32 v1, v3;
	s7 =	sand.u32 $0xF, s26;
	v2 =	vmul.f32 v2, v4  }
0x169: {  	s7 =	sor.u32 s7, s8;
	v3 =	vmul.f32 v11, v5;
	v4 =	vmul.f32 v12, v6  }
0x16a: {  	v5 =	vor.u32 s7, v0  }
0x16b: {  	v1 =	vadd.f32 v2, v1;
	v2 =	vadd.f32 v4, v3;
	_ =	sdelay $0x1  }
0x16c: {  	v1 =	vadd.f32 v2, v1;
	_ =	sdelay $0x1  }
0x16d: {  	s7 =	sshra.s32 s6, $0x2;
	[tilespmem:v5+s25+$0x0] =	vst.idx.msk $0xffff, v1  }
0x16e: {  	v1 =	vld [tilespmem:s7+$0x7200]  }
0x16f: {  	v2 =	vld [tilespmem:s7+$0xF200]  }
0x170: {  	v3 =	vld [tilespmem:s7+$0x13200]  }
0x171: {  	v4 =	vld [tilespmem:s7+$0x3200]  }
.Ltmp3:
0x172: {  	v5 =	vld [tilespmem:s7+$0xB200];
	(pc) =	sbr.rel @p0 .LBB2_8-.Ltmp3, $4  }
0x173: {  	v6 =	vld [tilespmem:s7+$0x17200]  }
0x174: {  	v7 =	vld [tilespmem:s7+$0x3210]  }
0x175: {  	v8 =	vld [tilespmem:s7+$0x13210]  }
0x176: {  	s6 =	sadd.s32 $0x80, s6;
	v9 =	vld [tilespmem:s7+$0xB210]  }
0x177: {  	v10 =	vld [tilespmem:s7+$0x17210]  }
0x178: {  	v11 =	vld [tilespmem:s7+$0x7210]  }
0x179: {  	v12 =	vld [tilespmem:s7+$0xF210];
	_ =	sdelay $0x1  }
0x17a: {  	v3 =	vmul.f32 v3, v4;
	v59 =	vmul.f32 v6, v5  }
0x17b: {  	s6 =	sadd.s32 $0x1, s26;
	s5 =	sadd.s32 $0x10, s5;
	v60 =	vmul.f32 v8, v7;
	v61 =	vmul.f32 v10, v9  }
0x17c: {  	s6 =	sand.u32 $0xF, s6;
	s5 =	sand.u32 $0x1F00, s5;
	v1 =	vmul.f32 v1, v3;
	v2 =	vmul.f32 v2, v59  }
0x17d: {  	s5 =	sor.u32 s6, s5;
	v3 =	vmul.f32 v11, v60;
	v62 =	vmul.f32 v12, v61  }
0x17e: {  	v63 =	vor.u32 s5, v0  }
0x17f: {  	v1 =	vadd.f32 v2, v1;
	v2 =	vadd.f32 v62, v3;
	_ =	sdelay $0x1  }
0x180: {  	v1 =	vadd.f32 v2, v1;
	_ =	sdelay $0x1  }
0x181: {  	s26 =	simm.s32 $0x18280;
	[tilespmem:v63+s25+$0x0] =	vst.idx.msk $0xffff, v1  }
0x182: {  	v1 =	vld [tilespmem:s26+$0xFFFFFF90]  }
0x183: {  	s5 =	simm.s32 $0x40;
	v2 =	vld [tilespmem:s26+$0xFFFFFF80]  }
.LBB2_10:
0x184: {  	p0 =	sne.s32 s5, $0x7C0  }
0x185: {  	v3 =	vld [tilespmem:s26+$0xFFFFFFA0];
	_ =	sdelay $0x1  }
0x186: {  	v4 =	vld [tilespmem:s26+$0xFFFFFFB0]  }
0x187: {  	v1 =	vadd.f32 v1, v2  }
0x188: {  	v2 =	vld [tilespmem:s26+$0xFFFFFFC0]  }
0x189: {  	v1 =	vadd.f32 v3, v1  }
0x18a: {  	v3 =	vld [tilespmem:s26+$0xFFFFFFD0]  }
0x18b: {  	v1 =	vadd.f32 v4, v1  }
0x18c: {  	v4 =	vld [tilespmem:s26+$0xFFFFFFE0]  }
0x18d: {  	v1 =	vadd.f32 v2, v1  }
0x18e: {  	v2 =	vld [tilespmem:s26+$0xFFFFFFF0]  }
0x18f: {  	v1 =	vadd.f32 v3, v1  }
0x190: {  	v3 =	vld [tilespmem:s26+$0x0]  }
0x191: {  	v1 =	vadd.f32 v4, v1  }
0x192: {  	v4 =	vld [tilespmem:s26+$0x10]  }
0x193: {  	v1 =	vadd.f32 v2, v1  }
0x194: {  	v2 =	vld [tilespmem:s26+$0x20]  }
0x195: {  	v1 =	vadd.f32 v3, v1  }
0x196: {  	v3 =	vld [tilespmem:s26+$0x30]  }
0x197: {  	v1 =	vadd.f32 v4, v1  }
0x198: {  	v4 =	vld [tilespmem:s26+$0x40]  }
0x199: {  	v1 =	vadd.f32 v2, v1  }
0x19a: {  	v2 =	vld [tilespmem:s26+$0x50]  }
0x19b: {  	v1 =	vadd.f32 v3, v1  }
0x19c: {  	v3 =	vld [tilespmem:s26+$0x60]  }
0x19d: {  	v1 =	vadd.f32 v4, v1  }
0x19e: {  	v4 =	vld [tilespmem:s26+$0x70]  }
0x19f: {  	v1 =	vadd.f32 v2, v1;
	_ =	sdelay $0x1  }
0x1a0: {  	v1 =	vadd.f32 v3, v1;
	_ =	sdelay $0x1  }
0x1a1: {  	v1 =	vadd.f32 v4, v1;
	_ =	sdelay $0x1  }
.Ltmp4:
0x1a2: {  	v1 =	vmul.f32 $5.000000000e-01, v1;
	(pc) =	sbr.rel @p0 .LBB2_10-.Ltmp4, $4  }
0x1a3: {  	s6 =	sshra.s32 s0, $0x2;
	s0 =	smov.u32 s5  }
0x1a4: {  	s26 =	sadd.s32 $0x100, s26;
	[tilespmem:s6+$0x1A200] =	vst v1  }
0x1a5: {  	v1 =	vld [tilespmem:s26+$0xFFFFFF90]  }
0x1a6: {  	s5 =	sadd.s32 $0x40, s5;
	v2 =	vld [tilespmem:s26+$0xFFFFFF80]  }
0x1a7: {  	_ = 	snop  }
0x1a8: {  	v3 =	vld [tilespmem:s26+$0xFFFFFFA0];
	_ =	sdelay $0x1  }
0x1a9: {  	v4 =	vld [tilespmem:s26+$0xFFFFFFB0]  }
0x1aa: {  	v1 =	vadd.f32 v1, v2  }
0x1ab: {  	v2 =	vld [tilespmem:s26+$0xFFFFFFC0]  }
0x1ac: {  	v1 =	vadd.f32 v3, v1  }
0x1ad: {  	v3 =	vld [tilespmem:s26+$0xFFFFFFD0]  }
0x1ae: {  	v1 =	vadd.f32 v4, v1  }
0x1af: {  	v60 =	vld [tilespmem:s26+$0xFFFFFFE0]  }
0x1b0: {  	v1 =	vadd.f32 v2, v1  }
0x1b1: {  	v2 =	vld [tilespmem:s26+$0xFFFFFFF0]  }
0x1b2: {  	v1 =	vadd.f32 v3, v1  }
0x1b3: {  	v3 =	vld [tilespmem:s26+$0x0]  }
0x1b4: {  	v1 =	vadd.f32 v60, v1  }
0x1b5: {  	v61 =	vld [tilespmem:s26+$0x10]  }
0x1b6: {  	v1 =	vadd.f32 v2, v1  }
0x1b7: {  	v2 =	vld [tilespmem:s26+$0x20]  }
0x1b8: {  	v1 =	vadd.f32 v3, v1  }
0x1b9: {  	v3 =	vld [tilespmem:s26+$0x30]  }
0x1ba: {  	v1 =	vadd.f32 v61, v1  }
0x1bb: {  	v62 =	vld [tilespmem:s26+$0x40]  }
0x1bc: {  	v1 =	vadd.f32 v2, v1  }
0x1bd: {  	v2 =	vld [tilespmem:s26+$0x50]  }
0x1be: {  	v1 =	vadd.f32 v3, v1  }
0x1bf: {  	v3 =	vld [tilespmem:s26+$0x60]  }
0x1c0: {  	v1 =	vadd.f32 v62, v1  }
0x1c1: {  	v63 =	vld [tilespmem:s26+$0x70]  }
0x1c2: {  	v1 =	vadd.f32 v2, v1;
	_ =	sdelay $0x1  }
0x1c3: {  	v1 =	vadd.f32 v3, v1;
	_ =	sdelay $0x1  }
0x1c4: {  	v1 =	vadd.f32 v63, v1;
	_ =	sdelay $0x1  }
0x1c5: {  	s31 =	sadd.s32 $0x1, s31;
	v1 =	vmul.f32 $5.000000000e-01, v1  }
0x1c6: {  	s0 =	sshra.s32 s0, $0x2;
	p0 =	sne.s32 s31, s23  }
.Ltmp5:
0x1c7: {  	s26 =	simm.s32 $0x1A200;
	[tilespmem:s0+$0x1A200] =	vst v1;
	(pc) =	sbr.rel @p0 .LBB2_1-.Ltmp5, $4  }
0x1c8: {  	[hbm4b:s22+s1] =	stream.linear.scatter [tilespmem:s26], [sflag:$0x2], $0x200, $0x38;
	[tilespmem:$0x1A400] =	vst v63  }
0x1c9: {  	_ =	swait.ge [sflag:s24], $0x200  }
0x1ca: {  	[sflag:s24] =	ssyncset.done $0x0  }
0x1cb: {  	[sflag:s24] =	ssyncadd.s32 $0xFFFFFE00  }
0x1cc: {  	_ =	sfence.sel $0x180000  }
0x1cd: {  	[bflag:$0x0] =	sbarrier.arrive $0xFFFF  }
0x1ce: {  	_ =	strace $0x9000004A  }
0x1cf: {  	s0 =	stileid.u32;
	[bflag:$0x2] =	sbarrier.arrive $0xFFFF  }
0x1d0: {  	p0 =	sne.s32 s0, $0x0;
	s0 =	rddreg [dreg:$0x3]  }
0x1d1: {  	s0 =	sadd.s32 @!p0 $0x100000, s0  }
0x1d2: {  	[sflag:s0] =	ssyncadd.tile.s32 @!p0 $0x1;
	_ =	shalt  }
.Lfunc_end2:
_tile_overlayer_lowered:
.L_overlay_start_2:
0x1d3: {  	(tag) =	ssettag $0x2  }
0x1d4: {  	s0 =	rddreg [dreg:$0x0];
	s2 =	stileid.u32  }
0x1d5: {  	s1 =	rddreg [dreg:$0x1];
	p0 =	sne.s32 s2, $0x0  }
0x1d6: {  	s3 =	rddreg [dreg:$0x2];
	[bflag:$0x3] =	sbarrier.arrive $0xFFFF;
	s2 =	simm.s32 @!p0 $0x1C02  }
0x1d7: {  	[timem:s3], [sflag:s2] =	dma.local @!p0 [hbm:s0], s1  }
0x1d8: {  	s0 =	simm.s32 @!p0 $0x2  }
0x1d9: {  	_ =	swait.ge @!p0 [sflag:s0], s1  }
0x1da: {  	s1 =	ssub.s32 @!p0 $0x0, s1;
	[sflag:s0] =	ssyncset.done @!p0 $0x0  }
0x1db: {  	[sflag:s0] =	ssyncadd.s32 @!p0 s1  }
0x1dc: {  	[bflag:$0x3] =	sbarrier.arrive $0xFFFF  }
0x1dd: {  	_ =	shalt  }

// kernel: simple_extract_sc.3.cloned.1.call-start
scs
__scs_entry_jumppad:
0x0: {  	(pc) =	sbr.rel $0x88, $3  }
0x1: {  	(tag) =	ssettag $0x0;
	lr =	simm.s32 $0x1  }
0x2: {  	[smem:$0x3F9A] =	sst lr;
	_ =	strace $0xD0000000  }
0x3: {  	_ = 	snop  }
0x4: {  	_ = 	snop  }
0x5: {  	_ = 	snop  }
0x6: {  	_ = 	snop  }
0x7: {  	_ = 	snop  }
__scs_overlays_trampoline_lowered:
0x8: {  	[smem:$0x3FA9] =	sst s0  }
0x9: {  	[smem:$0x3FAA] =	sst s1  }
0xa: {  	[smem:$0x3FAB] =	sst s2  }
0xb: {  	[smem:$0x3FAC] =	sst s3  }
0xc: {  	[smem:$0x3FAD] =	sst s4  }
0xd: {  	[smem:$0x3FAE] =	sst s5  }
0xe: {  	[smem:$0x3FAF] =	sst s6  }
0xf: {  	[smem:$0x3FB0] =	sst s7  }
0x10: {  	[smem:$0x3FB1] =	sst s8  }
0x11: {  	[smem:$0x3FB2] =	sst s9;
	s0 =	simm.s32 @!p0 $0x0  }
0x12: {  	s1 =	sld [smem:$0x3F98];
	s0 =	simm.s32 @p0 $0x1  }
0x13: {  	[smem:$0x3FB3] =	sst s0;
	s0 =	simm.s32 @!p1 $0x0  }
0x14: {  	s2 =	sld [smem:$0x3F97];
	s0 =	simm.s32 @p1 $0x1  }
0x15: {  	[smem:$0x3FB4] =	sst s0;
	s0 =	simm.s32 @!p2 $0x0  }
0x16: {  	s3 =	sld [smem:$0x3FDB];
	s0 =	simm.s32 @p2 $0x1  }
0x17: {  	s4 =	simm.s32 $0x1BF5;
	[smem:$0x3FB6] =	sst s0  }
0x18: {  	s0 =	sld [smem:$0x3F99];
	_ =	swait.ge [sflag:s4], $0x0  }
0x19: {  	s7 =	sld [smem:$0x3F9A]  }
0x1a: {  	s8 =	sadd.s32 $0xFFFFE003, lr  }
0x1b: {  	s9 =	sadd.s32 $0xFFFFFEF7, lr;
	s5 =	simm.s32 $0xFFFFFFFF;
	p2 =	slt.u32 s8, $0xFFFFF086  }
0x1c: {  	p1 =	slt.u32 s9, $0xF7A;
	s5 =	simm.s32 @!p2 $0x0  }
0x1d: {  	s5 =	simm.s32 @p1 $0x1;
	p0 =	seq.s32 s7, s2  }
0x1e: {  	s7 =	smul.u32 @!p0 $0xF7A, s2;
	p2 =	seq.s32 @!p0 s5, $0x0  }
0x1f: {  	s9 =	smul.u32 $0xF7A, s1;
	s8 =	simm.s32 @!p0 $0x1BF5;
	p2 =	por !p2, p0  }
0x20: {  	[sflag:s8] =	ssyncset.s32 @!p0 $0xFFFFF086;
	s6 =	sadd.s32 @!p0 s3, s7;
	s7 =	simm.s32 @!p0 $0x108  }
0x21: {  	s3 =	sadd.s32 s3, s9;
	s6 =	sadd.s32 @!p0 $0x88, s6;
	s7 =	simm.s32 @p2 $0x1082  }
0x22: {  	[simem:s7], [sflag:s8] =	dma.local @!p0 [hbm:s6], $0xF7A  }
0x23: {  	s9 =	sor.u32 $0xD0000000, s2;
	s6 =	simm.s32 $0x108;
	_ =	swait.ge @!p0 [sflag:s8], $0x0  }
0x24: {  	s3 =	sadd.s32 $0x88, s3;
	s6 =	simm.s32 @!p1 $0x1082;
	[sflag:s4] =	ssyncset.s32 $0xFFFFF086  }
0x25: {  	[simem:s6], [sflag:s4] =	dma.local [hbm:s3], $0xF7A  }
0x26: {  	[smem:$0x3F9A] =	sst s1;
	(tag) =	ssettag s2;
	_ =	strace s9  }
0x27: {  	s1 =	sld [smem:$0x3FAA]  }
0x28: {  	s2 =	sld [smem:$0x3FAB]  }
0x29: {  	s4 =	sld [smem:$0x3FAD]  }
0x2a: {  	p0 =	seq.s32 s5, $0x0;
	s5 =	sld [smem:$0x3FAE]  }
0x2b: {  	s6 =	sld [smem:$0x3FAF]  }
0x2c: {  	s7 =	sld [smem:$0x3FB0]  }
0x2d: {  	s3 =	simm.s32 $0x108;
	s8 =	sld [smem:$0x3FB1]  }
0x2e: {  	s3 =	simm.s32 @!p0 $0x1082;
	s9 =	sld [smem:$0x3FB2]  }
0x2f: {  	lr =	sadd.s32 s0, s3;
	s0 =	sld [smem:$0x3FA9]  }
0x30: {  	s3 =	sld [smem:$0x3FAC]  }
0x31: {  	[smem:$0x3FB5] =	sst s10  }
0x32: {  	s10 =	sld [smem:$0x3FB3];
	_ =	sdelay $0x3  }
0x33: {  	p0 =	seq.s32 s10, $0x1;
	s10 =	sld [smem:$0x3FB5];
	_ =	sdelay $0x3  }
0x34: {  	[smem:$0x3FB5] =	sst s10  }
0x35: {  	s10 =	sld [smem:$0x3FB4];
	_ =	sdelay $0x3  }
0x36: {  	p1 =	seq.s32 s10, $0x1;
	s10 =	sld [smem:$0x3FB5];
	_ =	sdelay $0x3  }
0x37: {  	[smem:$0x3FB5] =	sst s10  }
0x38: {  	s10 =	sld [smem:$0x3FB6]  }
0x39: {  	_ = 	snop;
	(pc) =	sbr.ind lr, $3  }
0x3a: {  	_ = 	snop  }
0x3b: {  	_ = 	snop  }
0x3c: {  	p2 =	seq.s32 s10, $0x1;
	s10 =	sld [smem:$0x3FB5]  }
0x3d: {  	_ =	shalt  }
0x3e: {  	_ =	shalt  }
0x3f: {  	_ =	shalt  }
0x40: {  	_ =	shalt  }
0x41: {  	_ =	shalt  }
0x42: {  	_ =	shalt  }
0x43: {  	_ =	shalt  }
0x44: {  	_ =	shalt  }
0x45: {  	_ =	shalt  }
0x46: {  	_ =	shalt  }
0x47: {  	_ =	shalt  }
0x48: {  	_ =	shalt  }
0x49: {  	_ =	shalt  }
0x4a: {  	_ =	shalt  }
0x4b: {  	_ =	shalt  }
0x4c: {  	_ =	shalt  }
0x4d: {  	_ =	shalt  }
0x4e: {  	_ =	shalt  }
0x4f: {  	_ =	shalt  }
0x50: {  	_ =	shalt  }
0x51: {  	_ =	shalt  }
0x52: {  	_ =	shalt  }
0x53: {  	_ =	shalt  }
0x54: {  	_ =	shalt  }
0x55: {  	_ =	shalt  }
0x56: {  	_ =	shalt  }
0x57: {  	_ =	shalt  }
0x58: {  	_ =	shalt  }
0x59: {  	_ =	shalt  }
0x5a: {  	_ =	shalt  }
0x5b: {  	_ =	shalt  }
0x5c: {  	_ =	shalt  }
0x5d: {  	_ =	shalt  }
0x5e: {  	_ =	shalt  }
0x5f: {  	_ =	shalt  }
0x60: {  	_ =	shalt  }
0x61: {  	_ =	shalt  }
0x62: {  	_ =	shalt  }
0x63: {  	_ =	shalt  }
0x64: {  	_ =	shalt  }
0x65: {  	_ =	shalt  }
0x66: {  	_ =	shalt  }
0x67: {  	_ =	shalt  }
0x68: {  	_ =	shalt  }
0x69: {  	_ =	shalt  }
0x6a: {  	_ =	shalt  }
0x6b: {  	_ =	shalt  }
0x6c: {  	_ =	shalt  }
0x6d: {  	_ =	shalt  }
0x6e: {  	_ =	shalt  }
0x6f: {  	_ =	shalt  }
0x70: {  	_ =	shalt  }
0x71: {  	_ =	shalt  }
0x72: {  	_ =	shalt  }
0x73: {  	_ =	shalt  }
0x74: {  	_ =	shalt  }
0x75: {  	_ =	shalt  }
0x76: {  	_ =	shalt  }
0x77: {  	_ =	shalt  }
0x78: {  	_ =	shalt  }
0x79: {  	_ =	shalt  }
0x7a: {  	_ =	shalt  }
0x7b: {  	_ =	shalt  }
0x7c: {  	_ =	shalt  }
0x7d: {  	_ =	shalt  }
0x7e: {  	_ =	shalt  }
0x7f: {  	_ =	shalt  }
0x80: {  	_ =	shalt  }
0x81: {  	_ =	shalt  }
0x82: {  	_ =	shalt  }
0x83: {  	_ =	shalt  }
0x84: {  	_ =	shalt  }
0x85: {  	_ =	shalt  }
0x86: {  	_ =	shalt  }
0x87: {  	_ =	shalt  }
.Lfunc_end0:
.L_simem_size_0:
called_computation_lowered:
.L_overlay_start_0:
0x88: {  	s2 =	sld [smem:$0x3FD9]  }
0x89: {  	s3 =	sld [smem:$0x3FFE];
	_ =	sdelay $0x1  }
0x8a: {  	s1 =	srdreg.scid  }
0x8b: {  	s0 =	sand.u32 $0x1, s1  }
0x8c: {  	s17 =	sshll.u32 s0, $0xA;
	s2 =	sadd.s32 s3, s2  }
0x8d: {  	s2 =	sadd.s32 s2, s17  }
0x8e: {  	[smem:$0x3FC1] =	sst s2  }
0x8f: {  	_ = 	snop  }
0x90: {  	s2 =	sld [smem:$0x3FC6]  }
0x91: {  	s18 =	sld [smem:$0x3FC5]  }
0x92: {  	s4 =	sld [smem:$0x3FD0];
	(tm) =	ssettm $0x1  }
0x93: {  	s5 =	sld [smem:$0x3FFB];
	_ =	sdelay $0x3  }
0x94: {  	_ =	strace s5  }
0x95: {  	s5 =	sld [smem:$0x3FFC];
	_ =	sdelay $0x3  }
0x96: {  	_ =	strace s5  }
0x97: {  	s5 =	sld [smem:$0x3FFD];
	_ =	sdelay $0x3  }
0x98: {  	_ =	strace s5  }
0x99: {  	_ =	strace $0x8FFFFFFF  }
0x9a: {  	s19 =	sld [smem:$0x3FDB];
	_ =	sdelay $0x1  }
0x9b: {  	s6 =	simm.s32 $_scs_section_size  }
0x9c: {  	s7 =	simm.s32 $_size__tile_overlayer_lowered;
	s8 =	simm.s32 $_tile_overlayer_lowered  }
0x9d: {  	s22 =	simm.s32 $0x1BFF;
	s21 =	sshll.u32 s8, $0x1;
	s5 =	sadd.s32 s6, s19  }
0x9e: {  	s9 =	simm.s32 $0x0;
	s20 =	sshll.u32 s7, $0x1;
	s7 =	sadd.s32 s21, s5  }
0x9f: {  	[timem:s9], [sflag:s22] =	dma.local [hbm:s7], s20  }
0xa0: {  	_ =	swait.ge [sflag:s22], s20  }
0xa1: {  	s6 =	ssub.s32 $0x0, s20;
	[sflag:s22] =	ssyncset.done $0x0  }
0xa2: {  	[sflag:s22] =	ssyncadd.s32 s6;
	_ =	sdelay $0x1  }
0xa3: {  	s23 =	simm.s32 $0x1B8B  }
0xa4: {  	_ =	swait.ge [sflag:s23], $0x1  }
0xa5: {  	[sflag:s23] =	ssyncset.done $0x0  }
0xa6: {  	s25 =	simm.s32 $0x1B8E;
	s24 =	sld [smem:$0x3FFE];
	[sflag:s23] =	ssyncadd.s32 $0xFFFFFFFF  }
0xa7: {  	s26 =	simm.s32 $execute0_lowered;
	[smem:$0x3FD2] =	sst s25  }
0xa8: {  	s7 =	sshll.u32 s26, $0x1;
	_ =	strace $0x80000046;
	[dreg:$0x1] =	wrdreg $0xFFFFFFFF  }
0xa9: {  	s28 =	simm.s32 $_size_execute0_lowered;
	s5 =	sadd.s32 s5, s7;
	[dreg:$0x0] =	wrdreg $0x0  }
0xaa: {  	s7 =	sshll.u32 s28, $0x1;
	[dreg:$0x2] =	wrdreg s5  }
0xab: {  	[dreg:$0x3] =	wrdreg s7  }
0xac: {  	[dreg:$0x4] =	wrdreg $0xC0  }
0xad: {  	_ =	task [dreg:s9], $0x5FFFF  }
0xae: {  	[dreg:$0x1] =	wrdreg $0xFFFFFFFF  }
0xaf: {  	[dreg:$0x0] =	wrdreg $0x60  }
0xb0: {  	[dreg:$0x2] =	wrdreg s24  }
0xb1: {  	[dreg:$0x3] =	wrdreg s2  }
0xb2: {  	[dreg:$0x4] =	wrdreg s18  }
0xb3: {  	[dreg:$0x5] =	wrdreg s4  }
0xb4: {  	[dreg:$0x6] =	wrdreg $0x9  }
0xb5: {  	_ =	task.clear_ibuf [dreg:s9], $0x7FFFF;
	_ =	strace $0x90000046  }
0xb6: {  	s29 =	simm.s32 $0x9;
	_ =	strace $0x80000048  }
0xb7: {  	_ =	swait.ge [sflag:s29], $0x1  }
0xb8: {  	[sflag:s29] =	ssyncadd.s32 $0xFFFFFFFF  }
0xb9: {  	_ =	strace $0x90000048  }
0xba: {  	_ =	sfence  }
0xbb: {  	s30 =	sld [smem:$0x0];
	_ =	sdelay $0x2  }
0xbc: {  	s31 =	sshll.u32 s1, $0xD;
	s1 =	sshrl.u32 s1, $0x2  }
0xbd: {  	s3 =	sand.u32 $0x4000, s31;
	s1 =	sadd.s32 s1, s30  }
0xbe: {  	s0 =	sor.u32 s3, s0;
	s1 =	sshll.u32 s1, $0x11  }
0xbf: {  	s0 =	sor.u32 s1, s0  }
0xc0: {  	s0 =	sadd.s32 $0x8F2B, s0  }
0xc1: {  	[sflag:s0] =	ssyncadd.remote.s32 $0x1  }
0xc2: {  	_ =	sfence.sel $0xFFFF  }
0xc3: {  	[dreg:$0x0] =	wrdreg $0xFFFFFFFF;
	(pc) =	sbr.abs _section_cstart, $3  }
0xc4: {  	[dreg:$0x1] =	wrdreg $0xFFFFFFFF  }
0xc5: {  	_ =	task.clear_ibuf [dreg:s9], $0x2FFFF;
	_ =	strace $0x9FFFFFFF  }
0xc6: {  	(tm) =	ssettm $0x7FFFFFFF  }
0xc7: {  	_ =	shalt  }
tec
execute0_lowered:
.L_overlay_start_1:
0x0: {  	(tag) =	ssettag $0x1  }
0x1: {  	s0 =	rddreg [dreg:$0x0]  }
0x2: {  	s1 =	rddreg [dreg:$0x1]  }
0x3: {  	s2 =	rddreg [dreg:$0x2]  }
0x4: {  	s3 =	rddreg [dreg:$0x3]  }
0x5: {  	s4 =	simm.s32 $0x0;
	s21 =	srdreg.scid;
	s12 =	stileid.u32  }
0x6: {  	s28 =	simm.s32 $0x10000;
	s29 =	simm.s32 $0x16000;
	s31 =	simm.s32 $0x1E000  }
0x7: {  	[smem:$0x7FF] =	sst s4;
	s5 =	sadd.s32 $0x400, s0;
	s6 =	sadd.s32 $0x1400, s0  }
0x8: {  	s22 =	sshll.u32 s12, $0x1;
	s8 =	sadd.s32 $0x200, s0;
	s9 =	sadd.s32 $0x2400, s0  }
0x9: {  	_ =	strace $0x80000047;
	[dreg:$0x5] =	wrdreg s5;
	s5 =	sand.u32 $0x1, s21  }
0xa: {  	s10 =	sadd.s32 $0x22C00, s0;
	s7 =	ssub.s32 $0x2, s5;
	s5 =	sor.u32 s5, s22  }
0xb: {  	p0 =	seq.s32 s12, $0x0;
	s12 =	simm.s32 $0x7B;
	s11 =	smul.u32 $0x7A, s5  }
0xc: {  	[dreg:$0x6] =	wrdreg s6;
	s23 =	sshrl.u32 s7, $0x1;
	s24 =	smin.u32 s5, $0x2  }
0xd: {  	s12 =	simm.s32 @!p0 $0x7A;
	s6 =	ssub.s32 s7, s23;
	s11 =	sadd.s32 s24, s11  }
0xe: {  	s22 =	sadd.s32 $0x280, s0;
	s6 =	smax.u32 s6, $0x1;
	s14 =	sshll.u32 s11, $0x8  }
0xf: {  	p6 =	seq.s32 s5, $0x1F;
	[dreg:$0xb] =	wrdreg s6;
	s16 =	sadd.s32 s1, s14  }
0x10: {  	s13 =	sshll.u32 s5, $0x4;
	s17 =	sadd.s32 s2, s14;
	[dreg:$0x7] =	wrdreg s16  }
0x11: {  	s7 =	simm.s32 $0x1;
	s30 =	sadd.s32 $0xF4280, s16;
	[dreg:$0x8] =	wrdreg s17  }
0x12: {  	v1 =	vlaneseq.u32;
	s7 =	simm.s32 @!p6 $0x0;
	s6 =	sadd.s32 $0x2DC780, s16;
	[dreg:$0xc] =	wrdreg s30  }
0x13: {  	v0 =	vmul.u32 $0x20, v1;
	s15 =	sadd.s32 s7, s12;
	s7 =	sadd.s32 $0x1E8500, s16;
	[dreg:$0xd] =	wrdreg s6  }
0x14: {  	v2 =	vand.u32 $0x3, v1;
	s26 =	sor.u32 $0x8000, s13;
	s13 =	sadd.s32 $0xF4280, s17;
	[dreg:$0xe] =	wrdreg s7  }
0x15: {  	v3 =	vimm.s32 $0x0;
	v4 =	vmul.u32 $0x20, v2;
	v5 =	vor.u32 $0x1, v0;
	p1 =	sne.s32 s5, $0x1F;
	s16 =	sadd.s32 $0x1E8500, s17;
	[dreg:$0xf] =	wrdreg s13  }
0x16: {  	v6 =	vor.u32 $0x2, v0;
	v7 =	vor.u32 $0x3, v0;
	v8 =	vor.u32 $0x4, v0;
	s25 =	sadd.s32 $0x100, s14;
	s18 =	sadd.s32 $0x2DC780, s17;
	[dreg:$0x10] =	wrdreg s16  }
0x17: {  	v9 =	vor.u32 $0x5, v0;
	v10 =	vor.u32 $0x6, v0;
	v11 =	vor.u32 $0x7, v0;
	s5 =	simm.s32 $0x1C000;
	s1 =	sadd.s32 s1, s25;
	[dreg:$0x11] =	wrdreg s18  }
0x18: {  	v12 =	vor.u32 $0x8, v0;
	v13 =	vor.u32 $0x9, v0;
	v14 =	vor.u32 $0xA, v0;
	s23 =	sadd.s32 $0x300, s0;
	s2 =	sadd.s32 s2, s25;
	[dreg:$0x9] =	wrdreg s1  }
0x19: {  	v15 =	vor.u32 $0xB, v0;
	v16 =	vor.u32 $0xC, v0;
	v17 =	vor.u32 $0xD, v0;
	s24 =	sadd.s32 $0x380, s0;
	s19 =	sadd.s32 $0xF4280, s1;
	[dreg:$0xa] =	wrdreg s2  }
0x1a: {  	v18 =	vor.u32 $0xE, v0;
	v19 =	vor.u32 $0xF, v0;
	v20 =	vor.u32 $0x10, v0;
	s0 =	simm.s32 $0x1E080;
	s20 =	sadd.s32 $0x2DC780, s1;
	[dreg:$0x12] =	wrdreg s19  }
0x1b: {  	v21 =	vor.u32 $0x11, v0;
	v22 =	vor.u32 $0x12, v0;
	v23 =	vor.u32 $0x13, v0;
	s21 =	sadd.s32 $0x1E8500, s1;
	s25 =	sadd.s32 $0xF4280, s2;
	[dreg:$0x13] =	wrdreg s20  }
.Ltmp0:
0x1c: {  	v24 =	vor.u32 $0x14, v0;
	v25 =	vor.u32 $0x15, v0;
	v1 =	vor.u32 s26, v1;
	s26 =	sadd.s32 $0x1E8500, s2;
	[dreg:$0x14] =	wrdreg s21;
	(pc) =	sbr.rel .LBB2_1-.Ltmp0, $4  }
0x1d: {  	v26 =	vor.u32 $0x16, v0;
	v27 =	vor.u32 $0x17, v0;
	v28 =	vor.u32 $0x18, v0;
	s30 =	sadd.s32 $0x2DC780, s2;
	s6 =	simm.s32 $0x1D000;
	[dreg:$0x15] =	wrdreg s25  }
0x1e: {  	v29 =	vor.u32 $0x19, v0;
	v30 =	vor.u32 $0x1A, v0;
	v31 =	vor.u32 $0x1B, v0;
	s2 =	simm.s32 $0x0;
	s1 =	simm.s32 @!p6 $0x0;
	[dreg:$0x16] =	wrdreg s26  }
0x1f: {  	v32 =	vor.u32 $0x1C, v0;
	v33 =	vor.u32 $0x1D, v0;
	v34 =	vor.u32 $0x1E, v0;
	[dreg:$0x17] =	wrdreg s30;
	s21 =	sadd.s32 $0x80, s3;
	s1 =	simm.s32 @p6 $0x1  }
0x20: {  	v35 =	vor.u32 $0x1F, v0;
	v4 =	vor.u32 $0xFFFFFF80, v4;
	v2 =	vmov s14;
	s25 =	sadd.s32 $0x100, s3;
	s26 =	sadd.s32 $0x180, s3;
	[smem:$0x7FD] =	sst s1  }
.LBB2_9:
0x21: {  	s2 =	sadd.s32 $0x1, s2;
	s1 =	rddreg [dreg:$0xb]  }
0x22: {  	p0 =	sne.s32 s2, s1  }
.Ltmp1:
0x23: {  	_ = 	snop;
	(pc) =	sbr.rel @!p0 .LBB2_10-.Ltmp1, $1  }
0x24: {  	_ =	sdelay $0x3  }
.LBB2_1:
0x25: {  	[dreg:$0x18] =	wrdreg s2  }
0x26: {  	s1 =	rddreg [dreg:$0x5]  }
0x27: {  	[tilespmem:s4], [sflag:$0x3] =	stream.linear.gather [hbm4b:s1+s4], $0x8000, $0x38;
	[tilespmem:$0x1E100] =	vst v63  }
0x28: {  	s3 =	rddreg [dreg:$0x6];
	s7 =	simm.s32 $0x8000  }
0x29: {  	[tilespmem:s7], [sflag:$0x3] =	stream.linear.gather [hbm4b:s3+s4], $0x8000, $0x38;
	[tilespmem:$0x1E100] =	vst v63  }
0x2a: {  	s13 =	rddreg [dreg:$0x7]  }
0x2b: {  	[tilespmem:s28], [sflag:$0x2] =	stream.linear.gather [hbm4b:s13+s4], $0x800, $0x38;
	[tilespmem:$0x1E100] =	vst v63  }
0x2c: {  	s16 =	rddreg [dreg:$0xc];
	s17 =	simm.s32 $0x11800  }
0x2d: {  	[tilespmem:s17], [sflag:$0x2] =	stream.linear.gather [hbm4b:s16+s4], $0x800, $0x38;
	[tilespmem:$0x1E100] =	vst v63  }
0x2e: {  	s18 =	rddreg [dreg:$0xe];
	s19 =	simm.s32 $0x13000  }
0x2f: {  	[tilespmem:s19], [sflag:$0x2] =	stream.linear.gather [hbm4b:s18+s4], $0x800, $0x38;
	[tilespmem:$0x1E100] =	vst v63  }
0x30: {  	s20 =	rddreg [dreg:$0xd];
	s30 =	simm.s32 $0x14800  }
0x31: {  	[tilespmem:s30], [sflag:$0x2] =	stream.linear.gather [hbm4b:s20+s4], $0x800, $0x38;
	[tilespmem:$0x1E100] =	vst v63  }
0x32: {  	s3 =	rddreg [dreg:$0x8]  }
0x33: {  	[tilespmem:s29], [sflag:$0x2] =	stream.linear.gather [hbm4b:s3+s4], $0x800, $0x38;
	[tilespmem:$0x1E100] =	vst v63  }
0x34: {  	s7 =	rddreg [dreg:$0xf];
	s13 =	simm.s32 $0x17800  }
0x35: {  	[tilespmem:s13], [sflag:$0x2] =	stream.linear.gather [hbm4b:s7+s4], $0x800, $0x38;
	[tilespmem:$0x1E100] =	vst v63  }
0x36: {  	s16 =	rddreg [dreg:$0x10];
	s17 =	simm.s32 $0x19000  }
0x37: {  	[tilespmem:s17], [sflag:$0x2] =	stream.linear.gather [hbm4b:s16+s4], $0x800, $0x38;
	[tilespmem:$0x1E100] =	vst v63  }
0x38: {  	s18 =	rddreg [dreg:$0x11];
	s19 =	simm.s32 $0x1A800  }
0x39: {  	[tilespmem:s19], [sflag:$0x2] =	stream.linear.gather [hbm4b:s18+s4], $0x800, $0x38;
	[tilespmem:$0x1E100] =	vst v63  }
0x3a: {  	s20 =	rddreg [dreg:$0x9];
	s30 =	simm.s32 $0x10800  }
0x3b: {  	[tilespmem:s30], [sflag:$0x2] =	stream.linear.gather [hbm4b:s20+s4], $0x800, $0x38;
	[tilespmem:$0x1E100] =	vst v63  }
0x3c: {  	s2 =	rddreg [dreg:$0x12];
	s3 =	simm.s32 $0x12000  }
0x3d: {  	[tilespmem:s3], [sflag:$0x2] =	stream.linear.gather [hbm4b:s2+s4], $0x800, $0x38;
	[tilespmem:$0x1E100] =	vst v63  }
0x3e: {  	s7 =	rddreg [dreg:$0x14];
	s13 =	simm.s32 $0x13800  }
0x3f: {  	[tilespmem:s13], [sflag:$0x2] =	stream.linear.gather [hbm4b:s7+s4], $0x800, $0x38;
	[tilespmem:$0x1E100] =	vst v63  }
0x40: {  	s16 =	rddreg [dreg:$0x13];
	s17 =	simm.s32 $0x15000  }
0x41: {  	[tilespmem:s17], [sflag:$0x2] =	stream.linear.gather [hbm4b:s16+s4], $0x800, $0x38;
	[tilespmem:$0x1E100] =	vst v63  }
0x42: {  	s18 =	rddreg [dreg:$0xa];
	s19 =	simm.s32 $0x16800  }
0x43: {  	[tilespmem:s19], [sflag:$0x2] =	stream.linear.gather [hbm4b:s18+s4], $0x800, $0x38;
	[tilespmem:$0x1E100] =	vst v63  }
0x44: {  	s20 =	rddreg [dreg:$0x15];
	s30 =	simm.s32 $0x18000  }
0x45: {  	[tilespmem:s30], [sflag:$0x2] =	stream.linear.gather [hbm4b:s20+s4], $0x800, $0x38;
	[tilespmem:$0x1E100] =	vst v63  }
0x46: {  	s3 =	rddreg [dreg:$0x16];
	s7 =	simm.s32 $0x19800  }
0x47: {  	[tilespmem:s7], [sflag:$0x2] =	stream.linear.gather [hbm4b:s3+s4], $0x800, $0x38;
	[tilespmem:$0x1E100] =	vst v63  }
0x48: {  	s13 =	rddreg [dreg:$0x17];
	s16 =	simm.s32 $0x1B000;
	s17 =	simm.s32 $0x3  }
0x49: {  	[tilespmem:s16], [sflag:$0x2] =	stream.linear.gather [hbm4b:s13+s4], $0x800, $0x38;
	[tilespmem:$0x1E100] =	vst v63  }
0x4a: {  	_ =	swait.ge [sflag:s17], $0x8000  }
0x4b: {  	[sflag:s17] =	ssyncset.done $0x0  }
0x4c: {  	[sflag:s17] =	ssyncadd.s32 $0xFFFF8000  }
0x4d: {  	_ =	swait.ge [sflag:s17], $0x8000  }
0x4e: {  	[sflag:s17] =	ssyncset.done $0x0  }
0x4f: {  	[sflag:s17] =	ssyncadd.s32 $0xFFFF8000  }
0x50: {  	v36 =	vld [tilespmem:$0x4000];
	_ =	sdelay $0x4  }
0x51: {  	(v2sf) =	vpush v36, $0x0;
	_ =	sdelay $0xe  }
0x52: {  	s13 =	spop (v2sf)  }
0x53: {  	p2 =	slt.s32 s13, s14;
	s13 =	simm.s32 $0x600  }
0x54: {  	s13 =	simm.s32 @!p2 $0x200  }
0x55: {  	s16 =	sshll.u32 s13, $0x4  }
0x56: {  	v53 =	vld [tilespmem:s16+$0x0];
	_ =	sdelay $0x4  }
0x57: {  	(v2sf) =	vpush v53, $0x0;
	_ =	sdelay $0xe  }
0x58: {  	s20 =	simm.s32 $0x400;
	s17 =	simm.s32 $0x800;
	s18 =	spop (v2sf)  }
0x59: {  	s20 =	simm.s32 @!p2 $0x0;
	s17 =	simm.s32 @!p2 $0x400;
	p3 =	slt.s32 s18, s14  }
0x5a: {  	s20 =	smov.u32 @p3 s13;
	s13 =	smov.u32 @p3 s17  }
0x5b: {  	s19 =	sadd.s32 s20, s13  }
0x5c: {  	s16 =	sshll.u32 s19, $0x3  }
0x5d: {  	v54 =	vld [tilespmem:s16+$0x0];
	_ =	sdelay $0x4  }
0x5e: {  	(v2sf) =	vpush v54, $0x0;
	_ =	sdelay $0xc  }
0x5f: {  	s30 =	sadd.s32 $0xFFFFFFFF, s13  }
0x60: {  	s1 =	sxor.u32 s30, s20  }
0x61: {  	s16 =	sor.u32 s30, s20;
	s17 =	sshrl.u32 s1, $0x1;
	s18 =	spop (v2sf)  }
0x62: {  	s16 =	ssub.s32 s16, s17;
	p2 =	slt.s32 s18, s14  }
0x63: {  	s20 =	smov.u32 @p2 s16;
	s16 =	smov.u32 @p2 s13  }
0x64: {  	s13 =	sadd.s32 s20, s16  }
0x65: {  	s13 =	sshll.u32 s13, $0x3  }
0x66: {  	v55 =	vld [tilespmem:s13+$0x0];
	_ =	sdelay $0x4  }
0x67: {  	(v2sf) =	vpush v55, $0x0;
	_ =	sdelay $0xd  }
0x68: {  	s2 =	sxor.u32 s20, s16  }
0x69: {  	s3 =	sand.u32 s20, s16;
	s13 =	sshrl.u32 s2, $0x1;
	s7 =	spop (v2sf)  }
0x6a: {  	s13 =	sadd.s32 s13, s3;
	p2 =	slt.s32 s7, s14  }
0x6b: {  	s20 =	smov.u32 @p2 s13;
	s13 =	smov.u32 @p2 s16  }
0x6c: {  	s16 =	sadd.s32 s20, s13  }
0x6d: {  	s16 =	sshll.u32 s16, $0x3  }
0x6e: {  	s16 =	sand.u32 $0x3FFFFFF0, s16  }
0x6f: {  	v56 =	vld [tilespmem:s16+$0x0];
	_ =	sdelay $0x4  }
0x70: {  	(v2sf) =	vpush v56, $0x0;
	_ =	sdelay $0xd  }
0x71: {  	s18 =	sxor.u32 s20, s13  }
0x72: {  	s19 =	sand.u32 s20, s13;
	s16 =	sshrl.u32 s18, $0x1;
	s30 =	spop (v2sf)  }
0x73: {  	s16 =	sadd.s32 s16, s19;
	p2 =	slt.s32 s30, s14  }
0x74: {  	s20 =	smov.u32 @p2 s16;
	s16 =	smov.u32 @p2 s13  }
0x75: {  	s13 =	sadd.s32 s20, s16  }
0x76: {  	s13 =	sshll.u32 s13, $0x3  }
0x77: {  	s13 =	sand.u32 $0x3FFFFFF0, s13  }
0x78: {  	v57 =	vld [tilespmem:s13+$0x0];
	_ =	sdelay $0x4  }
0x79: {  	(v2sf) =	vpush v57, $0x0;
	_ =	sdelay $0xd  }
0x7a: {  	s1 =	sxor.u32 s20, s16  }
0x7b: {  	s2 =	sand.u32 s20, s16;
	s13 =	sshrl.u32 s1, $0x1;
	s3 =	spop (v2sf)  }
0x7c: {  	s13 =	sadd.s32 s13, s2;
	p2 =	slt.s32 s3, s14  }
0x7d: {  	s20 =	smov.u32 @p2 s13;
	s13 =	smov.u32 @p2 s16  }
0x7e: {  	s16 =	sadd.s32 s20, s13  }
0x7f: {  	s7 =	sshll.u32 s16, $0x3  }
0x80: {  	s17 =	sand.u32 $0x3FFFFFF0, s7  }
0x81: {  	v58 =	vld [tilespmem:s17+$0x0];
	_ =	sdelay $0x4  }
0x82: {  	(v2sf) =	vpush v58, $0x0;
	_ =	sdelay $0xe  }
0x83: {  	s18 =	spop (v2sf)  }
0x84: {  	s16 =	sshrl.u32 s16, $0x1;
	p2 =	slt.s32 s18, s14  }
0x85: {  	s20 =	smov.u32 @p2 s16;
	s16 =	smov.u32 @p2 s13  }
0x86: {  	s13 =	sadd.s32 s20, s16  }
0x87: {  	s19 =	sshll.u32 s13, $0x3  }
0x88: {  	s17 =	sand.u32 $0x3FFFFFF0, s19  }
0x89: {  	v59 =	vld [tilespmem:s17+$0x0];
	_ =	sdelay $0x4  }
0x8a: {  	(v2sf) =	vpush v59, $0x0;
	_ =	sdelay $0xe  }
0x8b: {  	s30 =	spop (v2sf)  }
0x8c: {  	s13 =	sshrl.u32 s13, $0x1;
	p2 =	slt.s32 s30, s14  }
0x8d: {  	s20 =	smov.u32 @p2 s13;
	s13 =	smov.u32 @p2 s16  }
0x8e: {  	s16 =	sadd.s32 s20, s13  }
0x8f: {  	s1 =	sshll.u32 s16, $0x3  }
0x90: {  	s17 =	sand.u32 $0x3FFFFFF0, s1  }
0x91: {  	v60 =	vld [tilespmem:s17+$0x0];
	_ =	sdelay $0x4  }
0x92: {  	(v2sf) =	vpush v60, $0x0;
	_ =	sdelay $0xe  }
0x93: {  	s2 =	spop (v2sf)  }
0x94: {  	s16 =	sshrl.u32 s16, $0x1;
	p2 =	slt.s32 s2, s14  }
0x95: {  	s20 =	smov.u32 @p2 s16;
	s16 =	smov.u32 @p2 s13  }
0x96: {  	s13 =	sadd.s32 s20, s16  }
0x97: {  	s3 =	sshll.u32 s13, $0x3  }
0x98: {  	s17 =	sand.u32 $0x3FFFFFF0, s3  }
0x99: {  	v61 =	vld [tilespmem:s17+$0x0];
	_ =	sdelay $0x4  }
0x9a: {  	(v2sf) =	vpush v61, $0x0;
	_ =	sdelay $0xe  }
0x9b: {  	s7 =	spop (v2sf)  }
0x9c: {  	s13 =	sshrl.u32 s13, $0x1;
	p2 =	slt.s32 s7, s14  }
0x9d: {  	s20 =	smov.u32 @p2 s13;
	s13 =	smov.u32 @p2 s16  }
0x9e: {  	s16 =	sadd.s32 s20, s13  }
0x9f: {  	s18 =	sshll.u32 s16, $0x3  }
0xa0: {  	s17 =	sand.u32 $0x3FFFFFF0, s18  }
0xa1: {  	v62 =	vld [tilespmem:s17+$0x0];
	_ =	sdelay $0x4  }
0xa2: {  	(v2sf) =	vpush v62, $0x0;
	_ =	sdelay $0xe  }
0xa3: {  	s19 =	spop (v2sf)  }
0xa4: {  	s16 =	sshrl.u32 s16, $0x1;
	p2 =	slt.s32 s19, s14  }
0xa5: {  	s20 =	smov.u32 @p2 s16;
	s16 =	smov.u32 @p2 s13  }
0xa6: {  	s13 =	sadd.s32 s20, s16  }
0xa7: {  	s16 =	sshll.u32 s13, $0x3  }
0xa8: {  	s16 =	sand.u32 $0x3FFFFFF0, s16  }
0xa9: {  	v63 =	vld [tilespmem:s16+$0x0];
	_ =	sdelay $0x4  }
0xaa: {  	(v2sf) =	vpush v63, $0x0;
	_ =	sdelay $0xc  }
.Ltmp2:
0xab: {  	_ = 	snop;
	(pc) =	sbr.rel .LBB2_2-.Ltmp2, $4  }
0xac: {  	_ = 	snop  }
0xad: {  	s30 =	spop (v2sf)  }
0xae: {  	s13 =	sshrl.u32 s13, $0x1;
	p2 =	slt.s32 s30, s14  }
0xaf: {  	s17 =	simm.s32 $0x0;
	s16 =	simm.s32 $0x0;
	s20 =	smov.u32 @p2 s13  }
.LBB2_6:
0xb0: {  	s17 =	sadd.s32 $0x1, s17  }
0xb1: {  	p2 =	sne.s32 s17, s15  }
.Ltmp3:
0xb2: {  	_ = 	snop;
	(pc) =	sbr.rel @!p2 .LBB2_7-.Ltmp3, $1  }
0xb3: {  	_ =	sdelay $0x3  }
.LBB2_2:
0xb4: {  	p2 =	seq.s32 s17, s12  }
0xb5: {  	p2 =	por !p6, !p2  }
0xb6: {  	p2 =	por !p2, !p2  }
0xb7: {  	s13 =	simm.s32 @!p2 $0x2  }
0xb8: {  	_ =	swait.ge @!p2 [sflag:s13], $0x2000  }
0xb9: {  	[sflag:s13] =	ssyncset.done @!p2 $0x0  }
0xba: {  	[sflag:s13] =	ssyncadd.s32 @!p2 $0xFFFFE000  }
0xbb: {  	_ =	swait.ge @!p2 [sflag:s13], $0x2000  }
0xbc: {  	[sflag:s13] =	ssyncset.done @!p2 $0x0  }
0xbd: {  	s18 =	sadd.s32 $0x2, s17;
	[sflag:s13] =	ssyncadd.s32 @!p2 $0xFFFFE000;
	s13 =	simm.s32 @p2 $0x2  }
0xbe: {  	s19 =	smulhi.u32 $0xAAAAAAAB, s18;
	_ =	swait.ge @p2 [sflag:s13], $0x1000  }
0xbf: {  	[sflag:s13] =	ssyncset.done @p2 $0x0  }
0xc0: {  	s19 =	sshrl.u32 s19, $0x1;
	[sflag:s13] =	ssyncadd.s32 @p2 $0xFFFFF000  }
0xc1: {  	p3 =	sge.u32 s18, s12;
	s19 =	smul.u32 $0x3, s19;
	_ =	swait.ge @p2 [sflag:s13], $0x1000  }
0xc2: {  	s30 =	sadd.s32 @!p3 s11, s18;
	[sflag:s13] =	ssyncset.done @p2 $0x0  }
0xc3: {  	s30 =	sshll.u32 @!p3 s30, $0x8;
	s19 =	ssub.s32 s18, s19;
	[sflag:s13] =	ssyncadd.s32 @p2 $0xFFFFF000  }
0xc4: {  	s30 =	sand.u32 @!p3 $0x1FFFFF00, s30;
	s13 =	sshll.u32 @!p3 s19, $0xB;
	s1 =	rddreg [dreg:$0x1]  }
0xc5: {  	s2 =	simm.s32 @!p3 $0x0;
	s7 =	sadd.s32 @!p3 s1, s30;
	s1 =	sadd.s32 @!p3 $0x10000, s13  }
0xc6: {  	[tilespmem:s1], [sflag:$0x2] =	stream.linear.gather @!p3 [hbm4b:s7+s2], $0x800, $0x38;
	[tilespmem:$0x1E100] =	vst v63  }
0xc7: {  	s3 =	sadd.s32 @!p3 $0x11800, s13;
	s1 =	sadd.s32 @!p3 $0xF4280, s7  }
0xc8: {  	[tilespmem:s3], [sflag:$0x2] =	stream.linear.gather @!p3 [hbm4b:s1+s2], $0x800, $0x38;
	[tilespmem:$0x1E100] =	vst v63  }
0xc9: {  	s1 =	sadd.s32 @!p3 $0x1E8500, s7;
	s3 =	sadd.s32 @!p3 $0x13000, s13  }
0xca: {  	[tilespmem:s3], [sflag:$0x2] =	stream.linear.gather @!p3 [hbm4b:s1+s2], $0x800, $0x38;
	[tilespmem:$0x1E100] =	vst v63  }
0xcb: {  	s1 =	sadd.s32 @!p3 $0x2DC780, s7;
	s3 =	sadd.s32 @!p3 $0x14800, s13  }
0xcc: {  	[tilespmem:s3], [sflag:$0x2] =	stream.linear.gather @!p3 [hbm4b:s1+s2], $0x800, $0x38;
	[tilespmem:$0x1E100] =	vst v63  }
0xcd: {  	s1 =	rddreg [dreg:$0x2]  }
0xce: {  	s3 =	sadd.s32 @!p3 $0x16000, s13;
	s1 =	sadd.s32 @!p3 s1, s30  }
0xcf: {  	[tilespmem:s3], [sflag:$0x2] =	stream.linear.gather @!p3 [hbm4b:s1+s2], $0x800, $0x38;
	[tilespmem:$0x1E100] =	vst v63  }
0xd0: {  	s7 =	sadd.s32 @!p3 $0x17800, s13;
	s3 =	sadd.s32 @!p3 $0xF4280, s1  }
0xd1: {  	[tilespmem:s7], [sflag:$0x2] =	stream.linear.gather @!p3 [hbm4b:s3+s2], $0x800, $0x38;
	[tilespmem:$0x1E100] =	vst v63  }
0xd2: {  	s3 =	sadd.s32 @!p3 $0x1E8500, s1;
	s7 =	sadd.s32 @!p3 $0x19000, s13  }
0xd3: {  	[tilespmem:s7], [sflag:$0x2] =	stream.linear.gather @!p3 [hbm4b:s3+s2], $0x800, $0x38;
	[tilespmem:$0x1E100] =	vst v63  }
0xd4: {  	s1 =	sadd.s32 @!p3 $0x2DC780, s1;
	s3 =	sadd.s32 @!p3 $0x1A800, s13  }
0xd5: {  	[tilespmem:s3], [sflag:$0x2] =	stream.linear.gather @!p3 [hbm4b:s1+s2], $0x800, $0x38;
	[tilespmem:$0x1E100] =	vst v63  }
0xd6: {  	p3 =	sne.s32 @!p1 s18, s12  }
0xd7: {  	p3 =	por p3, p1  }
0xd8: {  	s1 =	sshll.u32 @!p3 s19, $0xB  }
0xd9: {  	s7 =	rddreg [dreg:$0x3];
	s3 =	simm.s32 @!p3 $0x0;
	s2 =	sadd.s32 @!p3 $0x10000, s1  }
0xda: {  	[tilespmem:s2], [sflag:$0x2] =	stream.linear.gather @!p3 [hbm4b:s7+s3], $0x400, $0x38;
	[tilespmem:$0x1E100] =	vst v63  }
0xdb: {  	s2 =	sadd.s32 @!p3 $0x11800, s1  }
0xdc: {  	[tilespmem:s2], [sflag:$0x2] =	stream.linear.gather @!p3 [hbm4b:s21+s3], $0x400, $0x38;
	[tilespmem:$0x1E100] =	vst v63  }
0xdd: {  	s2 =	sadd.s32 @!p3 $0x13000, s1  }
0xde: {  	[tilespmem:s2], [sflag:$0x2] =	stream.linear.gather @!p3 [hbm4b:s25+s3], $0x400, $0x38;
	[tilespmem:$0x1E100] =	vst v63  }
0xdf: {  	s2 =	sadd.s32 @!p3 $0x14800, s1  }
0xe0: {  	[tilespmem:s2], [sflag:$0x2] =	stream.linear.gather @!p3 [hbm4b:s26+s3], $0x400, $0x38;
	[tilespmem:$0x1E100] =	vst v63  }
0xe1: {  	s2 =	sadd.s32 @!p3 $0x16000, s1  }
0xe2: {  	[tilespmem:s2], [sflag:$0x2] =	stream.linear.gather @!p3 [hbm4b:s8+s3], $0x400, $0x38;
	[tilespmem:$0x1E100] =	vst v63  }
0xe3: {  	s18 =	smulhi.u32 $0xAAAAAAAB, s17;
	s7 =	sadd.s32 @!p3 $0x17800, s1  }
0xe4: {  	[tilespmem:s7], [sflag:$0x2] =	stream.linear.gather @!p3 [hbm4b:s22+s3], $0x400, $0x38;
	[tilespmem:$0x1E100] =	vst v63  }
0xe5: {  	s2 =	sshrl.u32 s18, $0x1;
	s7 =	sadd.s32 @!p3 $0x19000, s1  }
0xe6: {  	[tilespmem:s7], [sflag:$0x2] =	stream.linear.gather @!p3 [hbm4b:s23+s3], $0x400, $0x38;
	[tilespmem:$0x1E100] =	vst v63  }
0xe7: {  	s2 =	smul.u32 $0x3, s2;
	s1 =	sadd.s32 @!p3 $0x1A800, s1  }
0xe8: {  	[tilespmem:s1], [sflag:$0x2] =	stream.linear.gather @!p3 [hbm4b:s24+s3], $0x400, $0x38;
	[tilespmem:$0x1E100] =	vst v63  }
.Ltmp4:
0xe9: {  	s19 =	ssub.s32 s17, s2;
	s2 =	simm.s32 $0x40;
	(pc) =	sbr.rel .LBB2_3-.Ltmp4, $4  }
0xea: {  	s2 =	simm.s32 @!p2 $0x0;
	s1 =	sshll.u32 s19, $0x8  }
0xeb: {  	s30 =	sshll.u32 s17, $0x8;
	s1 =	sor.u32 s1, s2  }
0xec: {  	s18 =	sadd.s32 $0x100, s30;
	s1 =	ssub.s32 s1, s30  }
0xed: {  	v36 =	vmov s30;
	v37 =	vmov s18;
	v38 =	vmov s1  }
.LBB2_5:
0xee: {  	(v2sf) =	vpush v39, $0xF;
	_ =	sdelay $0xc  }
0xef: {  	p2 =	slt.s32 s20, $0x7FE;
	s1 =	smov.u32 s20  }
0xf0: {  	s1 =	simm.s32 @!p2 $0x7FE  }
0xf1: {  	s1 =	sadd.s32 $0x1, s1;
	s2 =	spop (v2sf)  }
0xf2: {  	p2 =	seq.s32 s1, s20;
	s2 =	ssub.s32 s2, s14  }
0xf3: {  	p4 =	slt.s32 @!p2 s2, s18  }
0xf4: {  	p2 =	por p2, !p4  }
.Ltmp5:
0xf5: {  	_ = 	snop;
	(pc) =	sbr.rel @p2 .LBB2_6-.Ltmp5, $4  }
0xf6: {  	_ = 	snop  }
0xf7: {  	p3 =	sgt.s32 s19, $0x0;
	s3 =	simm.s32 $0x1  }
0xf8: {  	s3 =	simm.s32 @!p3 $0x0;
	p5 =	slt.s32 s2, s18  }
0xf9: {  	s16 =	sadd.s32 s3, s16;
	s20 =	smov.u32 @p5 s1  }
.LBB2_3:
0xfa: {  	s1 =	sshll.u32 s20, $0x4  }
0xfb: {  	v39 =	vld [tilespmem:s1+$0x0];
	_ =	sdelay $0x4  }
0xfc: {  	v40 =	vsub.s32 v39, v2  }
0xfd: {  	vm0 =	vge.s32 v40, v36;
	vm1 =	vlt.s32 v40, v37  }
0xfe: {  	vm0 =	vmand vm0, vm1  }
0xff: {  	v41 =	vmpcnt.ones.xlane vm0;
	_ =	sdelay $0x1  }
0x100: {  	(v2sf) =	vpush v41, $0x0;
	_ =	sdelay $0xe  }
0x101: {  	s19 =	spop (v2sf)  }
0x102: {  	p2 =	slt.s32 s19, $0x1  }
.Ltmp6:
0x103: {  	_ = 	snop;
	(pc) =	sbr.rel @p2 .LBB2_5-.Ltmp6, $2  }
0x104: {  	_ =	sdelay $0x2  }
0x105: {  	v41 =	vld [tilespmem:s1+$0x8000]  }
0x106: {  	p2 =	slt.s32 s16, $0x7  }
0x107: {  	s1 =	simm.s32 @!p2 $0x1  }
0x108: {  	_ =	swait.ge @!p2 [sflag:s1], $0x200  }
0x109: {  	[sflag:s1] =	ssyncset.done @!p2 $0x0  }
0x10a: {  	[sflag:s1] =	ssyncadd.s32 @!p2 $0xFFFFFE00  }
0x10b: {  	v42 =	vsel vm0, $0x1, v3;
	_ =	swait.ge @!p2 [sflag:s1], $0x200  }
0x10c: {  	(xrf0) =	vadd.scan.msk.s32 $0xffff, v42;
	_ =	sdelay $0x5  }
0x10d: {  	v42, _, _ =	vpop (xrf0)  }
0x10e: {  	v42 =	vadd.s32 $0xFFFFFFFF, v42  }
0x10f: {  	[sflag:s1] =	ssyncset.done @!p2 $0x0  }
0x110: {  	[sflag:s1] =	ssyncadd.s32 @!p2 $0xFFFFFE00  }
0x111: {  	[tilespmem:$0x1E000] =	vst v3  }
0x112: {  	v40 =	vadd.s32 v40, v38;
	[tilespmem:$0x1E080] =	vst v1  }
0x113: {  	[tilespmem:v42+s31+$0x0] =	vst.idx.msk vm0, v40  }
0x114: {  	[tilespmem:v42+s0+$0x0] =	vst.idx.msk vm0, v41  }
0x115: {  	v40 =	vld [tilespmem:$0x1E000];
	_ =	sdelay $0x4  }
0x116: {  	s3 =	sshra.s32 s16, $0x1F;
	v50 =	vshll.u32 v40, $0x3  }
0x117: {  	s1 =	sshrl.u32 s3, $0x1D;
	v40 =	vand.u32 $0x7F, v40;
	v41 =	vand.u32 $0xFFFFFC00, v50  }
0x118: {  	s1 =	sadd.s32 s1, s16;
	v40 =	vor.u32 v40, v41  }
0x119: {  	s1 =	sand.u32 $0x7FFFF8, s1  }
0x11a: {  	s1 =	ssub.s32 s16, s1  }
0x11b: {  	s13 =	sshll.u32 s1, $0x9  }
0x11c: {  	v51 =	vor.u32 s13, v0  }
0x11d: {  	v43 =	vand.u32 v4, v51;
	v42 =	vld.idx.msk [tilespmem:v40+s28+$0x0], $0xffff  }
0x11e: {  	v44 =	vld.idx.msk [tilespmem:v40+s29+$0x0], $0xffff  }
0x11f: {  	v45 =	vor.u32 $0x80, v40;
	_ =	sdelay $0x2  }
0x120: {  	v41 =	vld [tilespmem:$0x1E080];
	[tilespmem:v43+s5+$0x0] =	vst.idx.msk $0xffff, v42  }
0x121: {  	[tilespmem:v43+s6+$0x0] =	vst.idx.msk $0xffff, v44  }
0x122: {  	v52 =	vor.u32 s13, v5;
	v42 =	vld.idx.msk [tilespmem:v45+s28+$0x0], $0xffff  }
0x123: {  	v44 =	vld.idx.msk [tilespmem:v45+s29+$0x0], $0xffff  }
0x124: {  	v53 =	vor.u32 $0x100, v40;
	_ =	sdelay $0x2  }
0x125: {  	[tilespmem:v52+s5+$0x0] =	vst.idx.msk $0xffff, v42  }
0x126: {  	[tilespmem:v52+s6+$0x0] =	vst.idx.msk $0xffff, v44  }
0x127: {  	v54 =	vor.u32 s13, v6;
	v42 =	vld.idx.msk [tilespmem:v53+s28+$0x0], $0xffff  }
0x128: {  	v44 =	vld.idx.msk [tilespmem:v53+s29+$0x0], $0xffff  }
0x129: {  	v55 =	vor.u32 $0x180, v40;
	_ =	sdelay $0x2  }
0x12a: {  	[tilespmem:v54+s5+$0x0] =	vst.idx.msk $0xffff, v42  }
0x12b: {  	[tilespmem:v54+s6+$0x0] =	vst.idx.msk $0xffff, v44  }
0x12c: {  	v56 =	vor.u32 s13, v7;
	v42 =	vld.idx.msk [tilespmem:v55+s28+$0x0], $0xffff  }
0x12d: {  	v44 =	vld.idx.msk [tilespmem:v55+s29+$0x0], $0xffff  }
0x12e: {  	v57 =	vor.u32 $0x200, v40;
	_ =	sdelay $0x2  }
0x12f: {  	[tilespmem:v56+s5+$0x0] =	vst.idx.msk $0xffff, v42  }
0x130: {  	[tilespmem:v56+s6+$0x0] =	vst.idx.msk $0xffff, v44  }
0x131: {  	v58 =	vor.u32 s13, v8;
	v42 =	vld.idx.msk [tilespmem:v57+s28+$0x0], $0xffff  }
0x132: {  	v44 =	vld.idx.msk [tilespmem:v57+s29+$0x0], $0xffff  }
0x133: {  	v59 =	vor.u32 $0x280, v40;
	_ =	sdelay $0x2  }
0x134: {  	[tilespmem:v58+s5+$0x0] =	vst.idx.msk $0xffff, v42  }
0x135: {  	[tilespmem:v58+s6+$0x0] =	vst.idx.msk $0xffff, v44  }
0x136: {  	v60 =	vor.u32 s13, v9;
	v42 =	vld.idx.msk [tilespmem:v59+s28+$0x0], $0xffff  }
0x137: {  	v44 =	vld.idx.msk [tilespmem:v59+s29+$0x0], $0xffff  }
0x138: {  	v61 =	vor.u32 $0x300, v40;
	_ =	sdelay $0x2  }
0x139: {  	[tilespmem:v60+s5+$0x0] =	vst.idx.msk $0xffff, v42  }
0x13a: {  	[tilespmem:v60+s6+$0x0] =	vst.idx.msk $0xffff, v44  }
0x13b: {  	v62 =	vor.u32 s13, v10;
	v42 =	vld.idx.msk [tilespmem:v61+s28+$0x0], $0xffff  }
0x13c: {  	v44 =	vld.idx.msk [tilespmem:v61+s29+$0x0], $0xffff  }
0x13d: {  	v63 =	vor.u32 $0x380, v40;
	_ =	sdelay $0x2  }
0x13e: {  	[tilespmem:v62+s5+$0x0] =	vst.idx.msk $0xffff, v42  }
0x13f: {  	[tilespmem:v62+s6+$0x0] =	vst.idx.msk $0xffff, v44  }
0x140: {  	v48 =	vor.u32 s13, v11;
	v42 =	vld.idx.msk [tilespmem:v63+s28+$0x0], $0xffff  }
0x141: {  	v44 =	vld.idx.msk [tilespmem:v63+s29+$0x0], $0xffff  }
0x142: {  	v49 =	vadd.s32 $0x1800, v40;
	_ =	sdelay $0x2  }
0x143: {  	[tilespmem:v48+s5+$0x0] =	vst.idx.msk $0xffff, v42  }
0x144: {  	[tilespmem:v48+s6+$0x0] =	vst.idx.msk $0xffff, v44  }
0x145: {  	v50 =	vor.u32 s13, v12;
	v42 =	vld.idx.msk [tilespmem:v49+s28+$0x0], $0xffff  }
0x146: {  	v44 =	vld.idx.msk [tilespmem:v49+s29+$0x0], $0xffff  }
0x147: {  	v51 =	vadd.s32 $0x1880, v40;
	_ =	sdelay $0x2  }
0x148: {  	[tilespmem:v50+s5+$0x0] =	vst.idx.msk $0xffff, v42  }
0x149: {  	[tilespmem:v50+s6+$0x0] =	vst.idx.msk $0xffff, v44  }
0x14a: {  	v52 =	vor.u32 s13, v13;
	v42 =	vld.idx.msk [tilespmem:v51+s28+$0x0], $0xffff  }
0x14b: {  	v44 =	vld.idx.msk [tilespmem:v51+s29+$0x0], $0xffff  }
0x14c: {  	v53 =	vadd.s32 $0x1900, v40;
	_ =	sdelay $0x2  }
0x14d: {  	[tilespmem:v52+s5+$0x0] =	vst.idx.msk $0xffff, v42  }
0x14e: {  	[tilespmem:v52+s6+$0x0] =	vst.idx.msk $0xffff, v44  }
0x14f: {  	v54 =	vor.u32 s13, v14;
	v42 =	vld.idx.msk [tilespmem:v53+s28+$0x0], $0xffff  }
0x150: {  	v44 =	vld.idx.msk [tilespmem:v53+s29+$0x0], $0xffff  }
0x151: {  	v55 =	vadd.s32 $0x1980, v40;
	_ =	sdelay $0x2  }
0x152: {  	[tilespmem:v54+s5+$0x0] =	vst.idx.msk $0xffff, v42  }
0x153: {  	[tilespmem:v54+s6+$0x0] =	vst.idx.msk $0xffff, v44  }
0x154: {  	v56 =	vor.u32 s13, v15;
	v42 =	vld.idx.msk [tilespmem:v55+s28+$0x0], $0xffff  }
0x155: {  	v44 =	vld.idx.msk [tilespmem:v55+s29+$0x0], $0xffff  }
0x156: {  	v57 =	vadd.s32 $0x1A00, v40;
	_ =	sdelay $0x2  }
0x157: {  	[tilespmem:v56+s5+$0x0] =	vst.idx.msk $0xffff, v42  }
0x158: {  	[tilespmem:v56+s6+$0x0] =	vst.idx.msk $0xffff, v44  }
0x159: {  	v58 =	vor.u32 s13, v16;
	v42 =	vld.idx.msk [tilespmem:v57+s28+$0x0], $0xffff  }
0x15a: {  	v44 =	vld.idx.msk [tilespmem:v57+s29+$0x0], $0xffff  }
0x15b: {  	v59 =	vadd.s32 $0x1A80, v40;
	_ =	sdelay $0x2  }
0x15c: {  	[tilespmem:v58+s5+$0x0] =	vst.idx.msk $0xffff, v42  }
0x15d: {  	[tilespmem:v58+s6+$0x0] =	vst.idx.msk $0xffff, v44  }
0x15e: {  	v60 =	vor.u32 s13, v17;
	v42 =	vld.idx.msk [tilespmem:v59+s28+$0x0], $0xffff  }
0x15f: {  	v44 =	vld.idx.msk [tilespmem:v59+s29+$0x0], $0xffff  }
0x160: {  	v61 =	vadd.s32 $0x1B00, v40;
	_ =	sdelay $0x2  }
0x161: {  	[tilespmem:v60+s5+$0x0] =	vst.idx.msk $0xffff, v42  }
0x162: {  	[tilespmem:v60+s6+$0x0] =	vst.idx.msk $0xffff, v44  }
0x163: {  	v62 =	vor.u32 s13, v18;
	v42 =	vld.idx.msk [tilespmem:v61+s28+$0x0], $0xffff  }
0x164: {  	v44 =	vld.idx.msk [tilespmem:v61+s29+$0x0], $0xffff  }
0x165: {  	v63 =	vadd.s32 $0x1B80, v40;
	_ =	sdelay $0x2  }
0x166: {  	[tilespmem:v62+s5+$0x0] =	vst.idx.msk $0xffff, v42  }
0x167: {  	[tilespmem:v62+s6+$0x0] =	vst.idx.msk $0xffff, v44  }
0x168: {  	v48 =	vor.u32 s13, v19;
	v42 =	vld.idx.msk [tilespmem:v63+s28+$0x0], $0xffff  }
0x169: {  	v44 =	vld.idx.msk [tilespmem:v63+s29+$0x0], $0xffff  }
0x16a: {  	v49 =	vadd.s32 $0x3000, v40;
	_ =	sdelay $0x2  }
0x16b: {  	[tilespmem:v48+s5+$0x0] =	vst.idx.msk $0xffff, v42  }
0x16c: {  	[tilespmem:v48+s6+$0x0] =	vst.idx.msk $0xffff, v44  }
0x16d: {  	v50 =	vor.u32 s13, v20;
	v42 =	vld.idx.msk [tilespmem:v49+s28+$0x0], $0xffff  }
0x16e: {  	v44 =	vld.idx.msk [tilespmem:v49+s29+$0x0], $0xffff  }
0x16f: {  	v51 =	vadd.s32 $0x3080, v40;
	_ =	sdelay $0x2  }
0x170: {  	[tilespmem:v50+s5+$0x0] =	vst.idx.msk $0xffff, v42  }
0x171: {  	[tilespmem:v50+s6+$0x0] =	vst.idx.msk $0xffff, v44  }
0x172: {  	v52 =	vor.u32 s13, v21;
	v42 =	vld.idx.msk [tilespmem:v51+s28+$0x0], $0xffff  }
0x173: {  	v44 =	vld.idx.msk [tilespmem:v51+s29+$0x0], $0xffff  }
0x174: {  	v53 =	vadd.s32 $0x3100, v40;
	_ =	sdelay $0x2  }
0x175: {  	[tilespmem:v52+s5+$0x0] =	vst.idx.msk $0xffff, v42  }
0x176: {  	[tilespmem:v52+s6+$0x0] =	vst.idx.msk $0xffff, v44  }
0x177: {  	v54 =	vor.u32 s13, v22;
	v42 =	vld.idx.msk [tilespmem:v53+s28+$0x0], $0xffff  }
0x178: {  	v44 =	vld.idx.msk [tilespmem:v53+s29+$0x0], $0xffff  }
0x179: {  	v55 =	vadd.s32 $0x3180, v40;
	_ =	sdelay $0x2  }
0x17a: {  	[tilespmem:v54+s5+$0x0] =	vst.idx.msk $0xffff, v42  }
0x17b: {  	[tilespmem:v54+s6+$0x0] =	vst.idx.msk $0xffff, v44  }
0x17c: {  	v56 =	vor.u32 s13, v23;
	v42 =	vld.idx.msk [tilespmem:v55+s28+$0x0], $0xffff  }
0x17d: {  	v44 =	vld.idx.msk [tilespmem:v55+s29+$0x0], $0xffff  }
0x17e: {  	v57 =	vadd.s32 $0x3200, v40;
	_ =	sdelay $0x2  }
0x17f: {  	[tilespmem:v56+s5+$0x0] =	vst.idx.msk $0xffff, v42  }
0x180: {  	[tilespmem:v56+s6+$0x0] =	vst.idx.msk $0xffff, v44  }
0x181: {  	v58 =	vor.u32 s13, v24;
	v42 =	vld.idx.msk [tilespmem:v57+s28+$0x0], $0xffff  }
0x182: {  	v44 =	vld.idx.msk [tilespmem:v57+s29+$0x0], $0xffff  }
0x183: {  	v59 =	vadd.s32 $0x3280, v40;
	_ =	sdelay $0x2  }
0x184: {  	[tilespmem:v58+s5+$0x0] =	vst.idx.msk $0xffff, v42  }
0x185: {  	[tilespmem:v58+s6+$0x0] =	vst.idx.msk $0xffff, v44  }
0x186: {  	v60 =	vor.u32 s13, v25;
	v42 =	vld.idx.msk [tilespmem:v59+s28+$0x0], $0xffff  }
0x187: {  	v44 =	vld.idx.msk [tilespmem:v59+s29+$0x0], $0xffff  }
0x188: {  	v61 =	vadd.s32 $0x3300, v40;
	_ =	sdelay $0x2  }
0x189: {  	[tilespmem:v60+s5+$0x0] =	vst.idx.msk $0xffff, v42  }
0x18a: {  	[tilespmem:v60+s6+$0x0] =	vst.idx.msk $0xffff, v44  }
0x18b: {  	v62 =	vor.u32 s13, v26;
	v42 =	vld.idx.msk [tilespmem:v61+s28+$0x0], $0xffff  }
0x18c: {  	v44 =	vld.idx.msk [tilespmem:v61+s29+$0x0], $0xffff  }
0x18d: {  	v63 =	vadd.s32 $0x3380, v40;
	_ =	sdelay $0x2  }
0x18e: {  	[tilespmem:v62+s5+$0x0] =	vst.idx.msk $0xffff, v42  }
0x18f: {  	[tilespmem:v62+s6+$0x0] =	vst.idx.msk $0xffff, v44  }
0x190: {  	v48 =	vor.u32 s13, v27;
	v42 =	vld.idx.msk [tilespmem:v63+s28+$0x0], $0xffff  }
0x191: {  	v44 =	vld.idx.msk [tilespmem:v63+s29+$0x0], $0xffff  }
0x192: {  	v49 =	vadd.s32 $0x4800, v40;
	_ =	sdelay $0x2  }
0x193: {  	[tilespmem:v48+s5+$0x0] =	vst.idx.msk $0xffff, v42  }
0x194: {  	[tilespmem:v48+s6+$0x0] =	vst.idx.msk $0xffff, v44  }
0x195: {  	v50 =	vor.u32 s13, v28;
	v42 =	vld.idx.msk [tilespmem:v49+s28+$0x0], $0xffff  }
0x196: {  	v44 =	vld.idx.msk [tilespmem:v49+s29+$0x0], $0xffff  }
0x197: {  	v51 =	vadd.s32 $0x4880, v40;
	_ =	sdelay $0x2  }
0x198: {  	[tilespmem:v50+s5+$0x0] =	vst.idx.msk $0xffff, v42  }
0x199: {  	[tilespmem:v50+s6+$0x0] =	vst.idx.msk $0xffff, v44  }
0x19a: {  	v52 =	vor.u32 s13, v29;
	v42 =	vld.idx.msk [tilespmem:v51+s28+$0x0], $0xffff  }
0x19b: {  	v44 =	vld.idx.msk [tilespmem:v51+s29+$0x0], $0xffff  }
0x19c: {  	v53 =	vadd.s32 $0x4900, v40;
	_ =	sdelay $0x2  }
0x19d: {  	[tilespmem:v52+s5+$0x0] =	vst.idx.msk $0xffff, v42  }
0x19e: {  	[tilespmem:v52+s6+$0x0] =	vst.idx.msk $0xffff, v44  }
0x19f: {  	v54 =	vor.u32 s13, v30;
	v42 =	vld.idx.msk [tilespmem:v53+s28+$0x0], $0xffff  }
0x1a0: {  	v44 =	vld.idx.msk [tilespmem:v53+s29+$0x0], $0xffff  }
0x1a1: {  	v55 =	vadd.s32 $0x4980, v40;
	_ =	sdelay $0x2  }
0x1a2: {  	[tilespmem:v54+s5+$0x0] =	vst.idx.msk $0xffff, v42  }
0x1a3: {  	[tilespmem:v54+s6+$0x0] =	vst.idx.msk $0xffff, v44  }
0x1a4: {  	v56 =	vor.u32 s13, v31;
	v42 =	vld.idx.msk [tilespmem:v55+s28+$0x0], $0xffff  }
0x1a5: {  	v44 =	vld.idx.msk [tilespmem:v55+s29+$0x0], $0xffff  }
0x1a6: {  	v57 =	vadd.s32 $0x4A00, v40;
	_ =	sdelay $0x2  }
0x1a7: {  	[tilespmem:v56+s5+$0x0] =	vst.idx.msk $0xffff, v42  }
0x1a8: {  	[tilespmem:v56+s6+$0x0] =	vst.idx.msk $0xffff, v44  }
0x1a9: {  	v58 =	vor.u32 s13, v32;
	v42 =	vld.idx.msk [tilespmem:v57+s28+$0x0], $0xffff  }
0x1aa: {  	v44 =	vld.idx.msk [tilespmem:v57+s29+$0x0], $0xffff  }
0x1ab: {  	v59 =	vadd.s32 $0x4A80, v40;
	_ =	sdelay $0x2  }
0x1ac: {  	[tilespmem:v58+s5+$0x0] =	vst.idx.msk $0xffff, v42  }
0x1ad: {  	[tilespmem:v58+s6+$0x0] =	vst.idx.msk $0xffff, v44  }
0x1ae: {  	v60 =	vor.u32 s13, v33;
	v42 =	vld.idx.msk [tilespmem:v59+s28+$0x0], $0xffff  }
0x1af: {  	v41 =	vshll.u32 v41, $0x2;
	v44 =	vld.idx.msk [tilespmem:v59+s29+$0x0], $0xffff  }
0x1b0: {  	(v2sf) =	vpush v41, $0x0;
	v61 =	vadd.s32 $0x4B00, v40;
	_ =	sdelay $0x2  }
0x1b1: {  	[tilespmem:v60+s5+$0x0] =	vst.idx.msk $0xffff, v42  }
0x1b2: {  	[tilespmem:v60+s6+$0x0] =	vst.idx.msk $0xffff, v44  }
0x1b3: {  	(v2sf) =	vpush v41, $0x1;
	v62 =	vor.u32 s13, v34;
	v42 =	vld.idx.msk [tilespmem:v61+s28+$0x0], $0xffff  }
0x1b4: {  	v44 =	vld.idx.msk [tilespmem:v61+s29+$0x0], $0xffff  }
0x1b5: {  	v40 =	vadd.s32 $0x4B80, v40  }
0x1b6: {  	(v2sf) =	vpush v41, $0x2;
	_ =	sdelay $0x1  }
0x1b7: {  	[tilespmem:v62+s5+$0x0] =	vst.idx.msk $0xffff, v42  }
0x1b8: {  	[tilespmem:v62+s6+$0x0] =	vst.idx.msk $0xffff, v44  }
0x1b9: {  	v63 =	vor.u32 s13, v35;
	v42 =	vld.idx.msk [tilespmem:v40+s28+$0x0], $0xffff  }
0x1ba: {  	v40 =	vld.idx.msk [tilespmem:v40+s29+$0x0], $0xffff;
	_ =	sdelay $0x1  }
0x1bb: {  	s7 =	spop (v2sf);
	(v2sf) =	vpush v41, $0x3;
	_ =	sdelay $0x1  }
0x1bc: {  	s1 =	sand.u32 $0x1FFFFFFC, s7;
	[tilespmem:v63+s5+$0x0] =	vst.idx.msk $0xffff, v42  }
0x1bd: {  	s3 =	sadd.s32 $0x1C000, s13;
	s2 =	sadd.s32 s9, s1;
	[tilespmem:v63+s6+$0x0] =	vst.idx.msk $0xffff, v40  }
0x1be: {  	[hbm4b:s2+s4] =	stream.linear.scatter [tilespmem:s3], [sflag:$0x1], $0x20, $0x38;
	[tilespmem:$0x1E100] =	vst v63  }
0x1bf: {  	s30 =	sadd.s32 $0x1D000, s13;
	s1 =	sadd.s32 s10, s1;
	s2 =	spop (v2sf)  }
0x1c0: {  	[hbm4b:s1+s4] =	stream.linear.scatter [tilespmem:s30], [sflag:$0x1], $0x20, $0x38;
	[tilespmem:$0x1E100] =	vst v63  }
0x1c1: {  	(v2sf) =	vpush v41, $0x4;
	s1 =	sand.u32 $0x1FFFFFFC, s2  }
0x1c2: {  	s7 =	sadd.s32 $0x1C020, s13;
	s2 =	spop (v2sf);
	s3 =	sadd.s32 s9, s1  }
0x1c3: {  	(v2sf) =	vpush v41, $0x5;
	[hbm4b:s3+s4] =	stream.linear.scatter [tilespmem:s7], [sflag:$0x1], $0x20, $0x38;
	[tilespmem:$0x1E100] =	vst v63  }
0x1c4: {  	s30 =	sadd.s32 $0x1D020, s13;
	s1 =	sadd.s32 s10, s1  }
0x1c5: {  	[hbm4b:s1+s4] =	stream.linear.scatter [tilespmem:s30], [sflag:$0x1], $0x20, $0x38;
	[tilespmem:$0x1E100] =	vst v63  }
0x1c6: {  	s1 =	sand.u32 $0x1FFFFFFC, s2  }
0x1c7: {  	s7 =	sadd.s32 $0x1C040, s13;
	s3 =	sadd.s32 s9, s1  }
0x1c8: {  	[hbm4b:s3+s4] =	stream.linear.scatter [tilespmem:s7], [sflag:$0x1], $0x20, $0x38;
	[tilespmem:$0x1E100] =	vst v63  }
0x1c9: {  	s30 =	sadd.s32 $0x1D040, s13;
	s2 =	spop (v2sf);
	s1 =	sadd.s32 s10, s1  }
0x1ca: {  	(v2sf) =	vpush v41, $0x6;
	[hbm4b:s1+s4] =	stream.linear.scatter [tilespmem:s30], [sflag:$0x1], $0x20, $0x38;
	[tilespmem:$0x1E100] =	vst v63  }
0x1cb: {  	s1 =	sand.u32 $0x1FFFFFFC, s2  }
0x1cc: {  	s7 =	sadd.s32 $0x1C060, s13;
	s3 =	sadd.s32 s9, s1  }
0x1cd: {  	[hbm4b:s3+s4] =	stream.linear.scatter [tilespmem:s7], [sflag:$0x1], $0x20, $0x38;
	[tilespmem:$0x1E100] =	vst v63  }
0x1ce: {  	s30 =	sadd.s32 $0x1D060, s13;
	s1 =	sadd.s32 s10, s1  }
0x1cf: {  	[hbm4b:s1+s4] =	stream.linear.scatter [tilespmem:s30], [sflag:$0x1], $0x20, $0x38;
	[tilespmem:$0x1E100] =	vst v63  }
0x1d0: {  	s2 =	spop (v2sf)  }
0x1d1: {  	(v2sf) =	vpush v41, $0x7;
	s1 =	sand.u32 $0x1FFFFFFC, s2  }
0x1d2: {  	s7 =	sadd.s32 $0x1C080, s13;
	s3 =	sadd.s32 s9, s1;
	s2 =	spop (v2sf)  }
0x1d3: {  	(v2sf) =	vpush v41, $0x8;
	[hbm4b:s3+s4] =	stream.linear.scatter [tilespmem:s7], [sflag:$0x1], $0x20, $0x38;
	[tilespmem:$0x1E100] =	vst v63  }
0x1d4: {  	s30 =	sadd.s32 $0x1D080, s13;
	s1 =	sadd.s32 s10, s1  }
0x1d5: {  	[hbm4b:s1+s4] =	stream.linear.scatter [tilespmem:s30], [sflag:$0x1], $0x20, $0x38;
	[tilespmem:$0x1E100] =	vst v63  }
0x1d6: {  	s1 =	sand.u32 $0x1FFFFFFC, s2  }
0x1d7: {  	s7 =	sadd.s32 $0x1C0A0, s13;
	s3 =	sadd.s32 s9, s1  }
0x1d8: {  	[hbm4b:s3+s4] =	stream.linear.scatter [tilespmem:s7], [sflag:$0x1], $0x20, $0x38;
	[tilespmem:$0x1E100] =	vst v63  }
0x1d9: {  	s30 =	sadd.s32 $0x1D0A0, s13;
	s1 =	sadd.s32 s10, s1;
	s2 =	spop (v2sf)  }
0x1da: {  	(v2sf) =	vpush v41, $0x9;
	[hbm4b:s1+s4] =	stream.linear.scatter [tilespmem:s30], [sflag:$0x1], $0x20, $0x38;
	[tilespmem:$0x1E100] =	vst v63  }
0x1db: {  	s1 =	sand.u32 $0x1FFFFFFC, s2  }
0x1dc: {  	s7 =	sadd.s32 $0x1C0C0, s13;
	s3 =	sadd.s32 s9, s1  }
0x1dd: {  	[hbm4b:s3+s4] =	stream.linear.scatter [tilespmem:s7], [sflag:$0x1], $0x20, $0x38;
	[tilespmem:$0x1E100] =	vst v63  }
0x1de: {  	s30 =	sadd.s32 $0x1D0C0, s13;
	s1 =	sadd.s32 s10, s1  }
0x1df: {  	[hbm4b:s1+s4] =	stream.linear.scatter [tilespmem:s30], [sflag:$0x1], $0x20, $0x38;
	[tilespmem:$0x1E100] =	vst v63  }
0x1e0: {  	s2 =	spop (v2sf)  }
0x1e1: {  	(v2sf) =	vpush v41, $0xA;
	s1 =	sand.u32 $0x1FFFFFFC, s2  }
0x1e2: {  	s7 =	sadd.s32 $0x1C0E0, s13;
	s3 =	sadd.s32 s9, s1;
	s2 =	spop (v2sf)  }
0x1e3: {  	(v2sf) =	vpush v41, $0xB;
	[hbm4b:s3+s4] =	stream.linear.scatter [tilespmem:s7], [sflag:$0x1], $0x20, $0x38;
	[tilespmem:$0x1E100] =	vst v63  }
0x1e4: {  	s30 =	sadd.s32 $0x1D0E0, s13;
	s1 =	sadd.s32 s10, s1  }
0x1e5: {  	[hbm4b:s1+s4] =	stream.linear.scatter [tilespmem:s30], [sflag:$0x1], $0x20, $0x38;
	[tilespmem:$0x1E100] =	vst v63  }
0x1e6: {  	s1 =	sand.u32 $0x1FFFFFFC, s2  }
0x1e7: {  	s7 =	sadd.s32 $0x1C100, s13;
	s3 =	sadd.s32 s9, s1  }
0x1e8: {  	[hbm4b:s3+s4] =	stream.linear.scatter [tilespmem:s7], [sflag:$0x1], $0x20, $0x38;
	[tilespmem:$0x1E100] =	vst v63  }
0x1e9: {  	s30 =	sadd.s32 $0x1D100, s13;
	s1 =	sadd.s32 s10, s1;
	s2 =	spop (v2sf)  }
0x1ea: {  	(v2sf) =	vpush v41, $0xC;
	[hbm4b:s1+s4] =	stream.linear.scatter [tilespmem:s30], [sflag:$0x1], $0x20, $0x38;
	[tilespmem:$0x1E100] =	vst v63  }
0x1eb: {  	s1 =	sand.u32 $0x1FFFFFFC, s2  }
0x1ec: {  	s7 =	sadd.s32 $0x1C120, s13;
	s3 =	sadd.s32 s9, s1  }
0x1ed: {  	[hbm4b:s3+s4] =	stream.linear.scatter [tilespmem:s7], [sflag:$0x1], $0x20, $0x38;
	[tilespmem:$0x1E100] =	vst v63  }
0x1ee: {  	s30 =	sadd.s32 $0x1D120, s13;
	s1 =	sadd.s32 s10, s1  }
0x1ef: {  	[hbm4b:s1+s4] =	stream.linear.scatter [tilespmem:s30], [sflag:$0x1], $0x20, $0x38;
	[tilespmem:$0x1E100] =	vst v63  }
0x1f0: {  	s2 =	spop (v2sf)  }
0x1f1: {  	(v2sf) =	vpush v41, $0xD;
	s1 =	sand.u32 $0x1FFFFFFC, s2  }
0x1f2: {  	s7 =	sadd.s32 $0x1C140, s13;
	s3 =	sadd.s32 s9, s1;
	s2 =	spop (v2sf)  }
0x1f3: {  	(v2sf) =	vpush v41, $0xE;
	[hbm4b:s3+s4] =	stream.linear.scatter [tilespmem:s7], [sflag:$0x1], $0x20, $0x38;
	[tilespmem:$0x1E100] =	vst v63  }
0x1f4: {  	s30 =	sadd.s32 $0x1D140, s13;
	s1 =	sadd.s32 s10, s1  }
0x1f5: {  	[hbm4b:s1+s4] =	stream.linear.scatter [tilespmem:s30], [sflag:$0x1], $0x20, $0x38;
	[tilespmem:$0x1E100] =	vst v63  }
0x1f6: {  	s1 =	sand.u32 $0x1FFFFFFC, s2  }
0x1f7: {  	s7 =	sadd.s32 $0x1C160, s13;
	s3 =	sadd.s32 s9, s1  }
0x1f8: {  	[hbm4b:s3+s4] =	stream.linear.scatter [tilespmem:s7], [sflag:$0x1], $0x20, $0x38;
	[tilespmem:$0x1E100] =	vst v63  }
0x1f9: {  	s30 =	sadd.s32 $0x1D160, s13;
	s1 =	sadd.s32 s10, s1;
	s3 =	spop (v2sf);
	(v2sf) =	vpush v41, $0xF  }
0x1fa: {  	[hbm4b:s1+s4] =	stream.linear.scatter [tilespmem:s30], [sflag:$0x1], $0x20, $0x38;
	[tilespmem:$0x1E100] =	vst v63  }
0x1fb: {  	s1 =	sand.u32 $0x1FFFFFFC, s3  }
0x1fc: {  	s30 =	sadd.s32 $0x1C180, s13;
	s7 =	sadd.s32 s9, s1  }
0x1fd: {  	[hbm4b:s7+s4] =	stream.linear.scatter [tilespmem:s30], [sflag:$0x1], $0x20, $0x38;
	[tilespmem:$0x1E100] =	vst v63  }
0x1fe: {  	s1 =	sadd.s32 s10, s1;
	s30 =	sadd.s32 $0x1D180, s13  }
0x1ff: {  	[hbm4b:s1+s4] =	stream.linear.scatter [tilespmem:s30], [sflag:$0x1], $0x20, $0x38;
	[tilespmem:$0x1E100] =	vst v63  }
0x200: {  	s7 =	spop (v2sf)  }
0x201: {  	s1 =	sand.u32 $0x1FFFFFFC, s7  }
0x202: {  	s7 =	sadd.s32 $0x1C1A0, s13;
	s2 =	sadd.s32 s9, s1;
	s30 =	spop (v2sf)  }
0x203: {  	[hbm4b:s2+s4] =	stream.linear.scatter [tilespmem:s7], [sflag:$0x1], $0x20, $0x38;
	[tilespmem:$0x1E100] =	vst v63  }
0x204: {  	s1 =	sadd.s32 s10, s1;
	s7 =	sadd.s32 $0x1D1A0, s13;
	s30 =	sand.u32 $0x1FFFFFFC, s30  }
0x205: {  	[hbm4b:s1+s4] =	stream.linear.scatter [tilespmem:s7], [sflag:$0x1], $0x20, $0x38;
	[tilespmem:$0x1E100] =	vst v63  }
0x206: {  	s2 =	sadd.s32 s9, s30;
	s7 =	sadd.s32 $0x1C1C0, s13  }
0x207: {  	[hbm4b:s2+s4] =	stream.linear.scatter [tilespmem:s7], [sflag:$0x1], $0x20, $0x38;
	[tilespmem:$0x1E100] =	vst v63  }
0x208: {  	s1 =	sadd.s32 s10, s30;
	s30 =	sadd.s32 $0x1D1C0, s13;
	s2 =	spop (v2sf)  }
0x209: {  	[hbm4b:s1+s4] =	stream.linear.scatter [tilespmem:s30], [sflag:$0x1], $0x20, $0x38;
	[tilespmem:$0x1E100] =	vst v63  }
.Ltmp7:
0x20a: {  	s1 =	sand.u32 $0x1FFFFFFC, s2;
	(pc) =	sbr.rel .LBB2_5-.Ltmp7, $4  }
0x20b: {  	s7 =	sadd.s32 $0x1C1E0, s13;
	s3 =	sadd.s32 s9, s1  }
0x20c: {  	[hbm4b:s3+s4] =	stream.linear.scatter [tilespmem:s7], [sflag:$0x1], $0x20, $0x38;
	[tilespmem:$0x1E100] =	vst v63  }
0x20d: {  	s30 =	sadd.s32 $0x1D1E0, s13;
	s1 =	sadd.s32 s10, s1  }
0x20e: {  	[hbm4b:s1+s4] =	stream.linear.scatter [tilespmem:s30], [sflag:$0x1], $0x20, $0x38;
	[tilespmem:$0x1E100] =	vst v63  }
.LBB2_7:
0x20f: {  	p2 =	slt.s32 s16, $0x1  }
0x210: {  	s1 =	simm.s32 @!p2 $0x1  }
0x211: {  	_ =	swait.ge @!p2 [sflag:s1], $0x200  }
0x212: {  	[sflag:s1] =	ssyncset.done @!p2 $0x0  }
0x213: {  	[sflag:s1] =	ssyncadd.s32 @!p2 $0xFFFFFE00  }
0x214: {  	p3 =	seq.s32 @!p2 s16, $0x1;
	_ =	swait.ge @!p2 [sflag:s1], $0x200  }
0x215: {  	p3 =	por p2, p3;
	[sflag:s1] =	ssyncset.done @!p2 $0x0  }
0x216: {  	[sflag:s1] =	ssyncadd.s32 @!p2 $0xFFFFFE00;
	s1 =	simm.s32 @!p3 $0x1;
	p2 =	slt.u32 @!p3 s16, $0x3  }
0x217: {  	_ =	swait.ge @!p3 [sflag:s1], $0x200;
	p2 =	por p3, p2  }
.Ltmp8:
0x218: {  	[sflag:s1] =	ssyncset.done @!p3 $0x0;
	(pc) =	sbr.rel @p2 .LBB2_9-.Ltmp8, $4  }
0x219: {  	[sflag:s1] =	ssyncadd.s32 @!p3 $0xFFFFFE00  }
0x21a: {  	_ =	swait.ge @!p3 [sflag:s1], $0x200  }
0x21b: {  	[sflag:s1] =	ssyncset.done @!p3 $0x0  }
0x21c: {  	s2 =	rddreg [dreg:$0x18];
	[sflag:s1] =	ssyncadd.s32 @!p3 $0xFFFFFE00  }
0x21d: {  	s1 =	simm.s32 $0x1  }
0x21e: {  	_ =	swait.ge [sflag:s1], $0x200  }
0x21f: {  	[sflag:s1] =	ssyncset.done $0x0  }
0x220: {  	[sflag:s1] =	ssyncadd.s32 $0xFFFFFE00  }
0x221: {  	_ =	swait.ge [sflag:s1], $0x200  }
0x222: {  	p2 =	seq.s32 s16, $0x3;
	[sflag:s1] =	ssyncset.done $0x0  }
0x223: {  	[sflag:s1] =	ssyncadd.s32 $0xFFFFFE00;
	s1 =	simm.s32 @!p2 $0x1  }
0x224: {  	_ =	swait.ge @!p2 [sflag:s1], $0x200  }
0x225: {  	[sflag:s1] =	ssyncset.done @!p2 $0x0  }
0x226: {  	[sflag:s1] =	ssyncadd.s32 @!p2 $0xFFFFFE00  }
0x227: {  	p3 =	slt.u32 @!p2 s16, $0x5;
	_ =	swait.ge @!p2 [sflag:s1], $0x200  }
0x228: {  	p4 =	por p3, p2;
	[sflag:s1] =	ssyncset.done @!p2 $0x0  }
0x229: {  	[sflag:s1] =	ssyncadd.s32 @!p2 $0xFFFFFE00;
	s1 =	simm.s32 @!p4 $0x1  }
0x22a: {  	_ =	swait.ge @!p4 [sflag:s1], $0x200  }
0x22b: {  	[sflag:s1] =	ssyncset.done @!p4 $0x0  }
0x22c: {  	p5 =	seq.s32 @!p4 s16, $0x5;
	[sflag:s1] =	ssyncadd.s32 @!p4 $0xFFFFFE00  }
0x22d: {  	p6 =	por @!p2 p5, p3;
	_ =	swait.ge @!p4 [sflag:s1], $0x200  }
0x22e: {  	p6 =	por p6, p2;
	[sflag:s1] =	ssyncset.done @!p4 $0x0  }
0x22f: {  	[sflag:s1] =	ssyncadd.s32 @!p4 $0xFFFFFE00;
	s1 =	simm.s32 @!p6 $0x1  }
0x230: {  	_ =	swait.ge @!p6 [sflag:s1], $0x200  }
0x231: {  	p0 =	slt.u32 @!p6 s16, $0x7;
	[sflag:s1] =	ssyncset.done @!p6 $0x0  }
0x232: {  	p0 =	por @!p4 p0, p5;
	[sflag:s1] =	ssyncadd.s32 @!p6 $0xFFFFFE00  }
0x233: {  	p0 =	por @!p2 p0, p3;
	_ =	swait.ge @!p6 [sflag:s1], $0x200  }
0x234: {  	p0 =	por p0, p2;
	[sflag:s1] =	ssyncset.done @!p6 $0x0  }
0x235: {  	[sflag:s1] =	ssyncadd.s32 @!p6 $0xFFFFFE00;
	s1 =	simm.s32 @!p0 $0x1  }
0x236: {  	s30 =	sld [smem:$0x7FD];
	_ =	swait.ge @!p0 [sflag:s1], $0x200  }
.Ltmp9:
0x237: {  	[sflag:s1] =	ssyncset.done @!p0 $0x0;
	(pc) =	sbr.rel .LBB2_9-.Ltmp9, $4  }
0x238: {  	[sflag:s1] =	ssyncadd.s32 @!p0 $0xFFFFFE00  }
0x239: {  	_ =	swait.ge @!p0 [sflag:s1], $0x200  }
0x23a: {  	[sflag:s1] =	ssyncset.done @!p0 $0x0  }
0x23b: {  	p6 =	seq.s32 s30, $0x1;
	[sflag:s1] =	ssyncadd.s32 @!p0 $0xFFFFFE00  }
.LBB2_10:
0x23c: {  	_ =	sfence.sel $0x180000  }
0x23d: {  	[bflag:$0x0] =	sbarrier.arrive $0xFFFF  }
0x23e: {  	_ =	strace $0x90000047  }
0x23f: {  	s0 =	stileid.u32;
	[bflag:$0x2] =	sbarrier.arrive $0xFFFF  }
0x240: {  	p0 =	sne.s32 s0, $0x0;
	s0 =	rddreg [dreg:$0x4]  }
0x241: {  	s0 =	sadd.s32 @!p0 $0x100000, s0  }
0x242: {  	[sflag:s0] =	ssyncadd.tile.s32 @!p0 $0x1;
	_ =	shalt  }
.Lfunc_end2:
_tile_overlayer_lowered:
.L_overlay_start_2:
0x243: {  	(tag) =	ssettag $0x2  }
0x244: {  	s0 =	rddreg [dreg:$0x0];
	s2 =	stileid.u32  }
0x245: {  	s1 =	rddreg [dreg:$0x1];
	p0 =	sne.s32 s2, $0x0  }
0x246: {  	s3 =	rddreg [dreg:$0x2];
	[bflag:$0x3] =	sbarrier.arrive $0xFFFF;
	s2 =	simm.s32 @!p0 $0x1C04  }
0x247: {  	[timem:s3], [sflag:s2] =	dma.local @!p0 [hbm:s0], s1  }
0x248: {  	s0 =	simm.s32 @!p0 $0x4  }
0x249: {  	_ =	swait.ge @!p0 [sflag:s0], s1  }
0x24a: {  	s1 =	ssub.s32 @!p0 $0x0, s1;
	[sflag:s0] =	ssyncset.done @!p0 $0x0  }
0x24b: {  	[sflag:s0] =	ssyncadd.s32 @!p0 s1  }
0x24c: {  	[bflag:$0x3] =	sbarrier.arrive $0xFFFF  }
0x24d: {  	_ =	shalt  }

</sc_bundles>
